<compile_context>
chip_gen: v7x
topology: tpu7x:2x2x1
jax: 0.10.2.dev20260603
libtpu: 0.0.44.dev20260713+nightly
codegen_flags: <defaults>
</compile_context>

<pallas_src>
import functools

import jax
import jax.numpy as jnp
from jax import lax
from jax.experimental import pallas as pl
from jax.experimental.pallas import tpu as pltpu
from jax.experimental.pallas import tpu_sc as plsc

N_NODES = 10000
N_PAD = 10240
ROWS_PER_SUB = N_PAD // 16
N_EDGES = 320000
CHUNK = 64
N_CHUNKS = 320
GROUPS = N_CHUNKS // 16
E_PAD = 16 * N_CHUNKS * CHUNK
DUMMY_ROW = N_PAD

F_IN = 256
F_HID = 256
F_OUT = 64


def _sc_mesh():
    return plsc.VectorSubcoreMesh(core_axis_name="c", subcore_axis_name="s")


BLOCKC = 16
DEPTH = 4


def _edge_pipeline(h, acc, src_hbm, dst_hbm, s, chunk0, nblocks,
                   src_v, dst_v, buf, gsem, ssem):
    def stage(b):
        bb = b % 2
        pltpu.sync_copy(src_hbm.at[s, pl.ds(chunk0 + b * BLOCKC, BLOCKC)],
                        src_v.at[bb])
        pltpu.sync_copy(dst_hbm.at[s, pl.ds(chunk0 + b * BLOCKC, BLOCKC)],
                        dst_v.at[bb])

    def wait_scatter():
        pltpu.make_async_copy(buf.at[0], acc.at[pl.ds(0, CHUNK)], ssem).wait()

    def wait_gather(r):
        pltpu.make_async_copy(h.at[pl.ds(0, CHUNK)], buf.at[r], gsem).wait()

    def gather(bb, k, r):
        pltpu.async_copy(h.at[src_v.at[bb, k]], buf.at[r], gsem)

    def block(b, carry):
        bb = b % 2
        stage(b)

        @pl.when(b > 0)
        def _():
            wait_scatter()
            wait_scatter()
            wait_scatter()

        gather(bb, 0, 0)
        gather(bb, 1, 1)
        gather(bb, 2, 2)

        def inner(k, carry2):
            r = k % DEPTH
            wait_gather(r)
            pltpu.async_copy(buf.at[r], acc.at[dst_v.at[bb, k]], ssem,
                             add=True)

            @pl.when(k + 3 < BLOCKC)
            def _():
                @pl.when(jnp.logical_or(k >= 1, b > 0))
                def _():
                    wait_scatter()

                gather(bb, k + 3, (k + 3) % DEPTH)

            return carry2

        lax.fori_loop(0, BLOCKC, inner, 0)
        return carry

    lax.fori_loop(0, nblocks, block, 0)
    wait_scatter()
    wait_scatter()
    wait_scatter()
    wait_scatter()


def _make_deg_kernel():
    @functools.partial(
        pl.kernel,
        out_type=jax.ShapeDtypeStruct((N_PAD,), jnp.float32),
        mesh=_sc_mesh(),
        scratch_types=[
            pltpu.VMEM((N_CHUNKS, CHUNK), jnp.int32),
            pltpu.VMEM((ROWS_PER_SUB,), jnp.float32),
            pltpu.VMEM((CHUNK,), jnp.float32),
            pltpu.VMEM_SHARED((N_PAD + 16,), jnp.float32),
        ],
    )
    def deg_kernel(dst_hbm, deg_out, dst_v, zeros_v, ones_v, acc):
        c = lax.axis_index("c")
        s = lax.axis_index("s")
        base = s * ROWS_PER_SUB

        @pl.when(c == 0)
        def _():
            pltpu.sync_copy(dst_hbm.at[s], dst_v)

            def zinit(i, carry):
                zeros_v[pl.ds(i * 16, 16)] = jnp.zeros((16,), jnp.float32)
                return carry

            lax.fori_loop(0, ROWS_PER_SUB // 16, zinit, 0)

            def oinit(i, carry):
                ones_v[pl.ds(i * 16, 16)] = jnp.ones((16,), jnp.float32)
                return carry

            lax.fori_loop(0, CHUNK // 16, oinit, 0)
            pltpu.sync_copy(zeros_v, acc.at[pl.ds(base, ROWS_PER_SUB)])

        plsc.subcore_barrier()

        @pl.when(c == 0)
        def _():
            def body(j, carry):
                pltpu.sync_copy(ones_v, acc.at[dst_v.at[j]], add=True)
                return carry

            lax.fori_loop(0, N_CHUNKS, body, 0)

        plsc.subcore_barrier()

        @pl.when(c == 0)
        def _():
            pltpu.sync_copy(acc.at[pl.ds(base, ROWS_PER_SUB)],
                            deg_out.at[pl.ds(base, ROWS_PER_SUB)])

    return deg_kernel


def _make_agg_kernel(f_half):
    @functools.partial(
        pl.kernel,
        out_type=[
            jax.ShapeDtypeStruct((N_PAD, f_half), jnp.float32),
            jax.ShapeDtypeStruct((N_PAD, f_half), jnp.float32),
        ],
        mesh=_sc_mesh(),
        scratch_types=[
            pltpu.VMEM((2, BLOCKC, CHUNK), jnp.int32),
            pltpu.VMEM((2, BLOCKC, CHUNK), jnp.int32),
            pltpu.VMEM((DEPTH, CHUNK, f_half), jnp.float32),
            pltpu.VMEM_SHARED((N_PAD + 8, f_half), jnp.float32),
            pltpu.SemaphoreType.DMA,
            pltpu.SemaphoreType.DMA,
        ],
    )
    def agg_kernel(h0, h1, src_hbm, dst_hbm, out0, out1,
                   src_v, dst_v, buf, acc, gsem, ssem):
        c = lax.axis_index("c")
        s = lax.axis_index("s")
        base = s * ROWS_PER_SUB

        @pl.when(c == 0)
        def _():
            pltpu.sync_copy(h0.at[pl.ds(base, ROWS_PER_SUB)],
                            acc.at[pl.ds(base, ROWS_PER_SUB)])

        @pl.when(c == 1)
        def _():
            pltpu.sync_copy(h1.at[pl.ds(base, ROWS_PER_SUB)],
                            acc.at[pl.ds(base, ROWS_PER_SUB)])

        plsc.subcore_barrier()

        @pl.when(c == 0)
        def _():
            _edge_pipeline(h0, acc, src_hbm, dst_hbm, s, 0, N_CHUNKS // BLOCKC,
                           src_v, dst_v, buf, gsem, ssem)

        @pl.when(c == 1)
        def _():
            _edge_pipeline(h1, acc, src_hbm, dst_hbm, s, 0, N_CHUNKS // BLOCKC,
                           src_v, dst_v, buf, gsem, ssem)

        plsc.subcore_barrier()

        @pl.when(c == 0)
        def _():
            pltpu.sync_copy(acc.at[pl.ds(base, ROWS_PER_SUB)],
                            out0.at[pl.ds(base, ROWS_PER_SUB)])

        @pl.when(c == 1)
        def _():
            pltpu.sync_copy(acc.at[pl.ds(base, ROWS_PER_SUB)],
                            out1.at[pl.ds(base, ROWS_PER_SUB)])

    return agg_kernel


def _make_agg3_kernel():
    half_chunks = N_CHUNKS // 2
    groups3 = half_chunks // 16

    @functools.partial(
        pl.kernel,
        out_type=[
            jax.ShapeDtypeStruct((N_PAD, 128), jnp.float32),
            jax.ShapeDtypeStruct((N_PAD, 128), jnp.float32),
        ],
        mesh=_sc_mesh(),
        scratch_types=[
            pltpu.VMEM((2, BLOCKC, CHUNK), jnp.int32),
            pltpu.VMEM((2, BLOCKC, CHUNK), jnp.int32),
            pltpu.VMEM((DEPTH, CHUNK, 128), jnp.float32),
            pltpu.VMEM_SHARED((N_PAD + 8, 128), jnp.float32),
            pltpu.SemaphoreType.DMA,
            pltpu.SemaphoreType.DMA,
        ],
    )
    def agg3_kernel(h, src_hbm, dst_hbm, out0, out1, src_v, dst_v, buf, acc,
                    gsem, ssem):
        c = lax.axis_index("c")
        s = lax.axis_index("s")
        base = s * ROWS_PER_SUB

        @pl.when(c == 0)
        def _():
            pltpu.sync_copy(h.at[pl.ds(base, ROWS_PER_SUB)],
                            acc.at[pl.ds(base, ROWS_PER_SUB)])

        @pl.when(c == 1)
        def _():
            def zrow(i, carry):
                for k in range(128 // 16):
                    buf[0, i, pl.ds(k * 16, 16)] = jnp.zeros((16,), jnp.float32)
                return carry

            lax.fori_loop(0, CHUNK, zrow, 0)
            for r in range(ROWS_PER_SUB // CHUNK):
                pltpu.sync_copy(buf.at[0],
                                acc.at[pl.ds(base + r * CHUNK, CHUNK)])

        plsc.subcore_barrier()

        _edge_pipeline(h, acc, src_hbm, dst_hbm, s, c * half_chunks,
                       half_chunks // BLOCKC, src_v, dst_v, buf, gsem, ssem)

        plsc.subcore_barrier()

        @pl.when(c == 0)
        def _():
            pltpu.sync_copy(acc.at[pl.ds(base, ROWS_PER_SUB)],
                            out0.at[pl.ds(base, ROWS_PER_SUB)])

        @pl.when(c == 1)
        def _():
            pltpu.sync_copy(acc.at[pl.ds(base, ROWS_PER_SUB)],
                            out1.at[pl.ds(base, ROWS_PER_SUB)])

    return agg3_kernel


_BLK = 1024
_GRID = N_PAD // _BLK


def _dinv(d):
    return jax.lax.rsqrt(d + 1.0)


def _stage_a(x, W1, degr):
    def body(x_ref, w_ref, d_ref, o0, o1):
        dv = _dinv(d_ref[...])
        h = jnp.dot(x_ref[...], w_ref[...], preferred_element_type=jnp.float32)
        o0[...] = h[:, :128] * dv
        o1[...] = h[:, 128:] * dv

    return pl.pallas_call(
        body,
        grid=(_GRID,),
        in_specs=[
            pl.BlockSpec((_BLK, F_IN), lambda i: (i, 0)),
            pl.BlockSpec((F_IN, F_HID), lambda i: (0, 0)),
            pl.BlockSpec((_BLK, 128), lambda i: (i, 0)),
        ],
        out_specs=[
            pl.BlockSpec((_BLK, 128), lambda i: (i, 0)),
            pl.BlockSpec((_BLK, 128), lambda i: (i, 0)),
        ],
        out_shape=[
            jax.ShapeDtypeStruct((N_PAD, 128), jnp.float32),
            jax.ShapeDtypeStruct((N_PAD, 128), jnp.float32),
        ],
    )(x, W1, degr)


def _stage_b(a0, a1, degr, b1, W2):
    def body(a0_ref, a1_ref, d_ref, b_ref, w_ref, oz, o0, o1):
        dv = _dinv(d_ref[...])
        z = jnp.concatenate([a0_ref[...] * dv, a1_ref[...] * dv], axis=1)
        z = jnp.maximum(z + b_ref[...], 0.0)
        oz[...] = z
        g = jnp.dot(z, w_ref[...], preferred_element_type=jnp.float32)
        o0[...] = g[:, :128] * dv
        o1[...] = g[:, 128:] * dv

    return pl.pallas_call(
        body,
        grid=(_GRID,),
        in_specs=[
            pl.BlockSpec((_BLK, 128), lambda i: (i, 0)),
            pl.BlockSpec((_BLK, 128), lambda i: (i, 0)),
            pl.BlockSpec((_BLK, 128), lambda i: (i, 0)),
            pl.BlockSpec((1, F_HID), lambda i: (0, 0)),
            pl.BlockSpec((F_HID, F_HID), lambda i: (0, 0)),
        ],
        out_specs=[
            pl.BlockSpec((_BLK, F_HID), lambda i: (i, 0)),
            pl.BlockSpec((_BLK, 128), lambda i: (i, 0)),
            pl.BlockSpec((_BLK, 128), lambda i: (i, 0)),
        ],
        out_shape=[
            jax.ShapeDtypeStruct((N_PAD, F_HID), jnp.float32),
            jax.ShapeDtypeStruct((N_PAD, 128), jnp.float32),
            jax.ShapeDtypeStruct((N_PAD, 128), jnp.float32),
        ],
    )(a0, a1, degr, b1, W2)


def _stage_c(a0, a1, degr, b2, z, W3):
    def body(a0_ref, a1_ref, d_ref, b_ref, z_ref, w_ref, o):
        dv = _dinv(d_ref[...])
        m = jnp.concatenate([a0_ref[...] * dv, a1_ref[...] * dv], axis=1)
        h2 = jnp.maximum(m + b_ref[...] + z_ref[...], 0.0)
        g = jnp.dot(h2, w_ref[...], preferred_element_type=jnp.float32)
        gs = g * dv[:, :F_OUT]
        o[...] = jnp.concatenate([gs, jnp.zeros_like(gs)], axis=1)

    return pl.pallas_call(
        body,
        grid=(_GRID,),
        in_specs=[
            pl.BlockSpec((_BLK, 128), lambda i: (i, 0)),
            pl.BlockSpec((_BLK, 128), lambda i: (i, 0)),
            pl.BlockSpec((_BLK, 128), lambda i: (i, 0)),
            pl.BlockSpec((1, F_HID), lambda i: (0, 0)),
            pl.BlockSpec((_BLK, F_HID), lambda i: (i, 0)),
            pl.BlockSpec((F_HID, F_OUT), lambda i: (0, 0)),
        ],
        out_specs=pl.BlockSpec((_BLK, 128), lambda i: (i, 0)),
        out_shape=jax.ShapeDtypeStruct((N_PAD, 128), jnp.float32),
    )(a0, a1, degr, b2, z, W3)


def _stage_d(a0, a1, degr, b3):
    def body(a0_ref, a1_ref, d_ref, b_ref, o):
        dv = _dinv(d_ref[...])
        agg = a0_ref[...] + a1_ref[...]
        o[...] = agg[:, :F_OUT] * dv[:, :F_OUT] + b_ref[...]

    return pl.pallas_call(
        body,
        grid=(_GRID,),
        in_specs=[
            pl.BlockSpec((_BLK, 128), lambda i: (i, 0)),
            pl.BlockSpec((_BLK, 128), lambda i: (i, 0)),
            pl.BlockSpec((_BLK, 128), lambda i: (i, 0)),
            pl.BlockSpec((1, F_OUT), lambda i: (0, 0)),
        ],
        out_specs=pl.BlockSpec((_BLK, F_OUT), lambda i: (i, 0)),
        out_shape=jax.ShapeDtypeStruct((N_PAD, F_OUT), jnp.float32),
    )(a0, a1, degr, b3)


_deg_kernel = _make_deg_kernel()
_agg_hid = _make_agg_kernel(F_HID // 2)
_agg3 = _make_agg3_kernel()


def kernel(x, edge_index, W1, b1, W2, b2, W3, b3):
    ei = edge_index.astype(jnp.int32)
    src = ei[0]
    dst = ei[1]
    pad = E_PAD - N_EDGES
    srcp = jnp.concatenate([src, jnp.zeros((pad,), jnp.int32)])
    dstp = jnp.concatenate([dst, jnp.full((pad,), DUMMY_ROW, jnp.int32)])
    src16 = srcp.reshape(16, N_CHUNKS, CHUNK)
    dst16 = dstp.reshape(16, N_CHUNKS, CHUNK)

    xp = jnp.pad(x, ((0, N_PAD - N_NODES), (0, 0)))

    deg = _deg_kernel(dst16)
    degr = jnp.broadcast_to(deg[:, None], (N_PAD, 128))

    h0, h1 = _stage_a(xp, W1, degr)
    a0, a1 = _agg_hid(h0, h1, src16, dst16)
    z, g0, g1 = _stage_b(a0, a1, degr, b1.reshape(1, F_HID), W2)
    a0, a1 = _agg_hid(g0, g1, src16, dst16)
    g3 = _stage_c(a0, a1, degr, b2.reshape(1, F_HID), z, W3)
    a0, a1 = _agg3(g3, src16, dst16)
    out = _stage_d(a0, a1, degr, b3.reshape(1, F_OUT))
    return out[:N_NODES]

# --- scband reference (transcript-rebuilt; emitter-appended) ---
"""Pipeline reference for scband-gcn-51780125721391 (READ-ONLY COPY).

The authoritative reference and input builder live on the scoring server;
editing this copy changes nothing except your own understanding.
"""

import jax, jax.numpy as jnp
import numpy as np

N_NODES = 10000
N_EDGES = 320000
N_FEAT = 256
N_HID = 256
N_CLASS = 64


def gcn_conv(x, edge_index, W, b):
    # GCN convolution (PyG-style): add self-loops, symmetric normalization, scatter-add aggregation
    n = x.shape[0]
    loop = jnp.arange(n, dtype=edge_index.dtype)
    src = jnp.concatenate([edge_index[0], loop])
    dst = jnp.concatenate([edge_index[1], loop])
    deg = jnp.zeros((n,), dtype=x.dtype).at[dst].add(1.0)
    dinv = 1.0 / jnp.sqrt(jnp.clip(deg, 1.0))
    h = x @ W
    norm = (dinv[src] * dinv[dst])[:, None]
    msg = h[src] * norm
    out = jnp.zeros((n, W.shape[1]), dtype=x.dtype).at[dst].add(msg)
    return out + b


def setup_inputs(seed: int = 0) -> dict:
    key = jax.random.key(seed)
    ks = jax.random.split(key, 8)
    x = jax.random.normal(ks[0], (N_NODES, N_FEAT), dtype=jnp.float32)
    edge_index = jax.random.randint(ks[1], (2, N_EDGES), 0, N_NODES, dtype=jnp.int64)
    # Glorot-ish init for layer weights
    W1 = jax.random.normal(ks[2], (N_FEAT, N_HID), dtype=jnp.float32) * (1.0 / np.sqrt(N_FEAT))
    b1 = jnp.zeros((N_HID,), dtype=jnp.float32)
    W2 = jax.random.normal(ks[3], (N_HID, N_HID), dtype=jnp.float32) * (1.0 / np.sqrt(N_HID))
    b2 = jnp.zeros((N_HID,), dtype=jnp.float32)
    W3 = jax.random.normal(ks[4], (N_HID, N_CLASS), dtype=jnp.float32) * (1.0 / np.sqrt(N_HID))
    b3 = jnp.zeros((N_CLASS,), dtype=jnp.float32)
    return {"x": x, "edge_index": edge_index, "W1": W1, "b1": b1, "W2": W2, "b2": b2, "W3": W3, "b3": b3}


def reference(x, edge_index, W1, b1, W2, b2, W3, b3):
    # in_conv -> ReLU -> dropout(eval: identity)
    h = gcn_conv(x, edge_index, W1, b1)
    h = jax.nn.relu(h)
    # single mid conv (n_layer=3) with residual skip connection
    m = gcn_conv(h, edge_index, W2, b2)
    h = jax.nn.relu(m + h)
    # out_conv (no norm)
    out = gcn_conv(h, edge_index, W3, b3)
    return out

if __name__ == "__main__":
    import jax
    _d = setup_inputs()
    print(jax.jit(kernel)(*tuple(_d.values())))

</pallas_src>

<mosaic_0001>
#map = affine_map<(d0, d1) -> (0, 0)>
#map1 = affine_map<(d0, d1) -> (0, 0, 0)>
module attributes {stable_mosaic.version = 14 : i64} {
  func.func @agg_kernel(%arg0: i32, %arg1: i32, %arg2: memref<10240x128xf32, #tpu.memory_space<hbm>>, %arg3: memref<10240x128xf32, #tpu.memory_space<hbm>>, %arg4: memref<16x320x64xi32, #tpu.memory_space<hbm>>, %arg5: memref<16x320x64xi32, #tpu.memory_space<hbm>>, %arg6: memref<10240x128xf32, #tpu.memory_space<hbm>>, %arg7: memref<10240x128xf32, #tpu.memory_space<hbm>>, %arg8: memref<2x16x64xi32, #tpu.memory_space<vmem>>, %arg9: memref<2x16x64xi32, #tpu.memory_space<vmem>>, %arg10: memref<4x64x128xf32, #tpu.memory_space<vmem>>, %arg11: memref<10248x128xf32, #tpu.memory_space<vmem_shared>>, %arg12: memref<!tpu.dma_semaphore, #tpu.memory_space<semaphore_mem>>, %arg13: memref<!tpu.dma_semaphore, #tpu.memory_space<semaphore_mem>>) attributes {dimension_semantics = [#tpu.dimension_semantics<core_parallel>, #tpu.dimension_semantics<subcore_parallel>], iteration_bounds = array<i64: 2, 16>, scalar_prefetch = 0 : i64, scratch_operands = 6 : i64, tpu.core_type = #tpu.core_type<sc_vector_subcore>, window_params = [{transform_indices = #map}, {transform_indices = #map}, {transform_indices = #map1}, {transform_indices = #map1}, {transform_indices = #map}, {transform_indices = #map}]} {
    %mul3A = arith.constant 640 : i32
    %mul3A_0 = arith.muli %arg1, %mul3A : i32
    %eq3A = arith.constant 0 : i32
    %eq3A_1 = arith.cmpi eq, %arg0, %eq3A : i32
    %convert_element_type3A = arith.extui %eq3A_1 : i1 to i32
    %cond3A = arith.constant 0 : i32
    %cond3A_2 = arith.cmpi ne, %convert_element_type3A, %cond3A : i32
    scf.if %cond3A_2 {
      "tpu.region"() ({
        %run_scoped3A = tpu.sem_alloc : memref<!tpu.dma_semaphore, #tpu.memory_space<semaphore_mem>>
        %dma_start3A = arith.constant 0 : i32
        %dma_start3A_29 = tpu.memref_slice %arg11[%mul3A_0, %dma_start3A] : memref<10248x128xf32, #tpu.memory_space<vmem_shared>> -> memref<640x128xf32, #tpu.memory_space<vmem_shared>>
        %dma_start3A_30 = arith.constant 0 : i32
        %dma_start3A_31 = tpu.memref_slice %arg2[%mul3A_0, %dma_start3A_30] : memref<10240x128xf32, #tpu.memory_space<hbm>> -> memref<640x128xf32, #tpu.memory_space<hbm>>
        tpu.enqueue_dma source(%dma_start3A_31 : memref<640x128xf32, #tpu.memory_space<hbm>>) target(%dma_start3A_29 : memref<640x128xf32, #tpu.memory_space<vmem_shared>>) target_semaphore(%run_scoped3A : memref<!tpu.dma_semaphore, #tpu.memory_space<semaphore_mem>>)
        %dma_wait3A = arith.constant 0 : i32
        %dma_wait3A_32 = tpu.memref_slice %arg11[%mul3A_0, %dma_wait3A] : memref<10248x128xf32, #tpu.memory_space<vmem_shared>> -> memref<640x128xf32, #tpu.memory_space<vmem_shared>>
        %dma_wait3A_33 = arith.constant 0 : i32
        %dma_wait3A_34 = tpu.memref_slice %arg2[%mul3A_0, %dma_wait3A_33] : memref<10240x128xf32, #tpu.memory_space<hbm>> -> memref<640x128xf32, #tpu.memory_space<hbm>>
        tpu.wait_dma2 semaphore(%run_scoped3A : memref<!tpu.dma_semaphore, #tpu.memory_space<semaphore_mem>>) src(%dma_wait3A_34 : memref<640x128xf32, #tpu.memory_space<hbm>>) dst(%dma_wait3A_32 : memref<640x128xf32, #tpu.memory_space<vmem_shared>>)
        tpu.yield
      }) : () -> ()
    } else {
    }
    %eq3A_3 = arith.constant 1 : i32
    %eq3A_4 = arith.cmpi eq, %arg0, %eq3A_3 : i32
    %convert_element_type3A_5 = arith.extui %eq3A_4 : i1 to i32
    %cond3A_6 = arith.constant 0 : i32
    %cond3A_7 = arith.cmpi ne, %convert_element_type3A_5, %cond3A_6 : i32
    scf.if %cond3A_7 {
      "tpu.region"() ({
        %run_scoped3A = tpu.sem_alloc : memref<!tpu.dma_semaphore, #tpu.memory_space<semaphore_mem>>
        %dma_start3A = arith.constant 0 : i32
        %dma_start3A_29 = tpu.memref_slice %arg11[%mul3A_0, %dma_start3A] : memref<10248x128xf32, #tpu.memory_space<vmem_shared>> -> memref<640x128xf32, #tpu.memory_space<vmem_shared>>
        %dma_start3A_30 = arith.constant 0 : i32
        %dma_start3A_31 = tpu.memref_slice %arg3[%mul3A_0, %dma_start3A_30] : memref<10240x128xf32, #tpu.memory_space<hbm>> -> memref<640x128xf32, #tpu.memory_space<hbm>>
        tpu.enqueue_dma source(%dma_start3A_31 : memref<640x128xf32, #tpu.memory_space<hbm>>) target(%dma_start3A_29 : memref<640x128xf32, #tpu.memory_space<vmem_shared>>) target_semaphore(%run_scoped3A : memref<!tpu.dma_semaphore, #tpu.memory_space<semaphore_mem>>)
        %dma_wait3A = arith.constant 0 : i32
        %dma_wait3A_32 = tpu.memref_slice %arg11[%mul3A_0, %dma_wait3A] : memref<10248x128xf32, #tpu.memory_space<vmem_shared>> -> memref<640x128xf32, #tpu.memory_space<vmem_shared>>
        %dma_wait3A_33 = arith.constant 0 : i32
        %dma_wait3A_34 = tpu.memref_slice %arg3[%mul3A_0, %dma_wait3A_33] : memref<10240x128xf32, #tpu.memory_space<hbm>> -> memref<640x128xf32, #tpu.memory_space<hbm>>
        tpu.wait_dma2 semaphore(%run_scoped3A : memref<!tpu.dma_semaphore, #tpu.memory_space<semaphore_mem>>) src(%dma_wait3A_34 : memref<640x128xf32, #tpu.memory_space<hbm>>) dst(%dma_wait3A_32 : memref<640x128xf32, #tpu.memory_space<vmem_shared>>)
        tpu.yield
      }) : () -> ()
    } else {
    }
    %barrier3A = arith.constant 0 : index
    tpu.barrier barrier_id(%barrier3A)
    %eq3A_8 = arith.constant 0 : i32
    %eq3A_9 = arith.cmpi eq, %arg0, %eq3A_8 : i32
    %convert_element_type3A_10 = arith.extui %eq3A_9 : i1 to i32
    %cond3A_11 = arith.constant 0 : i32
    %cond3A_12 = arith.cmpi ne, %convert_element_type3A_10, %cond3A_11 : i32
    scf.if %cond3A_12 {
      %scan3A = arith.constant 0 : i32
      %scan3A_29 = arith.constant 0 : i32
      %scan3A_30 = arith.constant 20 : i32
      %scan3A_31 = arith.addi %scan3A_29, %scan3A_30 : i32
      %scan3A_32 = arith.constant 1 : i32
      scf.for %scan3A_93 = %scan3A_29 to %scan3A_31 step %scan3A_32  : i32 {
        %jit3A = arith.constant 2 : i32
        %eq3A_94 = arith.constant 0 : i32
        %eq3A_95 = arith.cmpi eq, %jit3A, %eq3A_94 : i32
        %jit3A_96 = arith.constant 1 : i32
        %select_n3A = arith.select %eq3A_95, %jit3A_96, %jit3A : i32
        %rem3A = arith.remsi %scan3A_93, %select_n3A : i32
        %ne3A = arith.constant 0 : i32
        %ne3A_97 = arith.cmpi ne, %rem3A, %ne3A : i32
        %lt3A = arith.constant 0 : i32
        %lt3A_98 = arith.cmpi slt, %rem3A, %lt3A : i32
        %lt3A_99 = arith.constant 0 : i32
        %lt3A_100 = arith.cmpi slt, %select_n3A, %lt3A_99 : i32
        %ne3A_101 = arith.xori %lt3A_98, %lt3A_100 : i1
        %and3A = arith.andi %ne3A_101, %ne3A_97 : i1
        %add3A = arith.addi %rem3A, %select_n3A : i32
        %select_n3A_102 = arith.select %and3A, %add3A, %rem3A : i32
        %jit3A_103 = arith.constant 2 : i32
        %eq3A_104 = arith.constant 0 : i32
        %eq3A_105 = arith.cmpi eq, %jit3A_103, %eq3A_104 : i32
        %jit3A_106 = arith.constant 1 : i32
        %select_n3A_107 = arith.select %eq3A_105, %jit3A_106, %jit3A_103 : i32
        %rem3A_108 = arith.remsi %scan3A_93, %select_n3A_107 : i32
        %ne3A_109 = arith.constant 0 : i32
        %ne3A_110 = arith.cmpi ne, %rem3A_108, %ne3A_109 : i32
        %lt3A_111 = arith.constant 0 : i32
        %lt3A_112 = arith.cmpi slt, %rem3A_108, %lt3A_111 : i32
        %lt3A_113 = arith.constant 0 : i32
        %lt3A_114 = arith.cmpi slt, %select_n3A_107, %lt3A_113 : i32
        %ne3A_115 = arith.xori %lt3A_112, %lt3A_114 : i1
        %and3A_116 = arith.andi %ne3A_115, %ne3A_110 : i1
        %add3A_117 = arith.addi %rem3A_108, %select_n3A_107 : i32
        %select_n3A_118 = arith.select %and3A_116, %add3A_117, %rem3A_108 : i32
        %mul3A_119 = arith.constant 16 : i32
        %mul3A_120 = arith.muli %scan3A_93, %mul3A_119 : i32
        %add3A_121 = arith.constant 0 : i32
        %add3A_122 = arith.addi %add3A_121, %mul3A_120 : i32
        "tpu.region"() ({
          %run_scoped3A = tpu.sem_alloc : memref<!tpu.dma_semaphore, #tpu.memory_space<semaphore_mem>>
          %dma_start3A_172 = arith.constant 0 : i32
          %dma_start3A_173 = arith.constant 0 : i32
          %dma_start3A_174 = tpu.memref_slice %arg8[%select_n3A_118, %dma_start3A_172, %dma_start3A_173] : memref<2x16x64xi32, #tpu.memory_space<vmem>> -> memref<1x16x64xi32, #tpu.memory_space<vmem>>
          %dma_start3A_175 = tpu.memref_squeeze %dma_start3A_174 : memref<1x16x64xi32, #tpu.memory_space<vmem>> -> memref<16x64xi32, #tpu.memory_space<vmem>>
          %dma_start3A_176 = arith.constant 0 : i32
          %dma_start3A_177 = tpu.memref_slice %arg4[%arg1, %add3A_122, %dma_start3A_176] : memref<16x320x64xi32, #tpu.memory_space<hbm>> -> memref<1x16x64xi32, #tpu.memory_space<hbm>>
          %dma_start3A_178 = tpu.memref_squeeze %dma_start3A_177 : memref<1x16x64xi32, #tpu.memory_space<hbm>> -> memref<16x64xi32, #tpu.memory_space<hbm>>
          %dma_start3A_179 = arith.constant 0 : i32
          %dma_start3A_180 = arith.constant 0 : i32
          %dma_start3A_181 = tpu.memref_slice %arg8[%select_n3A_118, %dma_start3A_179, %dma_start3A_180] : memref<2x16x64xi32, #tpu.memory_space<vmem>> -> memref<1x16x64xi32, #tpu.memory_space<vmem>>
          %dma_start3A_182 = tpu.memref_squeeze %dma_start3A_181 : memref<1x16x64xi32, #tpu.memory_space<vmem>> -> memref<16x64xi32, #tpu.memory_space<vmem>>
          %dma_start3A_183 = arith.constant 0 : i32
          %dma_start3A_184 = tpu.memref_slice %arg4[%arg1, %add3A_122, %dma_start3A_183] : memref<16x320x64xi32, #tpu.memory_space<hbm>> -> memref<1x16x64xi32, #tpu.memory_space<hbm>>
          %dma_start3A_185 = tpu.memref_squeeze %dma_start3A_184 : memref<1x16x64xi32, #tpu.memory_space<hbm>> -> memref<16x64xi32, #tpu.memory_space<hbm>>
          tpu.enqueue_dma source(%dma_start3A_185 : memref<16x64xi32, #tpu.memory_space<hbm>>) target(%dma_start3A_182 : memref<16x64xi32, #tpu.memory_space<vmem>>) target_semaphore(%run_scoped3A : memref<!tpu.dma_semaphore, #tpu.memory_space<semaphore_mem>>)
          %dma_wait3A_186 = arith.constant 0 : i32
          %dma_wait3A_187 = arith.constant 0 : i32
          %dma_wait3A_188 = tpu.memref_slice %arg8[%select_n3A_118, %dma_wait3A_186, %dma_wait3A_187] : memref<2x16x64xi32, #tpu.memory_space<vmem>> -> memref<1x16x64xi32, #tpu.memory_space<vmem>>
          %dma_wait3A_189 = tpu.memref_squeeze %dma_wait3A_188 : memref<1x16x64xi32, #tpu.memory_space<vmem>> -> memref<16x64xi32, #tpu.memory_space<vmem>>
          %dma_wait3A_190 = arith.constant 0 : i32
          %dma_wait3A_191 = tpu.memref_slice %arg4[%arg1, %add3A_122, %dma_wait3A_190] : memref<16x320x64xi32, #tpu.memory_space<hbm>> -> memref<1x16x64xi32, #tpu.memory_space<hbm>>
          %dma_wait3A_192 = tpu.memref_squeeze %dma_wait3A_191 : memref<1x16x64xi32, #tpu.memory_space<hbm>> -> memref<16x64xi32, #tpu.memory_space<hbm>>
          %dma_wait3A_193 = arith.constant 0 : i32
          %dma_wait3A_194 = arith.constant 0 : i32
          %dma_wait3A_195 = tpu.memref_slice %arg8[%select_n3A_118, %dma_wait3A_193, %dma_wait3A_194] : memref<2x16x64xi32, #tpu.memory_space<vmem>> -> memref<1x16x64xi32, #tpu.memory_space<vmem>>
          %dma_wait3A_196 = tpu.memref_squeeze %dma_wait3A_195 : memref<1x16x64xi32, #tpu.memory_space<vmem>> -> memref<16x64xi32, #tpu.memory_space<vmem>>
          %dma_wait3A_197 = arith.constant 0 : i32
          %dma_wait3A_198 = tpu.memref_slice %arg4[%arg1, %add3A_122, %dma_wait3A_197] : memref<16x320x64xi32, #tpu.memory_space<hbm>> -> memref<1x16x64xi32, #tpu.memory_space<hbm>>
          %dma_wait3A_199 = tpu.memref_squeeze %dma_wait3A_198 : memref<1x16x64xi32, #tpu.memory_space<hbm>> -> memref<16x64xi32, #tpu.memory_space<hbm>>
          tpu.wait_dma2 semaphore(%run_scoped3A : memref<!tpu.dma_semaphore, #tpu.memory_space<semaphore_mem>>) src(%dma_wait3A_199 : memref<16x64xi32, #tpu.memory_space<hbm>>) dst(%dma_wait3A_196 : memref<16x64xi32, #tpu.memory_space<vmem>>)
          tpu.yield
        }) : () -> ()
        %mul3A_123 = arith.constant 16 : i32
        %mul3A_124 = arith.muli %scan3A_93, %mul3A_123 : i32
        %add3A_125 = arith.constant 0 : i32
        %add3A_126 = arith.addi %add3A_125, %mul3A_124 : i32
        "tpu.region"() ({
          %run_scoped3A = tpu.sem_alloc : memref<!tpu.dma_semaphore, #tpu.memory_space<semaphore_mem>>
          %dma_start3A_172 = arith.constant 0 : i32
          %dma_start3A_173 = arith.constant 0 : i32
          %dma_start3A_174 = tpu.memref_slice %arg9[%select_n3A_118, %dma_start3A_172, %dma_start3A_173] : memref<2x16x64xi32, #tpu.memory_space<vmem>> -> memref<1x16x64xi32, #tpu.memory_space<vmem>>
          %dma_start3A_175 = tpu.memref_squeeze %dma_start3A_174 : memref<1x16x64xi32, #tpu.memory_space<vmem>> -> memref<16x64xi32, #tpu.memory_space<vmem>>
          %dma_start3A_176 = arith.constant 0 : i32
          %dma_start3A_177 = tpu.memref_slice %arg5[%arg1, %add3A_126, %dma_start3A_176] : memref<16x320x64xi32, #tpu.memory_space<hbm>> -> memref<1x16x64xi32, #tpu.memory_space<hbm>>
          %dma_start3A_178 = tpu.memref_squeeze %dma_start3A_177 : memref<1x16x64xi32, #tpu.memory_space<hbm>> -> memref<16x64xi32, #tpu.memory_space<hbm>>
          %dma_start3A_179 = arith.constant 0 : i32
          %dma_start3A_180 = arith.constant 0 : i32
          %dma_start3A_181 = tpu.memref_slice %arg9[%select_n3A_118, %dma_start3A_179, %dma_start3A_180] : memref<2x16x64xi32, #tpu.memory_space<vmem>> -> memref<1x16x64xi32, #tpu.memory_space<vmem>>
          %dma_start3A_182 = tpu.memref_squeeze %dma_start3A_181 : memref<1x16x64xi32, #tpu.memory_space<vmem>> -> memref<16x64xi32, #tpu.memory_space<vmem>>
          %dma_start3A_183 = arith.constant 0 : i32
          %dma_start3A_184 = tpu.memref_slice %arg5[%arg1, %add3A_126, %dma_start3A_183] : memref<16x320x64xi32, #tpu.memory_space<hbm>> -> memref<1x16x64xi32, #tpu.memory_space<hbm>>
          %dma_start3A_185 = tpu.memref_squeeze %dma_start3A_184 : memref<1x16x64xi32, #tpu.memory_space<hbm>> -> memref<16x64xi32, #tpu.memory_space<hbm>>
          tpu.enqueue_dma source(%dma_start3A_185 : memref<16x64xi32, #tpu.memory_space<hbm>>) target(%dma_start3A_182 : memref<16x64xi32, #tpu.memory_space<vmem>>) target_semaphore(%run_scoped3A : memref<!tpu.dma_semaphore, #tpu.memory_space<semaphore_mem>>)
          %dma_wait3A_186 = arith.constant 0 : i32
          %dma_wait3A_187 = arith.constant 0 : i32
          %dma_wait3A_188 = tpu.memref_slice %arg9[%select_n3A_118, %dma_wait3A_186, %dma_wait3A_187] : memref<2x16x64xi32, #tpu.memory_space<vmem>> -> memref<1x16x64xi32, #tpu.memory_space<vmem>>
          %dma_wait3A_189 = tpu.memref_squeeze %dma_wait3A_188 : memref<1x16x64xi32, #tpu.memory_space<vmem>> -> memref<16x64xi32, #tpu.memory_space<vmem>>
          %dma_wait3A_190 = arith.constant 0 : i32
          %dma_wait3A_191 = tpu.memref_slice %arg5[%arg1, %add3A_126, %dma_wait3A_190] : memref<16x320x64xi32, #tpu.memory_space<hbm>> -> memref<1x16x64xi32, #tpu.memory_space<hbm>>
          %dma_wait3A_192 = tpu.memref_squeeze %dma_wait3A_191 : memref<1x16x64xi32, #tpu.memory_space<hbm>> -> memref<16x64xi32, #tpu.memory_space<hbm>>
          %dma_wait3A_193 = arith.constant 0 : i32
          %dma_wait3A_194 = arith.constant 0 : i32
          %dma_wait3A_195 = tpu.memref_slice %arg9[%select_n3A_118, %dma_wait3A_193, %dma_wait3A_194] : memref<2x16x64xi32, #tpu.memory_space<vmem>> -> memref<1x16x64xi32, #tpu.memory_space<vmem>>
          %dma_wait3A_196 = tpu.memref_squeeze %dma_wait3A_195 : memref<1x16x64xi32, #tpu.memory_space<vmem>> -> memref<16x64xi32, #tpu.memory_space<vmem>>
          %dma_wait3A_197 = arith.constant 0 : i32
          %dma_wait3A_198 = tpu.memref_slice %arg5[%arg1, %add3A_126, %dma_wait3A_197] : memref<16x320x64xi32, #tpu.memory_space<hbm>> -> memref<1x16x64xi32, #tpu.memory_space<hbm>>
          %dma_wait3A_199 = tpu.memref_squeeze %dma_wait3A_198 : memref<1x16x64xi32, #tpu.memory_space<hbm>> -> memref<16x64xi32, #tpu.memory_space<hbm>>
          tpu.wait_dma2 semaphore(%run_scoped3A : memref<!tpu.dma_semaphore, #tpu.memory_space<semaphore_mem>>) src(%dma_wait3A_199 : memref<16x64xi32, #tpu.memory_space<hbm>>) dst(%dma_wait3A_196 : memref<16x64xi32, #tpu.memory_space<vmem>>)
          tpu.yield
        }) : () -> ()
        %gt3A = arith.constant 0 : i32
        %gt3A_127 = arith.cmpi sgt, %scan3A_93, %gt3A : i32
        %convert_element_type3A_128 = arith.extui %gt3A_127 : i1 to i32
        %cond3A_129 = arith.constant 0 : i32
        %cond3A_130 = arith.cmpi ne, %convert_element_type3A_128, %cond3A_129 : i32
        scf.if %cond3A_130 {
          %dma_wait3A_172 = arith.constant 0 : i32
          %dma_wait3A_173 = arith.constant 0 : i32
          %dma_wait3A_174 = arith.constant 0 : i32
          %dma_wait3A_175 = tpu.memref_slice %arg10[%dma_wait3A_172, %dma_wait3A_173, %dma_wait3A_174] : memref<4x64x128xf32, #tpu.memory_space<vmem>> -> memref<1x64x128xf32, #tpu.memory_space<vmem>>
          %dma_wait3A_176 = tpu.memref_squeeze %dma_wait3A_175 : memref<1x64x128xf32, #tpu.memory_space<vmem>> -> memref<64x128xf32, #tpu.memory_space<vmem>>
          %dma_wait3A_177 = arith.constant 0 : i32
          %dma_wait3A_178 = arith.constant 0 : i32
          %dma_wait3A_179 = tpu.memref_slice %arg11[%dma_wait3A_177, %dma_wait3A_178] : memref<10248x128xf32, #tpu.memory_space<vmem_shared>> -> memref<64x128xf32, #tpu.memory_space<vmem_shared>>
          %dma_wait3A_180 = arith.constant 0 : i32
          %dma_wait3A_181 = arith.constant 0 : i32
          %dma_wait3A_182 = tpu.memref_slice %arg11[%dma_wait3A_180, %dma_wait3A_181] : memref<10248x128xf32, #tpu.memory_space<vmem_shared>> -> memref<64x128xf32, #tpu.memory_space<vmem_shared>>
          %dma_wait3A_183 = arith.constant 0 : i32
          %dma_wait3A_184 = arith.constant 0 : i32
          %dma_wait3A_185 = tpu.memref_slice %arg10[%dma_wait3A_172, %dma_wait3A_183, %dma_wait3A_184] : memref<4x64x128xf32, #tpu.memory_space<vmem>> -> memref<1x64x128xf32, #tpu.memory_space<vmem>>
          %dma_wait3A_186 = tpu.memref_squeeze %dma_wait3A_185 : memref<1x64x128xf32, #tpu.memory_space<vmem>> -> memref<64x128xf32, #tpu.memory_space<vmem>>
          tpu.wait_dma2 semaphore(%arg13 : memref<!tpu.dma_semaphore, #tpu.memory_space<semaphore_mem>>) src(%dma_wait3A_186 : memref<64x128xf32, #tpu.memory_space<vmem>>) dst(%dma_wait3A_182 : memref<64x128xf32, #tpu.memory_space<vmem_shared>>)
          %dma_wait3A_187 = arith.constant 0 : i32
          %dma_wait3A_188 = arith.constant 0 : i32
          %dma_wait3A_189 = arith.constant 0 : i32
          %dma_wait3A_190 = tpu.memref_slice %arg10[%dma_wait3A_187, %dma_wait3A_188, %dma_wait3A_189] : memref<4x64x128xf32, #tpu.memory_space<vmem>> -> memref<1x64x128xf32, #tpu.memory_space<vmem>>
          %dma_wait3A_191 = tpu.memref_squeeze %dma_wait3A_190 : memref<1x64x128xf32, #tpu.memory_space<vmem>> -> memref<64x128xf32, #tpu.memory_space<vmem>>
          %dma_wait3A_192 = arith.constant 0 : i32
          %dma_wait3A_193 = arith.constant 0 : i32
          %dma_wait3A_194 = tpu.memref_slice %arg11[%dma_wait3A_192, %dma_wait3A_193] : memref<10248x128xf32, #tpu.memory_space<vmem_shared>> -> memref<64x128xf32, #tpu.memory_space<vmem_shared>>
          %dma_wait3A_195 = arith.constant 0 : i32
          %dma_wait3A_196 = arith.constant 0 : i32
          %dma_wait3A_197 = tpu.memref_slice %arg11[%dma_wait3A_195, %dma_wait3A_196] : memref<10248x128xf32, #tpu.memory_space<vmem_shared>> -> memref<64x128xf32, #tpu.memory_space<vmem_shared>>
          %dma_wait3A_198 = arith.constant 0 : i32
          %dma_wait3A_199 = arith.constant 0 : i32
          %dma_wait3A_200 = tpu.memref_slice %arg10[%dma_wait3A_187, %dma_wait3A_198, %dma_wait3A_199] : memref<4x64x128xf32, #tpu.memory_space<vmem>> -> memref<1x64x128xf32, #tpu.memory_space<vmem>>
          %dma_wait3A_201 = tpu.memref_squeeze %dma_wait3A_200 : memref<1x64x128xf32, #tpu.memory_space<vmem>> -> memref<64x128xf32, #tpu.memory_space<vmem>>
          tpu.wait_dma2 semaphore(%arg13 : memref<!tpu.dma_semaphore, #tpu.memory_space<semaphore_mem>>) src(%dma_wait3A_201 : memref<64x128xf32, #tpu.memory_space<vmem>>) dst(%dma_wait3A_197 : memref<64x128xf32, #tpu.memory_space<vmem_shared>>)
          %dma_wait3A_202 = arith.constant 0 : i32
          %dma_wait3A_203 = arith.constant 0 : i32
          %dma_wait3A_204 = arith.constant 0 : i32
          %dma_wait3A_205 = tpu.memref_slice %arg10[%dma_wait3A_202, %dma_wait3A_203, %dma_wait3A_204] : memref<4x64x128xf32, #tpu.memory_space<vmem>> -> memref<1x64x128xf32, #tpu.memory_space<vmem>>
          %dma_wait3A_206 = tpu.memref_squeeze %dma_wait3A_205 : memref<1x64x128xf32, #tpu.memory_space<vmem>> -> memref<64x128xf32, #tpu.memory_space<vmem>>
          %dma_wait3A_207 = arith.constant 0 : i32
          %dma_wait3A_208 = arith.constant 0 : i32
          %dma_wait3A_209 = tpu.memref_slice %arg11[%dma_wait3A_207, %dma_wait3A_208] : memref<10248x128xf32, #tpu.memory_space<vmem_shared>> -> memref<64x128xf32, #tpu.memory_space<vmem_shared>>
          %dma_wait3A_210 = arith.constant 0 : i32
          %dma_wait3A_211 = arith.constant 0 : i32
          %dma_wait3A_212 = tpu.memref_slice %arg11[%dma_wait3A_210, %dma_wait3A_211] : memref<10248x128xf32, #tpu.memory_space<vmem_shared>> -> memref<64x128xf32, #tpu.memory_space<vmem_shared>>
          %dma_wait3A_213 = arith.constant 0 : i32
          %dma_wait3A_214 = arith.constant 0 : i32
          %dma_wait3A_215 = tpu.memref_slice %arg10[%dma_wait3A_202, %dma_wait3A_213, %dma_wait3A_214] : memref<4x64x128xf32, #tpu.memory_space<vmem>> -> memref<1x64x128xf32, #tpu.memory_space<vmem>>
          %dma_wait3A_216 = tpu.memref_squeeze %dma_wait3A_215 : memref<1x64x128xf32, #tpu.memory_space<vmem>> -> memref<64x128xf32, #tpu.memory_space<vmem>>
          tpu.wait_dma2 semaphore(%arg13 : memref<!tpu.dma_semaphore, #tpu.memory_space<semaphore_mem>>) src(%dma_wait3A_216 : memref<64x128xf32, #tpu.memory_space<vmem>>) dst(%dma_wait3A_212 : memref<64x128xf32, #tpu.memory_space<vmem_shared>>)
        } else {
        }
        %dma_start3A = arith.constant 0 : i32
        %dma_start3A_131 = arith.constant 0 : i32
        %dma_start3A_132 = arith.constant 0 : i32
        %dma_start3A_133 = arith.constant 0 : i32
        %dma_start3A_134 = tpu.memref_slice %arg10[%dma_start3A_131, %dma_start3A_132, %dma_start3A_133] : memref<4x64x128xf32, #tpu.memory_space<vmem>> -> memref<1x64x128xf32, #tpu.memory_space<vmem>>
        %dma_start3A_135 = tpu.memref_squeeze %dma_start3A_134 : memref<1x64x128xf32, #tpu.memory_space<vmem>> -> memref<64x128xf32, #tpu.memory_space<vmem>>
        %dma_start3A_136 = arith.constant 0 : i32
        %dma_start3A_137 = tpu.memref_slice %arg8[%select_n3A_102, %dma_start3A, %dma_start3A_136] : memref<2x16x64xi32, #tpu.memory_space<vmem>> -> memref<1x1x64xi32, #tpu.memory_space<vmem>>
        %dma_start3A_138 = tpu.memref_squeeze %dma_start3A_137 : memref<1x1x64xi32, #tpu.memory_space<vmem>> -> memref<64xi32, #tpu.memory_space<vmem>>
        %dma_start3A_139 = arith.constant 0 : i32
        %dma_start3A_140 = arith.constant 0 : i32
        %dma_start3A_141 = tpu.memref_slice %arg2[%dma_start3A_139, %dma_start3A_140] : memref<10240x128xf32, #tpu.memory_space<hbm>> -> memref<10240x128xf32, #tpu.memory_space<hbm>>
        tpu.enqueue_indirect_dma source(%dma_start3A_141 : memref<10240x128xf32, #tpu.memory_space<hbm>>) target(%dma_start3A_135 : memref<64x128xf32, #tpu.memory_space<vmem>>) offsets(%dma_start3A_138 : memref<64xi32, #tpu.memory_space<vmem>>) semaphore(%arg12 : memref<!tpu.dma_semaphore, #tpu.memory_space<semaphore_mem>>)
        %dma_start3A_142 = arith.constant 1 : i32
        %dma_start3A_143 = arith.constant 1 : i32
        %dma_start3A_144 = arith.constant 0 : i32
        %dma_start3A_145 = arith.constant 0 : i32
        %dma_start3A_146 = tpu.memref_slice %arg10[%dma_start3A_143, %dma_start3A_144, %dma_start3A_145] : memref<4x64x128xf32, #tpu.memory_space<vmem>> -> memref<1x64x128xf32, #tpu.memory_space<vmem>>
        %dma_start3A_147 = tpu.memref_squeeze %dma_start3A_146 : memref<1x64x128xf32, #tpu.memory_space<vmem>> -> memref<64x128xf32, #tpu.memory_space<vmem>>
        %dma_start3A_148 = arith.constant 0 : i32
        %dma_start3A_149 = tpu.memref_slice %arg8[%select_n3A_102, %dma_start3A_142, %dma_start3A_148] : memref<2x16x64xi32, #tpu.memory_space<vmem>> -> memref<1x1x64xi32, #tpu.memory_space<vmem>>
        %dma_start3A_150 = tpu.memref_squeeze %dma_start3A_149 : memref<1x1x64xi32, #tpu.memory_space<vmem>> -> memref<64xi32, #tpu.memory_space<vmem>>
        %dma_start3A_151 = arith.constant 0 : i32
        %dma_start3A_152 = arith.constant 0 : i32
        %dma_start3A_153 = tpu.memref_slice %arg2[%dma_start3A_151, %dma_start3A_152] : memref<10240x128xf32, #tpu.memory_space<hbm>> -> memref<10240x128xf32, #tpu.memory_space<hbm>>
        tpu.enqueue_indirect_dma source(%dma_start3A_153 : memref<10240x128xf32, #tpu.memory_space<hbm>>) target(%dma_start3A_147 : memref<64x128xf32, #tpu.memory_space<vmem>>) offsets(%dma_start3A_150 : memref<64xi32, #tpu.memory_space<vmem>>) semaphore(%arg12 : memref<!tpu.dma_semaphore, #tpu.memory_space<semaphore_mem>>)
        %dma_start3A_154 = arith.constant 2 : i32
        %dma_start3A_155 = arith.constant 2 : i32
        %dma_start3A_156 = arith.constant 0 : i32
        %dma_start3A_157 = arith.constant 0 : i32
        %dma_start3A_158 = tpu.memref_slice %arg10[%dma_start3A_155, %dma_start3A_156, %dma_start3A_157] : memref<4x64x128xf32, #tpu.memory_space<vmem>> -> memref<1x64x128xf32, #tpu.memory_space<vmem>>
        %dma_start3A_159 = tpu.memref_squeeze %dma_start3A_158 : memref<1x64x128xf32, #tpu.memory_space<vmem>> -> memref<64x128xf32, #tpu.memory_space<vmem>>
        %dma_start3A_160 = arith.constant 0 : i32
        %dma_start3A_161 = tpu.memref_slice %arg8[%select_n3A_102, %dma_start3A_154, %dma_start3A_160] : memref<2x16x64xi32, #tpu.memory_space<vmem>> -> memref<1x1x64xi32, #tpu.memory_space<vmem>>
        %dma_start3A_162 = tpu.memref_squeeze %dma_start3A_161 : memref<1x1x64xi32, #tpu.memory_space<vmem>> -> memref<64xi32, #tpu.memory_space<vmem>>
        %dma_start3A_163 = arith.constant 0 : i32
        %dma_start3A_164 = arith.constant 0 : i32
        %dma_start3A_165 = tpu.memref_slice %arg2[%dma_start3A_163, %dma_start3A_164] : memref<10240x128xf32, #tpu.memory_space<hbm>> -> memref<10240x128xf32, #tpu.memory_space<hbm>>
        tpu.enqueue_indirect_dma source(%dma_start3A_165 : memref<10240x128xf32, #tpu.memory_space<hbm>>) target(%dma_start3A_159 : memref<64x128xf32, #tpu.memory_space<vmem>>) offsets(%dma_start3A_162 : memref<64xi32, #tpu.memory_space<vmem>>) semaphore(%arg12 : memref<!tpu.dma_semaphore, #tpu.memory_space<semaphore_mem>>)
        %scan3A_166 = arith.constant 0 : i32
        %scan3A_167 = arith.constant 0 : i32
        %scan3A_168 = arith.constant 16 : i32
        %scan3A_169 = arith.addi %scan3A_167, %scan3A_168 : i32
        %scan3A_170 = arith.constant 1 : i32
        scf.for %scan3A_172 = %scan3A_167 to %scan3A_169 step %scan3A_170  : i32 {
          %jit3A_173 = arith.constant 4 : i32
          %eq3A_174 = arith.constant 0 : i32
          %eq3A_175 = arith.cmpi eq, %jit3A_173, %eq3A_174 : i32
          %jit3A_176 = arith.constant 1 : i32
          %select_n3A_177 = arith.select %eq3A_175, %jit3A_176, %jit3A_173 : i32
          %rem3A_178 = arith.remsi %scan3A_172, %select_n3A_177 : i32
          %ne3A_179 = arith.constant 0 : i32
          %ne3A_180 = arith.cmpi ne, %rem3A_178, %ne3A_179 : i32
          %lt3A_181 = arith.constant 0 : i32
          %lt3A_182 = arith.cmpi slt, %rem3A_178, %lt3A_181 : i32
          %lt3A_183 = arith.constant 0 : i32
          %lt3A_184 = arith.cmpi slt, %select_n3A_177, %lt3A_183 : i32
          %ne3A_185 = arith.xori %lt3A_182, %lt3A_184 : i1
          %and3A_186 = arith.andi %ne3A_185, %ne3A_180 : i1
          %add3A_187 = arith.addi %rem3A_178, %select_n3A_177 : i32
          %select_n3A_188 = arith.select %and3A_186, %add3A_187, %rem3A_178 : i32
          %dma_wait3A_189 = arith.constant 0 : i32
          %dma_wait3A_190 = arith.constant 0 : i32
          %dma_wait3A_191 = tpu.memref_slice %arg10[%select_n3A_188, %dma_wait3A_189, %dma_wait3A_190] : memref<4x64x128xf32, #tpu.memory_space<vmem>> -> memref<1x64x128xf32, #tpu.memory_space<vmem>>
          %dma_wait3A_192 = tpu.memref_squeeze %dma_wait3A_191 : memref<1x64x128xf32, #tpu.memory_space<vmem>> -> memref<64x128xf32, #tpu.memory_space<vmem>>
          %dma_wait3A_193 = arith.constant 0 : i32
          %dma_wait3A_194 = arith.constant 0 : i32
          %dma_wait3A_195 = tpu.memref_slice %arg2[%dma_wait3A_193, %dma_wait3A_194] : memref<10240x128xf32, #tpu.memory_space<hbm>> -> memref<64x128xf32, #tpu.memory_space<hbm>>
          %dma_wait3A_196 = arith.constant 0 : i32
          %dma_wait3A_197 = arith.constant 0 : i32
          %dma_wait3A_198 = tpu.memref_slice %arg10[%select_n3A_188, %dma_wait3A_196, %dma_wait3A_197] : memref<4x64x128xf32, #tpu.memory_space<vmem>> -> memref<1x64x128xf32, #tpu.memory_space<vmem>>
          %dma_wait3A_199 = tpu.memref_squeeze %dma_wait3A_198 : memref<1x64x128xf32, #tpu.memory_space<vmem>> -> memref<64x128xf32, #tpu.memory_space<vmem>>
          %dma_wait3A_200 = arith.constant 0 : i32
          %dma_wait3A_201 = arith.constant 0 : i32
          %dma_wait3A_202 = tpu.memref_slice %arg2[%dma_wait3A_200, %dma_wait3A_201] : memref<10240x128xf32, #tpu.memory_space<hbm>> -> memref<64x128xf32, #tpu.memory_space<hbm>>
          tpu.wait_dma2 semaphore(%arg12 : memref<!tpu.dma_semaphore, #tpu.memory_space<semaphore_mem>>) src(%dma_wait3A_202 : memref<64x128xf32, #tpu.memory_space<hbm>>) dst(%dma_wait3A_199 : memref<64x128xf32, #tpu.memory_space<vmem>>)
          %dma_start3A_203 = arith.constant 0 : i32
          %dma_start3A_204 = arith.constant 0 : i32
          %dma_start3A_205 = tpu.memref_slice %arg10[%select_n3A_188, %dma_start3A_203, %dma_start3A_204] : memref<4x64x128xf32, #tpu.memory_space<vmem>> -> memref<1x64x128xf32, #tpu.memory_space<vmem>>
          %dma_start3A_206 = tpu.memref_squeeze %dma_start3A_205 : memref<1x64x128xf32, #tpu.memory_space<vmem>> -> memref<64x128xf32, #tpu.memory_space<vmem>>
          %dma_start3A_207 = arith.constant 0 : i32
          %dma_start3A_208 = tpu.memref_slice %arg9[%select_n3A_102, %scan3A_172, %dma_start3A_207] : memref<2x16x64xi32, #tpu.memory_space<vmem>> -> memref<1x1x64xi32, #tpu.memory_space<vmem>>
          %dma_start3A_209 = tpu.memref_squeeze %dma_start3A_208 : memref<1x1x64xi32, #tpu.memory_space<vmem>> -> memref<64xi32, #tpu.memory_space<vmem>>
          %dma_start3A_210 = arith.constant 0 : i32
          %dma_start3A_211 = arith.constant 0 : i32
          %dma_start3A_212 = tpu.memref_slice %arg11[%dma_start3A_210, %dma_start3A_211] : memref<10248x128xf32, #tpu.memory_space<vmem_shared>> -> memref<10248x128xf32, #tpu.memory_space<vmem_shared>>
          tpu.enqueue_indirect_dma source(%dma_start3A_206 : memref<64x128xf32, #tpu.memory_space<vmem>>) target(%dma_start3A_212 : memref<10248x128xf32, #tpu.memory_space<vmem_shared>>) offsets(%dma_start3A_209 : memref<64xi32, #tpu.memory_space<vmem>>) semaphore(%arg13 : memref<!tpu.dma_semaphore, #tpu.memory_space<semaphore_mem>>) {add = true}
          %add3A_213 = arith.constant 3 : i32
          %add3A_214 = arith.addi %scan3A_172, %add3A_213 : i32
          %lt3A_215 = arith.constant 16 : i32
          %lt3A_216 = arith.cmpi slt, %add3A_214, %lt3A_215 : i32
          %convert_element_type3A_217 = arith.extui %lt3A_216 : i1 to i32
          %cond3A_218 = arith.constant 0 : i32
          %cond3A_219 = arith.cmpi ne, %convert_element_type3A_217, %cond3A_218 : i32
          scf.if %cond3A_219 {
            %ge3A = arith.constant 1 : i32
            %ge3A_220 = arith.cmpi sge, %scan3A_172, %ge3A : i32
            %gt3A_221 = arith.constant 0 : i32
            %gt3A_222 = arith.cmpi sgt, %scan3A_93, %gt3A_221 : i32
            %or3A = arith.ori %ge3A_220, %gt3A_222 : i1
            %convert_element_type3A_223 = arith.extui %or3A : i1 to i32
            %cond3A_224 = arith.constant 0 : i32
            %cond3A_225 = arith.cmpi ne, %convert_element_type3A_223, %cond3A_224 : i32
            scf.if %cond3A_225 {
              %dma_wait3A_256 = arith.constant 0 : i32
              %dma_wait3A_257 = arith.constant 0 : i32
              %dma_wait3A_258 = arith.constant 0 : i32
              %dma_wait3A_259 = tpu.memref_slice %arg10[%dma_wait3A_256, %dma_wait3A_257, %dma_wait3A_258] : memref<4x64x128xf32, #tpu.memory_space<vmem>> -> memref<1x64x128xf32, #tpu.memory_space<vmem>>
              %dma_wait3A_260 = tpu.memref_squeeze %dma_wait3A_259 : memref<1x64x128xf32, #tpu.memory_space<vmem>> -> memref<64x128xf32, #tpu.memory_space<vmem>>
              %dma_wait3A_261 = arith.constant 0 : i32
              %dma_wait3A_262 = arith.constant 0 : i32
              %dma_wait3A_263 = tpu.memref_slice %arg11[%dma_wait3A_261, %dma_wait3A_262] : memref<10248x128xf32, #tpu.memory_space<vmem_shared>> -> memref<64x128xf32, #tpu.memory_space<vmem_shared>>
              %dma_wait3A_264 = arith.constant 0 : i32
              %dma_wait3A_265 = arith.constant 0 : i32
              %dma_wait3A_266 = tpu.memref_slice %arg11[%dma_wait3A_264, %dma_wait3A_265] : memref<10248x128xf32, #tpu.memory_space<vmem_shared>> -> memref<64x128xf32, #tpu.memory_space<vmem_shared>>
              %dma_wait3A_267 = arith.constant 0 : i32
              %dma_wait3A_268 = arith.constant 0 : i32
              %dma_wait3A_269 = tpu.memref_slice %arg10[%dma_wait3A_256, %dma_wait3A_267, %dma_wait3A_268] : memref<4x64x128xf32, #tpu.memory_space<vmem>> -> memref<1x64x128xf32, #tpu.memory_space<vmem>>
              %dma_wait3A_270 = tpu.memref_squeeze %dma_wait3A_269 : memref<1x64x128xf32, #tpu.memory_space<vmem>> -> memref<64x128xf32, #tpu.memory_space<vmem>>
              tpu.wait_dma2 semaphore(%arg13 : memref<!tpu.dma_semaphore, #tpu.memory_space<semaphore_mem>>) src(%dma_wait3A_270 : memref<64x128xf32, #tpu.memory_space<vmem>>) dst(%dma_wait3A_266 : memref<64x128xf32, #tpu.memory_space<vmem_shared>>)
            } else {
            }
            %add3A_226 = arith.constant 3 : i32
            %add3A_227 = arith.addi %scan3A_172, %add3A_226 : i32
            %add3A_228 = arith.constant 3 : i32
            %add3A_229 = arith.addi %scan3A_172, %add3A_228 : i32
            %jit3A_230 = arith.constant 4 : i32
            %eq3A_231 = arith.constant 0 : i32
            %eq3A_232 = arith.cmpi eq, %jit3A_230, %eq3A_231 : i32
            %jit3A_233 = arith.constant 1 : i32
            %select_n3A_234 = arith.select %eq3A_232, %jit3A_233, %jit3A_230 : i32
            %rem3A_235 = arith.remsi %add3A_229, %select_n3A_234 : i32
            %ne3A_236 = arith.constant 0 : i32
            %ne3A_237 = arith.cmpi ne, %rem3A_235, %ne3A_236 : i32
            %lt3A_238 = arith.constant 0 : i32
            %lt3A_239 = arith.cmpi slt, %rem3A_235, %lt3A_238 : i32
            %lt3A_240 = arith.constant 0 : i32
            %lt3A_241 = arith.cmpi slt, %select_n3A_234, %lt3A_240 : i32
            %ne3A_242 = arith.xori %lt3A_239, %lt3A_241 : i1
            %and3A_243 = arith.andi %ne3A_242, %ne3A_237 : i1
            %add3A_244 = arith.addi %rem3A_235, %select_n3A_234 : i32
            %select_n3A_245 = arith.select %and3A_243, %add3A_244, %rem3A_235 : i32
            %dma_start3A_246 = arith.constant 0 : i32
            %dma_start3A_247 = arith.constant 0 : i32
            %dma_start3A_248 = tpu.memref_slice %arg10[%select_n3A_245, %dma_start3A_246, %dma_start3A_247] : memref<4x64x128xf32, #tpu.memory_space<vmem>> -> memref<1x64x128xf32, #tpu.memory_space<vmem>>
            %dma_start3A_249 = tpu.memref_squeeze %dma_start3A_248 : memref<1x64x128xf32, #tpu.memory_space<vmem>> -> memref<64x128xf32, #tpu.memory_space<vmem>>
            %dma_start3A_250 = arith.constant 0 : i32
            %dma_start3A_251 = tpu.memref_slice %arg8[%select_n3A_102, %add3A_227, %dma_start3A_250] : memref<2x16x64xi32, #tpu.memory_space<vmem>> -> memref<1x1x64xi32, #tpu.memory_space<vmem>>
            %dma_start3A_252 = tpu.memref_squeeze %dma_start3A_251 : memref<1x1x64xi32, #tpu.memory_space<vmem>> -> memref<64xi32, #tpu.memory_space<vmem>>
            %dma_start3A_253 = arith.constant 0 : i32
            %dma_start3A_254 = arith.constant 0 : i32
            %dma_start3A_255 = tpu.memref_slice %arg2[%dma_start3A_253, %dma_start3A_254] : memref<10240x128xf32, #tpu.memory_space<hbm>> -> memref<10240x128xf32, #tpu.memory_space<hbm>>
            tpu.enqueue_indirect_dma source(%dma_start3A_255 : memref<10240x128xf32, #tpu.memory_space<hbm>>) target(%dma_start3A_249 : memref<64x128xf32, #tpu.memory_space<vmem>>) offsets(%dma_start3A_252 : memref<64xi32, #tpu.memory_space<vmem>>) semaphore(%arg12 : memref<!tpu.dma_semaphore, #tpu.memory_space<semaphore_mem>>)
          } else {
          }
        }
        %scan3A_171 = arith.constant 16 : i32
      }
      %scan3A_33 = arith.constant 20 : i32
      %dma_wait3A = arith.constant 0 : i32
      %dma_wait3A_34 = arith.constant 0 : i32
      %dma_wait3A_35 = arith.constant 0 : i32
      %dma_wait3A_36 = tpu.memref_slice %arg10[%dma_wait3A, %dma_wait3A_34, %dma_wait3A_35] : memref<4x64x128xf32, #tpu.memory_space<vmem>> -> memref<1x64x128xf32, #tpu.memory_space<vmem>>
      %dma_wait3A_37 = tpu.memref_squeeze %dma_wait3A_36 : memref<1x64x128xf32, #tpu.memory_space<vmem>> -> memref<64x128xf32, #tpu.memory_space<vmem>>
      %dma_wait3A_38 = arith.constant 0 : i32
      %dma_wait3A_39 = arith.constant 0 : i32
      %dma_wait3A_40 = tpu.memref_slice %arg11[%dma_wait3A_38, %dma_wait3A_39] : memref<10248x128xf32, #tpu.memory_space<vmem_shared>> -> memref<64x128xf32, #tpu.memory_space<vmem_shared>>
      %dma_wait3A_41 = arith.constant 0 : i32
      %dma_wait3A_42 = arith.constant 0 : i32
      %dma_wait3A_43 = tpu.memref_slice %arg11[%dma_wait3A_41, %dma_wait3A_42] : memref<10248x128xf32, #tpu.memory_space<vmem_shared>> -> memref<64x128xf32, #tpu.memory_space<vmem_shared>>
      %dma_wait3A_44 = arith.constant 0 : i32
      %dma_wait3A_45 = arith.constant 0 : i32
      %dma_wait3A_46 = tpu.memref_slice %arg10[%dma_wait3A, %dma_wait3A_44, %dma_wait3A_45] : memref<4x64x128xf32, #tpu.memory_space<vmem>> -> memref<1x64x128xf32, #tpu.memory_space<vmem>>
      %dma_wait3A_47 = tpu.memref_squeeze %dma_wait3A_46 : memref<1x64x128xf32, #tpu.memory_space<vmem>> -> memref<64x128xf32, #tpu.memory_space<vmem>>
      tpu.wait_dma2 semaphore(%arg13 : memref<!tpu.dma_semaphore, #tpu.memory_space<semaphore_mem>>) src(%dma_wait3A_47 : memref<64x128xf32, #tpu.memory_space<vmem>>) dst(%dma_wait3A_43 : memref<64x128xf32, #tpu.memory_space<vmem_shared>>)
      %dma_wait3A_48 = arith.constant 0 : i32
      %dma_wait3A_49 = arith.constant 0 : i32
      %dma_wait3A_50 = arith.constant 0 : i32
      %dma_wait3A_51 = tpu.memref_slice %arg10[%dma_wait3A_48, %dma_wait3A_49, %dma_wait3A_50] : memref<4x64x128xf32, #tpu.memory_space<vmem>> -> memref<1x64x128xf32, #tpu.memory_space<vmem>>
      %dma_wait3A_52 = tpu.memref_squeeze %dma_wait3A_51 : memref<1x64x128xf32, #tpu.memory_space<vmem>> -> memref<64x128xf32, #tpu.memory_space<vmem>>
      %dma_wait3A_53 = arith.constant 0 : i32
      %dma_wait3A_54 = arith.constant 0 : i32
      %dma_wait3A_55 = tpu.memref_slice %arg11[%dma_wait3A_53, %dma_wait3A_54] : memref<10248x128xf32, #tpu.memory_space<vmem_shared>> -> memref<64x128xf32, #tpu.memory_space<vmem_shared>>
      %dma_wait3A_56 = arith.constant 0 : i32
      %dma_wait3A_57 = arith.constant 0 : i32
      %dma_wait3A_58 = tpu.memref_slice %arg11[%dma_wait3A_56, %dma_wait3A_57] : memref<10248x128xf32, #tpu.memory_space<vmem_shared>> -> memref<64x128xf32, #tpu.memory_space<vmem_shared>>
      %dma_wait3A_59 = arith.constant 0 : i32
      %dma_wait3A_60 = arith.constant 0 : i32
      %dma_wait3A_61 = tpu.memref_slice %arg10[%dma_wait3A_48, %dma_wait3A_59, %dma_wait3A_60] : memref<4x64x128xf32, #tpu.memory_space<vmem>> -> memref<1x64x128xf32, #tpu.memory_space<vmem>>
      %dma_wait3A_62 = tpu.memref_squeeze %dma_wait3A_61 : memref<1x64x128xf32, #tpu.memory_space<vmem>> -> memref<64x128xf32, #tpu.memory_space<vmem>>
      tpu.wait_dma2 semaphore(%arg13 : memref<!tpu.dma_semaphore, #tpu.memory_space<semaphore_mem>>) src(%dma_wait3A_62 : memref<64x128xf32, #tpu.memory_space<vmem>>) dst(%dma_wait3A_58 : memref<64x128xf32, #tpu.memory_space<vmem_shared>>)
      %dma_wait3A_63 = arith.constant 0 : i32
      %dma_wait3A_64 = arith.constant 0 : i32
      %dma_wait3A_65 = arith.constant 0 : i32
      %dma_wait3A_66 = tpu.memref_slice %arg10[%dma_wait3A_63, %dma_wait3A_64, %dma_wait3A_65] : memref<4x64x128xf32, #tpu.memory_space<vmem>> -> memref<1x64x128xf32, #tpu.memory_space<vmem>>
      %dma_wait3A_67 = tpu.memref_squeeze %dma_wait3A_66 : memref<1x64x128xf32, #tpu.memory_space<vmem>> -> memref<64x128xf32, #tpu.memory_space<vmem>>
      %dma_wait3A_68 = arith.constant 0 : i32
      %dma_wait3A_69 = arith.constant 0 : i32
      %dma_wait3A_70 = tpu.memref_slice %arg11[%dma_wait3A_68, %dma_wait3A_69] : memref<10248x128xf32, #tpu.memory_space<vmem_shared>> -> memref<64x128xf32, #tpu.memory_space<vmem_shared>>
      %dma_wait3A_71 = arith.constant 0 : i32
      %dma_wait3A_72 = arith.constant 0 : i32
      %dma_wait3A_73 = tpu.memref_slice %arg11[%dma_wait3A_71, %dma_wait3A_72] : memref<10248x128xf32, #tpu.memory_space<vmem_shared>> -> memref<64x128xf32, #tpu.memory_space<vmem_shared>>
      %dma_wait3A_74 = arith.constant 0 : i32
      %dma_wait3A_75 = arith.constant 0 : i32
      %dma_wait3A_76 = tpu.memref_slice %arg10[%dma_wait3A_63, %dma_wait3A_74, %dma_wait3A_75] : memref<4x64x128xf32, #tpu.memory_space<vmem>> -> memref<1x64x128xf32, #tpu.memory_space<vmem>>
      %dma_wait3A_77 = tpu.memref_squeeze %dma_wait3A_76 : memref<1x64x128xf32, #tpu.memory_space<vmem>> -> memref<64x128xf32, #tpu.memory_space<vmem>>
      tpu.wait_dma2 semaphore(%arg13 : memref<!tpu.dma_semaphore, #tpu.memory_space<semaphore_mem>>) src(%dma_wait3A_77 : memref<64x128xf32, #tpu.memory_space<vmem>>) dst(%dma_wait3A_73 : memref<64x128xf32, #tpu.memory_space<vmem_shared>>)
      %dma_wait3A_78 = arith.constant 0 : i32
      %dma_wait3A_79 = arith.constant 0 : i32
      %dma_wait3A_80 = arith.constant 0 : i32
      %dma_wait3A_81 = tpu.memref_slice %arg10[%dma_wait3A_78, %dma_wait3A_79, %dma_wait3A_80] : memref<4x64x128xf32, #tpu.memory_space<vmem>> -> memref<1x64x128xf32, #tpu.memory_space<vmem>>
      %dma_wait3A_82 = tpu.memref_squeeze %dma_wait3A_81 : memref<1x64x128xf32, #tpu.memory_space<vmem>> -> memref<64x128xf32, #tpu.memory_space<vmem>>
      %dma_wait3A_83 = arith.constant 0 : i32
      %dma_wait3A_84 = arith.constant 0 : i32
      %dma_wait3A_85 = tpu.memref_slice %arg11[%dma_wait3A_83, %dma_wait3A_84] : memref<10248x128xf32, #tpu.memory_space<vmem_shared>> -> memref<64x128xf32, #tpu.memory_space<vmem_shared>>
      %dma_wait3A_86 = arith.constant 0 : i32
      %dma_wait3A_87 = arith.constant 0 : i32
      %dma_wait3A_88 = tpu.memref_slice %arg11[%dma_wait3A_86, %dma_wait3A_87] : memref<10248x128xf32, #tpu.memory_space<vmem_shared>> -> memref<64x128xf32, #tpu.memory_space<vmem_shared>>
      %dma_wait3A_89 = arith.constant 0 : i32
      %dma_wait3A_90 = arith.constant 0 : i32
      %dma_wait3A_91 = tpu.memref_slice %arg10[%dma_wait3A_78, %dma_wait3A_89, %dma_wait3A_90] : memref<4x64x128xf32, #tpu.memory_space<vmem>> -> memref<1x64x128xf32, #tpu.memory_space<vmem>>
      %dma_wait3A_92 = tpu.memref_squeeze %dma_wait3A_91 : memref<1x64x128xf32, #tpu.memory_space<vmem>> -> memref<64x128xf32, #tpu.memory_space<vmem>>
      tpu.wait_dma2 semaphore(%arg13 : memref<!tpu.dma_semaphore, #tpu.memory_space<semaphore_mem>>) src(%dma_wait3A_92 : memref<64x128xf32, #tpu.memory_space<vmem>>) dst(%dma_wait3A_88 : memref<64x128xf32, #tpu.memory_space<vmem_shared>>)
    } else {
    }
    %eq3A_13 = arith.constant 1 : i32
    %eq3A_14 = arith.cmpi eq, %arg0, %eq3A_13 : i32
    %convert_element_type3A_15 = arith.extui %eq3A_14 : i1 to i32
    %cond3A_16 = arith.constant 0 : i32
    %cond3A_17 = arith.cmpi ne, %convert_element_type3A_15, %cond3A_16 : i32
    scf.if %cond3A_17 {
      %scan3A = arith.constant 0 : i32
      %scan3A_29 = arith.constant 0 : i32
      %scan3A_30 = arith.constant 20 : i32
      %scan3A_31 = arith.addi %scan3A_29, %scan3A_30 : i32
      %scan3A_32 = arith.constant 1 : i32
      scf.for %scan3A_93 = %scan3A_29 to %scan3A_31 step %scan3A_32  : i32 {
        %jit3A = arith.constant 2 : i32
        %eq3A_94 = arith.constant 0 : i32
        %eq3A_95 = arith.cmpi eq, %jit3A, %eq3A_94 : i32
        %jit3A_96 = arith.constant 1 : i32
        %select_n3A = arith.select %eq3A_95, %jit3A_96, %jit3A : i32
        %rem3A = arith.remsi %scan3A_93, %select_n3A : i32
        %ne3A = arith.constant 0 : i32
        %ne3A_97 = arith.cmpi ne, %rem3A, %ne3A : i32
        %lt3A = arith.constant 0 : i32
        %lt3A_98 = arith.cmpi slt, %rem3A, %lt3A : i32
        %lt3A_99 = arith.constant 0 : i32
        %lt3A_100 = arith.cmpi slt, %select_n3A, %lt3A_99 : i32
        %ne3A_101 = arith.xori %lt3A_98, %lt3A_100 : i1
        %and3A = arith.andi %ne3A_101, %ne3A_97 : i1
        %add3A = arith.addi %rem3A, %select_n3A : i32
        %select_n3A_102 = arith.select %and3A, %add3A, %rem3A : i32
        %jit3A_103 = arith.constant 2 : i32
        %eq3A_104 = arith.constant 0 : i32
        %eq3A_105 = arith.cmpi eq, %jit3A_103, %eq3A_104 : i32
        %jit3A_106 = arith.constant 1 : i32
        %select_n3A_107 = arith.select %eq3A_105, %jit3A_106, %jit3A_103 : i32
        %rem3A_108 = arith.remsi %scan3A_93, %select_n3A_107 : i32
        %ne3A_109 = arith.constant 0 : i32
        %ne3A_110 = arith.cmpi ne, %rem3A_108, %ne3A_109 : i32
        %lt3A_111 = arith.constant 0 : i32
        %lt3A_112 = arith.cmpi slt, %rem3A_108, %lt3A_111 : i32
        %lt3A_113 = arith.constant 0 : i32
        %lt3A_114 = arith.cmpi slt, %select_n3A_107, %lt3A_113 : i32
        %ne3A_115 = arith.xori %lt3A_112, %lt3A_114 : i1
        %and3A_116 = arith.andi %ne3A_115, %ne3A_110 : i1
        %add3A_117 = arith.addi %rem3A_108, %select_n3A_107 : i32
        %select_n3A_118 = arith.select %and3A_116, %add3A_117, %rem3A_108 : i32
        %mul3A_119 = arith.constant 16 : i32
        %mul3A_120 = arith.muli %scan3A_93, %mul3A_119 : i32
        %add3A_121 = arith.constant 0 : i32
        %add3A_122 = arith.addi %add3A_121, %mul3A_120 : i32
        "tpu.region"() ({
          %run_scoped3A = tpu.sem_alloc : memref<!tpu.dma_semaphore, #tpu.memory_space<semaphore_mem>>
          %dma_start3A_172 = arith.constant 0 : i32
          %dma_start3A_173 = arith.constant 0 : i32
          %dma_start3A_174 = tpu.memref_slice %arg8[%select_n3A_118, %dma_start3A_172, %dma_start3A_173] : memref<2x16x64xi32, #tpu.memory_space<vmem>> -> memref<1x16x64xi32, #tpu.memory_space<vmem>>
          %dma_start3A_175 = tpu.memref_squeeze %dma_start3A_174 : memref<1x16x64xi32, #tpu.memory_space<vmem>> -> memref<16x64xi32, #tpu.memory_space<vmem>>
          %dma_start3A_176 = arith.constant 0 : i32
          %dma_start3A_177 = tpu.memref_slice %arg4[%arg1, %add3A_122, %dma_start3A_176] : memref<16x320x64xi32, #tpu.memory_space<hbm>> -> memref<1x16x64xi32, #tpu.memory_space<hbm>>
          %dma_start3A_178 = tpu.memref_squeeze %dma_start3A_177 : memref<1x16x64xi32, #tpu.memory_space<hbm>> -> memref<16x64xi32, #tpu.memory_space<hbm>>
          %dma_start3A_179 = arith.constant 0 : i32
          %dma_start3A_180 = arith.constant 0 : i32
          %dma_start3A_181 = tpu.memref_slice %arg8[%select_n3A_118, %dma_start3A_179, %dma_start3A_180] : memref<2x16x64xi32, #tpu.memory_space<vmem>> -> memref<1x16x64xi32, #tpu.memory_space<vmem>>
          %dma_start3A_182 = tpu.memref_squeeze %dma_start3A_181 : memref<1x16x64xi32, #tpu.memory_space<vmem>> -> memref<16x64xi32, #tpu.memory_space<vmem>>
          %dma_start3A_183 = arith.constant 0 : i32
          %dma_start3A_184 = tpu.memref_slice %arg4[%arg1, %add3A_122, %dma_start3A_183] : memref<16x320x64xi32, #tpu.memory_space<hbm>> -> memref<1x16x64xi32, #tpu.memory_space<hbm>>
          %dma_start3A_185 = tpu.memref_squeeze %dma_start3A_184 : memref<1x16x64xi32, #tpu.memory_space<hbm>> -> memref<16x64xi32, #tpu.memory_space<hbm>>
          tpu.enqueue_dma source(%dma_start3A_185 : memref<16x64xi32, #tpu.memory_space<hbm>>) target(%dma_start3A_182 : memref<16x64xi32, #tpu.memory_space<vmem>>) target_semaphore(%run_scoped3A : memref<!tpu.dma_semaphore, #tpu.memory_space<semaphore_mem>>)
          %dma_wait3A_186 = arith.constant 0 : i32
          %dma_wait3A_187 = arith.constant 0 : i32
          %dma_wait3A_188 = tpu.memref_slice %arg8[%select_n3A_118, %dma_wait3A_186, %dma_wait3A_187] : memref<2x16x64xi32, #tpu.memory_space<vmem>> -> memref<1x16x64xi32, #tpu.memory_space<vmem>>
          %dma_wait3A_189 = tpu.memref_squeeze %dma_wait3A_188 : memref<1x16x64xi32, #tpu.memory_space<vmem>> -> memref<16x64xi32, #tpu.memory_space<vmem>>
          %dma_wait3A_190 = arith.constant 0 : i32
          %dma_wait3A_191 = tpu.memref_slice %arg4[%arg1, %add3A_122, %dma_wait3A_190] : memref<16x320x64xi32, #tpu.memory_space<hbm>> -> memref<1x16x64xi32, #tpu.memory_space<hbm>>
          %dma_wait3A_192 = tpu.memref_squeeze %dma_wait3A_191 : memref<1x16x64xi32, #tpu.memory_space<hbm>> -> memref<16x64xi32, #tpu.memory_space<hbm>>
          %dma_wait3A_193 = arith.constant 0 : i32
          %dma_wait3A_194 = arith.constant 0 : i32
          %dma_wait3A_195 = tpu.memref_slice %arg8[%select_n3A_118, %dma_wait3A_193, %dma_wait3A_194] : memref<2x16x64xi32, #tpu.memory_space<vmem>> -> memref<1x16x64xi32, #tpu.memory_space<vmem>>
          %dma_wait3A_196 = tpu.memref_squeeze %dma_wait3A_195 : memref<1x16x64xi32, #tpu.memory_space<vmem>> -> memref<16x64xi32, #tpu.memory_space<vmem>>
          %dma_wait3A_197 = arith.constant 0 : i32
          %dma_wait3A_198 = tpu.memref_slice %arg4[%arg1, %add3A_122, %dma_wait3A_197] : memref<16x320x64xi32, #tpu.memory_space<hbm>> -> memref<1x16x64xi32, #tpu.memory_space<hbm>>
          %dma_wait3A_199 = tpu.memref_squeeze %dma_wait3A_198 : memref<1x16x64xi32, #tpu.memory_space<hbm>> -> memref<16x64xi32, #tpu.memory_space<hbm>>
          tpu.wait_dma2 semaphore(%run_scoped3A : memref<!tpu.dma_semaphore, #tpu.memory_space<semaphore_mem>>) src(%dma_wait3A_199 : memref<16x64xi32, #tpu.memory_space<hbm>>) dst(%dma_wait3A_196 : memref<16x64xi32, #tpu.memory_space<vmem>>)
          tpu.yield
        }) : () -> ()
        %mul3A_123 = arith.constant 16 : i32
        %mul3A_124 = arith.muli %scan3A_93, %mul3A_123 : i32
        %add3A_125 = arith.constant 0 : i32
        %add3A_126 = arith.addi %add3A_125, %mul3A_124 : i32
        "tpu.region"() ({
          %run_scoped3A = tpu.sem_alloc : memref<!tpu.dma_semaphore, #tpu.memory_space<semaphore_mem>>
          %dma_start3A_172 = arith.constant 0 : i32
          %dma_start3A_173 = arith.constant 0 : i32
          %dma_start3A_174 = tpu.memref_slice %arg9[%select_n3A_118, %dma_start3A_172, %dma_start3A_173] : memref<2x16x64xi32, #tpu.memory_space<vmem>> -> memref<1x16x64xi32, #tpu.memory_space<vmem>>
          %dma_start3A_175 = tpu.memref_squeeze %dma_start3A_174 : memref<1x16x64xi32, #tpu.memory_space<vmem>> -> memref<16x64xi32, #tpu.memory_space<vmem>>
          %dma_start3A_176 = arith.constant 0 : i32
          %dma_start3A_177 = tpu.memref_slice %arg5[%arg1, %add3A_126, %dma_start3A_176] : memref<16x320x64xi32, #tpu.memory_space<hbm>> -> memref<1x16x64xi32, #tpu.memory_space<hbm>>
          %dma_start3A_178 = tpu.memref_squeeze %dma_start3A_177 : memref<1x16x64xi32, #tpu.memory_space<hbm>> -> memref<16x64xi32, #tpu.memory_space<hbm>>
          %dma_start3A_179 = arith.constant 0 : i32
          %dma_start3A_180 = arith.constant 0 : i32
          %dma_start3A_181 = tpu.memref_slice %arg9[%select_n3A_118, %dma_start3A_179, %dma_start3A_180] : memref<2x16x64xi32, #tpu.memory_space<vmem>> -> memref<1x16x64xi32, #tpu.memory_space<vmem>>
          %dma_start3A_182 = tpu.memref_squeeze %dma_start3A_181 : memref<1x16x64xi32, #tpu.memory_space<vmem>> -> memref<16x64xi32, #tpu.memory_space<vmem>>
          %dma_start3A_183 = arith.constant 0 : i32
          %dma_start3A_184 = tpu.memref_slice %arg5[%arg1, %add3A_126, %dma_start3A_183] : memref<16x320x64xi32, #tpu.memory_space<hbm>> -> memref<1x16x64xi32, #tpu.memory_space<hbm>>
          %dma_start3A_185 = tpu.memref_squeeze %dma_start3A_184 : memref<1x16x64xi32, #tpu.memory_space<hbm>> -> memref<16x64xi32, #tpu.memory_space<hbm>>
          tpu.enqueue_dma source(%dma_start3A_185 : memref<16x64xi32, #tpu.memory_space<hbm>>) target(%dma_start3A_182 : memref<16x64xi32, #tpu.memory_space<vmem>>) target_semaphore(%run_scoped3A : memref<!tpu.dma_semaphore, #tpu.memory_space<semaphore_mem>>)
          %dma_wait3A_186 = arith.constant 0 : i32
          %dma_wait3A_187 = arith.constant 0 : i32
          %dma_wait3A_188 = tpu.memref_slice %arg9[%select_n3A_118, %dma_wait3A_186, %dma_wait3A_187] : memref<2x16x64xi32, #tpu.memory_space<vmem>> -> memref<1x16x64xi32, #tpu.memory_space<vmem>>
          %dma_wait3A_189 = tpu.memref_squeeze %dma_wait3A_188 : memref<1x16x64xi32, #tpu.memory_space<vmem>> -> memref<16x64xi32, #tpu.memory_space<vmem>>
          %dma_wait3A_190 = arith.constant 0 : i32
          %dma_wait3A_191 = tpu.memref_slice %arg5[%arg1, %add3A_126, %dma_wait3A_190] : memref<16x320x64xi32, #tpu.memory_space<hbm>> -> memref<1x16x64xi32, #tpu.memory_space<hbm>>
          %dma_wait3A_192 = tpu.memref_squeeze %dma_wait3A_191 : memref<1x16x64xi32, #tpu.memory_space<hbm>> -> memref<16x64xi32, #tpu.memory_space<hbm>>
          %dma_wait3A_193 = arith.constant 0 : i32
          %dma_wait3A_194 = arith.constant 0 : i32
          %dma_wait3A_195 = tpu.memref_slice %arg9[%select_n3A_118, %dma_wait3A_193, %dma_wait3A_194] : memref<2x16x64xi32, #tpu.memory_space<vmem>> -> memref<1x16x64xi32, #tpu.memory_space<vmem>>
          %dma_wait3A_196 = tpu.memref_squeeze %dma_wait3A_195 : memref<1x16x64xi32, #tpu.memory_space<vmem>> -> memref<16x64xi32, #tpu.memory_space<vmem>>
          %dma_wait3A_197 = arith.constant 0 : i32
          %dma_wait3A_198 = tpu.memref_slice %arg5[%arg1, %add3A_126, %dma_wait3A_197] : memref<16x320x64xi32, #tpu.memory_space<hbm>> -> memref<1x16x64xi32, #tpu.memory_space<hbm>>
          %dma_wait3A_199 = tpu.memref_squeeze %dma_wait3A_198 : memref<1x16x64xi32, #tpu.memory_space<hbm>> -> memref<16x64xi32, #tpu.memory_space<hbm>>
          tpu.wait_dma2 semaphore(%run_scoped3A : memref<!tpu.dma_semaphore, #tpu.memory_space<semaphore_mem>>) src(%dma_wait3A_199 : memref<16x64xi32, #tpu.memory_space<hbm>>) dst(%dma_wait3A_196 : memref<16x64xi32, #tpu.memory_space<vmem>>)
          tpu.yield
        }) : () -> ()
        %gt3A = arith.constant 0 : i32
        %gt3A_127 = arith.cmpi sgt, %scan3A_93, %gt3A : i32
        %convert_element_type3A_128 = arith.extui %gt3A_127 : i1 to i32
        %cond3A_129 = arith.constant 0 : i32
        %cond3A_130 = arith.cmpi ne, %convert_element_type3A_128, %cond3A_129 : i32
        scf.if %cond3A_130 {
          %dma_wait3A_172 = arith.constant 0 : i32
          %dma_wait3A_173 = arith.constant 0 : i32
          %dma_wait3A_174 = arith.constant 0 : i32
          %dma_wait3A_175 = tpu.memref_slice %arg10[%dma_wait3A_172, %dma_wait3A_173, %dma_wait3A_174] : memref<4x64x128xf32, #tpu.memory_space<vmem>> -> memref<1x64x128xf32, #tpu.memory_space<vmem>>
          %dma_wait3A_176 = tpu.memref_squeeze %dma_wait3A_175 : memref<1x64x128xf32, #tpu.memory_space<vmem>> -> memref<64x128xf32, #tpu.memory_space<vmem>>
          %dma_wait3A_177 = arith.constant 0 : i32
          %dma_wait3A_178 = arith.constant 0 : i32
          %dma_wait3A_179 = tpu.memref_slice %arg11[%dma_wait3A_177, %dma_wait3A_178] : memref<10248x128xf32, #tpu.memory_space<vmem_shared>> -> memref<64x128xf32, #tpu.memory_space<vmem_shared>>
          %dma_wait3A_180 = arith.constant 0 : i32
          %dma_wait3A_181 = arith.constant 0 : i32
          %dma_wait3A_182 = tpu.memref_slice %arg11[%dma_wait3A_180, %dma_wait3A_181] : memref<10248x128xf32, #tpu.memory_space<vmem_shared>> -> memref<64x128xf32, #tpu.memory_space<vmem_shared>>
          %dma_wait3A_183 = arith.constant 0 : i32
          %dma_wait3A_184 = arith.constant 0 : i32
          %dma_wait3A_185 = tpu.memref_slice %arg10[%dma_wait3A_172, %dma_wait3A_183, %dma_wait3A_184] : memref<4x64x128xf32, #tpu.memory_space<vmem>> -> memref<1x64x128xf32, #tpu.memory_space<vmem>>
          %dma_wait3A_186 = tpu.memref_squeeze %dma_wait3A_185 : memref<1x64x128xf32, #tpu.memory_space<vmem>> -> memref<64x128xf32, #tpu.memory_space<vmem>>
          tpu.wait_dma2 semaphore(%arg13 : memref<!tpu.dma_semaphore, #tpu.memory_space<semaphore_mem>>) src(%dma_wait3A_186 : memref<64x128xf32, #tpu.memory_space<vmem>>) dst(%dma_wait3A_182 : memref<64x128xf32, #tpu.memory_space<vmem_shared>>)
          %dma_wait3A_187 = arith.constant 0 : i32
          %dma_wait3A_188 = arith.constant 0 : i32
          %dma_wait3A_189 = arith.constant 0 : i32
          %dma_wait3A_190 = tpu.memref_slice %arg10[%dma_wait3A_187, %dma_wait3A_188, %dma_wait3A_189] : memref<4x64x128xf32, #tpu.memory_space<vmem>> -> memref<1x64x128xf32, #tpu.memory_space<vmem>>
          %dma_wait3A_191 = tpu.memref_squeeze %dma_wait3A_190 : memref<1x64x128xf32, #tpu.memory_space<vmem>> -> memref<64x128xf32, #tpu.memory_space<vmem>>
          %dma_wait3A_192 = arith.constant 0 : i32
          %dma_wait3A_193 = arith.constant 0 : i32
          %dma_wait3A_194 = tpu.memref_slice %arg11[%dma_wait3A_192, %dma_wait3A_193] : memref<10248x128xf32, #tpu.memory_space<vmem_shared>> -> memref<64x128xf32, #tpu.memory_space<vmem_shared>>
          %dma_wait3A_195 = arith.constant 0 : i32
          %dma_wait3A_196 = arith.constant 0 : i32
          %dma_wait3A_197 = tpu.memref_slice %arg11[%dma_wait3A_195, %dma_wait3A_196] : memref<10248x128xf32, #tpu.memory_space<vmem_shared>> -> memref<64x128xf32, #tpu.memory_space<vmem_shared>>
          %dma_wait3A_198 = arith.constant 0 : i32
          %dma_wait3A_199 = arith.constant 0 : i32
          %dma_wait3A_200 = tpu.memref_slice %arg10[%dma_wait3A_187, %dma_wait3A_198, %dma_wait3A_199] : memref<4x64x128xf32, #tpu.memory_space<vmem>> -> memref<1x64x128xf32, #tpu.memory_space<vmem>>
          %dma_wait3A_201 = tpu.memref_squeeze %dma_wait3A_200 : memref<1x64x128xf32, #tpu.memory_space<vmem>> -> memref<64x128xf32, #tpu.memory_space<vmem>>
          tpu.wait_dma2 semaphore(%arg13 : memref<!tpu.dma_semaphore, #tpu.memory_space<semaphore_mem>>) src(%dma_wait3A_201 : memref<64x128xf32, #tpu.memory_space<vmem>>) dst(%dma_wait3A_197 : memref<64x128xf32, #tpu.memory_space<vmem_shared>>)
          %dma_wait3A_202 = arith.constant 0 : i32
          %dma_wait3A_203 = arith.constant 0 : i32
          %dma_wait3A_204 = arith.constant 0 : i32
          %dma_wait3A_205 = tpu.memref_slice %arg10[%dma_wait3A_202, %dma_wait3A_203, %dma_wait3A_204] : memref<4x64x128xf32, #tpu.memory_space<vmem>> -> memref<1x64x128xf32, #tpu.memory_space<vmem>>
          %dma_wait3A_206 = tpu.memref_squeeze %dma_wait3A_205 : memref<1x64x128xf32, #tpu.memory_space<vmem>> -> memref<64x128xf32, #tpu.memory_space<vmem>>
          %dma_wait3A_207 = arith.constant 0 : i32
          %dma_wait3A_208 = arith.constant 0 : i32
          %dma_wait3A_209 = tpu.memref_slice %arg11[%dma_wait3A_207, %dma_wait3A_208] : memref<10248x128xf32, #tpu.memory_space<vmem_shared>> -> memref<64x128xf32, #tpu.memory_space<vmem_shared>>
          %dma_wait3A_210 = arith.constant 0 : i32
          %dma_wait3A_211 = arith.constant 0 : i32
          %dma_wait3A_212 = tpu.memref_slice %arg11[%dma_wait3A_210, %dma_wait3A_211] : memref<10248x128xf32, #tpu.memory_space<vmem_shared>> -> memref<64x128xf32, #tpu.memory_space<vmem_shared>>
          %dma_wait3A_213 = arith.constant 0 : i32
          %dma_wait3A_214 = arith.constant 0 : i32
          %dma_wait3A_215 = tpu.memref_slice %arg10[%dma_wait3A_202, %dma_wait3A_213, %dma_wait3A_214] : memref<4x64x128xf32, #tpu.memory_space<vmem>> -> memref<1x64x128xf32, #tpu.memory_space<vmem>>
          %dma_wait3A_216 = tpu.memref_squeeze %dma_wait3A_215 : memref<1x64x128xf32, #tpu.memory_space<vmem>> -> memref<64x128xf32, #tpu.memory_space<vmem>>
          tpu.wait_dma2 semaphore(%arg13 : memref<!tpu.dma_semaphore, #tpu.memory_space<semaphore_mem>>) src(%dma_wait3A_216 : memref<64x128xf32, #tpu.memory_space<vmem>>) dst(%dma_wait3A_212 : memref<64x128xf32, #tpu.memory_space<vmem_shared>>)
        } else {
        }
        %dma_start3A = arith.constant 0 : i32
        %dma_start3A_131 = arith.constant 0 : i32
        %dma_start3A_132 = arith.constant 0 : i32
        %dma_start3A_133 = arith.constant 0 : i32
        %dma_start3A_134 = tpu.memref_slice %arg10[%dma_start3A_131, %dma_start3A_132, %dma_start3A_133] : memref<4x64x128xf32, #tpu.memory_space<vmem>> -> memref<1x64x128xf32, #tpu.memory_space<vmem>>
        %dma_start3A_135 = tpu.memref_squeeze %dma_start3A_134 : memref<1x64x128xf32, #tpu.memory_space<vmem>> -> memref<64x128xf32, #tpu.memory_space<vmem>>
        %dma_start3A_136 = arith.constant 0 : i32
        %dma_start3A_137 = tpu.memref_slice %arg8[%select_n3A_102, %dma_start3A, %dma_start3A_136] : memref<2x16x64xi32, #tpu.memory_space<vmem>> -> memref<1x1x64xi32, #tpu.memory_space<vmem>>
        %dma_start3A_138 = tpu.memref_squeeze %dma_start3A_137 : memref<1x1x64xi32, #tpu.memory_space<vmem>> -> memref<64xi32, #tpu.memory_space<vmem>>
        %dma_start3A_139 = arith.constant 0 : i32
        %dma_start3A_140 = arith.constant 0 : i32
        %dma_start3A_141 = tpu.memref_slice %arg3[%dma_start3A_139, %dma_start3A_140] : memref<10240x128xf32, #tpu.memory_space<hbm>> -> memref<10240x128xf32, #tpu.memory_space<hbm>>
        tpu.enqueue_indirect_dma source(%dma_start3A_141 : memref<10240x128xf32, #tpu.memory_space<hbm>>) target(%dma_start3A_135 : memref<64x128xf32, #tpu.memory_space<vmem>>) offsets(%dma_start3A_138 : memref<64xi32, #tpu.memory_space<vmem>>) semaphore(%arg12 : memref<!tpu.dma_semaphore, #tpu.memory_space<semaphore_mem>>)
        %dma_start3A_142 = arith.constant 1 : i32
        %dma_start3A_143 = arith.constant 1 : i32
        %dma_start3A_144 = arith.constant 0 : i32
        %dma_start3A_145 = arith.constant 0 : i32
        %dma_start3A_146 = tpu.memref_slice %arg10[%dma_start3A_143, %dma_start3A_144, %dma_start3A_145] : memref<4x64x128xf32, #tpu.memory_space<vmem>> -> memref<1x64x128xf32, #tpu.memory_space<vmem>>
        %dma_start3A_147 = tpu.memref_squeeze %dma_start3A_146 : memref<1x64x128xf32, #tpu.memory_space<vmem>> -> memref<64x128xf32, #tpu.memory_space<vmem>>
        %dma_start3A_148 = arith.constant 0 : i32
        %dma_start3A_149 = tpu.memref_slice %arg8[%select_n3A_102, %dma_start3A_142, %dma_start3A_148] : memref<2x16x64xi32, #tpu.memory_space<vmem>> -> memref<1x1x64xi32, #tpu.memory_space<vmem>>
        %dma_start3A_150 = tpu.memref_squeeze %dma_start3A_149 : memref<1x1x64xi32, #tpu.memory_space<vmem>> -> memref<64xi32, #tpu.memory_space<vmem>>
        %dma_start3A_151 = arith.constant 0 : i32
        %dma_start3A_152 = arith.constant 0 : i32
        %dma_start3A_153 = tpu.memref_slice %arg3[%dma_start3A_151, %dma_start3A_152] : memref<10240x128xf32, #tpu.memory_space<hbm>> -> memref<10240x128xf32, #tpu.memory_space<hbm>>
        tpu.enqueue_indirect_dma source(%dma_start3A_153 : memref<10240x128xf32, #tpu.memory_space<hbm>>) target(%dma_start3A_147 : memref<64x128xf32, #tpu.memory_space<vmem>>) offsets(%dma_start3A_150 : memref<64xi32, #tpu.memory_space<vmem>>) semaphore(%arg12 : memref<!tpu.dma_semaphore, #tpu.memory_space<semaphore_mem>>)
        %dma_start3A_154 = arith.constant 2 : i32
        %dma_start3A_155 = arith.constant 2 : i32
        %dma_start3A_156 = arith.constant 0 : i32
        %dma_start3A_157 = arith.constant 0 : i32
        %dma_start3A_158 = tpu.memref_slice %arg10[%dma_start3A_155, %dma_start3A_156, %dma_start3A_157] : memref<4x64x128xf32, #tpu.memory_space<vmem>> -> memref<1x64x128xf32, #tpu.memory_space<vmem>>
        %dma_start3A_159 = tpu.memref_squeeze %dma_start3A_158 : memref<1x64x128xf32, #tpu.memory_space<vmem>> -> memref<64x128xf32, #tpu.memory_space<vmem>>
        %dma_start3A_160 = arith.constant 0 : i32
        %dma_start3A_161 = tpu.memref_slice %arg8[%select_n3A_102, %dma_start3A_154, %dma_start3A_160] : memref<2x16x64xi32, #tpu.memory_space<vmem>> -> memref<1x1x64xi32, #tpu.memory_space<vmem>>
        %dma_start3A_162 = tpu.memref_squeeze %dma_start3A_161 : memref<1x1x64xi32, #tpu.memory_space<vmem>> -> memref<64xi32, #tpu.memory_space<vmem>>
        %dma_start3A_163 = arith.constant 0 : i32
        %dma_start3A_164 = arith.constant 0 : i32
        %dma_start3A_165 = tpu.memref_slice %arg3[%dma_start3A_163, %dma_start3A_164] : memref<10240x128xf32, #tpu.memory_space<hbm>> -> memref<10240x128xf32, #tpu.memory_space<hbm>>
        tpu.enqueue_indirect_dma source(%dma_start3A_165 : memref<10240x128xf32, #tpu.memory_space<hbm>>) target(%dma_start3A_159 : memref<64x128xf32, #tpu.memory_space<vmem>>) offsets(%dma_start3A_162 : memref<64xi32, #tpu.memory_space<vmem>>) semaphore(%arg12 : memref<!tpu.dma_semaphore, #tpu.memory_space<semaphore_mem>>)
        %scan3A_166 = arith.constant 0 : i32
        %scan3A_167 = arith.constant 0 : i32
        %scan3A_168 = arith.constant 16 : i32
        %scan3A_169 = arith.addi %scan3A_167, %scan3A_168 : i32
        %scan3A_170 = arith.constant 1 : i32
        scf.for %scan3A_172 = %scan3A_167 to %scan3A_169 step %scan3A_170  : i32 {
          %jit3A_173 = arith.constant 4 : i32
          %eq3A_174 = arith.constant 0 : i32
          %eq3A_175 = arith.cmpi eq, %jit3A_173, %eq3A_174 : i32
          %jit3A_176 = arith.constant 1 : i32
          %select_n3A_177 = arith.select %eq3A_175, %jit3A_176, %jit3A_173 : i32
          %rem3A_178 = arith.remsi %scan3A_172, %select_n3A_177 : i32
          %ne3A_179 = arith.constant 0 : i32
          %ne3A_180 = arith.cmpi ne, %rem3A_178, %ne3A_179 : i32
          %lt3A_181 = arith.constant 0 : i32
          %lt3A_182 = arith.cmpi slt, %rem3A_178, %lt3A_181 : i32
          %lt3A_183 = arith.constant 0 : i32
          %lt3A_184 = arith.cmpi slt, %select_n3A_177, %lt3A_183 : i32
          %ne3A_185 = arith.xori %lt3A_182, %lt3A_184 : i1
          %and3A_186 = arith.andi %ne3A_185, %ne3A_180 : i1
          %add3A_187 = arith.addi %rem3A_178, %select_n3A_177 : i32
          %select_n3A_188 = arith.select %and3A_186, %add3A_187, %rem3A_178 : i32
          %dma_wait3A_189 = arith.constant 0 : i32
          %dma_wait3A_190 = arith.constant 0 : i32
          %dma_wait3A_191 = tpu.memref_slice %arg10[%select_n3A_188, %dma_wait3A_189, %dma_wait3A_190] : memref<4x64x128xf32, #tpu.memory_space<vmem>> -> memref<1x64x128xf32, #tpu.memory_space<vmem>>
          %dma_wait3A_192 = tpu.memref_squeeze %dma_wait3A_191 : memref<1x64x128xf32, #tpu.memory_space<vmem>> -> memref<64x128xf32, #tpu.memory_space<vmem>>
          %dma_wait3A_193 = arith.constant 0 : i32
          %dma_wait3A_194 = arith.constant 0 : i32
          %dma_wait3A_195 = tpu.memref_slice %arg3[%dma_wait3A_193, %dma_wait3A_194] : memref<10240x128xf32, #tpu.memory_space<hbm>> -> memref<64x128xf32, #tpu.memory_space<hbm>>
          %dma_wait3A_196 = arith.constant 0 : i32
          %dma_wait3A_197 = arith.constant 0 : i32
          %dma_wait3A_198 = tpu.memref_slice %arg10[%select_n3A_188, %dma_wait3A_196, %dma_wait3A_197] : memref<4x64x128xf32, #tpu.memory_space<vmem>> -> memref<1x64x128xf32, #tpu.memory_space<vmem>>
          %dma_wait3A_199 = tpu.memref_squeeze %dma_wait3A_198 : memref<1x64x128xf32, #tpu.memory_space<vmem>> -> memref<64x128xf32, #tpu.memory_space<vmem>>
          %dma_wait3A_200 = arith.constant 0 : i32
          %dma_wait3A_201 = arith.constant 0 : i32
          %dma_wait3A_202 = tpu.memref_slice %arg3[%dma_wait3A_200, %dma_wait3A_201] : memref<10240x128xf32, #tpu.memory_space<hbm>> -> memref<64x128xf32, #tpu.memory_space<hbm>>
          tpu.wait_dma2 semaphore(%arg12 : memref<!tpu.dma_semaphore, #tpu.memory_space<semaphore_mem>>) src(%dma_wait3A_202 : memref<64x128xf32, #tpu.memory_space<hbm>>) dst(%dma_wait3A_199 : memref<64x128xf32, #tpu.memory_space<vmem>>)
          %dma_start3A_203 = arith.constant 0 : i32
          %dma_start3A_204 = arith.constant 0 : i32
          %dma_start3A_205 = tpu.memref_slice %arg10[%select_n3A_188, %dma_start3A_203, %dma_start3A_204] : memref<4x64x128xf32, #tpu.memory_space<vmem>> -> memref<1x64x128xf32, #tpu.memory_space<vmem>>
          %dma_start3A_206 = tpu.memref_squeeze %dma_start3A_205 : memref<1x64x128xf32, #tpu.memory_space<vmem>> -> memref<64x128xf32, #tpu.memory_space<vmem>>
          %dma_start3A_207 = arith.constant 0 : i32
          %dma_start3A_208 = tpu.memref_slice %arg9[%select_n3A_102, %scan3A_172, %dma_start3A_207] : memref<2x16x64xi32, #tpu.memory_space<vmem>> -> memref<1x1x64xi32, #tpu.memory_space<vmem>>
          %dma_start3A_209 = tpu.memref_squeeze %dma_start3A_208 : memref<1x1x64xi32, #tpu.memory_space<vmem>> -> memref<64xi32, #tpu.memory_space<vmem>>
          %dma_start3A_210 = arith.constant 0 : i32
          %dma_start3A_211 = arith.constant 0 : i32
          %dma_start3A_212 = tpu.memref_slice %arg11[%dma_start3A_210, %dma_start3A_211] : memref<10248x128xf32, #tpu.memory_space<vmem_shared>> -> memref<10248x128xf32, #tpu.memory_space<vmem_shared>>
          tpu.enqueue_indirect_dma source(%dma_start3A_206 : memref<64x128xf32, #tpu.memory_space<vmem>>) target(%dma_start3A_212 : memref<10248x128xf32, #tpu.memory_space<vmem_shared>>) offsets(%dma_start3A_209 : memref<64xi32, #tpu.memory_space<vmem>>) semaphore(%arg13 : memref<!tpu.dma_semaphore, #tpu.memory_space<semaphore_mem>>) {add = true}
          %add3A_213 = arith.constant 3 : i32
          %add3A_214 = arith.addi %scan3A_172, %add3A_213 : i32
          %lt3A_215 = arith.constant 16 : i32
          %lt3A_216 = arith.cmpi slt, %add3A_214, %lt3A_215 : i32
          %convert_element_type3A_217 = arith.extui %lt3A_216 : i1 to i32
          %cond3A_218 = arith.constant 0 : i32
          %cond3A_219 = arith.cmpi ne, %convert_element_type3A_217, %cond3A_218 : i32
          scf.if %cond3A_219 {
            %ge3A = arith.constant 1 : i32
            %ge3A_220 = arith.cmpi sge, %scan3A_172, %ge3A : i32
            %gt3A_221 = arith.constant 0 : i32
            %gt3A_222 = arith.cmpi sgt, %scan3A_93, %gt3A_221 : i32
            %or3A = arith.ori %ge3A_220, %gt3A_222 : i1
            %convert_element_type3A_223 = arith.extui %or3A : i1 to i32
            %cond3A_224 = arith.constant 0 : i32
            %cond3A_225 = arith.cmpi ne, %convert_element_type3A_223, %cond3A_224 : i32
            scf.if %cond3A_225 {
              %dma_wait3A_256 = arith.constant 0 : i32
              %dma_wait3A_257 = arith.constant 0 : i32
              %dma_wait3A_258 = arith.constant 0 : i32
              %dma_wait3A_259 = tpu.memref_slice %arg10[%dma_wait3A_256, %dma_wait3A_257, %dma_wait3A_258] : memref<4x64x128xf32, #tpu.memory_space<vmem>> -> memref<1x64x128xf32, #tpu.memory_space<vmem>>
              %dma_wait3A_260 = tpu.memref_squeeze %dma_wait3A_259 : memref<1x64x128xf32, #tpu.memory_space<vmem>> -> memref<64x128xf32, #tpu.memory_space<vmem>>
              %dma_wait3A_261 = arith.constant 0 : i32
              %dma_wait3A_262 = arith.constant 0 : i32
              %dma_wait3A_263 = tpu.memref_slice %arg11[%dma_wait3A_261, %dma_wait3A_262] : memref<10248x128xf32, #tpu.memory_space<vmem_shared>> -> memref<64x128xf32, #tpu.memory_space<vmem_shared>>
              %dma_wait3A_264 = arith.constant 0 : i32
              %dma_wait3A_265 = arith.constant 0 : i32
              %dma_wait3A_266 = tpu.memref_slice %arg11[%dma_wait3A_264, %dma_wait3A_265] : memref<10248x128xf32, #tpu.memory_space<vmem_shared>> -> memref<64x128xf32, #tpu.memory_space<vmem_shared>>
              %dma_wait3A_267 = arith.constant 0 : i32
              %dma_wait3A_268 = arith.constant 0 : i32
              %dma_wait3A_269 = tpu.memref_slice %arg10[%dma_wait3A_256, %dma_wait3A_267, %dma_wait3A_268] : memref<4x64x128xf32, #tpu.memory_space<vmem>> -> memref<1x64x128xf32, #tpu.memory_space<vmem>>
              %dma_wait3A_270 = tpu.memref_squeeze %dma_wait3A_269 : memref<1x64x128xf32, #tpu.memory_space<vmem>> -> memref<64x128xf32, #tpu.memory_space<vmem>>
              tpu.wait_dma2 semaphore(%arg13 : memref<!tpu.dma_semaphore, #tpu.memory_space<semaphore_mem>>) src(%dma_wait3A_270 : memref<64x128xf32, #tpu.memory_space<vmem>>) dst(%dma_wait3A_266 : memref<64x128xf32, #tpu.memory_space<vmem_shared>>)
            } else {
            }
            %add3A_226 = arith.constant 3 : i32
            %add3A_227 = arith.addi %scan3A_172, %add3A_226 : i32
            %add3A_228 = arith.constant 3 : i32
            %add3A_229 = arith.addi %scan3A_172, %add3A_228 : i32
            %jit3A_230 = arith.constant 4 : i32
            %eq3A_231 = arith.constant 0 : i32
            %eq3A_232 = arith.cmpi eq, %jit3A_230, %eq3A_231 : i32
            %jit3A_233 = arith.constant 1 : i32
            %select_n3A_234 = arith.select %eq3A_232, %jit3A_233, %jit3A_230 : i32
            %rem3A_235 = arith.remsi %add3A_229, %select_n3A_234 : i32
            %ne3A_236 = arith.constant 0 : i32
            %ne3A_237 = arith.cmpi ne, %rem3A_235, %ne3A_236 : i32
            %lt3A_238 = arith.constant 0 : i32
            %lt3A_239 = arith.cmpi slt, %rem3A_235, %lt3A_238 : i32
            %lt3A_240 = arith.constant 0 : i32
            %lt3A_241 = arith.cmpi slt, %select_n3A_234, %lt3A_240 : i32
            %ne3A_242 = arith.xori %lt3A_239, %lt3A_241 : i1
            %and3A_243 = arith.andi %ne3A_242, %ne3A_237 : i1
            %add3A_244 = arith.addi %rem3A_235, %select_n3A_234 : i32
            %select_n3A_245 = arith.select %and3A_243, %add3A_244, %rem3A_235 : i32
            %dma_start3A_246 = arith.constant 0 : i32
            %dma_start3A_247 = arith.constant 0 : i32
            %dma_start3A_248 = tpu.memref_slice %arg10[%select_n3A_245, %dma_start3A_246, %dma_start3A_247] : memref<4x64x128xf32, #tpu.memory_space<vmem>> -> memref<1x64x128xf32, #tpu.memory_space<vmem>>
            %dma_start3A_249 = tpu.memref_squeeze %dma_start3A_248 : memref<1x64x128xf32, #tpu.memory_space<vmem>> -> memref<64x128xf32, #tpu.memory_space<vmem>>
            %dma_start3A_250 = arith.constant 0 : i32
            %dma_start3A_251 = tpu.memref_slice %arg8[%select_n3A_102, %add3A_227, %dma_start3A_250] : memref<2x16x64xi32, #tpu.memory_space<vmem>> -> memref<1x1x64xi32, #tpu.memory_space<vmem>>
            %dma_start3A_252 = tpu.memref_squeeze %dma_start3A_251 : memref<1x1x64xi32, #tpu.memory_space<vmem>> -> memref<64xi32, #tpu.memory_space<vmem>>
            %dma_start3A_253 = arith.constant 0 : i32
            %dma_start3A_254 = arith.constant 0 : i32
            %dma_start3A_255 = tpu.memref_slice %arg3[%dma_start3A_253, %dma_start3A_254] : memref<10240x128xf32, #tpu.memory_space<hbm>> -> memref<10240x128xf32, #tpu.memory_space<hbm>>
            tpu.enqueue_indirect_dma source(%dma_start3A_255 : memref<10240x128xf32, #tpu.memory_space<hbm>>) target(%dma_start3A_249 : memref<64x128xf32, #tpu.memory_space<vmem>>) offsets(%dma_start3A_252 : memref<64xi32, #tpu.memory_space<vmem>>) semaphore(%arg12 : memref<!tpu.dma_semaphore, #tpu.memory_space<semaphore_mem>>)
          } else {
          }
        }
        %scan3A_171 = arith.constant 16 : i32
      }
      %scan3A_33 = arith.constant 20 : i32
      %dma_wait3A = arith.constant 0 : i32
      %dma_wait3A_34 = arith.constant 0 : i32
      %dma_wait3A_35 = arith.constant 0 : i32
      %dma_wait3A_36 = tpu.memref_slice %arg10[%dma_wait3A, %dma_wait3A_34, %dma_wait3A_35] : memref<4x64x128xf32, #tpu.memory_space<vmem>> -> memref<1x64x128xf32, #tpu.memory_space<vmem>>
      %dma_wait3A_37 = tpu.memref_squeeze %dma_wait3A_36 : memref<1x64x128xf32, #tpu.memory_space<vmem>> -> memref<64x128xf32, #tpu.memory_space<vmem>>
      %dma_wait3A_38 = arith.constant 0 : i32
      %dma_wait3A_39 = arith.constant 0 : i32
      %dma_wait3A_40 = tpu.memref_slice %arg11[%dma_wait3A_38, %dma_wait3A_39] : memref<10248x128xf32, #tpu.memory_space<vmem_shared>> -> memref<64x128xf32, #tpu.memory_space<vmem_shared>>
      %dma_wait3A_41 = arith.constant 0 : i32
      %dma_wait3A_42 = arith.constant 0 : i32
      %dma_wait3A_43 = tpu.memref_slice %arg11[%dma_wait3A_41, %dma_wait3A_42] : memref<10248x128xf32, #tpu.memory_space<vmem_shared>> -> memref<64x128xf32, #tpu.memory_space<vmem_shared>>
      %dma_wait3A_44 = arith.constant 0 : i32
      %dma_wait3A_45 = arith.constant 0 : i32
      %dma_wait3A_46 = tpu.memref_slice %arg10[%dma_wait3A, %dma_wait3A_44, %dma_wait3A_45] : memref<4x64x128xf32, #tpu.memory_space<vmem>> -> memref<1x64x128xf32, #tpu.memory_space<vmem>>
      %dma_wait3A_47 = tpu.memref_squeeze %dma_wait3A_46 : memref<1x64x128xf32, #tpu.memory_space<vmem>> -> memref<64x128xf32, #tpu.memory_space<vmem>>
      tpu.wait_dma2 semaphore(%arg13 : memref<!tpu.dma_semaphore, #tpu.memory_space<semaphore_mem>>) src(%dma_wait3A_47 : memref<64x128xf32, #tpu.memory_space<vmem>>) dst(%dma_wait3A_43 : memref<64x128xf32, #tpu.memory_space<vmem_shared>>)
      %dma_wait3A_48 = arith.constant 0 : i32
      %dma_wait3A_49 = arith.constant 0 : i32
      %dma_wait3A_50 = arith.constant 0 : i32
      %dma_wait3A_51 = tpu.memref_slice %arg10[%dma_wait3A_48, %dma_wait3A_49, %dma_wait3A_50] : memref<4x64x128xf32, #tpu.memory_space<vmem>> -> memref<1x64x128xf32, #tpu.memory_space<vmem>>
      %dma_wait3A_52 = tpu.memref_squeeze %dma_wait3A_51 : memref<1x64x128xf32, #tpu.memory_space<vmem>> -> memref<64x128xf32, #tpu.memory_space<vmem>>
      %dma_wait3A_53 = arith.constant 0 : i32
      %dma_wait3A_54 = arith.constant 0 : i32
      %dma_wait3A_55 = tpu.memref_slice %arg11[%dma_wait3A_53, %dma_wait3A_54] : memref<10248x128xf32, #tpu.memory_space<vmem_shared>> -> memref<64x128xf32, #tpu.memory_space<vmem_shared>>
      %dma_wait3A_56 = arith.constant 0 : i32
      %dma_wait3A_57 = arith.constant 0 : i32
      %dma_wait3A_58 = tpu.memref_slice %arg11[%dma_wait3A_56, %dma_wait3A_57] : memref<10248x128xf32, #tpu.memory_space<vmem_shared>> -> memref<64x128xf32, #tpu.memory_space<vmem_shared>>
      %dma_wait3A_59 = arith.constant 0 : i32
      %dma_wait3A_60 = arith.constant 0 : i32
      %dma_wait3A_61 = tpu.memref_slice %arg10[%dma_wait3A_48, %dma_wait3A_59, %dma_wait3A_60] : memref<4x64x128xf32, #tpu.memory_space<vmem>> -> memref<1x64x128xf32, #tpu.memory_space<vmem>>
      %dma_wait3A_62 = tpu.memref_squeeze %dma_wait3A_61 : memref<1x64x128xf32, #tpu.memory_space<vmem>> -> memref<64x128xf32, #tpu.memory_space<vmem>>
      tpu.wait_dma2 semaphore(%arg13 : memref<!tpu.dma_semaphore, #tpu.memory_space<semaphore_mem>>) src(%dma_wait3A_62 : memref<64x128xf32, #tpu.memory_space<vmem>>) dst(%dma_wait3A_58 : memref<64x128xf32, #tpu.memory_space<vmem_shared>>)
      %dma_wait3A_63 = arith.constant 0 : i32
      %dma_wait3A_64 = arith.constant 0 : i32
      %dma_wait3A_65 = arith.constant 0 : i32
      %dma_wait3A_66 = tpu.memref_slice %arg10[%dma_wait3A_63, %dma_wait3A_64, %dma_wait3A_65] : memref<4x64x128xf32, #tpu.memory_space<vmem>> -> memref<1x64x128xf32, #tpu.memory_space<vmem>>
      %dma_wait3A_67 = tpu.memref_squeeze %dma_wait3A_66 : memref<1x64x128xf32, #tpu.memory_space<vmem>> -> memref<64x128xf32, #tpu.memory_space<vmem>>
      %dma_wait3A_68 = arith.constant 0 : i32
      %dma_wait3A_69 = arith.constant 0 : i32
      %dma_wait3A_70 = tpu.memref_slice %arg11[%dma_wait3A_68, %dma_wait3A_69] : memref<10248x128xf32, #tpu.memory_space<vmem_shared>> -> memref<64x128xf32, #tpu.memory_space<vmem_shared>>
      %dma_wait3A_71 = arith.constant 0 : i32
      %dma_wait3A_72 = arith.constant 0 : i32
      %dma_wait3A_73 = tpu.memref_slice %arg11[%dma_wait3A_71, %dma_wait3A_72] : memref<10248x128xf32, #tpu.memory_space<vmem_shared>> -> memref<64x128xf32, #tpu.memory_space<vmem_shared>>
      %dma_wait3A_74 = arith.constant 0 : i32
      %dma_wait3A_75 = arith.constant 0 : i32
      %dma_wait3A_76 = tpu.memref_slice %arg10[%dma_wait3A_63, %dma_wait3A_74, %dma_wait3A_75] : memref<4x64x128xf32, #tpu.memory_space<vmem>> -> memref<1x64x128xf32, #tpu.memory_space<vmem>>
      %dma_wait3A_77 = tpu.memref_squeeze %dma_wait3A_76 : memref<1x64x128xf32, #tpu.memory_space<vmem>> -> memref<64x128xf32, #tpu.memory_space<vmem>>
      tpu.wait_dma2 semaphore(%arg13 : memref<!tpu.dma_semaphore, #tpu.memory_space<semaphore_mem>>) src(%dma_wait3A_77 : memref<64x128xf32, #tpu.memory_space<vmem>>) dst(%dma_wait3A_73 : memref<64x128xf32, #tpu.memory_space<vmem_shared>>)
      %dma_wait3A_78 = arith.constant 0 : i32
      %dma_wait3A_79 = arith.constant 0 : i32
      %dma_wait3A_80 = arith.constant 0 : i32
      %dma_wait3A_81 = tpu.memref_slice %arg10[%dma_wait3A_78, %dma_wait3A_79, %dma_wait3A_80] : memref<4x64x128xf32, #tpu.memory_space<vmem>> -> memref<1x64x128xf32, #tpu.memory_space<vmem>>
      %dma_wait3A_82 = tpu.memref_squeeze %dma_wait3A_81 : memref<1x64x128xf32, #tpu.memory_space<vmem>> -> memref<64x128xf32, #tpu.memory_space<vmem>>
      %dma_wait3A_83 = arith.constant 0 : i32
      %dma_wait3A_84 = arith.constant 0 : i32
      %dma_wait3A_85 = tpu.memref_slice %arg11[%dma_wait3A_83, %dma_wait3A_84] : memref<10248x128xf32, #tpu.memory_space<vmem_shared>> -> memref<64x128xf32, #tpu.memory_space<vmem_shared>>
      %dma_wait3A_86 = arith.constant 0 : i32
      %dma_wait3A_87 = arith.constant 0 : i32
      %dma_wait3A_88 = tpu.memref_slice %arg11[%dma_wait3A_86, %dma_wait3A_87] : memref<10248x128xf32, #tpu.memory_space<vmem_shared>> -> memref<64x128xf32, #tpu.memory_space<vmem_shared>>
      %dma_wait3A_89 = arith.constant 0 : i32
      %dma_wait3A_90 = arith.constant 0 : i32
      %dma_wait3A_91 = tpu.memref_slice %arg10[%dma_wait3A_78, %dma_wait3A_89, %dma_wait3A_90] : memref<4x64x128xf32, #tpu.memory_space<vmem>> -> memref<1x64x128xf32, #tpu.memory_space<vmem>>
      %dma_wait3A_92 = tpu.memref_squeeze %dma_wait3A_91 : memref<1x64x128xf32, #tpu.memory_space<vmem>> -> memref<64x128xf32, #tpu.memory_space<vmem>>
      tpu.wait_dma2 semaphore(%arg13 : memref<!tpu.dma_semaphore, #tpu.memory_space<semaphore_mem>>) src(%dma_wait3A_92 : memref<64x128xf32, #tpu.memory_space<vmem>>) dst(%dma_wait3A_88 : memref<64x128xf32, #tpu.memory_space<vmem_shared>>)
    } else {
    }
    %barrier3A_18 = arith.constant 0 : index
    tpu.barrier barrier_id(%barrier3A_18)
    %eq3A_19 = arith.constant 0 : i32
    %eq3A_20 = arith.cmpi eq, %arg0, %eq3A_19 : i32
    %convert_element_type3A_21 = arith.extui %eq3A_20 : i1 to i32
    %cond3A_22 = arith.constant 0 : i32
    %cond3A_23 = arith.cmpi ne, %convert_element_type3A_21, %cond3A_22 : i32
    scf.if %cond3A_23 {
      "tpu.region"() ({
        %run_scoped3A = tpu.sem_alloc : memref<!tpu.dma_semaphore, #tpu.memory_space<semaphore_mem>>
        %dma_start3A = arith.constant 0 : i32
        %dma_start3A_29 = tpu.memref_slice %arg6[%mul3A_0, %dma_start3A] : memref<10240x128xf32, #tpu.memory_space<hbm>> -> memref<640x128xf32, #tpu.memory_space<hbm>>
        %dma_start3A_30 = arith.constant 0 : i32
        %dma_start3A_31 = tpu.memref_slice %arg11[%mul3A_0, %dma_start3A_30] : memref<10248x128xf32, #tpu.memory_space<vmem_shared>> -> memref<640x128xf32, #tpu.memory_space<vmem_shared>>
        tpu.enqueue_dma source(%dma_start3A_31 : memref<640x128xf32, #tpu.memory_space<vmem_shared>>) target(%dma_start3A_29 : memref<640x128xf32, #tpu.memory_space<hbm>>) target_semaphore(%run_scoped3A : memref<!tpu.dma_semaphore, #tpu.memory_space<semaphore_mem>>)
        %dma_wait3A = arith.constant 0 : i32
        %dma_wait3A_32 = tpu.memref_slice %arg6[%mul3A_0, %dma_wait3A] : memref<10240x128xf32, #tpu.memory_space<hbm>> -> memref<640x128xf32, #tpu.memory_space<hbm>>
        %dma_wait3A_33 = arith.constant 0 : i32
        %dma_wait3A_34 = tpu.memref_slice %arg11[%mul3A_0, %dma_wait3A_33] : memref<10248x128xf32, #tpu.memory_space<vmem_shared>> -> memref<640x128xf32, #tpu.memory_space<vmem_shared>>
        tpu.wait_dma2 semaphore(%run_scoped3A : memref<!tpu.dma_semaphore, #tpu.memory_space<semaphore_mem>>) src(%dma_wait3A_34 : memref<640x128xf32, #tpu.memory_space<vmem_shared>>) dst(%dma_wait3A_32 : memref<640x128xf32, #tpu.memory_space<hbm>>)
        tpu.yield
      }) : () -> ()
    } else {
    }
    %eq3A_24 = arith.constant 1 : i32
    %eq3A_25 = arith.cmpi eq, %arg0, %eq3A_24 : i32
    %convert_element_type3A_26 = arith.extui %eq3A_25 : i1 to i32
    %cond3A_27 = arith.constant 0 : i32
    %cond3A_28 = arith.cmpi ne, %convert_element_type3A_26, %cond3A_27 : i32
    scf.if %cond3A_28 {
      "tpu.region"() ({
        %run_scoped3A = tpu.sem_alloc : memref<!tpu.dma_semaphore, #tpu.memory_space<semaphore_mem>>
        %dma_start3A = arith.constant 0 : i32
        %dma_start3A_29 = tpu.memref_slice %arg7[%mul3A_0, %dma_start3A] : memref<10240x128xf32, #tpu.memory_space<hbm>> -> memref<640x128xf32, #tpu.memory_space<hbm>>
        %dma_start3A_30 = arith.constant 0 : i32
        %dma_start3A_31 = tpu.memref_slice %arg11[%mul3A_0, %dma_start3A_30] : memref<10248x128xf32, #tpu.memory_space<vmem_shared>> -> memref<640x128xf32, #tpu.memory_space<vmem_shared>>
        tpu.enqueue_dma source(%dma_start3A_31 : memref<640x128xf32, #tpu.memory_space<vmem_shared>>) target(%dma_start3A_29 : memref<640x128xf32, #tpu.memory_space<hbm>>) target_semaphore(%run_scoped3A : memref<!tpu.dma_semaphore, #tpu.memory_space<semaphore_mem>>)
        %dma_wait3A = arith.constant 0 : i32
        %dma_wait3A_32 = tpu.memref_slice %arg7[%mul3A_0, %dma_wait3A] : memref<10240x128xf32, #tpu.memory_space<hbm>> -> memref<640x128xf32, #tpu.memory_space<hbm>>
        %dma_wait3A_33 = arith.constant 0 : i32
        %dma_wait3A_34 = tpu.memref_slice %arg11[%mul3A_0, %dma_wait3A_33] : memref<10248x128xf32, #tpu.memory_space<vmem_shared>> -> memref<640x128xf32, #tpu.memory_space<vmem_shared>>
        tpu.wait_dma2 semaphore(%run_scoped3A : memref<!tpu.dma_semaphore, #tpu.memory_space<semaphore_mem>>) src(%dma_wait3A_34 : memref<640x128xf32, #tpu.memory_space<vmem_shared>>) dst(%dma_wait3A_32 : memref<640x128xf32, #tpu.memory_space<hbm>>)
        tpu.yield
      }) : () -> ()
    } else {
    }
    return
  }
}

#map = affine_map<(d0, d1) -> (0, 0, 0)>
#map1 = affine_map<(d0, d1) -> (0)>
module attributes {stable_mosaic.version = 14 : i64} {
  func.func @deg_kernel(%arg0: i32, %arg1: i32, %arg2: memref<16x320x64xi32, #tpu.memory_space<hbm>>, %arg3: memref<10240xf32, #tpu.memory_space<hbm>>, %arg4: memref<320x64xi32, #tpu.memory_space<vmem>>, %arg5: memref<640xf32, #tpu.memory_space<vmem>>, %arg6: memref<64xf32, #tpu.memory_space<vmem>>, %arg7: memref<10256xf32, #tpu.memory_space<vmem_shared>>) attributes {dimension_semantics = [#tpu.dimension_semantics<core_parallel>, #tpu.dimension_semantics<subcore_parallel>], iteration_bounds = array<i64: 2, 16>, scalar_prefetch = 0 : i64, scratch_operands = 4 : i64, tpu.core_type = #tpu.core_type<sc_vector_subcore>, window_params = [{transform_indices = #map}, {transform_indices = #map1}]} {
    %mul3A = arith.constant 640 : i32
    %mul3A_0 = arith.muli %arg1, %mul3A : i32
    %eq3A = arith.constant 0 : i32
    %eq3A_1 = arith.cmpi eq, %arg0, %eq3A : i32
    %convert_element_type3A = arith.extui %eq3A_1 : i1 to i32
    %cond3A = arith.constant 0 : i32
    %cond3A_2 = arith.cmpi ne, %convert_element_type3A, %cond3A : i32
    scf.if %cond3A_2 {
      "tpu.region"() ({
        %run_scoped3A = tpu.sem_alloc : memref<!tpu.dma_semaphore, #tpu.memory_space<semaphore_mem>>
        %dma_start3A = arith.constant 0 : i32
        %dma_start3A_25 = arith.constant 0 : i32
        %dma_start3A_26 = tpu.memref_slice %arg2[%arg1, %dma_start3A, %dma_start3A_25] : memref<16x320x64xi32, #tpu.memory_space<hbm>> -> memref<1x320x64xi32, #tpu.memory_space<hbm>>
        %dma_start3A_27 = tpu.memref_squeeze %dma_start3A_26 : memref<1x320x64xi32, #tpu.memory_space<hbm>> -> memref<320x64xi32, #tpu.memory_space<hbm>>
        %dma_start3A_28 = arith.constant 0 : i32
        %dma_start3A_29 = arith.constant 0 : i32
        %dma_start3A_30 = tpu.memref_slice %arg2[%arg1, %dma_start3A_28, %dma_start3A_29] : memref<16x320x64xi32, #tpu.memory_space<hbm>> -> memref<1x320x64xi32, #tpu.memory_space<hbm>>
        %dma_start3A_31 = tpu.memref_squeeze %dma_start3A_30 : memref<1x320x64xi32, #tpu.memory_space<hbm>> -> memref<320x64xi32, #tpu.memory_space<hbm>>
        tpu.enqueue_dma source(%dma_start3A_31 : memref<320x64xi32, #tpu.memory_space<hbm>>) target(%arg4 : memref<320x64xi32, #tpu.memory_space<vmem>>) target_semaphore(%run_scoped3A : memref<!tpu.dma_semaphore, #tpu.memory_space<semaphore_mem>>)
        %dma_wait3A = arith.constant 0 : i32
        %dma_wait3A_32 = arith.constant 0 : i32
        %dma_wait3A_33 = tpu.memref_slice %arg2[%arg1, %dma_wait3A, %dma_wait3A_32] : memref<16x320x64xi32, #tpu.memory_space<hbm>> -> memref<1x320x64xi32, #tpu.memory_space<hbm>>
        %dma_wait3A_34 = tpu.memref_squeeze %dma_wait3A_33 : memref<1x320x64xi32, #tpu.memory_space<hbm>> -> memref<320x64xi32, #tpu.memory_space<hbm>>
        %dma_wait3A_35 = arith.constant 0 : i32
        %dma_wait3A_36 = arith.constant 0 : i32
        %dma_wait3A_37 = tpu.memref_slice %arg2[%arg1, %dma_wait3A_35, %dma_wait3A_36] : memref<16x320x64xi32, #tpu.memory_space<hbm>> -> memref<1x320x64xi32, #tpu.memory_space<hbm>>
        %dma_wait3A_38 = tpu.memref_squeeze %dma_wait3A_37 : memref<1x320x64xi32, #tpu.memory_space<hbm>> -> memref<320x64xi32, #tpu.memory_space<hbm>>
        tpu.wait_dma2 semaphore(%run_scoped3A : memref<!tpu.dma_semaphore, #tpu.memory_space<semaphore_mem>>) src(%dma_wait3A_38 : memref<320x64xi32, #tpu.memory_space<hbm>>) dst(%arg4 : memref<320x64xi32, #tpu.memory_space<vmem>>)
        tpu.yield
      }) : () -> ()
      %scan3A = arith.constant 0 : i32
      %scan3A_14 = arith.constant 0 : i32
      %scan3A_15 = arith.constant 40 : i32
      %scan3A_16 = arith.addi %scan3A_14, %scan3A_15 : i32
      %scan3A_17 = arith.constant 1 : i32
      scf.for %scan3A_25 = %scan3A_14 to %scan3A_16 step %scan3A_17  : i32 {
        %broadcast_in_dim3A = arith.constant 0.000000e+00 : f32
        %broadcast_in_dim3A_26 = vector.broadcast %broadcast_in_dim3A : f32 to vector<16xf32>
        %mul3A_27 = arith.constant 16 : i32
        %mul3A_28 = arith.muli %scan3A_25, %mul3A_27 : i32
        %swap3A = arith.index_cast %mul3A_28 : i32 to index
        %swap3A_29 = tpu.vector_load %arg5[%swap3A] {strides = array<i32>} : memref<640xf32, #tpu.memory_space<vmem>>, vector<16xf32>,
        %swap3A_30 = vector.shape_cast %swap3A_29 : vector<16xf32> to vector<16xf32>
        %swap3A_31 = vector.shape_cast %broadcast_in_dim3A_26 : vector<16xf32> to vector<16xf32>
        tpu.vector_store %arg5[%swap3A], %swap3A_31 {strides = array<i32>} : memref<640xf32, #tpu.memory_space<vmem>>, vector<16xf32>,
      }
      %scan3A_18 = arith.constant 40 : i32
      %scan3A_19 = arith.constant 0 : i32
      %scan3A_20 = arith.constant 0 : i32
      %scan3A_21 = arith.constant 4 : i32
      %scan3A_22 = arith.addi %scan3A_20, %scan3A_21 : i32
      %scan3A_23 = arith.constant 1 : i32
      scf.for %scan3A_25 = %scan3A_20 to %scan3A_22 step %scan3A_23  : i32 {
        %broadcast_in_dim3A = arith.constant 1.000000e+00 : f32
        %broadcast_in_dim3A_26 = vector.broadcast %broadcast_in_dim3A : f32 to vector<16xf32>
        %mul3A_27 = arith.constant 16 : i32
        %mul3A_28 = arith.muli %scan3A_25, %mul3A_27 : i32
        %swap3A = arith.index_cast %mul3A_28 : i32 to index
        %swap3A_29 = tpu.vector_load %arg6[%swap3A] {strides = array<i32>} : memref<64xf32, #tpu.memory_space<vmem>>, vector<16xf32>,
        %swap3A_30 = vector.shape_cast %swap3A_29 : vector<16xf32> to vector<16xf32>
        %swap3A_31 = vector.shape_cast %broadcast_in_dim3A_26 : vector<16xf32> to vector<16xf32>
        tpu.vector_store %arg6[%swap3A], %swap3A_31 {strides = array<i32>} : memref<64xf32, #tpu.memory_space<vmem>>, vector<16xf32>,
      }
      %scan3A_24 = arith.constant 4 : i32
      "tpu.region"() ({
        %run_scoped3A = tpu.sem_alloc : memref<!tpu.dma_semaphore, #tpu.memory_space<semaphore_mem>>
        %dma_start3A = tpu.memref_slice %arg7[%mul3A_0] : memref<10256xf32, #tpu.memory_space<vmem_shared>> -> memref<640xf32, #tpu.memory_space<vmem_shared>>
        %dma_start3A_25 = tpu.memref_slice %arg7[%mul3A_0] : memref<10256xf32, #tpu.memory_space<vmem_shared>> -> memref<640xf32, #tpu.memory_space<vmem_shared>>
        tpu.enqueue_dma source(%arg5 : memref<640xf32, #tpu.memory_space<vmem>>) target(%dma_start3A_25 : memref<640xf32, #tpu.memory_space<vmem_shared>>) target_semaphore(%run_scoped3A : memref<!tpu.dma_semaphore, #tpu.memory_space<semaphore_mem>>)
        %dma_wait3A = tpu.memref_slice %arg7[%mul3A_0] : memref<10256xf32, #tpu.memory_space<vmem_shared>> -> memref<640xf32, #tpu.memory_space<vmem_shared>>
        %dma_wait3A_26 = tpu.memref_slice %arg7[%mul3A_0] : memref<10256xf32, #tpu.memory_space<vmem_shared>> -> memref<640xf32, #tpu.memory_space<vmem_shared>>
        tpu.wait_dma2 semaphore(%run_scoped3A : memref<!tpu.dma_semaphore, #tpu.memory_space<semaphore_mem>>) src(%arg5 : memref<640xf32, #tpu.memory_space<vmem>>) dst(%dma_wait3A_26 : memref<640xf32, #tpu.memory_space<vmem_shared>>)
        tpu.yield
      }) : () -> ()
    } else {
    }
    %barrier3A = arith.constant 0 : index
    tpu.barrier barrier_id(%barrier3A)
    %eq3A_3 = arith.constant 0 : i32
    %eq3A_4 = arith.cmpi eq, %arg0, %eq3A_3 : i32
    %convert_element_type3A_5 = arith.extui %eq3A_4 : i1 to i32
    %cond3A_6 = arith.constant 0 : i32
    %cond3A_7 = arith.cmpi ne, %convert_element_type3A_5, %cond3A_6 : i32
    scf.if %cond3A_7 {
      %scan3A = arith.constant 0 : i32
      %scan3A_14 = arith.constant 0 : i32
      %scan3A_15 = arith.constant 320 : i32
      %scan3A_16 = arith.addi %scan3A_14, %scan3A_15 : i32
      %scan3A_17 = arith.constant 1 : i32
      scf.for %scan3A_19 = %scan3A_14 to %scan3A_16 step %scan3A_17  : i32 {
        "tpu.region"() ({
          %run_scoped3A = tpu.sem_alloc : memref<!tpu.dma_semaphore, #tpu.memory_space<semaphore_mem>>
          %dma_start3A = arith.constant 0 : i32
          %dma_start3A_20 = tpu.memref_slice %arg4[%scan3A_19, %dma_start3A] : memref<320x64xi32, #tpu.memory_space<vmem>> -> memref<1x64xi32, #tpu.memory_space<vmem>>
          %dma_start3A_21 = tpu.memref_squeeze %dma_start3A_20 : memref<1x64xi32, #tpu.memory_space<vmem>> -> memref<64xi32, #tpu.memory_space<vmem>>
          %dma_start3A_22 = arith.constant 0 : i32
          %dma_start3A_23 = tpu.memref_slice %arg7[%dma_start3A_22] : memref<10256xf32, #tpu.memory_space<vmem_shared>> -> memref<10256xf32, #tpu.memory_space<vmem_shared>>
          tpu.enqueue_indirect_dma source(%arg6 : memref<64xf32, #tpu.memory_space<vmem>>) target(%dma_start3A_23 : memref<10256xf32, #tpu.memory_space<vmem_shared>>) offsets(%dma_start3A_21 : memref<64xi32, #tpu.memory_space<vmem>>) semaphore(%run_scoped3A : memref<!tpu.dma_semaphore, #tpu.memory_space<semaphore_mem>>) {add = true}
          %dma_wait3A = arith.constant 0 : i32
          %dma_wait3A_24 = tpu.memref_slice %arg4[%scan3A_19, %dma_wait3A] : memref<320x64xi32, #tpu.memory_space<vmem>> -> memref<1x64xi32, #tpu.memory_space<vmem>>
          %dma_wait3A_25 = tpu.memref_squeeze %dma_wait3A_24 : memref<1x64xi32, #tpu.memory_space<vmem>> -> memref<64xi32, #tpu.memory_space<vmem>>
          %dma_wait3A_26 = arith.constant 0 : i32
          %dma_wait3A_27 = tpu.memref_slice %arg7[%dma_wait3A_26] : memref<10256xf32, #tpu.memory_space<vmem_shared>> -> memref<10256xf32, #tpu.memory_space<vmem_shared>>
          tpu.wait_indirect_dma semaphore(%run_scoped3A : memref<!tpu.dma_semaphore, #tpu.memory_space<semaphore_mem>>) src(%arg6 : memref<64xf32, #tpu.memory_space<vmem>>) dst(%dma_wait3A_27 : memref<10256xf32, #tpu.memory_space<vmem_shared>>)
          tpu.yield
        }) : () -> ()
      }
      %scan3A_18 = arith.constant 320 : i32
    } else {
    }
    %barrier3A_8 = arith.constant 0 : index
    tpu.barrier barrier_id(%barrier3A_8)
    %eq3A_9 = arith.constant 0 : i32
    %eq3A_10 = arith.cmpi eq, %arg0, %eq3A_9 : i32
    %convert_element_type3A_11 = arith.extui %eq3A_10 : i1 to i32
    %cond3A_12 = arith.constant 0 : i32
    %cond3A_13 = arith.cmpi ne, %convert_element_type3A_11, %cond3A_12 : i32
    scf.if %cond3A_13 {
      "tpu.region"() ({
        %run_scoped3A = tpu.sem_alloc : memref<!tpu.dma_semaphore, #tpu.memory_space<semaphore_mem>>
        %dma_start3A = tpu.memref_slice %arg3[%mul3A_0] : memref<10240xf32, #tpu.memory_space<hbm>> -> memref<640xf32, #tpu.memory_space<hbm>>
        %dma_start3A_14 = tpu.memref_slice %arg7[%mul3A_0] : memref<10256xf32, #tpu.memory_space<vmem_shared>> -> memref<640xf32, #tpu.memory_space<vmem_shared>>
        tpu.enqueue_dma source(%dma_start3A_14 : memref<640xf32, #tpu.memory_space<vmem_shared>>) target(%dma_start3A : memref<640xf32, #tpu.memory_space<hbm>>) target_semaphore(%run_scoped3A : memref<!tpu.dma_semaphore, #tpu.memory_space<semaphore_mem>>)
        %dma_wait3A = tpu.memref_slice %arg3[%mul3A_0] : memref<10240xf32, #tpu.memory_space<hbm>> -> memref<640xf32, #tpu.memory_space<hbm>>
        %dma_wait3A_15 = tpu.memref_slice %arg7[%mul3A_0] : memref<10256xf32, #tpu.memory_space<vmem_shared>> -> memref<640xf32, #tpu.memory_space<vmem_shared>>
        tpu.wait_dma2 semaphore(%run_scoped3A : memref<!tpu.dma_semaphore, #tpu.memory_space<semaphore_mem>>) src(%dma_wait3A_15 : memref<640xf32, #tpu.memory_space<vmem_shared>>) dst(%dma_wait3A : memref<640xf32, #tpu.memory_space<hbm>>)
        tpu.yield
      }) : () -> ()
    } else {
    }
    return
  }
}

#map = affine_map<(d0, d1) -> (0, 0)>
#map1 = affine_map<(d0, d1) -> (0, 0, 0)>
module attributes {stable_mosaic.version = 14 : i64} {
  func.func @agg_kernel(%arg0: i32, %arg1: i32, %arg2: memref<10240x128xf32, #tpu.memory_space<hbm>>, %arg3: memref<10240x128xf32, #tpu.memory_space<hbm>>, %arg4: memref<16x320x64xi32, #tpu.memory_space<hbm>>, %arg5: memref<16x320x64xi32, #tpu.memory_space<hbm>>, %arg6: memref<10240x128xf32, #tpu.memory_space<hbm>>, %arg7: memref<10240x128xf32, #tpu.memory_space<hbm>>, %arg8: memref<2x16x64xi32, #tpu.memory_space<vmem>>, %arg9: memref<2x16x64xi32, #tpu.memory_space<vmem>>, %arg10: memref<4x64x128xf32, #tpu.memory_space<vmem>>, %arg11: memref<10248x128xf32, #tpu.memory_space<vmem_shared>>, %arg12: memref<!tpu.dma_semaphore, #tpu.memory_space<semaphore_mem>>, %arg13: memref<!tpu.dma_semaphore, #tpu.memory_space<semaphore_mem>>) attributes {dimension_semantics = [#tpu.dimension_semantics<core_parallel>, #tpu.dimension_semantics<subcore_parallel>], iteration_bounds = array<i64: 2, 16>, scalar_prefetch = 0 : i64, scratch_operands = 6 : i64, tpu.core_type = #tpu.core_type<sc_vector_subcore>, window_params = [{transform_indices = #map}, {transform_indices = #map}, {transform_indices = #map1}, {transform_indices = #map1}, {transform_indices = #map}, {transform_indices = #map}]} {
    %mul3A = arith.constant 640 : i32
    %mul3A_0 = arith.muli %arg1, %mul3A : i32
    %eq3A = arith.constant 0 : i32
    %eq3A_1 = arith.cmpi eq, %arg0, %eq3A : i32
    %convert_element_type3A = arith.extui %eq3A_1 : i1 to i32
    %cond3A = arith.constant 0 : i32
    %cond3A_2 = arith.cmpi ne, %convert_element_type3A, %cond3A : i32
    scf.if %cond3A_2 {
      "tpu.region"() ({
        %run_scoped3A = tpu.sem_alloc : memref<!tpu.dma_semaphore, #tpu.memory_space<semaphore_mem>>
        %dma_start3A = arith.constant 0 : i32
        %dma_start3A_29 = tpu.memref_slice %arg11[%mul3A_0, %dma_start3A] : memref<10248x128xf32, #tpu.memory_space<vmem_shared>> -> memref<640x128xf32, #tpu.memory_space<vmem_shared>>
        %dma_start3A_30 = arith.constant 0 : i32
        %dma_start3A_31 = tpu.memref_slice %arg2[%mul3A_0, %dma_start3A_30] : memref<10240x128xf32, #tpu.memory_space<hbm>> -> memref<640x128xf32, #tpu.memory_space<hbm>>
        tpu.enqueue_dma source(%dma_start3A_31 : memref<640x128xf32, #tpu.memory_space<hbm>>) target(%dma_start3A_29 : memref<640x128xf32, #tpu.memory_space<vmem_shared>>) target_semaphore(%run_scoped3A : memref<!tpu.dma_semaphore, #tpu.memory_space<semaphore_mem>>)
        %dma_wait3A = arith.constant 0 : i32
        %dma_wait3A_32 = tpu.memref_slice %arg11[%mul3A_0, %dma_wait3A] : memref<10248x128xf32, #tpu.memory_space<vmem_shared>> -> memref<640x128xf32, #tpu.memory_space<vmem_shared>>
        %dma_wait3A_33 = arith.constant 0 : i32
        %dma_wait3A_34 = tpu.memref_slice %arg2[%mul3A_0, %dma_wait3A_33] : memref<10240x128xf32, #tpu.memory_space<hbm>> -> memref<640x128xf32, #tpu.memory_space<hbm>>
        tpu.wait_dma2 semaphore(%run_scoped3A : memref<!tpu.dma_semaphore, #tpu.memory_space<semaphore_mem>>) src(%dma_wait3A_34 : memref<640x128xf32, #tpu.memory_space<hbm>>) dst(%dma_wait3A_32 : memref<640x128xf32, #tpu.memory_space<vmem_shared>>)
        tpu.yield
      }) : () -> ()
    } else {
    }
    %eq3A_3 = arith.constant 1 : i32
    %eq3A_4 = arith.cmpi eq, %arg0, %eq3A_3 : i32
    %convert_element_type3A_5 = arith.extui %eq3A_4 : i1 to i32
    %cond3A_6 = arith.constant 0 : i32
    %cond3A_7 = arith.cmpi ne, %convert_element_type3A_5, %cond3A_6 : i32
    scf.if %cond3A_7 {
      "tpu.region"() ({
        %run_scoped3A = tpu.sem_alloc : memref<!tpu.dma_semaphore, #tpu.memory_space<semaphore_mem>>
        %dma_start3A = arith.constant 0 : i32
        %dma_start3A_29 = tpu.memref_slice %arg11[%mul3A_0, %dma_start3A] : memref<10248x128xf32, #tpu.memory_space<vmem_shared>> -> memref<640x128xf32, #tpu.memory_space<vmem_shared>>
        %dma_start3A_30 = arith.constant 0 : i32
        %dma_start3A_31 = tpu.memref_slice %arg3[%mul3A_0, %dma_start3A_30] : memref<10240x128xf32, #tpu.memory_space<hbm>> -> memref<640x128xf32, #tpu.memory_space<hbm>>
        tpu.enqueue_dma source(%dma_start3A_31 : memref<640x128xf32, #tpu.memory_space<hbm>>) target(%dma_start3A_29 : memref<640x128xf32, #tpu.memory_space<vmem_shared>>) target_semaphore(%run_scoped3A : memref<!tpu.dma_semaphore, #tpu.memory_space<semaphore_mem>>)
        %dma_wait3A = arith.constant 0 : i32
        %dma_wait3A_32 = tpu.memref_slice %arg11[%mul3A_0, %dma_wait3A] : memref<10248x128xf32, #tpu.memory_space<vmem_shared>> -> memref<640x128xf32, #tpu.memory_space<vmem_shared>>
        %dma_wait3A_33 = arith.constant 0 : i32
        %dma_wait3A_34 = tpu.memref_slice %arg3[%mul3A_0, %dma_wait3A_33] : memref<10240x128xf32, #tpu.memory_space<hbm>> -> memref<640x128xf32, #tpu.memory_space<hbm>>
        tpu.wait_dma2 semaphore(%run_scoped3A : memref<!tpu.dma_semaphore, #tpu.memory_space<semaphore_mem>>) src(%dma_wait3A_34 : memref<640x128xf32, #tpu.memory_space<hbm>>) dst(%dma_wait3A_32 : memref<640x128xf32, #tpu.memory_space<vmem_shared>>)
        tpu.yield
      }) : () -> ()
    } else {
    }
    %barrier3A = arith.constant 0 : index
    tpu.barrier barrier_id(%barrier3A)
    %eq3A_8 = arith.constant 0 : i32
    %eq3A_9 = arith.cmpi eq, %arg0, %eq3A_8 : i32
    %convert_element_type3A_10 = arith.extui %eq3A_9 : i1 to i32
    %cond3A_11 = arith.constant 0 : i32
    %cond3A_12 = arith.cmpi ne, %convert_element_type3A_10, %cond3A_11 : i32
    scf.if %cond3A_12 {
      %scan3A = arith.constant 0 : i32
      %scan3A_29 = arith.constant 0 : i32
      %scan3A_30 = arith.constant 20 : i32
      %scan3A_31 = arith.addi %scan3A_29, %scan3A_30 : i32
      %scan3A_32 = arith.constant 1 : i32
      scf.for %scan3A_93 = %scan3A_29 to %scan3A_31 step %scan3A_32  : i32 {
        %jit3A = arith.constant 2 : i32
        %eq3A_94 = arith.constant 0 : i32
        %eq3A_95 = arith.cmpi eq, %jit3A, %eq3A_94 : i32
        %jit3A_96 = arith.constant 1 : i32
        %select_n3A = arith.select %eq3A_95, %jit3A_96, %jit3A : i32
        %rem3A = arith.remsi %scan3A_93, %select_n3A : i32
        %ne3A = arith.constant 0 : i32
        %ne3A_97 = arith.cmpi ne, %rem3A, %ne3A : i32
        %lt3A = arith.constant 0 : i32
        %lt3A_98 = arith.cmpi slt, %rem3A, %lt3A : i32
        %lt3A_99 = arith.constant 0 : i32
        %lt3A_100 = arith.cmpi slt, %select_n3A, %lt3A_99 : i32
        %ne3A_101 = arith.xori %lt3A_98, %lt3A_100 : i1
        %and3A = arith.andi %ne3A_101, %ne3A_97 : i1
        %add3A = arith.addi %rem3A, %select_n3A : i32
        %select_n3A_102 = arith.select %and3A, %add3A, %rem3A : i32
        %jit3A_103 = arith.constant 2 : i32
        %eq3A_104 = arith.constant 0 : i32
        %eq3A_105 = arith.cmpi eq, %jit3A_103, %eq3A_104 : i32
        %jit3A_106 = arith.constant 1 : i32
        %select_n3A_107 = arith.select %eq3A_105, %jit3A_106, %jit3A_103 : i32
        %rem3A_108 = arith.remsi %scan3A_93, %select_n3A_107 : i32
        %ne3A_109 = arith.constant 0 : i32
        %ne3A_110 = arith.cmpi ne, %rem3A_108, %ne3A_109 : i32
        %lt3A_111 = arith.constant 0 : i32
        %lt3A_112 = arith.cmpi slt, %rem3A_108, %lt3A_111 : i32
        %lt3A_113 = arith.constant 0 : i32
        %lt3A_114 = arith.cmpi slt, %select_n3A_107, %lt3A_113 : i32
        %ne3A_115 = arith.xori %lt3A_112, %lt3A_114 : i1
        %and3A_116 = arith.andi %ne3A_115, %ne3A_110 : i1
        %add3A_117 = arith.addi %rem3A_108, %select_n3A_107 : i32
        %select_n3A_118 = arith.select %and3A_116, %add3A_117, %rem3A_108 : i32
        %mul3A_119 = arith.constant 16 : i32
        %mul3A_120 = arith.muli %scan3A_93, %mul3A_119 : i32
        %add3A_121 = arith.constant 0 : i32
        %add3A_122 = arith.addi %add3A_121, %mul3A_120 : i32
        "tpu.region"() ({
          %run_scoped3A = tpu.sem_alloc : memref<!tpu.dma_semaphore, #tpu.memory_space<semaphore_mem>>
          %dma_start3A_172 = arith.constant 0 : i32
          %dma_start3A_173 = arith.constant 0 : i32
          %dma_start3A_174 = tpu.memref_slice %arg8[%select_n3A_118, %dma_start3A_172, %dma_start3A_173] : memref<2x16x64xi32, #tpu.memory_space<vmem>> -> memref<1x16x64xi32, #tpu.memory_space<vmem>>
          %dma_start3A_175 = tpu.memref_squeeze %dma_start3A_174 : memref<1x16x64xi32, #tpu.memory_space<vmem>> -> memref<16x64xi32, #tpu.memory_space<vmem>>
          %dma_start3A_176 = arith.constant 0 : i32
          %dma_start3A_177 = tpu.memref_slice %arg4[%arg1, %add3A_122, %dma_start3A_176] : memref<16x320x64xi32, #tpu.memory_space<hbm>> -> memref<1x16x64xi32, #tpu.memory_space<hbm>>
          %dma_start3A_178 = tpu.memref_squeeze %dma_start3A_177 : memref<1x16x64xi32, #tpu.memory_space<hbm>> -> memref<16x64xi32, #tpu.memory_space<hbm>>
          %dma_start3A_179 = arith.constant 0 : i32
          %dma_start3A_180 = arith.constant 0 : i32
          %dma_start3A_181 = tpu.memref_slice %arg8[%select_n3A_118, %dma_start3A_179, %dma_start3A_180] : memref<2x16x64xi32, #tpu.memory_space<vmem>> -> memref<1x16x64xi32, #tpu.memory_space<vmem>>
          %dma_start3A_182 = tpu.memref_squeeze %dma_start3A_181 : memref<1x16x64xi32, #tpu.memory_space<vmem>> -> memref<16x64xi32, #tpu.memory_space<vmem>>
          %dma_start3A_183 = arith.constant 0 : i32
          %dma_start3A_184 = tpu.memref_slice %arg4[%arg1, %add3A_122, %dma_start3A_183] : memref<16x320x64xi32, #tpu.memory_space<hbm>> -> memref<1x16x64xi32, #tpu.memory_space<hbm>>
          %dma_start3A_185 = tpu.memref_squeeze %dma_start3A_184 : memref<1x16x64xi32, #tpu.memory_space<hbm>> -> memref<16x64xi32, #tpu.memory_space<hbm>>
          tpu.enqueue_dma source(%dma_start3A_185 : memref<16x64xi32, #tpu.memory_space<hbm>>) target(%dma_start3A_182 : memref<16x64xi32, #tpu.memory_space<vmem>>) target_semaphore(%run_scoped3A : memref<!tpu.dma_semaphore, #tpu.memory_space<semaphore_mem>>)
          %dma_wait3A_186 = arith.constant 0 : i32
          %dma_wait3A_187 = arith.constant 0 : i32
          %dma_wait3A_188 = tpu.memref_slice %arg8[%select_n3A_118, %dma_wait3A_186, %dma_wait3A_187] : memref<2x16x64xi32, #tpu.memory_space<vmem>> -> memref<1x16x64xi32, #tpu.memory_space<vmem>>
          %dma_wait3A_189 = tpu.memref_squeeze %dma_wait3A_188 : memref<1x16x64xi32, #tpu.memory_space<vmem>> -> memref<16x64xi32, #tpu.memory_space<vmem>>
          %dma_wait3A_190 = arith.constant 0 : i32
          %dma_wait3A_191 = tpu.memref_slice %arg4[%arg1, %add3A_122, %dma_wait3A_190] : memref<16x320x64xi32, #tpu.memory_space<hbm>> -> memref<1x16x64xi32, #tpu.memory_space<hbm>>
          %dma_wait3A_192 = tpu.memref_squeeze %dma_wait3A_191 : memref<1x16x64xi32, #tpu.memory_space<hbm>> -> memref<16x64xi32, #tpu.memory_space<hbm>>
          %dma_wait3A_193 = arith.constant 0 : i32
          %dma_wait3A_194 = arith.constant 0 : i32
          %dma_wait3A_195 = tpu.memref_slice %arg8[%select_n3A_118, %dma_wait3A_193, %dma_wait3A_194] : memref<2x16x64xi32, #tpu.memory_space<vmem>> -> memref<1x16x64xi32, #tpu.memory_space<vmem>>
          %dma_wait3A_196 = tpu.memref_squeeze %dma_wait3A_195 : memref<1x16x64xi32, #tpu.memory_space<vmem>> -> memref<16x64xi32, #tpu.memory_space<vmem>>
          %dma_wait3A_197 = arith.constant 0 : i32
          %dma_wait3A_198 = tpu.memref_slice %arg4[%arg1, %add3A_122, %dma_wait3A_197] : memref<16x320x64xi32, #tpu.memory_space<hbm>> -> memref<1x16x64xi32, #tpu.memory_space<hbm>>
          %dma_wait3A_199 = tpu.memref_squeeze %dma_wait3A_198 : memref<1x16x64xi32, #tpu.memory_space<hbm>> -> memref<16x64xi32, #tpu.memory_space<hbm>>
          tpu.wait_dma2 semaphore(%run_scoped3A : memref<!tpu.dma_semaphore, #tpu.memory_space<semaphore_mem>>) src(%dma_wait3A_199 : memref<16x64xi32, #tpu.memory_space<hbm>>) dst(%dma_wait3A_196 : memref<16x64xi32, #tpu.memory_space<vmem>>)
          tpu.yield
        }) : () -> ()
        %mul3A_123 = arith.constant 16 : i32
        %mul3A_124 = arith.muli %scan3A_93, %mul3A_123 : i32
        %add3A_125 = arith.constant 0 : i32
        %add3A_126 = arith.addi %add3A_125, %mul3A_124 : i32
        "tpu.region"() ({
          %run_scoped3A = tpu.sem_alloc : memref<!tpu.dma_semaphore, #tpu.memory_space<semaphore_mem>>
          %dma_start3A_172 = arith.constant 0 : i32
          %dma_start3A_173 = arith.constant 0 : i32
          %dma_start3A_174 = tpu.memref_slice %arg9[%select_n3A_118, %dma_start3A_172, %dma_start3A_173] : memref<2x16x64xi32, #tpu.memory_space<vmem>> -> memref<1x16x64xi32, #tpu.memory_space<vmem>>
          %dma_start3A_175 = tpu.memref_squeeze %dma_start3A_174 : memref<1x16x64xi32, #tpu.memory_space<vmem>> -> memref<16x64xi32, #tpu.memory_space<vmem>>
          %dma_start3A_176 = arith.constant 0 : i32
          %dma_start3A_177 = tpu.memref_slice %arg5[%arg1, %add3A_126, %dma_start3A_176] : memref<16x320x64xi32, #tpu.memory_space<hbm>> -> memref<1x16x64xi32, #tpu.memory_space<hbm>>
          %dma_start3A_178 = tpu.memref_squeeze %dma_start3A_177 : memref<1x16x64xi32, #tpu.memory_space<hbm>> -> memref<16x64xi32, #tpu.memory_space<hbm>>
          %dma_start3A_179 = arith.constant 0 : i32
          %dma_start3A_180 = arith.constant 0 : i32
          %dma_start3A_181 = tpu.memref_slice %arg9[%select_n3A_118, %dma_start3A_179, %dma_start3A_180] : memref<2x16x64xi32, #tpu.memory_space<vmem>> -> memref<1x16x64xi32, #tpu.memory_space<vmem>>
          %dma_start3A_182 = tpu.memref_squeeze %dma_start3A_181 : memref<1x16x64xi32, #tpu.memory_space<vmem>> -> memref<16x64xi32, #tpu.memory_space<vmem>>
          %dma_start3A_183 = arith.constant 0 : i32
          %dma_start3A_184 = tpu.memref_slice %arg5[%arg1, %add3A_126, %dma_start3A_183] : memref<16x320x64xi32, #tpu.memory_space<hbm>> -> memref<1x16x64xi32, #tpu.memory_space<hbm>>
          %dma_start3A_185 = tpu.memref_squeeze %dma_start3A_184 : memref<1x16x64xi32, #tpu.memory_space<hbm>> -> memref<16x64xi32, #tpu.memory_space<hbm>>
          tpu.enqueue_dma source(%dma_start3A_185 : memref<16x64xi32, #tpu.memory_space<hbm>>) target(%dma_start3A_182 : memref<16x64xi32, #tpu.memory_space<vmem>>) target_semaphore(%run_scoped3A : memref<!tpu.dma_semaphore, #tpu.memory_space<semaphore_mem>>)
          %dma_wait3A_186 = arith.constant 0 : i32
          %dma_wait3A_187 = arith.constant 0 : i32
          %dma_wait3A_188 = tpu.memref_slice %arg9[%select_n3A_118, %dma_wait3A_186, %dma_wait3A_187] : memref<2x16x64xi32, #tpu.memory_space<vmem>> -> memref<1x16x64xi32, #tpu.memory_space<vmem>>
          %dma_wait3A_189 = tpu.memref_squeeze %dma_wait3A_188 : memref<1x16x64xi32, #tpu.memory_space<vmem>> -> memref<16x64xi32, #tpu.memory_space<vmem>>
          %dma_wait3A_190 = arith.constant 0 : i32
          %dma_wait3A_191 = tpu.memref_slice %arg5[%arg1, %add3A_126, %dma_wait3A_190] : memref<16x320x64xi32, #tpu.memory_space<hbm>> -> memref<1x16x64xi32, #tpu.memory_space<hbm>>
          %dma_wait3A_192 = tpu.memref_squeeze %dma_wait3A_191 : memref<1x16x64xi32, #tpu.memory_space<hbm>> -> memref<16x64xi32, #tpu.memory_space<hbm>>
          %dma_wait3A_193 = arith.constant 0 : i32
          %dma_wait3A_194 = arith.constant 0 : i32
          %dma_wait3A_195 = tpu.memref_slice %arg9[%select_n3A_118, %dma_wait3A_193, %dma_wait3A_194] : memref<2x16x64xi32, #tpu.memory_space<vmem>> -> memref<1x16x64xi32, #tpu.memory_space<vmem>>
          %dma_wait3A_196 = tpu.memref_squeeze %dma_wait3A_195 : memref<1x16x64xi32, #tpu.memory_space<vmem>> -> memref<16x64xi32, #tpu.memory_space<vmem>>
          %dma_wait3A_197 = arith.constant 0 : i32
          %dma_wait3A_198 = tpu.memref_slice %arg5[%arg1, %add3A_126, %dma_wait3A_197] : memref<16x320x64xi32, #tpu.memory_space<hbm>> -> memref<1x16x64xi32, #tpu.memory_space<hbm>>
          %dma_wait3A_199 = tpu.memref_squeeze %dma_wait3A_198 : memref<1x16x64xi32, #tpu.memory_space<hbm>> -> memref<16x64xi32, #tpu.memory_space<hbm>>
          tpu.wait_dma2 semaphore(%run_scoped3A : memref<!tpu.dma_semaphore, #tpu.memory_space<semaphore_mem>>) src(%dma_wait3A_199 : memref<16x64xi32, #tpu.memory_space<hbm>>) dst(%dma_wait3A_196 : memref<16x64xi32, #tpu.memory_space<vmem>>)
          tpu.yield
        }) : () -> ()
        %gt3A = arith.constant 0 : i32
        %gt3A_127 = arith.cmpi sgt, %scan3A_93, %gt3A : i32
        %convert_element_type3A_128 = arith.extui %gt3A_127 : i1 to i32
        %cond3A_129 = arith.constant 0 : i32
        %cond3A_130 = arith.cmpi ne, %convert_element_type3A_128, %cond3A_129 : i32
        scf.if %cond3A_130 {
          %dma_wait3A_172 = arith.constant 0 : i32
          %dma_wait3A_173 = arith.constant 0 : i32
          %dma_wait3A_174 = arith.constant 0 : i32
          %dma_wait3A_175 = tpu.memref_slice %arg10[%dma_wait3A_172, %dma_wait3A_173, %dma_wait3A_174] : memref<4x64x128xf32, #tpu.memory_space<vmem>> -> memref<1x64x128xf32, #tpu.memory_space<vmem>>
          %dma_wait3A_176 = tpu.memref_squeeze %dma_wait3A_175 : memref<1x64x128xf32, #tpu.memory_space<vmem>> -> memref<64x128xf32, #tpu.memory_space<vmem>>
          %dma_wait3A_177 = arith.constant 0 : i32
          %dma_wait3A_178 = arith.constant 0 : i32
          %dma_wait3A_179 = tpu.memref_slice %arg11[%dma_wait3A_177, %dma_wait3A_178] : memref<10248x128xf32, #tpu.memory_space<vmem_shared>> -> memref<64x128xf32, #tpu.memory_space<vmem_shared>>
          %dma_wait3A_180 = arith.constant 0 : i32
          %dma_wait3A_181 = arith.constant 0 : i32
          %dma_wait3A_182 = tpu.memref_slice %arg11[%dma_wait3A_180, %dma_wait3A_181] : memref<10248x128xf32, #tpu.memory_space<vmem_shared>> -> memref<64x128xf32, #tpu.memory_space<vmem_shared>>
          %dma_wait3A_183 = arith.constant 0 : i32
          %dma_wait3A_184 = arith.constant 0 : i32
          %dma_wait3A_185 = tpu.memref_slice %arg10[%dma_wait3A_172, %dma_wait3A_183, %dma_wait3A_184] : memref<4x64x128xf32, #tpu.memory_space<vmem>> -> memref<1x64x128xf32, #tpu.memory_space<vmem>>
          %dma_wait3A_186 = tpu.memref_squeeze %dma_wait3A_185 : memref<1x64x128xf32, #tpu.memory_space<vmem>> -> memref<64x128xf32, #tpu.memory_space<vmem>>
          tpu.wait_dma2 semaphore(%arg13 : memref<!tpu.dma_semaphore, #tpu.memory_space<semaphore_mem>>) src(%dma_wait3A_186 : memref<64x128xf32, #tpu.memory_space<vmem>>) dst(%dma_wait3A_182 : memref<64x128xf32, #tpu.memory_space<vmem_shared>>)
          %dma_wait3A_187 = arith.constant 0 : i32
          %dma_wait3A_188 = arith.constant 0 : i32
          %dma_wait3A_189 = arith.constant 0 : i32
          %dma_wait3A_190 = tpu.memref_slice %arg10[%dma_wait3A_187, %dma_wait3A_188, %dma_wait3A_189] : memref<4x64x128xf32, #tpu.memory_space<vmem>> -> memref<1x64x128xf32, #tpu.memory_space<vmem>>
          %dma_wait3A_191 = tpu.memref_squeeze %dma_wait3A_190 : memref<1x64x128xf32, #tpu.memory_space<vmem>> -> memref<64x128xf32, #tpu.memory_space<vmem>>
          %dma_wait3A_192 = arith.constant 0 : i32
          %dma_wait3A_193 = arith.constant 0 : i32
          %dma_wait3A_194 = tpu.memref_slice %arg11[%dma_wait3A_192, %dma_wait3A_193] : memref<10248x128xf32, #tpu.memory_space<vmem_shared>> -> memref<64x128xf32, #tpu.memory_space<vmem_shared>>
          %dma_wait3A_195 = arith.constant 0 : i32
          %dma_wait3A_196 = arith.constant 0 : i32
          %dma_wait3A_197 = tpu.memref_slice %arg11[%dma_wait3A_195, %dma_wait3A_196] : memref<10248x128xf32, #tpu.memory_space<vmem_shared>> -> memref<64x128xf32, #tpu.memory_space<vmem_shared>>
          %dma_wait3A_198 = arith.constant 0 : i32
          %dma_wait3A_199 = arith.constant 0 : i32
          %dma_wait3A_200 = tpu.memref_slice %arg10[%dma_wait3A_187, %dma_wait3A_198, %dma_wait3A_199] : memref<4x64x128xf32, #tpu.memory_space<vmem>> -> memref<1x64x128xf32, #tpu.memory_space<vmem>>
          %dma_wait3A_201 = tpu.memref_squeeze %dma_wait3A_200 : memref<1x64x128xf32, #tpu.memory_space<vmem>> -> memref<64x128xf32, #tpu.memory_space<vmem>>
          tpu.wait_dma2 semaphore(%arg13 : memref<!tpu.dma_semaphore, #tpu.memory_space<semaphore_mem>>) src(%dma_wait3A_201 : memref<64x128xf32, #tpu.memory_space<vmem>>) dst(%dma_wait3A_197 : memref<64x128xf32, #tpu.memory_space<vmem_shared>>)
          %dma_wait3A_202 = arith.constant 0 : i32
          %dma_wait3A_203 = arith.constant 0 : i32
          %dma_wait3A_204 = arith.constant 0 : i32
          %dma_wait3A_205 = tpu.memref_slice %arg10[%dma_wait3A_202, %dma_wait3A_203, %dma_wait3A_204] : memref<4x64x128xf32, #tpu.memory_space<vmem>> -> memref<1x64x128xf32, #tpu.memory_space<vmem>>
          %dma_wait3A_206 = tpu.memref_squeeze %dma_wait3A_205 : memref<1x64x128xf32, #tpu.memory_space<vmem>> -> memref<64x128xf32, #tpu.memory_space<vmem>>
          %dma_wait3A_207 = arith.constant 0 : i32
          %dma_wait3A_208 = arith.constant 0 : i32
          %dma_wait3A_209 = tpu.memref_slice %arg11[%dma_wait3A_207, %dma_wait3A_208] : memref<10248x128xf32, #tpu.memory_space<vmem_shared>> -> memref<64x128xf32, #tpu.memory_space<vmem_shared>>
          %dma_wait3A_210 = arith.constant 0 : i32
          %dma_wait3A_211 = arith.constant 0 : i32
          %dma_wait3A_212 = tpu.memref_slice %arg11[%dma_wait3A_210, %dma_wait3A_211] : memref<10248x128xf32, #tpu.memory_space<vmem_shared>> -> memref<64x128xf32, #tpu.memory_space<vmem_shared>>
          %dma_wait3A_213 = arith.constant 0 : i32
          %dma_wait3A_214 = arith.constant 0 : i32
          %dma_wait3A_215 = tpu.memref_slice %arg10[%dma_wait3A_202, %dma_wait3A_213, %dma_wait3A_214] : memref<4x64x128xf32, #tpu.memory_space<vmem>> -> memref<1x64x128xf32, #tpu.memory_space<vmem>>
          %dma_wait3A_216 = tpu.memref_squeeze %dma_wait3A_215 : memref<1x64x128xf32, #tpu.memory_space<vmem>> -> memref<64x128xf32, #tpu.memory_space<vmem>>
          tpu.wait_dma2 semaphore(%arg13 : memref<!tpu.dma_semaphore, #tpu.memory_space<semaphore_mem>>) src(%dma_wait3A_216 : memref<64x128xf32, #tpu.memory_space<vmem>>) dst(%dma_wait3A_212 : memref<64x128xf32, #tpu.memory_space<vmem_shared>>)
        } else {
        }
        %dma_start3A = arith.constant 0 : i32
        %dma_start3A_131 = arith.constant 0 : i32
        %dma_start3A_132 = arith.constant 0 : i32
        %dma_start3A_133 = arith.constant 0 : i32
        %dma_start3A_134 = tpu.memref_slice %arg10[%dma_start3A_131, %dma_start3A_132, %dma_start3A_133] : memref<4x64x128xf32, #tpu.memory_space<vmem>> -> memref<1x64x128xf32, #tpu.memory_space<vmem>>
        %dma_start3A_135 = tpu.memref_squeeze %dma_start3A_134 : memref<1x64x128xf32, #tpu.memory_space<vmem>> -> memref<64x128xf32, #tpu.memory_space<vmem>>
        %dma_start3A_136 = arith.constant 0 : i32
        %dma_start3A_137 = tpu.memref_slice %arg8[%select_n3A_102, %dma_start3A, %dma_start3A_136] : memref<2x16x64xi32, #tpu.memory_space<vmem>> -> memref<1x1x64xi32, #tpu.memory_space<vmem>>
        %dma_start3A_138 = tpu.memref_squeeze %dma_start3A_137 : memref<1x1x64xi32, #tpu.memory_space<vmem>> -> memref<64xi32, #tpu.memory_space<vmem>>
        %dma_start3A_139 = arith.constant 0 : i32
        %dma_start3A_140 = arith.constant 0 : i32
        %dma_start3A_141 = tpu.memref_slice %arg2[%dma_start3A_139, %dma_start3A_140] : memref<10240x128xf32, #tpu.memory_space<hbm>> -> memref<10240x128xf32, #tpu.memory_space<hbm>>
        tpu.enqueue_indirect_dma source(%dma_start3A_141 : memref<10240x128xf32, #tpu.memory_space<hbm>>) target(%dma_start3A_135 : memref<64x128xf32, #tpu.memory_space<vmem>>) offsets(%dma_start3A_138 : memref<64xi32, #tpu.memory_space<vmem>>) semaphore(%arg12 : memref<!tpu.dma_semaphore, #tpu.memory_space<semaphore_mem>>)
        %dma_start3A_142 = arith.constant 1 : i32
        %dma_start3A_143 = arith.constant 1 : i32
        %dma_start3A_144 = arith.constant 0 : i32
        %dma_start3A_145 = arith.constant 0 : i32
        %dma_start3A_146 = tpu.memref_slice %arg10[%dma_start3A_143, %dma_start3A_144, %dma_start3A_145] : memref<4x64x128xf32, #tpu.memory_space<vmem>> -> memref<1x64x128xf32, #tpu.memory_space<vmem>>
        %dma_start3A_147 = tpu.memref_squeeze %dma_start3A_146 : memref<1x64x128xf32, #tpu.memory_space<vmem>> -> memref<64x128xf32, #tpu.memory_space<vmem>>
        %dma_start3A_148 = arith.constant 0 : i32
        %dma_start3A_149 = tpu.memref_slice %arg8[%select_n3A_102, %dma_start3A_142, %dma_start3A_148] : memref<2x16x64xi32, #tpu.memory_space<vmem>> -> memref<1x1x64xi32, #tpu.memory_space<vmem>>
        %dma_start3A_150 = tpu.memref_squeeze %dma_start3A_149 : memref<1x1x64xi32, #tpu.memory_space<vmem>> -> memref<64xi32, #tpu.memory_space<vmem>>
        %dma_start3A_151 = arith.constant 0 : i32
        %dma_start3A_152 = arith.constant 0 : i32
        %dma_start3A_153 = tpu.memref_slice %arg2[%dma_start3A_151, %dma_start3A_152] : memref<10240x128xf32, #tpu.memory_space<hbm>> -> memref<10240x128xf32, #tpu.memory_space<hbm>>
        tpu.enqueue_indirect_dma source(%dma_start3A_153 : memref<10240x128xf32, #tpu.memory_space<hbm>>) target(%dma_start3A_147 : memref<64x128xf32, #tpu.memory_space<vmem>>) offsets(%dma_start3A_150 : memref<64xi32, #tpu.memory_space<vmem>>) semaphore(%arg12 : memref<!tpu.dma_semaphore, #tpu.memory_space<semaphore_mem>>)
        %dma_start3A_154 = arith.constant 2 : i32
        %dma_start3A_155 = arith.constant 2 : i32
        %dma_start3A_156 = arith.constant 0 : i32
        %dma_start3A_157 = arith.constant 0 : i32
        %dma_start3A_158 = tpu.memref_slice %arg10[%dma_start3A_155, %dma_start3A_156, %dma_start3A_157] : memref<4x64x128xf32, #tpu.memory_space<vmem>> -> memref<1x64x128xf32, #tpu.memory_space<vmem>>
        %dma_start3A_159 = tpu.memref_squeeze %dma_start3A_158 : memref<1x64x128xf32, #tpu.memory_space<vmem>> -> memref<64x128xf32, #tpu.memory_space<vmem>>
        %dma_start3A_160 = arith.constant 0 : i32
        %dma_start3A_161 = tpu.memref_slice %arg8[%select_n3A_102, %dma_start3A_154, %dma_start3A_160] : memref<2x16x64xi32, #tpu.memory_space<vmem>> -> memref<1x1x64xi32, #tpu.memory_space<vmem>>
        %dma_start3A_162 = tpu.memref_squeeze %dma_start3A_161 : memref<1x1x64xi32, #tpu.memory_space<vmem>> -> memref<64xi32, #tpu.memory_space<vmem>>
        %dma_start3A_163 = arith.constant 0 : i32
        %dma_start3A_164 = arith.constant 0 : i32
        %dma_start3A_165 = tpu.memref_slice %arg2[%dma_start3A_163, %dma_start3A_164] : memref<10240x128xf32, #tpu.memory_space<hbm>> -> memref<10240x128xf32, #tpu.memory_space<hbm>>
        tpu.enqueue_indirect_dma source(%dma_start3A_165 : memref<10240x128xf32, #tpu.memory_space<hbm>>) target(%dma_start3A_159 : memref<64x128xf32, #tpu.memory_space<vmem>>) offsets(%dma_start3A_162 : memref<64xi32, #tpu.memory_space<vmem>>) semaphore(%arg12 : memref<!tpu.dma_semaphore, #tpu.memory_space<semaphore_mem>>)
        %scan3A_166 = arith.constant 0 : i32
        %scan3A_167 = arith.constant 0 : i32
        %scan3A_168 = arith.constant 16 : i32
        %scan3A_169 = arith.addi %scan3A_167, %scan3A_168 : i32
        %scan3A_170 = arith.constant 1 : i32
        scf.for %scan3A_172 = %scan3A_167 to %scan3A_169 step %scan3A_170  : i32 {
          %jit3A_173 = arith.constant 4 : i32
          %eq3A_174 = arith.constant 0 : i32
          %eq3A_175 = arith.cmpi eq, %jit3A_173, %eq3A_174 : i32
          %jit3A_176 = arith.constant 1 : i32
          %select_n3A_177 = arith.select %eq3A_175, %jit3A_176, %jit3A_173 : i32
          %rem3A_178 = arith.remsi %scan3A_172, %select_n3A_177 : i32
          %ne3A_179 = arith.constant 0 : i32
          %ne3A_180 = arith.cmpi ne, %rem3A_178, %ne3A_179 : i32
          %lt3A_181 = arith.constant 0 : i32
          %lt3A_182 = arith.cmpi slt, %rem3A_178, %lt3A_181 : i32
          %lt3A_183 = arith.constant 0 : i32
          %lt3A_184 = arith.cmpi slt, %select_n3A_177, %lt3A_183 : i32
          %ne3A_185 = arith.xori %lt3A_182, %lt3A_184 : i1
          %and3A_186 = arith.andi %ne3A_185, %ne3A_180 : i1
          %add3A_187 = arith.addi %rem3A_178, %select_n3A_177 : i32
          %select_n3A_188 = arith.select %and3A_186, %add3A_187, %rem3A_178 : i32
          %dma_wait3A_189 = arith.constant 0 : i32
          %dma_wait3A_190 = arith.constant 0 : i32
          %dma_wait3A_191 = tpu.memref_slice %arg10[%select_n3A_188, %dma_wait3A_189, %dma_wait3A_190] : memref<4x64x128xf32, #tpu.memory_space<vmem>> -> memref<1x64x128xf32, #tpu.memory_space<vmem>>
          %dma_wait3A_192 = tpu.memref_squeeze %dma_wait3A_191 : memref<1x64x128xf32, #tpu.memory_space<vmem>> -> memref<64x128xf32, #tpu.memory_space<vmem>>
          %dma_wait3A_193 = arith.constant 0 : i32
          %dma_wait3A_194 = arith.constant 0 : i32
          %dma_wait3A_195 = tpu.memref_slice %arg2[%dma_wait3A_193, %dma_wait3A_194] : memref<10240x128xf32, #tpu.memory_space<hbm>> -> memref<64x128xf32, #tpu.memory_space<hbm>>
          %dma_wait3A_196 = arith.constant 0 : i32
          %dma_wait3A_197 = arith.constant 0 : i32
          %dma_wait3A_198 = tpu.memref_slice %arg10[%select_n3A_188, %dma_wait3A_196, %dma_wait3A_197] : memref<4x64x128xf32, #tpu.memory_space<vmem>> -> memref<1x64x128xf32, #tpu.memory_space<vmem>>
          %dma_wait3A_199 = tpu.memref_squeeze %dma_wait3A_198 : memref<1x64x128xf32, #tpu.memory_space<vmem>> -> memref<64x128xf32, #tpu.memory_space<vmem>>
          %dma_wait3A_200 = arith.constant 0 : i32
          %dma_wait3A_201 = arith.constant 0 : i32
          %dma_wait3A_202 = tpu.memref_slice %arg2[%dma_wait3A_200, %dma_wait3A_201] : memref<10240x128xf32, #tpu.memory_space<hbm>> -> memref<64x128xf32, #tpu.memory_space<hbm>>
          tpu.wait_dma2 semaphore(%arg12 : memref<!tpu.dma_semaphore, #tpu.memory_space<semaphore_mem>>) src(%dma_wait3A_202 : memref<64x128xf32, #tpu.memory_space<hbm>>) dst(%dma_wait3A_199 : memref<64x128xf32, #tpu.memory_space<vmem>>)
          %dma_start3A_203 = arith.constant 0 : i32
          %dma_start3A_204 = arith.constant 0 : i32
          %dma_start3A_205 = tpu.memref_slice %arg10[%select_n3A_188, %dma_start3A_203, %dma_start3A_204] : memref<4x64x128xf32, #tpu.memory_space<vmem>> -> memref<1x64x128xf32, #tpu.memory_space<vmem>>
          %dma_start3A_206 = tpu.memref_squeeze %dma_start3A_205 : memref<1x64x128xf32, #tpu.memory_space<vmem>> -> memref<64x128xf32, #tpu.memory_space<vmem>>
          %dma_start3A_207 = arith.constant 0 : i32
          %dma_start3A_208 = tpu.memref_slice %arg9[%select_n3A_102, %scan3A_172, %dma_start3A_207] : memref<2x16x64xi32, #tpu.memory_space<vmem>> -> memref<1x1x64xi32, #tpu.memory_space<vmem>>
          %dma_start3A_209 = tpu.memref_squeeze %dma_start3A_208 : memref<1x1x64xi32, #tpu.memory_space<vmem>> -> memref<64xi32, #tpu.memory_space<vmem>>
          %dma_start3A_210 = arith.constant 0 : i32
          %dma_start3A_211 = arith.constant 0 : i32
          %dma_start3A_212 = tpu.memref_slice %arg11[%dma_start3A_210, %dma_start3A_211] : memref<10248x128xf32, #tpu.memory_space<vmem_shared>> -> memref<10248x128xf32, #tpu.memory_space<vmem_shared>>
          tpu.enqueue_indirect_dma source(%dma_start3A_206 : memref<64x128xf32, #tpu.memory_space<vmem>>) target(%dma_start3A_212 : memref<10248x128xf32, #tpu.memory_space<vmem_shared>>) offsets(%dma_start3A_209 : memref<64xi32, #tpu.memory_space<vmem>>) semaphore(%arg13 : memref<!tpu.dma_semaphore, #tpu.memory_space<semaphore_mem>>) {add = true}
          %add3A_213 = arith.constant 3 : i32
          %add3A_214 = arith.addi %scan3A_172, %add3A_213 : i32
          %lt3A_215 = arith.constant 16 : i32
          %lt3A_216 = arith.cmpi slt, %add3A_214, %lt3A_215 : i32
          %convert_element_type3A_217 = arith.extui %lt3A_216 : i1 to i32
          %cond3A_218 = arith.constant 0 : i32
          %cond3A_219 = arith.cmpi ne, %convert_element_type3A_217, %cond3A_218 : i32
          scf.if %cond3A_219 {
            %ge3A = arith.constant 1 : i32
            %ge3A_220 = arith.cmpi sge, %scan3A_172, %ge3A : i32
            %gt3A_221 = arith.constant 0 : i32
            %gt3A_222 = arith.cmpi sgt, %scan3A_93, %gt3A_221 : i32
            %or3A = arith.ori %ge3A_220, %gt3A_222 : i1
            %convert_element_type3A_223 = arith.extui %or3A : i1 to i32
            %cond3A_224 = arith.constant 0 : i32
            %cond3A_225 = arith.cmpi ne, %convert_element_type3A_223, %cond3A_224 : i32
            scf.if %cond3A_225 {
              %dma_wait3A_256 = arith.constant 0 : i32
              %dma_wait3A_257 = arith.constant 0 : i32
              %dma_wait3A_258 = arith.constant 0 : i32
              %dma_wait3A_259 = tpu.memref_slice %arg10[%dma_wait3A_256, %dma_wait3A_257, %dma_wait3A_258] : memref<4x64x128xf32, #tpu.memory_space<vmem>> -> memref<1x64x128xf32, #tpu.memory_space<vmem>>
              %dma_wait3A_260 = tpu.memref_squeeze %dma_wait3A_259 : memref<1x64x128xf32, #tpu.memory_space<vmem>> -> memref<64x128xf32, #tpu.memory_space<vmem>>
              %dma_wait3A_261 = arith.constant 0 : i32
              %dma_wait3A_262 = arith.constant 0 : i32
              %dma_wait3A_263 = tpu.memref_slice %arg11[%dma_wait3A_261, %dma_wait3A_262] : memref<10248x128xf32, #tpu.memory_space<vmem_shared>> -> memref<64x128xf32, #tpu.memory_space<vmem_shared>>
              %dma_wait3A_264 = arith.constant 0 : i32
              %dma_wait3A_265 = arith.constant 0 : i32
              %dma_wait3A_266 = tpu.memref_slice %arg11[%dma_wait3A_264, %dma_wait3A_265] : memref<10248x128xf32, #tpu.memory_space<vmem_shared>> -> memref<64x128xf32, #tpu.memory_space<vmem_shared>>
              %dma_wait3A_267 = arith.constant 0 : i32
              %dma_wait3A_268 = arith.constant 0 : i32
              %dma_wait3A_269 = tpu.memref_slice %arg10[%dma_wait3A_256, %dma_wait3A_267, %dma_wait3A_268] : memref<4x64x128xf32, #tpu.memory_space<vmem>> -> memref<1x64x128xf32, #tpu.memory_space<vmem>>
              %dma_wait3A_270 = tpu.memref_squeeze %dma_wait3A_269 : memref<1x64x128xf32, #tpu.memory_space<vmem>> -> memref<64x128xf32, #tpu.memory_space<vmem>>
              tpu.wait_dma2 semaphore(%arg13 : memref<!tpu.dma_semaphore, #tpu.memory_space<semaphore_mem>>) src(%dma_wait3A_270 : memref<64x128xf32, #tpu.memory_space<vmem>>) dst(%dma_wait3A_266 : memref<64x128xf32, #tpu.memory_space<vmem_shared>>)
            } else {
            }
            %add3A_226 = arith.constant 3 : i32
            %add3A_227 = arith.addi %scan3A_172, %add3A_226 : i32
            %add3A_228 = arith.constant 3 : i32
            %add3A_229 = arith.addi %scan3A_172, %add3A_228 : i32
            %jit3A_230 = arith.constant 4 : i32
            %eq3A_231 = arith.constant 0 : i32
            %eq3A_232 = arith.cmpi eq, %jit3A_230, %eq3A_231 : i32
            %jit3A_233 = arith.constant 1 : i32
            %select_n3A_234 = arith.select %eq3A_232, %jit3A_233, %jit3A_230 : i32
            %rem3A_235 = arith.remsi %add3A_229, %select_n3A_234 : i32
            %ne3A_236 = arith.constant 0 : i32
            %ne3A_237 = arith.cmpi ne, %rem3A_235, %ne3A_236 : i32
            %lt3A_238 = arith.constant 0 : i32
            %lt3A_239 = arith.cmpi slt, %rem3A_235, %lt3A_238 : i32
            %lt3A_240 = arith.constant 0 : i32
            %lt3A_241 = arith.cmpi slt, %select_n3A_234, %lt3A_240 : i32
            %ne3A_242 = arith.xori %lt3A_239, %lt3A_241 : i1
            %and3A_243 = arith.andi %ne3A_242, %ne3A_237 : i1
            %add3A_244 = arith.addi %rem3A_235, %select_n3A_234 : i32
            %select_n3A_245 = arith.select %and3A_243, %add3A_244, %rem3A_235 : i32
            %dma_start3A_246 = arith.constant 0 : i32
            %dma_start3A_247 = arith.constant 0 : i32
            %dma_start3A_248 = tpu.memref_slice %arg10[%select_n3A_245, %dma_start3A_246, %dma_start3A_247] : memref<4x64x128xf32, #tpu.memory_space<vmem>> -> memref<1x64x128xf32, #tpu.memory_space<vmem>>
            %dma_start3A_249 = tpu.memref_squeeze %dma_start3A_248 : memref<1x64x128xf32, #tpu.memory_space<vmem>> -> memref<64x128xf32, #tpu.memory_space<vmem>>
            %dma_start3A_250 = arith.constant 0 : i32
            %dma_start3A_251 = tpu.memref_slice %arg8[%select_n3A_102, %add3A_227, %dma_start3A_250] : memref<2x16x64xi32, #tpu.memory_space<vmem>> -> memref<1x1x64xi32, #tpu.memory_space<vmem>>
            %dma_start3A_252 = tpu.memref_squeeze %dma_start3A_251 : memref<1x1x64xi32, #tpu.memory_space<vmem>> -> memref<64xi32, #tpu.memory_space<vmem>>
            %dma_start3A_253 = arith.constant 0 : i32
            %dma_start3A_254 = arith.constant 0 : i32
            %dma_start3A_255 = tpu.memref_slice %arg2[%dma_start3A_253, %dma_start3A_254] : memref<10240x128xf32, #tpu.memory_space<hbm>> -> memref<10240x128xf32, #tpu.memory_space<hbm>>
            tpu.enqueue_indirect_dma source(%dma_start3A_255 : memref<10240x128xf32, #tpu.memory_space<hbm>>) target(%dma_start3A_249 : memref<64x128xf32, #tpu.memory_space<vmem>>) offsets(%dma_start3A_252 : memref<64xi32, #tpu.memory_space<vmem>>) semaphore(%arg12 : memref<!tpu.dma_semaphore, #tpu.memory_space<semaphore_mem>>)
          } else {
          }
        }
        %scan3A_171 = arith.constant 16 : i32
      }
      %scan3A_33 = arith.constant 20 : i32
      %dma_wait3A = arith.constant 0 : i32
      %dma_wait3A_34 = arith.constant 0 : i32
      %dma_wait3A_35 = arith.constant 0 : i32
      %dma_wait3A_36 = tpu.memref_slice %arg10[%dma_wait3A, %dma_wait3A_34, %dma_wait3A_35] : memref<4x64x128xf32, #tpu.memory_space<vmem>> -> memref<1x64x128xf32, #tpu.memory_space<vmem>>
      %dma_wait3A_37 = tpu.memref_squeeze %dma_wait3A_36 : memref<1x64x128xf32, #tpu.memory_space<vmem>> -> memref<64x128xf32, #tpu.memory_space<vmem>>
      %dma_wait3A_38 = arith.constant 0 : i32
      %dma_wait3A_39 = arith.constant 0 : i32
      %dma_wait3A_40 = tpu.memref_slice %arg11[%dma_wait3A_38, %dma_wait3A_39] : memref<10248x128xf32, #tpu.memory_space<vmem_shared>> -> memref<64x128xf32, #tpu.memory_space<vmem_shared>>
      %dma_wait3A_41 = arith.constant 0 : i32
      %dma_wait3A_42 = arith.constant 0 : i32
      %dma_wait3A_43 = tpu.memref_slice %arg11[%dma_wait3A_41, %dma_wait3A_42] : memref<10248x128xf32, #tpu.memory_space<vmem_shared>> -> memref<64x128xf32, #tpu.memory_space<vmem_shared>>
      %dma_wait3A_44 = arith.constant 0 : i32
      %dma_wait3A_45 = arith.constant 0 : i32
      %dma_wait3A_46 = tpu.memref_slice %arg10[%dma_wait3A, %dma_wait3A_44, %dma_wait3A_45] : memref<4x64x128xf32, #tpu.memory_space<vmem>> -> memref<1x64x128xf32, #tpu.memory_space<vmem>>
      %dma_wait3A_47 = tpu.memref_squeeze %dma_wait3A_46 : memref<1x64x128xf32, #tpu.memory_space<vmem>> -> memref<64x128xf32, #tpu.memory_space<vmem>>
      tpu.wait_dma2 semaphore(%arg13 : memref<!tpu.dma_semaphore, #tpu.memory_space<semaphore_mem>>) src(%dma_wait3A_47 : memref<64x128xf32, #tpu.memory_space<vmem>>) dst(%dma_wait3A_43 : memref<64x128xf32, #tpu.memory_space<vmem_shared>>)
      %dma_wait3A_48 = arith.constant 0 : i32
      %dma_wait3A_49 = arith.constant 0 : i32
      %dma_wait3A_50 = arith.constant 0 : i32
      %dma_wait3A_51 = tpu.memref_slice %arg10[%dma_wait3A_48, %dma_wait3A_49, %dma_wait3A_50] : memref<4x64x128xf32, #tpu.memory_space<vmem>> -> memref<1x64x128xf32, #tpu.memory_space<vmem>>
      %dma_wait3A_52 = tpu.memref_squeeze %dma_wait3A_51 : memref<1x64x128xf32, #tpu.memory_space<vmem>> -> memref<64x128xf32, #tpu.memory_space<vmem>>
      %dma_wait3A_53 = arith.constant 0 : i32
      %dma_wait3A_54 = arith.constant 0 : i32
      %dma_wait3A_55 = tpu.memref_slice %arg11[%dma_wait3A_53, %dma_wait3A_54] : memref<10248x128xf32, #tpu.memory_space<vmem_shared>> -> memref<64x128xf32, #tpu.memory_space<vmem_shared>>
      %dma_wait3A_56 = arith.constant 0 : i32
      %dma_wait3A_57 = arith.constant 0 : i32
      %dma_wait3A_58 = tpu.memref_slice %arg11[%dma_wait3A_56, %dma_wait3A_57] : memref<10248x128xf32, #tpu.memory_space<vmem_shared>> -> memref<64x128xf32, #tpu.memory_space<vmem_shared>>
      %dma_wait3A_59 = arith.constant 0 : i32
      %dma_wait3A_60 = arith.constant 0 : i32
      %dma_wait3A_61 = tpu.memref_slice %arg10[%dma_wait3A_48, %dma_wait3A_59, %dma_wait3A_60] : memref<4x64x128xf32, #tpu.memory_space<vmem>> -> memref<1x64x128xf32, #tpu.memory_space<vmem>>
      %dma_wait3A_62 = tpu.memref_squeeze %dma_wait3A_61 : memref<1x64x128xf32, #tpu.memory_space<vmem>> -> memref<64x128xf32, #tpu.memory_space<vmem>>
      tpu.wait_dma2 semaphore(%arg13 : memref<!tpu.dma_semaphore, #tpu.memory_space<semaphore_mem>>) src(%dma_wait3A_62 : memref<64x128xf32, #tpu.memory_space<vmem>>) dst(%dma_wait3A_58 : memref<64x128xf32, #tpu.memory_space<vmem_shared>>)
      %dma_wait3A_63 = arith.constant 0 : i32
      %dma_wait3A_64 = arith.constant 0 : i32
      %dma_wait3A_65 = arith.constant 0 : i32
      %dma_wait3A_66 = tpu.memref_slice %arg10[%dma_wait3A_63, %dma_wait3A_64, %dma_wait3A_65] : memref<4x64x128xf32, #tpu.memory_space<vmem>> -> memref<1x64x128xf32, #tpu.memory_space<vmem>>
      %dma_wait3A_67 = tpu.memref_squeeze %dma_wait3A_66 : memref<1x64x128xf32, #tpu.memory_space<vmem>> -> memref<64x128xf32, #tpu.memory_space<vmem>>
      %dma_wait3A_68 = arith.constant 0 : i32
      %dma_wait3A_69 = arith.constant 0 : i32
      %dma_wait3A_70 = tpu.memref_slice %arg11[%dma_wait3A_68, %dma_wait3A_69] : memref<10248x128xf32, #tpu.memory_space<vmem_shared>> -> memref<64x128xf32, #tpu.memory_space<vmem_shared>>
      %dma_wait3A_71 = arith.constant 0 : i32
      %dma_wait3A_72 = arith.constant 0 : i32
      %dma_wait3A_73 = tpu.memref_slice %arg11[%dma_wait3A_71, %dma_wait3A_72] : memref<10248x128xf32, #tpu.memory_space<vmem_shared>> -> memref<64x128xf32, #tpu.memory_space<vmem_shared>>
      %dma_wait3A_74 = arith.constant 0 : i32
      %dma_wait3A_75 = arith.constant 0 : i32
      %dma_wait3A_76 = tpu.memref_slice %arg10[%dma_wait3A_63, %dma_wait3A_74, %dma_wait3A_75] : memref<4x64x128xf32, #tpu.memory_space<vmem>> -> memref<1x64x128xf32, #tpu.memory_space<vmem>>
      %dma_wait3A_77 = tpu.memref_squeeze %dma_wait3A_76 : memref<1x64x128xf32, #tpu.memory_space<vmem>> -> memref<64x128xf32, #tpu.memory_space<vmem>>
      tpu.wait_dma2 semaphore(%arg13 : memref<!tpu.dma_semaphore, #tpu.memory_space<semaphore_mem>>) src(%dma_wait3A_77 : memref<64x128xf32, #tpu.memory_space<vmem>>) dst(%dma_wait3A_73 : memref<64x128xf32, #tpu.memory_space<vmem_shared>>)
      %dma_wait3A_78 = arith.constant 0 : i32
      %dma_wait3A_79 = arith.constant 0 : i32
      %dma_wait3A_80 = arith.constant 0 : i32
      %dma_wait3A_81 = tpu.memref_slice %arg10[%dma_wait3A_78, %dma_wait3A_79, %dma_wait3A_80] : memref<4x64x128xf32, #tpu.memory_space<vmem>> -> memref<1x64x128xf32, #tpu.memory_space<vmem>>
      %dma_wait3A_82 = tpu.memref_squeeze %dma_wait3A_81 : memref<1x64x128xf32, #tpu.memory_space<vmem>> -> memref<64x128xf32, #tpu.memory_space<vmem>>
      %dma_wait3A_83 = arith.constant 0 : i32
      %dma_wait3A_84 = arith.constant 0 : i32
      %dma_wait3A_85 = tpu.memref_slice %arg11[%dma_wait3A_83, %dma_wait3A_84] : memref<10248x128xf32, #tpu.memory_space<vmem_shared>> -> memref<64x128xf32, #tpu.memory_space<vmem_shared>>
      %dma_wait3A_86 = arith.constant 0 : i32
      %dma_wait3A_87 = arith.constant 0 : i32
      %dma_wait3A_88 = tpu.memref_slice %arg11[%dma_wait3A_86, %dma_wait3A_87] : memref<10248x128xf32, #tpu.memory_space<vmem_shared>> -> memref<64x128xf32, #tpu.memory_space<vmem_shared>>
      %dma_wait3A_89 = arith.constant 0 : i32
      %dma_wait3A_90 = arith.constant 0 : i32
      %dma_wait3A_91 = tpu.memref_slice %arg10[%dma_wait3A_78, %dma_wait3A_89, %dma_wait3A_90] : memref<4x64x128xf32, #tpu.memory_space<vmem>> -> memref<1x64x128xf32, #tpu.memory_space<vmem>>
      %dma_wait3A_92 = tpu.memref_squeeze %dma_wait3A_91 : memref<1x64x128xf32, #tpu.memory_space<vmem>> -> memref<64x128xf32, #tpu.memory_space<vmem>>
      tpu.wait_dma2 semaphore(%arg13 : memref<!tpu.dma_semaphore, #tpu.memory_space<semaphore_mem>>) src(%dma_wait3A_92 : memref<64x128xf32, #tpu.memory_space<vmem>>) dst(%dma_wait3A_88 : memref<64x128xf32, #tpu.memory_space<vmem_shared>>)
    } else {
    }
    %eq3A_13 = arith.constant 1 : i32
    %eq3A_14 = arith.cmpi eq, %arg0, %eq3A_13 : i32
    %convert_element_type3A_15 = arith.extui %eq3A_14 : i1 to i32
    %cond3A_16 = arith.constant 0 : i32
    %cond3A_17 = arith.cmpi ne, %convert_element_type3A_15, %cond3A_16 : i32
    scf.if %cond3A_17 {
      %scan3A = arith.constant 0 : i32
      %scan3A_29 = arith.constant 0 : i32
      %scan3A_30 = arith.constant 20 : i32
      %scan3A_31 = arith.addi %scan3A_29, %scan3A_30 : i32
      %scan3A_32 = arith.constant 1 : i32
      scf.for %scan3A_93 = %scan3A_29 to %scan3A_31 step %scan3A_32  : i32 {
        %jit3A = arith.constant 2 : i32
        %eq3A_94 = arith.constant 0 : i32
        %eq3A_95 = arith.cmpi eq, %jit3A, %eq3A_94 : i32
        %jit3A_96 = arith.constant 1 : i32
        %select_n3A = arith.select %eq3A_95, %jit3A_96, %jit3A : i32
        %rem3A = arith.remsi %scan3A_93, %select_n3A : i32
        %ne3A = arith.constant 0 : i32
        %ne3A_97 = arith.cmpi ne, %rem3A, %ne3A : i32
        %lt3A = arith.constant 0 : i32
        %lt3A_98 = arith.cmpi slt, %rem3A, %lt3A : i32
        %lt3A_99 = arith.constant 0 : i32
        %lt3A_100 = arith.cmpi slt, %select_n3A, %lt3A_99 : i32
        %ne3A_101 = arith.xori %lt3A_98, %lt3A_100 : i1
        %and3A = arith.andi %ne3A_101, %ne3A_97 : i1
        %add3A = arith.addi %rem3A, %select_n3A : i32
        %select_n3A_102 = arith.select %and3A, %add3A, %rem3A : i32
        %jit3A_103 = arith.constant 2 : i32
        %eq3A_104 = arith.constant 0 : i32
        %eq3A_105 = arith.cmpi eq, %jit3A_103, %eq3A_104 : i32
        %jit3A_106 = arith.constant 1 : i32
        %select_n3A_107 = arith.select %eq3A_105, %jit3A_106, %jit3A_103 : i32
        %rem3A_108 = arith.remsi %scan3A_93, %select_n3A_107 : i32
        %ne3A_109 = arith.constant 0 : i32
        %ne3A_110 = arith.cmpi ne, %rem3A_108, %ne3A_109 : i32
        %lt3A_111 = arith.constant 0 : i32
        %lt3A_112 = arith.cmpi slt, %rem3A_108, %lt3A_111 : i32
        %lt3A_113 = arith.constant 0 : i32
        %lt3A_114 = arith.cmpi slt, %select_n3A_107, %lt3A_113 : i32
        %ne3A_115 = arith.xori %lt3A_112, %lt3A_114 : i1
        %and3A_116 = arith.andi %ne3A_115, %ne3A_110 : i1
        %add3A_117 = arith.addi %rem3A_108, %select_n3A_107 : i32
        %select_n3A_118 = arith.select %and3A_116, %add3A_117, %rem3A_108 : i32
        %mul3A_119 = arith.constant 16 : i32
        %mul3A_120 = arith.muli %scan3A_93, %mul3A_119 : i32
        %add3A_121 = arith.constant 0 : i32
        %add3A_122 = arith.addi %add3A_121, %mul3A_120 : i32
        "tpu.region"() ({
          %run_scoped3A = tpu.sem_alloc : memref<!tpu.dma_semaphore, #tpu.memory_space<semaphore_mem>>
          %dma_start3A_172 = arith.constant 0 : i32
          %dma_start3A_173 = arith.constant 0 : i32
          %dma_start3A_174 = tpu.memref_slice %arg8[%select_n3A_118, %dma_start3A_172, %dma_start3A_173] : memref<2x16x64xi32, #tpu.memory_space<vmem>> -> memref<1x16x64xi32, #tpu.memory_space<vmem>>
          %dma_start3A_175 = tpu.memref_squeeze %dma_start3A_174 : memref<1x16x64xi32, #tpu.memory_space<vmem>> -> memref<16x64xi32, #tpu.memory_space<vmem>>
          %dma_start3A_176 = arith.constant 0 : i32
          %dma_start3A_177 = tpu.memref_slice %arg4[%arg1, %add3A_122, %dma_start3A_176] : memref<16x320x64xi32, #tpu.memory_space<hbm>> -> memref<1x16x64xi32, #tpu.memory_space<hbm>>
          %dma_start3A_178 = tpu.memref_squeeze %dma_start3A_177 : memref<1x16x64xi32, #tpu.memory_space<hbm>> -> memref<16x64xi32, #tpu.memory_space<hbm>>
          %dma_start3A_179 = arith.constant 0 : i32
          %dma_start3A_180 = arith.constant 0 : i32
          %dma_start3A_181 = tpu.memref_slice %arg8[%select_n3A_118, %dma_start3A_179, %dma_start3A_180] : memref<2x16x64xi32, #tpu.memory_space<vmem>> -> memref<1x16x64xi32, #tpu.memory_space<vmem>>
          %dma_start3A_182 = tpu.memref_squeeze %dma_start3A_181 : memref<1x16x64xi32, #tpu.memory_space<vmem>> -> memref<16x64xi32, #tpu.memory_space<vmem>>
          %dma_start3A_183 = arith.constant 0 : i32
          %dma_start3A_184 = tpu.memref_slice %arg4[%arg1, %add3A_122, %dma_start3A_183] : memref<16x320x64xi32, #tpu.memory_space<hbm>> -> memref<1x16x64xi32, #tpu.memory_space<hbm>>
          %dma_start3A_185 = tpu.memref_squeeze %dma_start3A_184 : memref<1x16x64xi32, #tpu.memory_space<hbm>> -> memref<16x64xi32, #tpu.memory_space<hbm>>
          tpu.enqueue_dma source(%dma_start3A_185 : memref<16x64xi32, #tpu.memory_space<hbm>>) target(%dma_start3A_182 : memref<16x64xi32, #tpu.memory_space<vmem>>) target_semaphore(%run_scoped3A : memref<!tpu.dma_semaphore, #tpu.memory_space<semaphore_mem>>)
          %dma_wait3A_186 = arith.constant 0 : i32
          %dma_wait3A_187 = arith.constant 0 : i32
          %dma_wait3A_188 = tpu.memref_slice %arg8[%select_n3A_118, %dma_wait3A_186, %dma_wait3A_187] : memref<2x16x64xi32, #tpu.memory_space<vmem>> -> memref<1x16x64xi32, #tpu.memory_space<vmem>>
          %dma_wait3A_189 = tpu.memref_squeeze %dma_wait3A_188 : memref<1x16x64xi32, #tpu.memory_space<vmem>> -> memref<16x64xi32, #tpu.memory_space<vmem>>
          %dma_wait3A_190 = arith.constant 0 : i32
          %dma_wait3A_191 = tpu.memref_slice %arg4[%arg1, %add3A_122, %dma_wait3A_190] : memref<16x320x64xi32, #tpu.memory_space<hbm>> -> memref<1x16x64xi32, #tpu.memory_space<hbm>>
          %dma_wait3A_192 = tpu.memref_squeeze %dma_wait3A_191 : memref<1x16x64xi32, #tpu.memory_space<hbm>> -> memref<16x64xi32, #tpu.memory_space<hbm>>
          %dma_wait3A_193 = arith.constant 0 : i32
          %dma_wait3A_194 = arith.constant 0 : i32
          %dma_wait3A_195 = tpu.memref_slice %arg8[%select_n3A_118, %dma_wait3A_193, %dma_wait3A_194] : memref<2x16x64xi32, #tpu.memory_space<vmem>> -> memref<1x16x64xi32, #tpu.memory_space<vmem>>
          %dma_wait3A_196 = tpu.memref_squeeze %dma_wait3A_195 : memref<1x16x64xi32, #tpu.memory_space<vmem>> -> memref<16x64xi32, #tpu.memory_space<vmem>>
          %dma_wait3A_197 = arith.constant 0 : i32
          %dma_wait3A_198 = tpu.memref_slice %arg4[%arg1, %add3A_122, %dma_wait3A_197] : memref<16x320x64xi32, #tpu.memory_space<hbm>> -> memref<1x16x64xi32, #tpu.memory_space<hbm>>
          %dma_wait3A_199 = tpu.memref_squeeze %dma_wait3A_198 : memref<1x16x64xi32, #tpu.memory_space<hbm>> -> memref<16x64xi32, #tpu.memory_space<hbm>>
          tpu.wait_dma2 semaphore(%run_scoped3A : memref<!tpu.dma_semaphore, #tpu.memory_space<semaphore_mem>>) src(%dma_wait3A_199 : memref<16x64xi32, #tpu.memory_space<hbm>>) dst(%dma_wait3A_196 : memref<16x64xi32, #tpu.memory_space<vmem>>)
          tpu.yield
        }) : () -> ()
        %mul3A_123 = arith.constant 16 : i32
        %mul3A_124 = arith.muli %scan3A_93, %mul3A_123 : i32
        %add3A_125 = arith.constant 0 : i32
        %add3A_126 = arith.addi %add3A_125, %mul3A_124 : i32
        "tpu.region"() ({
          %run_scoped3A = tpu.sem_alloc : memref<!tpu.dma_semaphore, #tpu.memory_space<semaphore_mem>>
          %dma_start3A_172 = arith.constant 0 : i32
          %dma_start3A_173 = arith.constant 0 : i32
          %dma_start3A_174 = tpu.memref_slice %arg9[%select_n3A_118, %dma_start3A_172, %dma_start3A_173] : memref<2x16x64xi32, #tpu.memory_space<vmem>> -> memref<1x16x64xi32, #tpu.memory_space<vmem>>
          %dma_start3A_175 = tpu.memref_squeeze %dma_start3A_174 : memref<1x16x64xi32, #tpu.memory_space<vmem>> -> memref<16x64xi32, #tpu.memory_space<vmem>>
          %dma_start3A_176 = arith.constant 0 : i32
          %dma_start3A_177 = tpu.memref_slice %arg5[%arg1, %add3A_126, %dma_start3A_176] : memref<16x320x64xi32, #tpu.memory_space<hbm>> -> memref<1x16x64xi32, #tpu.memory_space<hbm>>
          %dma_start3A_178 = tpu.memref_squeeze %dma_start3A_177 : memref<1x16x64xi32, #tpu.memory_space<hbm>> -> memref<16x64xi32, #tpu.memory_space<hbm>>
          %dma_start3A_179 = arith.constant 0 : i32
          %dma_start3A_180 = arith.constant 0 : i32
          %dma_start3A_181 = tpu.memref_slice %arg9[%select_n3A_118, %dma_start3A_179, %dma_start3A_180] : memref<2x16x64xi32, #tpu.memory_space<vmem>> -> memref<1x16x64xi32, #tpu.memory_space<vmem>>
          %dma_start3A_182 = tpu.memref_squeeze %dma_start3A_181 : memref<1x16x64xi32, #tpu.memory_space<vmem>> -> memref<16x64xi32, #tpu.memory_space<vmem>>
          %dma_start3A_183 = arith.constant 0 : i32
          %dma_start3A_184 = tpu.memref_slice %arg5[%arg1, %add3A_126, %dma_start3A_183] : memref<16x320x64xi32, #tpu.memory_space<hbm>> -> memref<1x16x64xi32, #tpu.memory_space<hbm>>
          %dma_start3A_185 = tpu.memref_squeeze %dma_start3A_184 : memref<1x16x64xi32, #tpu.memory_space<hbm>> -> memref<16x64xi32, #tpu.memory_space<hbm>>
          tpu.enqueue_dma source(%dma_start3A_185 : memref<16x64xi32, #tpu.memory_space<hbm>>) target(%dma_start3A_182 : memref<16x64xi32, #tpu.memory_space<vmem>>) target_semaphore(%run_scoped3A : memref<!tpu.dma_semaphore, #tpu.memory_space<semaphore_mem>>)
          %dma_wait3A_186 = arith.constant 0 : i32
          %dma_wait3A_187 = arith.constant 0 : i32
          %dma_wait3A_188 = tpu.memref_slice %arg9[%select_n3A_118, %dma_wait3A_186, %dma_wait3A_187] : memref<2x16x64xi32, #tpu.memory_space<vmem>> -> memref<1x16x64xi32, #tpu.memory_space<vmem>>
          %dma_wait3A_189 = tpu.memref_squeeze %dma_wait3A_188 : memref<1x16x64xi32, #tpu.memory_space<vmem>> -> memref<16x64xi32, #tpu.memory_space<vmem>>
          %dma_wait3A_190 = arith.constant 0 : i32
          %dma_wait3A_191 = tpu.memref_slice %arg5[%arg1, %add3A_126, %dma_wait3A_190] : memref<16x320x64xi32, #tpu.memory_space<hbm>> -> memref<1x16x64xi32, #tpu.memory_space<hbm>>
          %dma_wait3A_192 = tpu.memref_squeeze %dma_wait3A_191 : memref<1x16x64xi32, #tpu.memory_space<hbm>> -> memref<16x64xi32, #tpu.memory_space<hbm>>
          %dma_wait3A_193 = arith.constant 0 : i32
          %dma_wait3A_194 = arith.constant 0 : i32
          %dma_wait3A_195 = tpu.memref_slice %arg9[%select_n3A_118, %dma_wait3A_193, %dma_wait3A_194] : memref<2x16x64xi32, #tpu.memory_space<vmem>> -> memref<1x16x64xi32, #tpu.memory_space<vmem>>
          %dma_wait3A_196 = tpu.memref_squeeze %dma_wait3A_195 : memref<1x16x64xi32, #tpu.memory_space<vmem>> -> memref<16x64xi32, #tpu.memory_space<vmem>>
          %dma_wait3A_197 = arith.constant 0 : i32
          %dma_wait3A_198 = tpu.memref_slice %arg5[%arg1, %add3A_126, %dma_wait3A_197] : memref<16x320x64xi32, #tpu.memory_space<hbm>> -> memref<1x16x64xi32, #tpu.memory_space<hbm>>
          %dma_wait3A_199 = tpu.memref_squeeze %dma_wait3A_198 : memref<1x16x64xi32, #tpu.memory_space<hbm>> -> memref<16x64xi32, #tpu.memory_space<hbm>>
          tpu.wait_dma2 semaphore(%run_scoped3A : memref<!tpu.dma_semaphore, #tpu.memory_space<semaphore_mem>>) src(%dma_wait3A_199 : memref<16x64xi32, #tpu.memory_space<hbm>>) dst(%dma_wait3A_196 : memref<16x64xi32, #tpu.memory_space<vmem>>)
          tpu.yield
        }) : () -> ()
        %gt3A = arith.constant 0 : i32
        %gt3A_127 = arith.cmpi sgt, %scan3A_93, %gt3A : i32
        %convert_element_type3A_128 = arith.extui %gt3A_127 : i1 to i32
        %cond3A_129 = arith.constant 0 : i32
        %cond3A_130 = arith.cmpi ne, %convert_element_type3A_128, %cond3A_129 : i32
        scf.if %cond3A_130 {
          %dma_wait3A_172 = arith.constant 0 : i32
          %dma_wait3A_173 = arith.constant 0 : i32
          %dma_wait3A_174 = arith.constant 0 : i32
          %dma_wait3A_175 = tpu.memref_slice %arg10[%dma_wait3A_172, %dma_wait3A_173, %dma_wait3A_174] : memref<4x64x128xf32, #tpu.memory_space<vmem>> -> memref<1x64x128xf32, #tpu.memory_space<vmem>>
          %dma_wait3A_176 = tpu.memref_squeeze %dma_wait3A_175 : memref<1x64x128xf32, #tpu.memory_space<vmem>> -> memref<64x128xf32, #tpu.memory_space<vmem>>
          %dma_wait3A_177 = arith.constant 0 : i32
          %dma_wait3A_178 = arith.constant 0 : i32
          %dma_wait3A_179 = tpu.memref_slice %arg11[%dma_wait3A_177, %dma_wait3A_178] : memref<10248x128xf32, #tpu.memory_space<vmem_shared>> -> memref<64x128xf32, #tpu.memory_space<vmem_shared>>
          %dma_wait3A_180 = arith.constant 0 : i32
          %dma_wait3A_181 = arith.constant 0 : i32
          %dma_wait3A_182 = tpu.memref_slice %arg11[%dma_wait3A_180, %dma_wait3A_181] : memref<10248x128xf32, #tpu.memory_space<vmem_shared>> -> memref<64x128xf32, #tpu.memory_space<vmem_shared>>
          %dma_wait3A_183 = arith.constant 0 : i32
          %dma_wait3A_184 = arith.constant 0 : i32
          %dma_wait3A_185 = tpu.memref_slice %arg10[%dma_wait3A_172, %dma_wait3A_183, %dma_wait3A_184] : memref<4x64x128xf32, #tpu.memory_space<vmem>> -> memref<1x64x128xf32, #tpu.memory_space<vmem>>
          %dma_wait3A_186 = tpu.memref_squeeze %dma_wait3A_185 : memref<1x64x128xf32, #tpu.memory_space<vmem>> -> memref<64x128xf32, #tpu.memory_space<vmem>>
          tpu.wait_dma2 semaphore(%arg13 : memref<!tpu.dma_semaphore, #tpu.memory_space<semaphore_mem>>) src(%dma_wait3A_186 : memref<64x128xf32, #tpu.memory_space<vmem>>) dst(%dma_wait3A_182 : memref<64x128xf32, #tpu.memory_space<vmem_shared>>)
          %dma_wait3A_187 = arith.constant 0 : i32
          %dma_wait3A_188 = arith.constant 0 : i32
          %dma_wait3A_189 = arith.constant 0 : i32
          %dma_wait3A_190 = tpu.memref_slice %arg10[%dma_wait3A_187, %dma_wait3A_188, %dma_wait3A_189] : memref<4x64x128xf32, #tpu.memory_space<vmem>> -> memref<1x64x128xf32, #tpu.memory_space<vmem>>
          %dma_wait3A_191 = tpu.memref_squeeze %dma_wait3A_190 : memref<1x64x128xf32, #tpu.memory_space<vmem>> -> memref<64x128xf32, #tpu.memory_space<vmem>>
          %dma_wait3A_192 = arith.constant 0 : i32
          %dma_wait3A_193 = arith.constant 0 : i32
          %dma_wait3A_194 = tpu.memref_slice %arg11[%dma_wait3A_192, %dma_wait3A_193] : memref<10248x128xf32, #tpu.memory_space<vmem_shared>> -> memref<64x128xf32, #tpu.memory_space<vmem_shared>>
          %dma_wait3A_195 = arith.constant 0 : i32
          %dma_wait3A_196 = arith.constant 0 : i32
          %dma_wait3A_197 = tpu.memref_slice %arg11[%dma_wait3A_195, %dma_wait3A_196] : memref<10248x128xf32, #tpu.memory_space<vmem_shared>> -> memref<64x128xf32, #tpu.memory_space<vmem_shared>>
          %dma_wait3A_198 = arith.constant 0 : i32
          %dma_wait3A_199 = arith.constant 0 : i32
          %dma_wait3A_200 = tpu.memref_slice %arg10[%dma_wait3A_187, %dma_wait3A_198, %dma_wait3A_199] : memref<4x64x128xf32, #tpu.memory_space<vmem>> -> memref<1x64x128xf32, #tpu.memory_space<vmem>>
          %dma_wait3A_201 = tpu.memref_squeeze %dma_wait3A_200 : memref<1x64x128xf32, #tpu.memory_space<vmem>> -> memref<64x128xf32, #tpu.memory_space<vmem>>
          tpu.wait_dma2 semaphore(%arg13 : memref<!tpu.dma_semaphore, #tpu.memory_space<semaphore_mem>>) src(%dma_wait3A_201 : memref<64x128xf32, #tpu.memory_space<vmem>>) dst(%dma_wait3A_197 : memref<64x128xf32, #tpu.memory_space<vmem_shared>>)
          %dma_wait3A_202 = arith.constant 0 : i32
          %dma_wait3A_203 = arith.constant 0 : i32
          %dma_wait3A_204 = arith.constant 0 : i32
          %dma_wait3A_205 = tpu.memref_slice %arg10[%dma_wait3A_202, %dma_wait3A_203, %dma_wait3A_204] : memref<4x64x128xf32, #tpu.memory_space<vmem>> -> memref<1x64x128xf32, #tpu.memory_space<vmem>>
          %dma_wait3A_206 = tpu.memref_squeeze %dma_wait3A_205 : memref<1x64x128xf32, #tpu.memory_space<vmem>> -> memref<64x128xf32, #tpu.memory_space<vmem>>
          %dma_wait3A_207 = arith.constant 0 : i32
          %dma_wait3A_208 = arith.constant 0 : i32
          %dma_wait3A_209 = tpu.memref_slice %arg11[%dma_wait3A_207, %dma_wait3A_208] : memref<10248x128xf32, #tpu.memory_space<vmem_shared>> -> memref<64x128xf32, #tpu.memory_space<vmem_shared>>
          %dma_wait3A_210 = arith.constant 0 : i32
          %dma_wait3A_211 = arith.constant 0 : i32
          %dma_wait3A_212 = tpu.memref_slice %arg11[%dma_wait3A_210, %dma_wait3A_211] : memref<10248x128xf32, #tpu.memory_space<vmem_shared>> -> memref<64x128xf32, #tpu.memory_space<vmem_shared>>
          %dma_wait3A_213 = arith.constant 0 : i32
          %dma_wait3A_214 = arith.constant 0 : i32
          %dma_wait3A_215 = tpu.memref_slice %arg10[%dma_wait3A_202, %dma_wait3A_213, %dma_wait3A_214] : memref<4x64x128xf32, #tpu.memory_space<vmem>> -> memref<1x64x128xf32, #tpu.memory_space<vmem>>
          %dma_wait3A_216 = tpu.memref_squeeze %dma_wait3A_215 : memref<1x64x128xf32, #tpu.memory_space<vmem>> -> memref<64x128xf32, #tpu.memory_space<vmem>>
          tpu.wait_dma2 semaphore(%arg13 : memref<!tpu.dma_semaphore, #tpu.memory_space<semaphore_mem>>) src(%dma_wait3A_216 : memref<64x128xf32, #tpu.memory_space<vmem>>) dst(%dma_wait3A_212 : memref<64x128xf32, #tpu.memory_space<vmem_shared>>)
        } else {
        }
        %dma_start3A = arith.constant 0 : i32
        %dma_start3A_131 = arith.constant 0 : i32
        %dma_start3A_132 = arith.constant 0 : i32
        %dma_start3A_133 = arith.constant 0 : i32
        %dma_start3A_134 = tpu.memref_slice %arg10[%dma_start3A_131, %dma_start3A_132, %dma_start3A_133] : memref<4x64x128xf32, #tpu.memory_space<vmem>> -> memref<1x64x128xf32, #tpu.memory_space<vmem>>
        %dma_start3A_135 = tpu.memref_squeeze %dma_start3A_134 : memref<1x64x128xf32, #tpu.memory_space<vmem>> -> memref<64x128xf32, #tpu.memory_space<vmem>>
        %dma_start3A_136 = arith.constant 0 : i32
        %dma_start3A_137 = tpu.memref_slice %arg8[%select_n3A_102, %dma_start3A, %dma_start3A_136] : memref<2x16x64xi32, #tpu.memory_space<vmem>> -> memref<1x1x64xi32, #tpu.memory_space<vmem>>
        %dma_start3A_138 = tpu.memref_squeeze %dma_start3A_137 : memref<1x1x64xi32, #tpu.memory_space<vmem>> -> memref<64xi32, #tpu.memory_space<vmem>>
        %dma_start3A_139 = arith.constant 0 : i32
        %dma_start3A_140 = arith.constant 0 : i32
        %dma_start3A_141 = tpu.memref_slice %arg3[%dma_start3A_139, %dma_start3A_140] : memref<10240x128xf32, #tpu.memory_space<hbm>> -> memref<10240x128xf32, #tpu.memory_space<hbm>>
        tpu.enqueue_indirect_dma source(%dma_start3A_141 : memref<10240x128xf32, #tpu.memory_space<hbm>>) target(%dma_start3A_135 : memref<64x128xf32, #tpu.memory_space<vmem>>) offsets(%dma_start3A_138 : memref<64xi32, #tpu.memory_space<vmem>>) semaphore(%arg12 : memref<!tpu.dma_semaphore, #tpu.memory_space<semaphore_mem>>)
        %dma_start3A_142 = arith.constant 1 : i32
        %dma_start3A_143 = arith.constant 1 : i32
        %dma_start3A_144 = arith.constant 0 : i32
        %dma_start3A_145 = arith.constant 0 : i32
        %dma_start3A_146 = tpu.memref_slice %arg10[%dma_start3A_143, %dma_start3A_144, %dma_start3A_145] : memref<4x64x128xf32, #tpu.memory_space<vmem>> -> memref<1x64x128xf32, #tpu.memory_space<vmem>>
        %dma_start3A_147 = tpu.memref_squeeze %dma_start3A_146 : memref<1x64x128xf32, #tpu.memory_space<vmem>> -> memref<64x128xf32, #tpu.memory_space<vmem>>
        %dma_start3A_148 = arith.constant 0 : i32
        %dma_start3A_149 = tpu.memref_slice %arg8[%select_n3A_102, %dma_start3A_142, %dma_start3A_148] : memref<2x16x64xi32, #tpu.memory_space<vmem>> -> memref<1x1x64xi32, #tpu.memory_space<vmem>>
        %dma_start3A_150 = tpu.memref_squeeze %dma_start3A_149 : memref<1x1x64xi32, #tpu.memory_space<vmem>> -> memref<64xi32, #tpu.memory_space<vmem>>
        %dma_start3A_151 = arith.constant 0 : i32
        %dma_start3A_152 = arith.constant 0 : i32
        %dma_start3A_153 = tpu.memref_slice %arg3[%dma_start3A_151, %dma_start3A_152] : memref<10240x128xf32, #tpu.memory_space<hbm>> -> memref<10240x128xf32, #tpu.memory_space<hbm>>
        tpu.enqueue_indirect_dma source(%dma_start3A_153 : memref<10240x128xf32, #tpu.memory_space<hbm>>) target(%dma_start3A_147 : memref<64x128xf32, #tpu.memory_space<vmem>>) offsets(%dma_start3A_150 : memref<64xi32, #tpu.memory_space<vmem>>) semaphore(%arg12 : memref<!tpu.dma_semaphore, #tpu.memory_space<semaphore_mem>>)
        %dma_start3A_154 = arith.constant 2 : i32
        %dma_start3A_155 = arith.constant 2 : i32
        %dma_start3A_156 = arith.constant 0 : i32
        %dma_start3A_157 = arith.constant 0 : i32
        %dma_start3A_158 = tpu.memref_slice %arg10[%dma_start3A_155, %dma_start3A_156, %dma_start3A_157] : memref<4x64x128xf32, #tpu.memory_space<vmem>> -> memref<1x64x128xf32, #tpu.memory_space<vmem>>
        %dma_start3A_159 = tpu.memref_squeeze %dma_start3A_158 : memref<1x64x128xf32, #tpu.memory_space<vmem>> -> memref<64x128xf32, #tpu.memory_space<vmem>>
        %dma_start3A_160 = arith.constant 0 : i32
        %dma_start3A_161 = tpu.memref_slice %arg8[%select_n3A_102, %dma_start3A_154, %dma_start3A_160] : memref<2x16x64xi32, #tpu.memory_space<vmem>> -> memref<1x1x64xi32, #tpu.memory_space<vmem>>
        %dma_start3A_162 = tpu.memref_squeeze %dma_start3A_161 : memref<1x1x64xi32, #tpu.memory_space<vmem>> -> memref<64xi32, #tpu.memory_space<vmem>>
        %dma_start3A_163 = arith.constant 0 : i32
        %dma_start3A_164 = arith.constant 0 : i32
        %dma_start3A_165 = tpu.memref_slice %arg3[%dma_start3A_163, %dma_start3A_164] : memref<10240x128xf32, #tpu.memory_space<hbm>> -> memref<10240x128xf32, #tpu.memory_space<hbm>>
        tpu.enqueue_indirect_dma source(%dma_start3A_165 : memref<10240x128xf32, #tpu.memory_space<hbm>>) target(%dma_start3A_159 : memref<64x128xf32, #tpu.memory_space<vmem>>) offsets(%dma_start3A_162 : memref<64xi32, #tpu.memory_space<vmem>>) semaphore(%arg12 : memref<!tpu.dma_semaphore, #tpu.memory_space<semaphore_mem>>)
        %scan3A_166 = arith.constant 0 : i32
        %scan3A_167 = arith.constant 0 : i32
        %scan3A_168 = arith.constant 16 : i32
        %scan3A_169 = arith.addi %scan3A_167, %scan3A_168 : i32
        %scan3A_170 = arith.constant 1 : i32
        scf.for %scan3A_172 = %scan3A_167 to %scan3A_169 step %scan3A_170  : i32 {
          %jit3A_173 = arith.constant 4 : i32
          %eq3A_174 = arith.constant 0 : i32
          %eq3A_175 = arith.cmpi eq, %jit3A_173, %eq3A_174 : i32
          %jit3A_176 = arith.constant 1 : i32
          %select_n3A_177 = arith.select %eq3A_175, %jit3A_176, %jit3A_173 : i32
          %rem3A_178 = arith.remsi %scan3A_172, %select_n3A_177 : i32
          %ne3A_179 = arith.constant 0 : i32
          %ne3A_180 = arith.cmpi ne, %rem3A_178, %ne3A_179 : i32
          %lt3A_181 = arith.constant 0 : i32
          %lt3A_182 = arith.cmpi slt, %rem3A_178, %lt3A_181 : i32
          %lt3A_183 = arith.constant 0 : i32
          %lt3A_184 = arith.cmpi slt, %select_n3A_177, %lt3A_183 : i32
          %ne3A_185 = arith.xori %lt3A_182, %lt3A_184 : i1
          %and3A_186 = arith.andi %ne3A_185, %ne3A_180 : i1
          %add3A_187 = arith.addi %rem3A_178, %select_n3A_177 : i32
          %select_n3A_188 = arith.select %and3A_186, %add3A_187, %rem3A_178 : i32
          %dma_wait3A_189 = arith.constant 0 : i32
          %dma_wait3A_190 = arith.constant 0 : i32
          %dma_wait3A_191 = tpu.memref_slice %arg10[%select_n3A_188, %dma_wait3A_189, %dma_wait3A_190] : memref<4x64x128xf32, #tpu.memory_space<vmem>> -> memref<1x64x128xf32, #tpu.memory_space<vmem>>
          %dma_wait3A_192 = tpu.memref_squeeze %dma_wait3A_191 : memref<1x64x128xf32, #tpu.memory_space<vmem>> -> memref<64x128xf32, #tpu.memory_space<vmem>>
          %dma_wait3A_193 = arith.constant 0 : i32
          %dma_wait3A_194 = arith.constant 0 : i32
          %dma_wait3A_195 = tpu.memref_slice %arg3[%dma_wait3A_193, %dma_wait3A_194] : memref<10240x128xf32, #tpu.memory_space<hbm>> -> memref<64x128xf32, #tpu.memory_space<hbm>>
          %dma_wait3A_196 = arith.constant 0 : i32
          %dma_wait3A_197 = arith.constant 0 : i32
          %dma_wait3A_198 = tpu.memref_slice %arg10[%select_n3A_188, %dma_wait3A_196, %dma_wait3A_197] : memref<4x64x128xf32, #tpu.memory_space<vmem>> -> memref<1x64x128xf32, #tpu.memory_space<vmem>>
          %dma_wait3A_199 = tpu.memref_squeeze %dma_wait3A_198 : memref<1x64x128xf32, #tpu.memory_space<vmem>> -> memref<64x128xf32, #tpu.memory_space<vmem>>
          %dma_wait3A_200 = arith.constant 0 : i32
          %dma_wait3A_201 = arith.constant 0 : i32
          %dma_wait3A_202 = tpu.memref_slice %arg3[%dma_wait3A_200, %dma_wait3A_201] : memref<10240x128xf32, #tpu.memory_space<hbm>> -> memref<64x128xf32, #tpu.memory_space<hbm>>
          tpu.wait_dma2 semaphore(%arg12 : memref<!tpu.dma_semaphore, #tpu.memory_space<semaphore_mem>>) src(%dma_wait3A_202 : memref<64x128xf32, #tpu.memory_space<hbm>>) dst(%dma_wait3A_199 : memref<64x128xf32, #tpu.memory_space<vmem>>)
          %dma_start3A_203 = arith.constant 0 : i32
          %dma_start3A_204 = arith.constant 0 : i32
          %dma_start3A_205 = tpu.memref_slice %arg10[%select_n3A_188, %dma_start3A_203, %dma_start3A_204] : memref<4x64x128xf32, #tpu.memory_space<vmem>> -> memref<1x64x128xf32, #tpu.memory_space<vmem>>
          %dma_start3A_206 = tpu.memref_squeeze %dma_start3A_205 : memref<1x64x128xf32, #tpu.memory_space<vmem>> -> memref<64x128xf32, #tpu.memory_space<vmem>>
          %dma_start3A_207 = arith.constant 0 : i32
          %dma_start3A_208 = tpu.memref_slice %arg9[%select_n3A_102, %scan3A_172, %dma_start3A_207] : memref<2x16x64xi32, #tpu.memory_space<vmem>> -> memref<1x1x64xi32, #tpu.memory_space<vmem>>
          %dma_start3A_209 = tpu.memref_squeeze %dma_start3A_208 : memref<1x1x64xi32, #tpu.memory_space<vmem>> -> memref<64xi32, #tpu.memory_space<vmem>>
          %dma_start3A_210 = arith.constant 0 : i32
          %dma_start3A_211 = arith.constant 0 : i32
          %dma_start3A_212 = tpu.memref_slice %arg11[%dma_start3A_210, %dma_start3A_211] : memref<10248x128xf32, #tpu.memory_space<vmem_shared>> -> memref<10248x128xf32, #tpu.memory_space<vmem_shared>>
          tpu.enqueue_indirect_dma source(%dma_start3A_206 : memref<64x128xf32, #tpu.memory_space<vmem>>) target(%dma_start3A_212 : memref<10248x128xf32, #tpu.memory_space<vmem_shared>>) offsets(%dma_start3A_209 : memref<64xi32, #tpu.memory_space<vmem>>) semaphore(%arg13 : memref<!tpu.dma_semaphore, #tpu.memory_space<semaphore_mem>>) {add = true}
          %add3A_213 = arith.constant 3 : i32
          %add3A_214 = arith.addi %scan3A_172, %add3A_213 : i32
          %lt3A_215 = arith.constant 16 : i32
          %lt3A_216 = arith.cmpi slt, %add3A_214, %lt3A_215 : i32
          %convert_element_type3A_217 = arith.extui %lt3A_216 : i1 to i32
          %cond3A_218 = arith.constant 0 : i32
          %cond3A_219 = arith.cmpi ne, %convert_element_type3A_217, %cond3A_218 : i32
          scf.if %cond3A_219 {
            %ge3A = arith.constant 1 : i32
            %ge3A_220 = arith.cmpi sge, %scan3A_172, %ge3A : i32
            %gt3A_221 = arith.constant 0 : i32
            %gt3A_222 = arith.cmpi sgt, %scan3A_93, %gt3A_221 : i32
            %or3A = arith.ori %ge3A_220, %gt3A_222 : i1
            %convert_element_type3A_223 = arith.extui %or3A : i1 to i32
            %cond3A_224 = arith.constant 0 : i32
            %cond3A_225 = arith.cmpi ne, %convert_element_type3A_223, %cond3A_224 : i32
            scf.if %cond3A_225 {
              %dma_wait3A_256 = arith.constant 0 : i32
              %dma_wait3A_257 = arith.constant 0 : i32
              %dma_wait3A_258 = arith.constant 0 : i32
              %dma_wait3A_259 = tpu.memref_slice %arg10[%dma_wait3A_256, %dma_wait3A_257, %dma_wait3A_258] : memref<4x64x128xf32, #tpu.memory_space<vmem>> -> memref<1x64x128xf32, #tpu.memory_space<vmem>>
              %dma_wait3A_260 = tpu.memref_squeeze %dma_wait3A_259 : memref<1x64x128xf32, #tpu.memory_space<vmem>> -> memref<64x128xf32, #tpu.memory_space<vmem>>
              %dma_wait3A_261 = arith.constant 0 : i32
              %dma_wait3A_262 = arith.constant 0 : i32
              %dma_wait3A_263 = tpu.memref_slice %arg11[%dma_wait3A_261, %dma_wait3A_262] : memref<10248x128xf32, #tpu.memory_space<vmem_shared>> -> memref<64x128xf32, #tpu.memory_space<vmem_shared>>
              %dma_wait3A_264 = arith.constant 0 : i32
              %dma_wait3A_265 = arith.constant 0 : i32
              %dma_wait3A_266 = tpu.memref_slice %arg11[%dma_wait3A_264, %dma_wait3A_265] : memref<10248x128xf32, #tpu.memory_space<vmem_shared>> -> memref<64x128xf32, #tpu.memory_space<vmem_shared>>
              %dma_wait3A_267 = arith.constant 0 : i32
              %dma_wait3A_268 = arith.constant 0 : i32
              %dma_wait3A_269 = tpu.memref_slice %arg10[%dma_wait3A_256, %dma_wait3A_267, %dma_wait3A_268] : memref<4x64x128xf32, #tpu.memory_space<vmem>> -> memref<1x64x128xf32, #tpu.memory_space<vmem>>
              %dma_wait3A_270 = tpu.memref_squeeze %dma_wait3A_269 : memref<1x64x128xf32, #tpu.memory_space<vmem>> -> memref<64x128xf32, #tpu.memory_space<vmem>>
              tpu.wait_dma2 semaphore(%arg13 : memref<!tpu.dma_semaphore, #tpu.memory_space<semaphore_mem>>) src(%dma_wait3A_270 : memref<64x128xf32, #tpu.memory_space<vmem>>) dst(%dma_wait3A_266 : memref<64x128xf32, #tpu.memory_space<vmem_shared>>)
            } else {
            }
            %add3A_226 = arith.constant 3 : i32
            %add3A_227 = arith.addi %scan3A_172, %add3A_226 : i32
            %add3A_228 = arith.constant 3 : i32
            %add3A_229 = arith.addi %scan3A_172, %add3A_228 : i32
            %jit3A_230 = arith.constant 4 : i32
            %eq3A_231 = arith.constant 0 : i32
            %eq3A_232 = arith.cmpi eq, %jit3A_230, %eq3A_231 : i32
            %jit3A_233 = arith.constant 1 : i32
            %select_n3A_234 = arith.select %eq3A_232, %jit3A_233, %jit3A_230 : i32
            %rem3A_235 = arith.remsi %add3A_229, %select_n3A_234 : i32
            %ne3A_236 = arith.constant 0 : i32
            %ne3A_237 = arith.cmpi ne, %rem3A_235, %ne3A_236 : i32
            %lt3A_238 = arith.constant 0 : i32
            %lt3A_239 = arith.cmpi slt, %rem3A_235, %lt3A_238 : i32
            %lt3A_240 = arith.constant 0 : i32
            %lt3A_241 = arith.cmpi slt, %select_n3A_234, %lt3A_240 : i32
            %ne3A_242 = arith.xori %lt3A_239, %lt3A_241 : i1
            %and3A_243 = arith.andi %ne3A_242, %ne3A_237 : i1
            %add3A_244 = arith.addi %rem3A_235, %select_n3A_234 : i32
            %select_n3A_245 = arith.select %and3A_243, %add3A_244, %rem3A_235 : i32
            %dma_start3A_246 = arith.constant 0 : i32
            %dma_start3A_247 = arith.constant 0 : i32
            %dma_start3A_248 = tpu.memref_slice %arg10[%select_n3A_245, %dma_start3A_246, %dma_start3A_247] : memref<4x64x128xf32, #tpu.memory_space<vmem>> -> memref<1x64x128xf32, #tpu.memory_space<vmem>>
            %dma_start3A_249 = tpu.memref_squeeze %dma_start3A_248 : memref<1x64x128xf32, #tpu.memory_space<vmem>> -> memref<64x128xf32, #tpu.memory_space<vmem>>
            %dma_start3A_250 = arith.constant 0 : i32
            %dma_start3A_251 = tpu.memref_slice %arg8[%select_n3A_102, %add3A_227, %dma_start3A_250] : memref<2x16x64xi32, #tpu.memory_space<vmem>> -> memref<1x1x64xi32, #tpu.memory_space<vmem>>
            %dma_start3A_252 = tpu.memref_squeeze %dma_start3A_251 : memref<1x1x64xi32, #tpu.memory_space<vmem>> -> memref<64xi32, #tpu.memory_space<vmem>>
            %dma_start3A_253 = arith.constant 0 : i32
            %dma_start3A_254 = arith.constant 0 : i32
            %dma_start3A_255 = tpu.memref_slice %arg3[%dma_start3A_253, %dma_start3A_254] : memref<10240x128xf32, #tpu.memory_space<hbm>> -> memref<10240x128xf32, #tpu.memory_space<hbm>>
            tpu.enqueue_indirect_dma source(%dma_start3A_255 : memref<10240x128xf32, #tpu.memory_space<hbm>>) target(%dma_start3A_249 : memref<64x128xf32, #tpu.memory_space<vmem>>) offsets(%dma_start3A_252 : memref<64xi32, #tpu.memory_space<vmem>>) semaphore(%arg12 : memref<!tpu.dma_semaphore, #tpu.memory_space<semaphore_mem>>)
          } else {
          }
        }
        %scan3A_171 = arith.constant 16 : i32
      }
      %scan3A_33 = arith.constant 20 : i32
      %dma_wait3A = arith.constant 0 : i32
      %dma_wait3A_34 = arith.constant 0 : i32
      %dma_wait3A_35 = arith.constant 0 : i32
      %dma_wait3A_36 = tpu.memref_slice %arg10[%dma_wait3A, %dma_wait3A_34, %dma_wait3A_35] : memref<4x64x128xf32, #tpu.memory_space<vmem>> -> memref<1x64x128xf32, #tpu.memory_space<vmem>>
      %dma_wait3A_37 = tpu.memref_squeeze %dma_wait3A_36 : memref<1x64x128xf32, #tpu.memory_space<vmem>> -> memref<64x128xf32, #tpu.memory_space<vmem>>
      %dma_wait3A_38 = arith.constant 0 : i32
      %dma_wait3A_39 = arith.constant 0 : i32
      %dma_wait3A_40 = tpu.memref_slice %arg11[%dma_wait3A_38, %dma_wait3A_39] : memref<10248x128xf32, #tpu.memory_space<vmem_shared>> -> memref<64x128xf32, #tpu.memory_space<vmem_shared>>
      %dma_wait3A_41 = arith.constant 0 : i32
      %dma_wait3A_42 = arith.constant 0 : i32
      %dma_wait3A_43 = tpu.memref_slice %arg11[%dma_wait3A_41, %dma_wait3A_42] : memref<10248x128xf32, #tpu.memory_space<vmem_shared>> -> memref<64x128xf32, #tpu.memory_space<vmem_shared>>
      %dma_wait3A_44 = arith.constant 0 : i32
      %dma_wait3A_45 = arith.constant 0 : i32
      %dma_wait3A_46 = tpu.memref_slice %arg10[%dma_wait3A, %dma_wait3A_44, %dma_wait3A_45] : memref<4x64x128xf32, #tpu.memory_space<vmem>> -> memref<1x64x128xf32, #tpu.memory_space<vmem>>
      %dma_wait3A_47 = tpu.memref_squeeze %dma_wait3A_46 : memref<1x64x128xf32, #tpu.memory_space<vmem>> -> memref<64x128xf32, #tpu.memory_space<vmem>>
      tpu.wait_dma2 semaphore(%arg13 : memref<!tpu.dma_semaphore, #tpu.memory_space<semaphore_mem>>) src(%dma_wait3A_47 : memref<64x128xf32, #tpu.memory_space<vmem>>) dst(%dma_wait3A_43 : memref<64x128xf32, #tpu.memory_space<vmem_shared>>)
      %dma_wait3A_48 = arith.constant 0 : i32
      %dma_wait3A_49 = arith.constant 0 : i32
      %dma_wait3A_50 = arith.constant 0 : i32
      %dma_wait3A_51 = tpu.memref_slice %arg10[%dma_wait3A_48, %dma_wait3A_49, %dma_wait3A_50] : memref<4x64x128xf32, #tpu.memory_space<vmem>> -> memref<1x64x128xf32, #tpu.memory_space<vmem>>
      %dma_wait3A_52 = tpu.memref_squeeze %dma_wait3A_51 : memref<1x64x128xf32, #tpu.memory_space<vmem>> -> memref<64x128xf32, #tpu.memory_space<vmem>>
      %dma_wait3A_53 = arith.constant 0 : i32
      %dma_wait3A_54 = arith.constant 0 : i32
      %dma_wait3A_55 = tpu.memref_slice %arg11[%dma_wait3A_53, %dma_wait3A_54] : memref<10248x128xf32, #tpu.memory_space<vmem_shared>> -> memref<64x128xf32, #tpu.memory_space<vmem_shared>>
      %dma_wait3A_56 = arith.constant 0 : i32
      %dma_wait3A_57 = arith.constant 0 : i32
      %dma_wait3A_58 = tpu.memref_slice %arg11[%dma_wait3A_56, %dma_wait3A_57] : memref<10248x128xf32, #tpu.memory_space<vmem_shared>> -> memref<64x128xf32, #tpu.memory_space<vmem_shared>>
      %dma_wait3A_59 = arith.constant 0 : i32
      %dma_wait3A_60 = arith.constant 0 : i32
      %dma_wait3A_61 = tpu.memref_slice %arg10[%dma_wait3A_48, %dma_wait3A_59, %dma_wait3A_60] : memref<4x64x128xf32, #tpu.memory_space<vmem>> -> memref<1x64x128xf32, #tpu.memory_space<vmem>>
      %dma_wait3A_62 = tpu.memref_squeeze %dma_wait3A_61 : memref<1x64x128xf32, #tpu.memory_space<vmem>> -> memref<64x128xf32, #tpu.memory_space<vmem>>
      tpu.wait_dma2 semaphore(%arg13 : memref<!tpu.dma_semaphore, #tpu.memory_space<semaphore_mem>>) src(%dma_wait3A_62 : memref<64x128xf32, #tpu.memory_space<vmem>>) dst(%dma_wait3A_58 : memref<64x128xf32, #tpu.memory_space<vmem_shared>>)
      %dma_wait3A_63 = arith.constant 0 : i32
      %dma_wait3A_64 = arith.constant 0 : i32
      %dma_wait3A_65 = arith.constant 0 : i32
      %dma_wait3A_66 = tpu.memref_slice %arg10[%dma_wait3A_63, %dma_wait3A_64, %dma_wait3A_65] : memref<4x64x128xf32, #tpu.memory_space<vmem>> -> memref<1x64x128xf32, #tpu.memory_space<vmem>>
      %dma_wait3A_67 = tpu.memref_squeeze %dma_wait3A_66 : memref<1x64x128xf32, #tpu.memory_space<vmem>> -> memref<64x128xf32, #tpu.memory_space<vmem>>
      %dma_wait3A_68 = arith.constant 0 : i32
      %dma_wait3A_69 = arith.constant 0 : i32
      %dma_wait3A_70 = tpu.memref_slice %arg11[%dma_wait3A_68, %dma_wait3A_69] : memref<10248x128xf32, #tpu.memory_space<vmem_shared>> -> memref<64x128xf32, #tpu.memory_space<vmem_shared>>
      %dma_wait3A_71 = arith.constant 0 : i32
      %dma_wait3A_72 = arith.constant 0 : i32
      %dma_wait3A_73 = tpu.memref_slice %arg11[%dma_wait3A_71, %dma_wait3A_72] : memref<10248x128xf32, #tpu.memory_space<vmem_shared>> -> memref<64x128xf32, #tpu.memory_space<vmem_shared>>
      %dma_wait3A_74 = arith.constant 0 : i32
      %dma_wait3A_75 = arith.constant 0 : i32
      %dma_wait3A_76 = tpu.memref_slice %arg10[%dma_wait3A_63, %dma_wait3A_74, %dma_wait3A_75] : memref<4x64x128xf32, #tpu.memory_space<vmem>> -> memref<1x64x128xf32, #tpu.memory_space<vmem>>
      %dma_wait3A_77 = tpu.memref_squeeze %dma_wait3A_76 : memref<1x64x128xf32, #tpu.memory_space<vmem>> -> memref<64x128xf32, #tpu.memory_space<vmem>>
      tpu.wait_dma2 semaphore(%arg13 : memref<!tpu.dma_semaphore, #tpu.memory_space<semaphore_mem>>) src(%dma_wait3A_77 : memref<64x128xf32, #tpu.memory_space<vmem>>) dst(%dma_wait3A_73 : memref<64x128xf32, #tpu.memory_space<vmem_shared>>)
      %dma_wait3A_78 = arith.constant 0 : i32
      %dma_wait3A_79 = arith.constant 0 : i32
      %dma_wait3A_80 = arith.constant 0 : i32
      %dma_wait3A_81 = tpu.memref_slice %arg10[%dma_wait3A_78, %dma_wait3A_79, %dma_wait3A_80] : memref<4x64x128xf32, #tpu.memory_space<vmem>> -> memref<1x64x128xf32, #tpu.memory_space<vmem>>
      %dma_wait3A_82 = tpu.memref_squeeze %dma_wait3A_81 : memref<1x64x128xf32, #tpu.memory_space<vmem>> -> memref<64x128xf32, #tpu.memory_space<vmem>>
      %dma_wait3A_83 = arith.constant 0 : i32
      %dma_wait3A_84 = arith.constant 0 : i32
      %dma_wait3A_85 = tpu.memref_slice %arg11[%dma_wait3A_83, %dma_wait3A_84] : memref<10248x128xf32, #tpu.memory_space<vmem_shared>> -> memref<64x128xf32, #tpu.memory_space<vmem_shared>>
      %dma_wait3A_86 = arith.constant 0 : i32
      %dma_wait3A_87 = arith.constant 0 : i32
      %dma_wait3A_88 = tpu.memref_slice %arg11[%dma_wait3A_86, %dma_wait3A_87] : memref<10248x128xf32, #tpu.memory_space<vmem_shared>> -> memref<64x128xf32, #tpu.memory_space<vmem_shared>>
      %dma_wait3A_89 = arith.constant 0 : i32
      %dma_wait3A_90 = arith.constant 0 : i32
      %dma_wait3A_91 = tpu.memref_slice %arg10[%dma_wait3A_78, %dma_wait3A_89, %dma_wait3A_90] : memref<4x64x128xf32, #tpu.memory_space<vmem>> -> memref<1x64x128xf32, #tpu.memory_space<vmem>>
      %dma_wait3A_92 = tpu.memref_squeeze %dma_wait3A_91 : memref<1x64x128xf32, #tpu.memory_space<vmem>> -> memref<64x128xf32, #tpu.memory_space<vmem>>
      tpu.wait_dma2 semaphore(%arg13 : memref<!tpu.dma_semaphore, #tpu.memory_space<semaphore_mem>>) src(%dma_wait3A_92 : memref<64x128xf32, #tpu.memory_space<vmem>>) dst(%dma_wait3A_88 : memref<64x128xf32, #tpu.memory_space<vmem_shared>>)
    } else {
    }
    %barrier3A_18 = arith.constant 0 : index
    tpu.barrier barrier_id(%barrier3A_18)
    %eq3A_19 = arith.constant 0 : i32
    %eq3A_20 = arith.cmpi eq, %arg0, %eq3A_19 : i32
    %convert_element_type3A_21 = arith.extui %eq3A_20 : i1 to i32
    %cond3A_22 = arith.constant 0 : i32
    %cond3A_23 = arith.cmpi ne, %convert_element_type3A_21, %cond3A_22 : i32
    scf.if %cond3A_23 {
      "tpu.region"() ({
        %run_scoped3A = tpu.sem_alloc : memref<!tpu.dma_semaphore, #tpu.memory_space<semaphore_mem>>
        %dma_start3A = arith.constant 0 : i32
        %dma_start3A_29 = tpu.memref_slice %arg6[%mul3A_0, %dma_start3A] : memref<10240x128xf32, #tpu.memory_space<hbm>> -> memref<640x128xf32, #tpu.memory_space<hbm>>
        %dma_start3A_30 = arith.constant 0 : i32
        %dma_start3A_31 = tpu.memref_slice %arg11[%mul3A_0, %dma_start3A_30] : memref<10248x128xf32, #tpu.memory_space<vmem_shared>> -> memref<640x128xf32, #tpu.memory_space<vmem_shared>>
        tpu.enqueue_dma source(%dma_start3A_31 : memref<640x128xf32, #tpu.memory_space<vmem_shared>>) target(%dma_start3A_29 : memref<640x128xf32, #tpu.memory_space<hbm>>) target_semaphore(%run_scoped3A : memref<!tpu.dma_semaphore, #tpu.memory_space<semaphore_mem>>)
        %dma_wait3A = arith.constant 0 : i32
        %dma_wait3A_32 = tpu.memref_slice %arg6[%mul3A_0, %dma_wait3A] : memref<10240x128xf32, #tpu.memory_space<hbm>> -> memref<640x128xf32, #tpu.memory_space<hbm>>
        %dma_wait3A_33 = arith.constant 0 : i32
        %dma_wait3A_34 = tpu.memref_slice %arg11[%mul3A_0, %dma_wait3A_33] : memref<10248x128xf32, #tpu.memory_space<vmem_shared>> -> memref<640x128xf32, #tpu.memory_space<vmem_shared>>
        tpu.wait_dma2 semaphore(%run_scoped3A : memref<!tpu.dma_semaphore, #tpu.memory_space<semaphore_mem>>) src(%dma_wait3A_34 : memref<640x128xf32, #tpu.memory_space<vmem_shared>>) dst(%dma_wait3A_32 : memref<640x128xf32, #tpu.memory_space<hbm>>)
        tpu.yield
      }) : () -> ()
    } else {
    }
    %eq3A_24 = arith.constant 1 : i32
    %eq3A_25 = arith.cmpi eq, %arg0, %eq3A_24 : i32
    %convert_element_type3A_26 = arith.extui %eq3A_25 : i1 to i32
    %cond3A_27 = arith.constant 0 : i32
    %cond3A_28 = arith.cmpi ne, %convert_element_type3A_26, %cond3A_27 : i32
    scf.if %cond3A_28 {
      "tpu.region"() ({
        %run_scoped3A = tpu.sem_alloc : memref<!tpu.dma_semaphore, #tpu.memory_space<semaphore_mem>>
        %dma_start3A = arith.constant 0 : i32
        %dma_start3A_29 = tpu.memref_slice %arg7[%mul3A_0, %dma_start3A] : memref<10240x128xf32, #tpu.memory_space<hbm>> -> memref<640x128xf32, #tpu.memory_space<hbm>>
        %dma_start3A_30 = arith.constant 0 : i32
        %dma_start3A_31 = tpu.memref_slice %arg11[%mul3A_0, %dma_start3A_30] : memref<10248x128xf32, #tpu.memory_space<vmem_shared>> -> memref<640x128xf32, #tpu.memory_space<vmem_shared>>
        tpu.enqueue_dma source(%dma_start3A_31 : memref<640x128xf32, #tpu.memory_space<vmem_shared>>) target(%dma_start3A_29 : memref<640x128xf32, #tpu.memory_space<hbm>>) target_semaphore(%run_scoped3A : memref<!tpu.dma_semaphore, #tpu.memory_space<semaphore_mem>>)
        %dma_wait3A = arith.constant 0 : i32
        %dma_wait3A_32 = tpu.memref_slice %arg7[%mul3A_0, %dma_wait3A] : memref<10240x128xf32, #tpu.memory_space<hbm>> -> memref<640x128xf32, #tpu.memory_space<hbm>>
        %dma_wait3A_33 = arith.constant 0 : i32
        %dma_wait3A_34 = tpu.memref_slice %arg11[%mul3A_0, %dma_wait3A_33] : memref<10248x128xf32, #tpu.memory_space<vmem_shared>> -> memref<640x128xf32, #tpu.memory_space<vmem_shared>>
        tpu.wait_dma2 semaphore(%run_scoped3A : memref<!tpu.dma_semaphore, #tpu.memory_space<semaphore_mem>>) src(%dma_wait3A_34 : memref<640x128xf32, #tpu.memory_space<vmem_shared>>) dst(%dma_wait3A_32 : memref<640x128xf32, #tpu.memory_space<hbm>>)
        tpu.yield
      }) : () -> ()
    } else {
    }
    return
  }
}

#map = affine_map<(d0, d1) -> (0, 0)>
#map1 = affine_map<(d0, d1) -> (0, 0, 0)>
module attributes {stable_mosaic.version = 14 : i64} {
  func.func @agg3_kernel(%arg0: i32, %arg1: i32, %arg2: memref<10240x128xf32, #tpu.memory_space<hbm>>, %arg3: memref<16x320x64xi32, #tpu.memory_space<hbm>>, %arg4: memref<16x320x64xi32, #tpu.memory_space<hbm>>, %arg5: memref<10240x128xf32, #tpu.memory_space<hbm>>, %arg6: memref<10240x128xf32, #tpu.memory_space<hbm>>, %arg7: memref<2x16x64xi32, #tpu.memory_space<vmem>>, %arg8: memref<2x16x64xi32, #tpu.memory_space<vmem>>, %arg9: memref<4x64x128xf32, #tpu.memory_space<vmem>>, %arg10: memref<10248x128xf32, #tpu.memory_space<vmem_shared>>, %arg11: memref<!tpu.dma_semaphore, #tpu.memory_space<semaphore_mem>>, %arg12: memref<!tpu.dma_semaphore, #tpu.memory_space<semaphore_mem>>) attributes {dimension_semantics = [#tpu.dimension_semantics<core_parallel>, #tpu.dimension_semantics<subcore_parallel>], iteration_bounds = array<i64: 2, 16>, scalar_prefetch = 0 : i64, scratch_operands = 6 : i64, tpu.core_type = #tpu.core_type<sc_vector_subcore>, window_params = [{transform_indices = #map}, {transform_indices = #map1}, {transform_indices = #map1}, {transform_indices = #map}, {transform_indices = #map}]} {
    %mul3A = arith.constant 640 : i32
    %mul3A_0 = arith.muli %arg1, %mul3A : i32
    %eq3A = arith.constant 0 : i32
    %eq3A_1 = arith.cmpi eq, %arg0, %eq3A : i32
    %convert_element_type3A = arith.extui %eq3A_1 : i1 to i32
    %cond3A = arith.constant 0 : i32
    %cond3A_2 = arith.cmpi ne, %convert_element_type3A, %cond3A : i32
    scf.if %cond3A_2 {
      "tpu.region"() ({
        %run_scoped3A = tpu.sem_alloc : memref<!tpu.dma_semaphore, #tpu.memory_space<semaphore_mem>>
        %dma_start3A = arith.constant 0 : i32
        %dma_start3A_85 = tpu.memref_slice %arg10[%mul3A_0, %dma_start3A] : memref<10248x128xf32, #tpu.memory_space<vmem_shared>> -> memref<640x128xf32, #tpu.memory_space<vmem_shared>>
        %dma_start3A_86 = arith.constant 0 : i32
        %dma_start3A_87 = tpu.memref_slice %arg2[%mul3A_0, %dma_start3A_86] : memref<10240x128xf32, #tpu.memory_space<hbm>> -> memref<640x128xf32, #tpu.memory_space<hbm>>
        tpu.enqueue_dma source(%dma_start3A_87 : memref<640x128xf32, #tpu.memory_space<hbm>>) target(%dma_start3A_85 : memref<640x128xf32, #tpu.memory_space<vmem_shared>>) target_semaphore(%run_scoped3A : memref<!tpu.dma_semaphore, #tpu.memory_space<semaphore_mem>>)
        %dma_wait3A_88 = arith.constant 0 : i32
        %dma_wait3A_89 = tpu.memref_slice %arg10[%mul3A_0, %dma_wait3A_88] : memref<10248x128xf32, #tpu.memory_space<vmem_shared>> -> memref<640x128xf32, #tpu.memory_space<vmem_shared>>
        %dma_wait3A_90 = arith.constant 0 : i32
        %dma_wait3A_91 = tpu.memref_slice %arg2[%mul3A_0, %dma_wait3A_90] : memref<10240x128xf32, #tpu.memory_space<hbm>> -> memref<640x128xf32, #tpu.memory_space<hbm>>
        tpu.wait_dma2 semaphore(%run_scoped3A : memref<!tpu.dma_semaphore, #tpu.memory_space<semaphore_mem>>) src(%dma_wait3A_91 : memref<640x128xf32, #tpu.memory_space<hbm>>) dst(%dma_wait3A_89 : memref<640x128xf32, #tpu.memory_space<vmem_shared>>)
        tpu.yield
      }) : () -> ()
    } else {
    }
    %eq3A_3 = arith.constant 1 : i32
    %eq3A_4 = arith.cmpi eq, %arg0, %eq3A_3 : i32
    %convert_element_type3A_5 = arith.extui %eq3A_4 : i1 to i32
    %cond3A_6 = arith.constant 0 : i32
    %cond3A_7 = arith.cmpi ne, %convert_element_type3A_5, %cond3A_6 : i32
    scf.if %cond3A_7 {
      %scan3A_85 = arith.constant 0 : i32
      %scan3A_86 = arith.constant 0 : i32
      %scan3A_87 = arith.constant 64 : i32
      %scan3A_88 = arith.addi %scan3A_86, %scan3A_87 : i32
      %scan3A_89 = arith.constant 1 : i32
      scf.for %scan3A_119 = %scan3A_86 to %scan3A_88 step %scan3A_89  : i32 {
        %broadcast_in_dim3A = arith.constant 0.000000e+00 : f32
        %broadcast_in_dim3A_120 = vector.broadcast %broadcast_in_dim3A : f32 to vector<16xf32>
        %swap3A = arith.constant 0 : i32
        %swap3A_121 = arith.index_cast %swap3A : i32 to index
        %swap3A_122 = arith.index_cast %scan3A_119 : i32 to index
        %swap3A_123 = arith.constant 0 : index
        %swap3A_124 = tpu.vector_load %arg9[%swap3A_121, %swap3A_122, %swap3A_123] {strides = array<i32>} : memref<4x64x128xf32, #tpu.memory_space<vmem>>, vector<1x1x16xf32>,
        %swap3A_125 = vector.shape_cast %swap3A_124 : vector<1x1x16xf32> to vector<16xf32>
        %swap3A_126 = vector.shape_cast %broadcast_in_dim3A_120 : vector<16xf32> to vector<1x1x16xf32>
        tpu.vector_store %arg9[%swap3A_121, %swap3A_122, %swap3A_123], %swap3A_126 {strides = array<i32>} : memref<4x64x128xf32, #tpu.memory_space<vmem>>, vector<1x1x16xf32>,
        %broadcast_in_dim3A_127 = arith.constant 0.000000e+00 : f32
        %broadcast_in_dim3A_128 = vector.broadcast %broadcast_in_dim3A_127 : f32 to vector<16xf32>
        %swap3A_129 = arith.constant 0 : i32
        %swap3A_130 = arith.index_cast %swap3A_129 : i32 to index
        %swap3A_131 = arith.index_cast %scan3A_119 : i32 to index
        %swap3A_132 = arith.constant 16 : index
        %swap3A_133 = tpu.vector_load %arg9[%swap3A_130, %swap3A_131, %swap3A_132] {strides = array<i32>} : memref<4x64x128xf32, #tpu.memory_space<vmem>>, vector<1x1x16xf32>,
        %swap3A_134 = vector.shape_cast %swap3A_133 : vector<1x1x16xf32> to vector<16xf32>
        %swap3A_135 = vector.shape_cast %broadcast_in_dim3A_128 : vector<16xf32> to vector<1x1x16xf32>
        tpu.vector_store %arg9[%swap3A_130, %swap3A_131, %swap3A_132], %swap3A_135 {strides = array<i32>} : memref<4x64x128xf32, #tpu.memory_space<vmem>>, vector<1x1x16xf32>,
        %broadcast_in_dim3A_136 = arith.constant 0.000000e+00 : f32
        %broadcast_in_dim3A_137 = vector.broadcast %broadcast_in_dim3A_136 : f32 to vector<16xf32>
        %swap3A_138 = arith.constant 0 : i32
        %swap3A_139 = arith.index_cast %swap3A_138 : i32 to index
        %swap3A_140 = arith.index_cast %scan3A_119 : i32 to index
        %swap3A_141 = arith.constant 32 : index
        %swap3A_142 = tpu.vector_load %arg9[%swap3A_139, %swap3A_140, %swap3A_141] {strides = array<i32>} : memref<4x64x128xf32, #tpu.memory_space<vmem>>, vector<1x1x16xf32>,
        %swap3A_143 = vector.shape_cast %swap3A_142 : vector<1x1x16xf32> to vector<16xf32>
        %swap3A_144 = vector.shape_cast %broadcast_in_dim3A_137 : vector<16xf32> to vector<1x1x16xf32>
        tpu.vector_store %arg9[%swap3A_139, %swap3A_140, %swap3A_141], %swap3A_144 {strides = array<i32>} : memref<4x64x128xf32, #tpu.memory_space<vmem>>, vector<1x1x16xf32>,
        %broadcast_in_dim3A_145 = arith.constant 0.000000e+00 : f32
        %broadcast_in_dim3A_146 = vector.broadcast %broadcast_in_dim3A_145 : f32 to vector<16xf32>
        %swap3A_147 = arith.constant 0 : i32
        %swap3A_148 = arith.index_cast %swap3A_147 : i32 to index
        %swap3A_149 = arith.index_cast %scan3A_119 : i32 to index
        %swap3A_150 = arith.constant 48 : index
        %swap3A_151 = tpu.vector_load %arg9[%swap3A_148, %swap3A_149, %swap3A_150] {strides = array<i32>} : memref<4x64x128xf32, #tpu.memory_space<vmem>>, vector<1x1x16xf32>,
        %swap3A_152 = vector.shape_cast %swap3A_151 : vector<1x1x16xf32> to vector<16xf32>
        %swap3A_153 = vector.shape_cast %broadcast_in_dim3A_146 : vector<16xf32> to vector<1x1x16xf32>
        tpu.vector_store %arg9[%swap3A_148, %swap3A_149, %swap3A_150], %swap3A_153 {strides = array<i32>} : memref<4x64x128xf32, #tpu.memory_space<vmem>>, vector<1x1x16xf32>,
        %broadcast_in_dim3A_154 = arith.constant 0.000000e+00 : f32
        %broadcast_in_dim3A_155 = vector.broadcast %broadcast_in_dim3A_154 : f32 to vector<16xf32>
        %swap3A_156 = arith.constant 0 : i32
        %swap3A_157 = arith.index_cast %swap3A_156 : i32 to index
        %swap3A_158 = arith.index_cast %scan3A_119 : i32 to index
        %swap3A_159 = arith.constant 64 : index
        %swap3A_160 = tpu.vector_load %arg9[%swap3A_157, %swap3A_158, %swap3A_159] {strides = array<i32>} : memref<4x64x128xf32, #tpu.memory_space<vmem>>, vector<1x1x16xf32>,
        %swap3A_161 = vector.shape_cast %swap3A_160 : vector<1x1x16xf32> to vector<16xf32>
        %swap3A_162 = vector.shape_cast %broadcast_in_dim3A_155 : vector<16xf32> to vector<1x1x16xf32>
        tpu.vector_store %arg9[%swap3A_157, %swap3A_158, %swap3A_159], %swap3A_162 {strides = array<i32>} : memref<4x64x128xf32, #tpu.memory_space<vmem>>, vector<1x1x16xf32>,
        %broadcast_in_dim3A_163 = arith.constant 0.000000e+00 : f32
        %broadcast_in_dim3A_164 = vector.broadcast %broadcast_in_dim3A_163 : f32 to vector<16xf32>
        %swap3A_165 = arith.constant 0 : i32
        %swap3A_166 = arith.index_cast %swap3A_165 : i32 to index
        %swap3A_167 = arith.index_cast %scan3A_119 : i32 to index
        %swap3A_168 = arith.constant 80 : index
        %swap3A_169 = tpu.vector_load %arg9[%swap3A_166, %swap3A_167, %swap3A_168] {strides = array<i32>} : memref<4x64x128xf32, #tpu.memory_space<vmem>>, vector<1x1x16xf32>,
        %swap3A_170 = vector.shape_cast %swap3A_169 : vector<1x1x16xf32> to vector<16xf32>
        %swap3A_171 = vector.shape_cast %broadcast_in_dim3A_164 : vector<16xf32> to vector<1x1x16xf32>
        tpu.vector_store %arg9[%swap3A_166, %swap3A_167, %swap3A_168], %swap3A_171 {strides = array<i32>} : memref<4x64x128xf32, #tpu.memory_space<vmem>>, vector<1x1x16xf32>,
        %broadcast_in_dim3A_172 = arith.constant 0.000000e+00 : f32
        %broadcast_in_dim3A_173 = vector.broadcast %broadcast_in_dim3A_172 : f32 to vector<16xf32>
        %swap3A_174 = arith.constant 0 : i32
        %swap3A_175 = arith.index_cast %swap3A_174 : i32 to index
        %swap3A_176 = arith.index_cast %scan3A_119 : i32 to index
        %swap3A_177 = arith.constant 96 : index
        %swap3A_178 = tpu.vector_load %arg9[%swap3A_175, %swap3A_176, %swap3A_177] {strides = array<i32>} : memref<4x64x128xf32, #tpu.memory_space<vmem>>, vector<1x1x16xf32>,
        %swap3A_179 = vector.shape_cast %swap3A_178 : vector<1x1x16xf32> to vector<16xf32>
        %swap3A_180 = vector.shape_cast %broadcast_in_dim3A_173 : vector<16xf32> to vector<1x1x16xf32>
        tpu.vector_store %arg9[%swap3A_175, %swap3A_176, %swap3A_177], %swap3A_180 {strides = array<i32>} : memref<4x64x128xf32, #tpu.memory_space<vmem>>, vector<1x1x16xf32>,
        %broadcast_in_dim3A_181 = arith.constant 0.000000e+00 : f32
        %broadcast_in_dim3A_182 = vector.broadcast %broadcast_in_dim3A_181 : f32 to vector<16xf32>
        %swap3A_183 = arith.constant 0 : i32
        %swap3A_184 = arith.index_cast %swap3A_183 : i32 to index
        %swap3A_185 = arith.index_cast %scan3A_119 : i32 to index
        %swap3A_186 = arith.constant 112 : index
        %swap3A_187 = tpu.vector_load %arg9[%swap3A_184, %swap3A_185, %swap3A_186] {strides = array<i32>} : memref<4x64x128xf32, #tpu.memory_space<vmem>>, vector<1x1x16xf32>,
        %swap3A_188 = vector.shape_cast %swap3A_187 : vector<1x1x16xf32> to vector<16xf32>
        %swap3A_189 = vector.shape_cast %broadcast_in_dim3A_182 : vector<16xf32> to vector<1x1x16xf32>
        tpu.vector_store %arg9[%swap3A_184, %swap3A_185, %swap3A_186], %swap3A_189 {strides = array<i32>} : memref<4x64x128xf32, #tpu.memory_space<vmem>>, vector<1x1x16xf32>,
      }
      %scan3A_90 = arith.constant 64 : i32
      %add3A = arith.constant 0 : i32
      %add3A_91 = arith.addi %mul3A_0, %add3A : i32
      %run_scoped3A = arith.constant 0 : i32
      "tpu.region"() ({
        %run_scoped3A_119 = tpu.sem_alloc : memref<!tpu.dma_semaphore, #tpu.memory_space<semaphore_mem>>
        %dma_start3A = arith.constant 0 : i32
        %dma_start3A_120 = arith.constant 0 : i32
        %dma_start3A_121 = tpu.memref_slice %arg9[%run_scoped3A, %dma_start3A, %dma_start3A_120] : memref<4x64x128xf32, #tpu.memory_space<vmem>> -> memref<1x64x128xf32, #tpu.memory_space<vmem>>
        %dma_start3A_122 = tpu.memref_squeeze %dma_start3A_121 : memref<1x64x128xf32, #tpu.memory_space<vmem>> -> memref<64x128xf32, #tpu.memory_space<vmem>>
        %dma_start3A_123 = arith.constant 0 : i32
        %dma_start3A_124 = tpu.memref_slice %arg10[%add3A_91, %dma_start3A_123] : memref<10248x128xf32, #tpu.memory_space<vmem_shared>> -> memref<64x128xf32, #tpu.memory_space<vmem_shared>>
        %dma_start3A_125 = arith.constant 0 : i32
        %dma_start3A_126 = tpu.memref_slice %arg10[%add3A_91, %dma_start3A_125] : memref<10248x128xf32, #tpu.memory_space<vmem_shared>> -> memref<64x128xf32, #tpu.memory_space<vmem_shared>>
        %dma_start3A_127 = arith.constant 0 : i32
        %dma_start3A_128 = arith.constant 0 : i32
        %dma_start3A_129 = tpu.memref_slice %arg9[%run_scoped3A, %dma_start3A_127, %dma_start3A_128] : memref<4x64x128xf32, #tpu.memory_space<vmem>> -> memref<1x64x128xf32, #tpu.memory_space<vmem>>
        %dma_start3A_130 = tpu.memref_squeeze %dma_start3A_129 : memref<1x64x128xf32, #tpu.memory_space<vmem>> -> memref<64x128xf32, #tpu.memory_space<vmem>>
        tpu.enqueue_dma source(%dma_start3A_130 : memref<64x128xf32, #tpu.memory_space<vmem>>) target(%dma_start3A_126 : memref<64x128xf32, #tpu.memory_space<vmem_shared>>) target_semaphore(%run_scoped3A_119 : memref<!tpu.dma_semaphore, #tpu.memory_space<semaphore_mem>>)
        %dma_wait3A_131 = arith.constant 0 : i32
        %dma_wait3A_132 = arith.constant 0 : i32
        %dma_wait3A_133 = tpu.memref_slice %arg9[%run_scoped3A, %dma_wait3A_131, %dma_wait3A_132] : memref<4x64x128xf32, #tpu.memory_space<vmem>> -> memref<1x64x128xf32, #tpu.memory_space<vmem>>
        %dma_wait3A_134 = tpu.memref_squeeze %dma_wait3A_133 : memref<1x64x128xf32, #tpu.memory_space<vmem>> -> memref<64x128xf32, #tpu.memory_space<vmem>>
        %dma_wait3A_135 = arith.constant 0 : i32
        %dma_wait3A_136 = tpu.memref_slice %arg10[%add3A_91, %dma_wait3A_135] : memref<10248x128xf32, #tpu.memory_space<vmem_shared>> -> memref<64x128xf32, #tpu.memory_space<vmem_shared>>
        %dma_wait3A_137 = arith.constant 0 : i32
        %dma_wait3A_138 = tpu.memref_slice %arg10[%add3A_91, %dma_wait3A_137] : memref<10248x128xf32, #tpu.memory_space<vmem_shared>> -> memref<64x128xf32, #tpu.memory_space<vmem_shared>>
        %dma_wait3A_139 = arith.constant 0 : i32
        %dma_wait3A_140 = arith.constant 0 : i32
        %dma_wait3A_141 = tpu.memref_slice %arg9[%run_scoped3A, %dma_wait3A_139, %dma_wait3A_140] : memref<4x64x128xf32, #tpu.memory_space<vmem>> -> memref<1x64x128xf32, #tpu.memory_space<vmem>>
        %dma_wait3A_142 = tpu.memref_squeeze %dma_wait3A_141 : memref<1x64x128xf32, #tpu.memory_space<vmem>> -> memref<64x128xf32, #tpu.memory_space<vmem>>
        tpu.wait_dma2 semaphore(%run_scoped3A_119 : memref<!tpu.dma_semaphore, #tpu.memory_space<semaphore_mem>>) src(%dma_wait3A_142 : memref<64x128xf32, #tpu.memory_space<vmem>>) dst(%dma_wait3A_138 : memref<64x128xf32, #tpu.memory_space<vmem_shared>>)
        tpu.yield
      }) : () -> ()
      %add3A_92 = arith.constant 64 : i32
      %add3A_93 = arith.addi %mul3A_0, %add3A_92 : i32
      %run_scoped3A_94 = arith.constant 0 : i32
      "tpu.region"() ({
        %run_scoped3A_119 = tpu.sem_alloc : memref<!tpu.dma_semaphore, #tpu.memory_space<semaphore_mem>>
        %dma_start3A = arith.constant 0 : i32
        %dma_start3A_120 = arith.constant 0 : i32
        %dma_start3A_121 = tpu.memref_slice %arg9[%run_scoped3A_94, %dma_start3A, %dma_start3A_120] : memref<4x64x128xf32, #tpu.memory_space<vmem>> -> memref<1x64x128xf32, #tpu.memory_space<vmem>>
        %dma_start3A_122 = tpu.memref_squeeze %dma_start3A_121 : memref<1x64x128xf32, #tpu.memory_space<vmem>> -> memref<64x128xf32, #tpu.memory_space<vmem>>
        %dma_start3A_123 = arith.constant 0 : i32
        %dma_start3A_124 = tpu.memref_slice %arg10[%add3A_93, %dma_start3A_123] : memref<10248x128xf32, #tpu.memory_space<vmem_shared>> -> memref<64x128xf32, #tpu.memory_space<vmem_shared>>
        %dma_start3A_125 = arith.constant 0 : i32
        %dma_start3A_126 = tpu.memref_slice %arg10[%add3A_93, %dma_start3A_125] : memref<10248x128xf32, #tpu.memory_space<vmem_shared>> -> memref<64x128xf32, #tpu.memory_space<vmem_shared>>
        %dma_start3A_127 = arith.constant 0 : i32
        %dma_start3A_128 = arith.constant 0 : i32
        %dma_start3A_129 = tpu.memref_slice %arg9[%run_scoped3A_94, %dma_start3A_127, %dma_start3A_128] : memref<4x64x128xf32, #tpu.memory_space<vmem>> -> memref<1x64x128xf32, #tpu.memory_space<vmem>>
        %dma_start3A_130 = tpu.memref_squeeze %dma_start3A_129 : memref<1x64x128xf32, #tpu.memory_space<vmem>> -> memref<64x128xf32, #tpu.memory_space<vmem>>
        tpu.enqueue_dma source(%dma_start3A_130 : memref<64x128xf32, #tpu.memory_space<vmem>>) target(%dma_start3A_126 : memref<64x128xf32, #tpu.memory_space<vmem_shared>>) target_semaphore(%run_scoped3A_119 : memref<!tpu.dma_semaphore, #tpu.memory_space<semaphore_mem>>)
        %dma_wait3A_131 = arith.constant 0 : i32
        %dma_wait3A_132 = arith.constant 0 : i32
        %dma_wait3A_133 = tpu.memref_slice %arg9[%run_scoped3A_94, %dma_wait3A_131, %dma_wait3A_132] : memref<4x64x128xf32, #tpu.memory_space<vmem>> -> memref<1x64x128xf32, #tpu.memory_space<vmem>>
        %dma_wait3A_134 = tpu.memref_squeeze %dma_wait3A_133 : memref<1x64x128xf32, #tpu.memory_space<vmem>> -> memref<64x128xf32, #tpu.memory_space<vmem>>
        %dma_wait3A_135 = arith.constant 0 : i32
        %dma_wait3A_136 = tpu.memref_slice %arg10[%add3A_93, %dma_wait3A_135] : memref<10248x128xf32, #tpu.memory_space<vmem_shared>> -> memref<64x128xf32, #tpu.memory_space<vmem_shared>>
        %dma_wait3A_137 = arith.constant 0 : i32
        %dma_wait3A_138 = tpu.memref_slice %arg10[%add3A_93, %dma_wait3A_137] : memref<10248x128xf32, #tpu.memory_space<vmem_shared>> -> memref<64x128xf32, #tpu.memory_space<vmem_shared>>
        %dma_wait3A_139 = arith.constant 0 : i32
        %dma_wait3A_140 = arith.constant 0 : i32
        %dma_wait3A_141 = tpu.memref_slice %arg9[%run_scoped3A_94, %dma_wait3A_139, %dma_wait3A_140] : memref<4x64x128xf32, #tpu.memory_space<vmem>> -> memref<1x64x128xf32, #tpu.memory_space<vmem>>
        %dma_wait3A_142 = tpu.memref_squeeze %dma_wait3A_141 : memref<1x64x128xf32, #tpu.memory_space<vmem>> -> memref<64x128xf32, #tpu.memory_space<vmem>>
        tpu.wait_dma2 semaphore(%run_scoped3A_119 : memref<!tpu.dma_semaphore, #tpu.memory_space<semaphore_mem>>) src(%dma_wait3A_142 : memref<64x128xf32, #tpu.memory_space<vmem>>) dst(%dma_wait3A_138 : memref<64x128xf32, #tpu.memory_space<vmem_shared>>)
        tpu.yield
      }) : () -> ()
      %add3A_95 = arith.constant 128 : i32
      %add3A_96 = arith.addi %mul3A_0, %add3A_95 : i32
      %run_scoped3A_97 = arith.constant 0 : i32
      "tpu.region"() ({
        %run_scoped3A_119 = tpu.sem_alloc : memref<!tpu.dma_semaphore, #tpu.memory_space<semaphore_mem>>
        %dma_start3A = arith.constant 0 : i32
        %dma_start3A_120 = arith.constant 0 : i32
        %dma_start3A_121 = tpu.memref_slice %arg9[%run_scoped3A_97, %dma_start3A, %dma_start3A_120] : memref<4x64x128xf32, #tpu.memory_space<vmem>> -> memref<1x64x128xf32, #tpu.memory_space<vmem>>
        %dma_start3A_122 = tpu.memref_squeeze %dma_start3A_121 : memref<1x64x128xf32, #tpu.memory_space<vmem>> -> memref<64x128xf32, #tpu.memory_space<vmem>>
        %dma_start3A_123 = arith.constant 0 : i32
        %dma_start3A_124 = tpu.memref_slice %arg10[%add3A_96, %dma_start3A_123] : memref<10248x128xf32, #tpu.memory_space<vmem_shared>> -> memref<64x128xf32, #tpu.memory_space<vmem_shared>>
        %dma_start3A_125 = arith.constant 0 : i32
        %dma_start3A_126 = tpu.memref_slice %arg10[%add3A_96, %dma_start3A_125] : memref<10248x128xf32, #tpu.memory_space<vmem_shared>> -> memref<64x128xf32, #tpu.memory_space<vmem_shared>>
        %dma_start3A_127 = arith.constant 0 : i32
        %dma_start3A_128 = arith.constant 0 : i32
        %dma_start3A_129 = tpu.memref_slice %arg9[%run_scoped3A_97, %dma_start3A_127, %dma_start3A_128] : memref<4x64x128xf32, #tpu.memory_space<vmem>> -> memref<1x64x128xf32, #tpu.memory_space<vmem>>
        %dma_start3A_130 = tpu.memref_squeeze %dma_start3A_129 : memref<1x64x128xf32, #tpu.memory_space<vmem>> -> memref<64x128xf32, #tpu.memory_space<vmem>>
        tpu.enqueue_dma source(%dma_start3A_130 : memref<64x128xf32, #tpu.memory_space<vmem>>) target(%dma_start3A_126 : memref<64x128xf32, #tpu.memory_space<vmem_shared>>) target_semaphore(%run_scoped3A_119 : memref<!tpu.dma_semaphore, #tpu.memory_space<semaphore_mem>>)
        %dma_wait3A_131 = arith.constant 0 : i32
        %dma_wait3A_132 = arith.constant 0 : i32
        %dma_wait3A_133 = tpu.memref_slice %arg9[%run_scoped3A_97, %dma_wait3A_131, %dma_wait3A_132] : memref<4x64x128xf32, #tpu.memory_space<vmem>> -> memref<1x64x128xf32, #tpu.memory_space<vmem>>
        %dma_wait3A_134 = tpu.memref_squeeze %dma_wait3A_133 : memref<1x64x128xf32, #tpu.memory_space<vmem>> -> memref<64x128xf32, #tpu.memory_space<vmem>>
        %dma_wait3A_135 = arith.constant 0 : i32
        %dma_wait3A_136 = tpu.memref_slice %arg10[%add3A_96, %dma_wait3A_135] : memref<10248x128xf32, #tpu.memory_space<vmem_shared>> -> memref<64x128xf32, #tpu.memory_space<vmem_shared>>
        %dma_wait3A_137 = arith.constant 0 : i32
        %dma_wait3A_138 = tpu.memref_slice %arg10[%add3A_96, %dma_wait3A_137] : memref<10248x128xf32, #tpu.memory_space<vmem_shared>> -> memref<64x128xf32, #tpu.memory_space<vmem_shared>>
        %dma_wait3A_139 = arith.constant 0 : i32
        %dma_wait3A_140 = arith.constant 0 : i32
        %dma_wait3A_141 = tpu.memref_slice %arg9[%run_scoped3A_97, %dma_wait3A_139, %dma_wait3A_140] : memref<4x64x128xf32, #tpu.memory_space<vmem>> -> memref<1x64x128xf32, #tpu.memory_space<vmem>>
        %dma_wait3A_142 = tpu.memref_squeeze %dma_wait3A_141 : memref<1x64x128xf32, #tpu.memory_space<vmem>> -> memref<64x128xf32, #tpu.memory_space<vmem>>
        tpu.wait_dma2 semaphore(%run_scoped3A_119 : memref<!tpu.dma_semaphore, #tpu.memory_space<semaphore_mem>>) src(%dma_wait3A_142 : memref<64x128xf32, #tpu.memory_space<vmem>>) dst(%dma_wait3A_138 : memref<64x128xf32, #tpu.memory_space<vmem_shared>>)
        tpu.yield
      }) : () -> ()
      %add3A_98 = arith.constant 192 : i32
      %add3A_99 = arith.addi %mul3A_0, %add3A_98 : i32
      %run_scoped3A_100 = arith.constant 0 : i32
      "tpu.region"() ({
        %run_scoped3A_119 = tpu.sem_alloc : memref<!tpu.dma_semaphore, #tpu.memory_space<semaphore_mem>>
        %dma_start3A = arith.constant 0 : i32
        %dma_start3A_120 = arith.constant 0 : i32
        %dma_start3A_121 = tpu.memref_slice %arg9[%run_scoped3A_100, %dma_start3A, %dma_start3A_120] : memref<4x64x128xf32, #tpu.memory_space<vmem>> -> memref<1x64x128xf32, #tpu.memory_space<vmem>>
        %dma_start3A_122 = tpu.memref_squeeze %dma_start3A_121 : memref<1x64x128xf32, #tpu.memory_space<vmem>> -> memref<64x128xf32, #tpu.memory_space<vmem>>
        %dma_start3A_123 = arith.constant 0 : i32
        %dma_start3A_124 = tpu.memref_slice %arg10[%add3A_99, %dma_start3A_123] : memref<10248x128xf32, #tpu.memory_space<vmem_shared>> -> memref<64x128xf32, #tpu.memory_space<vmem_shared>>
        %dma_start3A_125 = arith.constant 0 : i32
        %dma_start3A_126 = tpu.memref_slice %arg10[%add3A_99, %dma_start3A_125] : memref<10248x128xf32, #tpu.memory_space<vmem_shared>> -> memref<64x128xf32, #tpu.memory_space<vmem_shared>>
        %dma_start3A_127 = arith.constant 0 : i32
        %dma_start3A_128 = arith.constant 0 : i32
        %dma_start3A_129 = tpu.memref_slice %arg9[%run_scoped3A_100, %dma_start3A_127, %dma_start3A_128] : memref<4x64x128xf32, #tpu.memory_space<vmem>> -> memref<1x64x128xf32, #tpu.memory_space<vmem>>
        %dma_start3A_130 = tpu.memref_squeeze %dma_start3A_129 : memref<1x64x128xf32, #tpu.memory_space<vmem>> -> memref<64x128xf32, #tpu.memory_space<vmem>>
        tpu.enqueue_dma source(%dma_start3A_130 : memref<64x128xf32, #tpu.memory_space<vmem>>) target(%dma_start3A_126 : memref<64x128xf32, #tpu.memory_space<vmem_shared>>) target_semaphore(%run_scoped3A_119 : memref<!tpu.dma_semaphore, #tpu.memory_space<semaphore_mem>>)
        %dma_wait3A_131 = arith.constant 0 : i32
        %dma_wait3A_132 = arith.constant 0 : i32
        %dma_wait3A_133 = tpu.memref_slice %arg9[%run_scoped3A_100, %dma_wait3A_131, %dma_wait3A_132] : memref<4x64x128xf32, #tpu.memory_space<vmem>> -> memref<1x64x128xf32, #tpu.memory_space<vmem>>
        %dma_wait3A_134 = tpu.memref_squeeze %dma_wait3A_133 : memref<1x64x128xf32, #tpu.memory_space<vmem>> -> memref<64x128xf32, #tpu.memory_space<vmem>>
        %dma_wait3A_135 = arith.constant 0 : i32
        %dma_wait3A_136 = tpu.memref_slice %arg10[%add3A_99, %dma_wait3A_135] : memref<10248x128xf32, #tpu.memory_space<vmem_shared>> -> memref<64x128xf32, #tpu.memory_space<vmem_shared>>
        %dma_wait3A_137 = arith.constant 0 : i32
        %dma_wait3A_138 = tpu.memref_slice %arg10[%add3A_99, %dma_wait3A_137] : memref<10248x128xf32, #tpu.memory_space<vmem_shared>> -> memref<64x128xf32, #tpu.memory_space<vmem_shared>>
        %dma_wait3A_139 = arith.constant 0 : i32
        %dma_wait3A_140 = arith.constant 0 : i32
        %dma_wait3A_141 = tpu.memref_slice %arg9[%run_scoped3A_100, %dma_wait3A_139, %dma_wait3A_140] : memref<4x64x128xf32, #tpu.memory_space<vmem>> -> memref<1x64x128xf32, #tpu.memory_space<vmem>>
        %dma_wait3A_142 = tpu.memref_squeeze %dma_wait3A_141 : memref<1x64x128xf32, #tpu.memory_space<vmem>> -> memref<64x128xf32, #tpu.memory_space<vmem>>
        tpu.wait_dma2 semaphore(%run_scoped3A_119 : memref<!tpu.dma_semaphore, #tpu.memory_space<semaphore_mem>>) src(%dma_wait3A_142 : memref<64x128xf32, #tpu.memory_space<vmem>>) dst(%dma_wait3A_138 : memref<64x128xf32, #tpu.memory_space<vmem_shared>>)
        tpu.yield
      }) : () -> ()
      %add3A_101 = arith.constant 256 : i32
      %add3A_102 = arith.addi %mul3A_0, %add3A_101 : i32
      %run_scoped3A_103 = arith.constant 0 : i32
      "tpu.region"() ({
        %run_scoped3A_119 = tpu.sem_alloc : memref<!tpu.dma_semaphore, #tpu.memory_space<semaphore_mem>>
        %dma_start3A = arith.constant 0 : i32
        %dma_start3A_120 = arith.constant 0 : i32
        %dma_start3A_121 = tpu.memref_slice %arg9[%run_scoped3A_103, %dma_start3A, %dma_start3A_120] : memref<4x64x128xf32, #tpu.memory_space<vmem>> -> memref<1x64x128xf32, #tpu.memory_space<vmem>>
        %dma_start3A_122 = tpu.memref_squeeze %dma_start3A_121 : memref<1x64x128xf32, #tpu.memory_space<vmem>> -> memref<64x128xf32, #tpu.memory_space<vmem>>
        %dma_start3A_123 = arith.constant 0 : i32
        %dma_start3A_124 = tpu.memref_slice %arg10[%add3A_102, %dma_start3A_123] : memref<10248x128xf32, #tpu.memory_space<vmem_shared>> -> memref<64x128xf32, #tpu.memory_space<vmem_shared>>
        %dma_start3A_125 = arith.constant 0 : i32
        %dma_start3A_126 = tpu.memref_slice %arg10[%add3A_102, %dma_start3A_125] : memref<10248x128xf32, #tpu.memory_space<vmem_shared>> -> memref<64x128xf32, #tpu.memory_space<vmem_shared>>
        %dma_start3A_127 = arith.constant 0 : i32
        %dma_start3A_128 = arith.constant 0 : i32
        %dma_start3A_129 = tpu.memref_slice %arg9[%run_scoped3A_103, %dma_start3A_127, %dma_start3A_128] : memref<4x64x128xf32, #tpu.memory_space<vmem>> -> memref<1x64x128xf32, #tpu.memory_space<vmem>>
        %dma_start3A_130 = tpu.memref_squeeze %dma_start3A_129 : memref<1x64x128xf32, #tpu.memory_space<vmem>> -> memref<64x128xf32, #tpu.memory_space<vmem>>
        tpu.enqueue_dma source(%dma_start3A_130 : memref<64x128xf32, #tpu.memory_space<vmem>>) target(%dma_start3A_126 : memref<64x128xf32, #tpu.memory_space<vmem_shared>>) target_semaphore(%run_scoped3A_119 : memref<!tpu.dma_semaphore, #tpu.memory_space<semaphore_mem>>)
        %dma_wait3A_131 = arith.constant 0 : i32
        %dma_wait3A_132 = arith.constant 0 : i32
        %dma_wait3A_133 = tpu.memref_slice %arg9[%run_scoped3A_103, %dma_wait3A_131, %dma_wait3A_132] : memref<4x64x128xf32, #tpu.memory_space<vmem>> -> memref<1x64x128xf32, #tpu.memory_space<vmem>>
        %dma_wait3A_134 = tpu.memref_squeeze %dma_wait3A_133 : memref<1x64x128xf32, #tpu.memory_space<vmem>> -> memref<64x128xf32, #tpu.memory_space<vmem>>
        %dma_wait3A_135 = arith.constant 0 : i32
        %dma_wait3A_136 = tpu.memref_slice %arg10[%add3A_102, %dma_wait3A_135] : memref<10248x128xf32, #tpu.memory_space<vmem_shared>> -> memref<64x128xf32, #tpu.memory_space<vmem_shared>>
        %dma_wait3A_137 = arith.constant 0 : i32
        %dma_wait3A_138 = tpu.memref_slice %arg10[%add3A_102, %dma_wait3A_137] : memref<10248x128xf32, #tpu.memory_space<vmem_shared>> -> memref<64x128xf32, #tpu.memory_space<vmem_shared>>
        %dma_wait3A_139 = arith.constant 0 : i32
        %dma_wait3A_140 = arith.constant 0 : i32
        %dma_wait3A_141 = tpu.memref_slice %arg9[%run_scoped3A_103, %dma_wait3A_139, %dma_wait3A_140] : memref<4x64x128xf32, #tpu.memory_space<vmem>> -> memref<1x64x128xf32, #tpu.memory_space<vmem>>
        %dma_wait3A_142 = tpu.memref_squeeze %dma_wait3A_141 : memref<1x64x128xf32, #tpu.memory_space<vmem>> -> memref<64x128xf32, #tpu.memory_space<vmem>>
        tpu.wait_dma2 semaphore(%run_scoped3A_119 : memref<!tpu.dma_semaphore, #tpu.memory_space<semaphore_mem>>) src(%dma_wait3A_142 : memref<64x128xf32, #tpu.memory_space<vmem>>) dst(%dma_wait3A_138 : memref<64x128xf32, #tpu.memory_space<vmem_shared>>)
        tpu.yield
      }) : () -> ()
      %add3A_104 = arith.constant 320 : i32
      %add3A_105 = arith.addi %mul3A_0, %add3A_104 : i32
      %run_scoped3A_106 = arith.constant 0 : i32
      "tpu.region"() ({
        %run_scoped3A_119 = tpu.sem_alloc : memref<!tpu.dma_semaphore, #tpu.memory_space<semaphore_mem>>
        %dma_start3A = arith.constant 0 : i32
        %dma_start3A_120 = arith.constant 0 : i32
        %dma_start3A_121 = tpu.memref_slice %arg9[%run_scoped3A_106, %dma_start3A, %dma_start3A_120] : memref<4x64x128xf32, #tpu.memory_space<vmem>> -> memref<1x64x128xf32, #tpu.memory_space<vmem>>
        %dma_start3A_122 = tpu.memref_squeeze %dma_start3A_121 : memref<1x64x128xf32, #tpu.memory_space<vmem>> -> memref<64x128xf32, #tpu.memory_space<vmem>>
        %dma_start3A_123 = arith.constant 0 : i32
        %dma_start3A_124 = tpu.memref_slice %arg10[%add3A_105, %dma_start3A_123] : memref<10248x128xf32, #tpu.memory_space<vmem_shared>> -> memref<64x128xf32, #tpu.memory_space<vmem_shared>>
        %dma_start3A_125 = arith.constant 0 : i32
        %dma_start3A_126 = tpu.memref_slice %arg10[%add3A_105, %dma_start3A_125] : memref<10248x128xf32, #tpu.memory_space<vmem_shared>> -> memref<64x128xf32, #tpu.memory_space<vmem_shared>>
        %dma_start3A_127 = arith.constant 0 : i32
        %dma_start3A_128 = arith.constant 0 : i32
        %dma_start3A_129 = tpu.memref_slice %arg9[%run_scoped3A_106, %dma_start3A_127, %dma_start3A_128] : memref<4x64x128xf32, #tpu.memory_space<vmem>> -> memref<1x64x128xf32, #tpu.memory_space<vmem>>
        %dma_start3A_130 = tpu.memref_squeeze %dma_start3A_129 : memref<1x64x128xf32, #tpu.memory_space<vmem>> -> memref<64x128xf32, #tpu.memory_space<vmem>>
        tpu.enqueue_dma source(%dma_start3A_130 : memref<64x128xf32, #tpu.memory_space<vmem>>) target(%dma_start3A_126 : memref<64x128xf32, #tpu.memory_space<vmem_shared>>) target_semaphore(%run_scoped3A_119 : memref<!tpu.dma_semaphore, #tpu.memory_space<semaphore_mem>>)
        %dma_wait3A_131 = arith.constant 0 : i32
        %dma_wait3A_132 = arith.constant 0 : i32
        %dma_wait3A_133 = tpu.memref_slice %arg9[%run_scoped3A_106, %dma_wait3A_131, %dma_wait3A_132] : memref<4x64x128xf32, #tpu.memory_space<vmem>> -> memref<1x64x128xf32, #tpu.memory_space<vmem>>
        %dma_wait3A_134 = tpu.memref_squeeze %dma_wait3A_133 : memref<1x64x128xf32, #tpu.memory_space<vmem>> -> memref<64x128xf32, #tpu.memory_space<vmem>>
        %dma_wait3A_135 = arith.constant 0 : i32
        %dma_wait3A_136 = tpu.memref_slice %arg10[%add3A_105, %dma_wait3A_135] : memref<10248x128xf32, #tpu.memory_space<vmem_shared>> -> memref<64x128xf32, #tpu.memory_space<vmem_shared>>
        %dma_wait3A_137 = arith.constant 0 : i32
        %dma_wait3A_138 = tpu.memref_slice %arg10[%add3A_105, %dma_wait3A_137] : memref<10248x128xf32, #tpu.memory_space<vmem_shared>> -> memref<64x128xf32, #tpu.memory_space<vmem_shared>>
        %dma_wait3A_139 = arith.constant 0 : i32
        %dma_wait3A_140 = arith.constant 0 : i32
        %dma_wait3A_141 = tpu.memref_slice %arg9[%run_scoped3A_106, %dma_wait3A_139, %dma_wait3A_140] : memref<4x64x128xf32, #tpu.memory_space<vmem>> -> memref<1x64x128xf32, #tpu.memory_space<vmem>>
        %dma_wait3A_142 = tpu.memref_squeeze %dma_wait3A_141 : memref<1x64x128xf32, #tpu.memory_space<vmem>> -> memref<64x128xf32, #tpu.memory_space<vmem>>
        tpu.wait_dma2 semaphore(%run_scoped3A_119 : memref<!tpu.dma_semaphore, #tpu.memory_space<semaphore_mem>>) src(%dma_wait3A_142 : memref<64x128xf32, #tpu.memory_space<vmem>>) dst(%dma_wait3A_138 : memref<64x128xf32, #tpu.memory_space<vmem_shared>>)
        tpu.yield
      }) : () -> ()
      %add3A_107 = arith.constant 384 : i32
      %add3A_108 = arith.addi %mul3A_0, %add3A_107 : i32
      %run_scoped3A_109 = arith.constant 0 : i32
      "tpu.region"() ({
        %run_scoped3A_119 = tpu.sem_alloc : memref<!tpu.dma_semaphore, #tpu.memory_space<semaphore_mem>>
        %dma_start3A = arith.constant 0 : i32
        %dma_start3A_120 = arith.constant 0 : i32
        %dma_start3A_121 = tpu.memref_slice %arg9[%run_scoped3A_109, %dma_start3A, %dma_start3A_120] : memref<4x64x128xf32, #tpu.memory_space<vmem>> -> memref<1x64x128xf32, #tpu.memory_space<vmem>>
        %dma_start3A_122 = tpu.memref_squeeze %dma_start3A_121 : memref<1x64x128xf32, #tpu.memory_space<vmem>> -> memref<64x128xf32, #tpu.memory_space<vmem>>
        %dma_start3A_123 = arith.constant 0 : i32
        %dma_start3A_124 = tpu.memref_slice %arg10[%add3A_108, %dma_start3A_123] : memref<10248x128xf32, #tpu.memory_space<vmem_shared>> -> memref<64x128xf32, #tpu.memory_space<vmem_shared>>
        %dma_start3A_125 = arith.constant 0 : i32
        %dma_start3A_126 = tpu.memref_slice %arg10[%add3A_108, %dma_start3A_125] : memref<10248x128xf32, #tpu.memory_space<vmem_shared>> -> memref<64x128xf32, #tpu.memory_space<vmem_shared>>
        %dma_start3A_127 = arith.constant 0 : i32
        %dma_start3A_128 = arith.constant 0 : i32
        %dma_start3A_129 = tpu.memref_slice %arg9[%run_scoped3A_109, %dma_start3A_127, %dma_start3A_128] : memref<4x64x128xf32, #tpu.memory_space<vmem>> -> memref<1x64x128xf32, #tpu.memory_space<vmem>>
        %dma_start3A_130 = tpu.memref_squeeze %dma_start3A_129 : memref<1x64x128xf32, #tpu.memory_space<vmem>> -> memref<64x128xf32, #tpu.memory_space<vmem>>
        tpu.enqueue_dma source(%dma_start3A_130 : memref<64x128xf32, #tpu.memory_space<vmem>>) target(%dma_start3A_126 : memref<64x128xf32, #tpu.memory_space<vmem_shared>>) target_semaphore(%run_scoped3A_119 : memref<!tpu.dma_semaphore, #tpu.memory_space<semaphore_mem>>)
        %dma_wait3A_131 = arith.constant 0 : i32
        %dma_wait3A_132 = arith.constant 0 : i32
        %dma_wait3A_133 = tpu.memref_slice %arg9[%run_scoped3A_109, %dma_wait3A_131, %dma_wait3A_132] : memref<4x64x128xf32, #tpu.memory_space<vmem>> -> memref<1x64x128xf32, #tpu.memory_space<vmem>>
        %dma_wait3A_134 = tpu.memref_squeeze %dma_wait3A_133 : memref<1x64x128xf32, #tpu.memory_space<vmem>> -> memref<64x128xf32, #tpu.memory_space<vmem>>
        %dma_wait3A_135 = arith.constant 0 : i32
        %dma_wait3A_136 = tpu.memref_slice %arg10[%add3A_108, %dma_wait3A_135] : memref<10248x128xf32, #tpu.memory_space<vmem_shared>> -> memref<64x128xf32, #tpu.memory_space<vmem_shared>>
        %dma_wait3A_137 = arith.constant 0 : i32
        %dma_wait3A_138 = tpu.memref_slice %arg10[%add3A_108, %dma_wait3A_137] : memref<10248x128xf32, #tpu.memory_space<vmem_shared>> -> memref<64x128xf32, #tpu.memory_space<vmem_shared>>
        %dma_wait3A_139 = arith.constant 0 : i32
        %dma_wait3A_140 = arith.constant 0 : i32
        %dma_wait3A_141 = tpu.memref_slice %arg9[%run_scoped3A_109, %dma_wait3A_139, %dma_wait3A_140] : memref<4x64x128xf32, #tpu.memory_space<vmem>> -> memref<1x64x128xf32, #tpu.memory_space<vmem>>
        %dma_wait3A_142 = tpu.memref_squeeze %dma_wait3A_141 : memref<1x64x128xf32, #tpu.memory_space<vmem>> -> memref<64x128xf32, #tpu.memory_space<vmem>>
        tpu.wait_dma2 semaphore(%run_scoped3A_119 : memref<!tpu.dma_semaphore, #tpu.memory_space<semaphore_mem>>) src(%dma_wait3A_142 : memref<64x128xf32, #tpu.memory_space<vmem>>) dst(%dma_wait3A_138 : memref<64x128xf32, #tpu.memory_space<vmem_shared>>)
        tpu.yield
      }) : () -> ()
      %add3A_110 = arith.constant 448 : i32
      %add3A_111 = arith.addi %mul3A_0, %add3A_110 : i32
      %run_scoped3A_112 = arith.constant 0 : i32
      "tpu.region"() ({
        %run_scoped3A_119 = tpu.sem_alloc : memref<!tpu.dma_semaphore, #tpu.memory_space<semaphore_mem>>
        %dma_start3A = arith.constant 0 : i32
        %dma_start3A_120 = arith.constant 0 : i32
        %dma_start3A_121 = tpu.memref_slice %arg9[%run_scoped3A_112, %dma_start3A, %dma_start3A_120] : memref<4x64x128xf32, #tpu.memory_space<vmem>> -> memref<1x64x128xf32, #tpu.memory_space<vmem>>
        %dma_start3A_122 = tpu.memref_squeeze %dma_start3A_121 : memref<1x64x128xf32, #tpu.memory_space<vmem>> -> memref<64x128xf32, #tpu.memory_space<vmem>>
        %dma_start3A_123 = arith.constant 0 : i32
        %dma_start3A_124 = tpu.memref_slice %arg10[%add3A_111, %dma_start3A_123] : memref<10248x128xf32, #tpu.memory_space<vmem_shared>> -> memref<64x128xf32, #tpu.memory_space<vmem_shared>>
        %dma_start3A_125 = arith.constant 0 : i32
        %dma_start3A_126 = tpu.memref_slice %arg10[%add3A_111, %dma_start3A_125] : memref<10248x128xf32, #tpu.memory_space<vmem_shared>> -> memref<64x128xf32, #tpu.memory_space<vmem_shared>>
        %dma_start3A_127 = arith.constant 0 : i32
        %dma_start3A_128 = arith.constant 0 : i32
        %dma_start3A_129 = tpu.memref_slice %arg9[%run_scoped3A_112, %dma_start3A_127, %dma_start3A_128] : memref<4x64x128xf32, #tpu.memory_space<vmem>> -> memref<1x64x128xf32, #tpu.memory_space<vmem>>
        %dma_start3A_130 = tpu.memref_squeeze %dma_start3A_129 : memref<1x64x128xf32, #tpu.memory_space<vmem>> -> memref<64x128xf32, #tpu.memory_space<vmem>>
        tpu.enqueue_dma source(%dma_start3A_130 : memref<64x128xf32, #tpu.memory_space<vmem>>) target(%dma_start3A_126 : memref<64x128xf32, #tpu.memory_space<vmem_shared>>) target_semaphore(%run_scoped3A_119 : memref<!tpu.dma_semaphore, #tpu.memory_space<semaphore_mem>>)
        %dma_wait3A_131 = arith.constant 0 : i32
        %dma_wait3A_132 = arith.constant 0 : i32
        %dma_wait3A_133 = tpu.memref_slice %arg9[%run_scoped3A_112, %dma_wait3A_131, %dma_wait3A_132] : memref<4x64x128xf32, #tpu.memory_space<vmem>> -> memref<1x64x128xf32, #tpu.memory_space<vmem>>
        %dma_wait3A_134 = tpu.memref_squeeze %dma_wait3A_133 : memref<1x64x128xf32, #tpu.memory_space<vmem>> -> memref<64x128xf32, #tpu.memory_space<vmem>>
        %dma_wait3A_135 = arith.constant 0 : i32
        %dma_wait3A_136 = tpu.memref_slice %arg10[%add3A_111, %dma_wait3A_135] : memref<10248x128xf32, #tpu.memory_space<vmem_shared>> -> memref<64x128xf32, #tpu.memory_space<vmem_shared>>
        %dma_wait3A_137 = arith.constant 0 : i32
        %dma_wait3A_138 = tpu.memref_slice %arg10[%add3A_111, %dma_wait3A_137] : memref<10248x128xf32, #tpu.memory_space<vmem_shared>> -> memref<64x128xf32, #tpu.memory_space<vmem_shared>>
        %dma_wait3A_139 = arith.constant 0 : i32
        %dma_wait3A_140 = arith.constant 0 : i32
        %dma_wait3A_141 = tpu.memref_slice %arg9[%run_scoped3A_112, %dma_wait3A_139, %dma_wait3A_140] : memref<4x64x128xf32, #tpu.memory_space<vmem>> -> memref<1x64x128xf32, #tpu.memory_space<vmem>>
        %dma_wait3A_142 = tpu.memref_squeeze %dma_wait3A_141 : memref<1x64x128xf32, #tpu.memory_space<vmem>> -> memref<64x128xf32, #tpu.memory_space<vmem>>
        tpu.wait_dma2 semaphore(%run_scoped3A_119 : memref<!tpu.dma_semaphore, #tpu.memory_space<semaphore_mem>>) src(%dma_wait3A_142 : memref<64x128xf32, #tpu.memory_space<vmem>>) dst(%dma_wait3A_138 : memref<64x128xf32, #tpu.memory_space<vmem_shared>>)
        tpu.yield
      }) : () -> ()
      %add3A_113 = arith.constant 512 : i32
      %add3A_114 = arith.addi %mul3A_0, %add3A_113 : i32
      %run_scoped3A_115 = arith.constant 0 : i32
      "tpu.region"() ({
        %run_scoped3A_119 = tpu.sem_alloc : memref<!tpu.dma_semaphore, #tpu.memory_space<semaphore_mem>>
        %dma_start3A = arith.constant 0 : i32
        %dma_start3A_120 = arith.constant 0 : i32
        %dma_start3A_121 = tpu.memref_slice %arg9[%run_scoped3A_115, %dma_start3A, %dma_start3A_120] : memref<4x64x128xf32, #tpu.memory_space<vmem>> -> memref<1x64x128xf32, #tpu.memory_space<vmem>>
        %dma_start3A_122 = tpu.memref_squeeze %dma_start3A_121 : memref<1x64x128xf32, #tpu.memory_space<vmem>> -> memref<64x128xf32, #tpu.memory_space<vmem>>
        %dma_start3A_123 = arith.constant 0 : i32
        %dma_start3A_124 = tpu.memref_slice %arg10[%add3A_114, %dma_start3A_123] : memref<10248x128xf32, #tpu.memory_space<vmem_shared>> -> memref<64x128xf32, #tpu.memory_space<vmem_shared>>
        %dma_start3A_125 = arith.constant 0 : i32
        %dma_start3A_126 = tpu.memref_slice %arg10[%add3A_114, %dma_start3A_125] : memref<10248x128xf32, #tpu.memory_space<vmem_shared>> -> memref<64x128xf32, #tpu.memory_space<vmem_shared>>
        %dma_start3A_127 = arith.constant 0 : i32
        %dma_start3A_128 = arith.constant 0 : i32
        %dma_start3A_129 = tpu.memref_slice %arg9[%run_scoped3A_115, %dma_start3A_127, %dma_start3A_128] : memref<4x64x128xf32, #tpu.memory_space<vmem>> -> memref<1x64x128xf32, #tpu.memory_space<vmem>>
        %dma_start3A_130 = tpu.memref_squeeze %dma_start3A_129 : memref<1x64x128xf32, #tpu.memory_space<vmem>> -> memref<64x128xf32, #tpu.memory_space<vmem>>
        tpu.enqueue_dma source(%dma_start3A_130 : memref<64x128xf32, #tpu.memory_space<vmem>>) target(%dma_start3A_126 : memref<64x128xf32, #tpu.memory_space<vmem_shared>>) target_semaphore(%run_scoped3A_119 : memref<!tpu.dma_semaphore, #tpu.memory_space<semaphore_mem>>)
        %dma_wait3A_131 = arith.constant 0 : i32
        %dma_wait3A_132 = arith.constant 0 : i32
        %dma_wait3A_133 = tpu.memref_slice %arg9[%run_scoped3A_115, %dma_wait3A_131, %dma_wait3A_132] : memref<4x64x128xf32, #tpu.memory_space<vmem>> -> memref<1x64x128xf32, #tpu.memory_space<vmem>>
        %dma_wait3A_134 = tpu.memref_squeeze %dma_wait3A_133 : memref<1x64x128xf32, #tpu.memory_space<vmem>> -> memref<64x128xf32, #tpu.memory_space<vmem>>
        %dma_wait3A_135 = arith.constant 0 : i32
        %dma_wait3A_136 = tpu.memref_slice %arg10[%add3A_114, %dma_wait3A_135] : memref<10248x128xf32, #tpu.memory_space<vmem_shared>> -> memref<64x128xf32, #tpu.memory_space<vmem_shared>>
        %dma_wait3A_137 = arith.constant 0 : i32
        %dma_wait3A_138 = tpu.memref_slice %arg10[%add3A_114, %dma_wait3A_137] : memref<10248x128xf32, #tpu.memory_space<vmem_shared>> -> memref<64x128xf32, #tpu.memory_space<vmem_shared>>
        %dma_wait3A_139 = arith.constant 0 : i32
        %dma_wait3A_140 = arith.constant 0 : i32
        %dma_wait3A_141 = tpu.memref_slice %arg9[%run_scoped3A_115, %dma_wait3A_139, %dma_wait3A_140] : memref<4x64x128xf32, #tpu.memory_space<vmem>> -> memref<1x64x128xf32, #tpu.memory_space<vmem>>
        %dma_wait3A_142 = tpu.memref_squeeze %dma_wait3A_141 : memref<1x64x128xf32, #tpu.memory_space<vmem>> -> memref<64x128xf32, #tpu.memory_space<vmem>>
        tpu.wait_dma2 semaphore(%run_scoped3A_119 : memref<!tpu.dma_semaphore, #tpu.memory_space<semaphore_mem>>) src(%dma_wait3A_142 : memref<64x128xf32, #tpu.memory_space<vmem>>) dst(%dma_wait3A_138 : memref<64x128xf32, #tpu.memory_space<vmem_shared>>)
        tpu.yield
      }) : () -> ()
      %add3A_116 = arith.constant 576 : i32
      %add3A_117 = arith.addi %mul3A_0, %add3A_116 : i32
      %run_scoped3A_118 = arith.constant 0 : i32
      "tpu.region"() ({
        %run_scoped3A_119 = tpu.sem_alloc : memref<!tpu.dma_semaphore, #tpu.memory_space<semaphore_mem>>
        %dma_start3A = arith.constant 0 : i32
        %dma_start3A_120 = arith.constant 0 : i32
        %dma_start3A_121 = tpu.memref_slice %arg9[%run_scoped3A_118, %dma_start3A, %dma_start3A_120] : memref<4x64x128xf32, #tpu.memory_space<vmem>> -> memref<1x64x128xf32, #tpu.memory_space<vmem>>
        %dma_start3A_122 = tpu.memref_squeeze %dma_start3A_121 : memref<1x64x128xf32, #tpu.memory_space<vmem>> -> memref<64x128xf32, #tpu.memory_space<vmem>>
        %dma_start3A_123 = arith.constant 0 : i32
        %dma_start3A_124 = tpu.memref_slice %arg10[%add3A_117, %dma_start3A_123] : memref<10248x128xf32, #tpu.memory_space<vmem_shared>> -> memref<64x128xf32, #tpu.memory_space<vmem_shared>>
        %dma_start3A_125 = arith.constant 0 : i32
        %dma_start3A_126 = tpu.memref_slice %arg10[%add3A_117, %dma_start3A_125] : memref<10248x128xf32, #tpu.memory_space<vmem_shared>> -> memref<64x128xf32, #tpu.memory_space<vmem_shared>>
        %dma_start3A_127 = arith.constant 0 : i32
        %dma_start3A_128 = arith.constant 0 : i32
        %dma_start3A_129 = tpu.memref_slice %arg9[%run_scoped3A_118, %dma_start3A_127, %dma_start3A_128] : memref<4x64x128xf32, #tpu.memory_space<vmem>> -> memref<1x64x128xf32, #tpu.memory_space<vmem>>
        %dma_start3A_130 = tpu.memref_squeeze %dma_start3A_129 : memref<1x64x128xf32, #tpu.memory_space<vmem>> -> memref<64x128xf32, #tpu.memory_space<vmem>>
        tpu.enqueue_dma source(%dma_start3A_130 : memref<64x128xf32, #tpu.memory_space<vmem>>) target(%dma_start3A_126 : memref<64x128xf32, #tpu.memory_space<vmem_shared>>) target_semaphore(%run_scoped3A_119 : memref<!tpu.dma_semaphore, #tpu.memory_space<semaphore_mem>>)
        %dma_wait3A_131 = arith.constant 0 : i32
        %dma_wait3A_132 = arith.constant 0 : i32
        %dma_wait3A_133 = tpu.memref_slice %arg9[%run_scoped3A_118, %dma_wait3A_131, %dma_wait3A_132] : memref<4x64x128xf32, #tpu.memory_space<vmem>> -> memref<1x64x128xf32, #tpu.memory_space<vmem>>
        %dma_wait3A_134 = tpu.memref_squeeze %dma_wait3A_133 : memref<1x64x128xf32, #tpu.memory_space<vmem>> -> memref<64x128xf32, #tpu.memory_space<vmem>>
        %dma_wait3A_135 = arith.constant 0 : i32
        %dma_wait3A_136 = tpu.memref_slice %arg10[%add3A_117, %dma_wait3A_135] : memref<10248x128xf32, #tpu.memory_space<vmem_shared>> -> memref<64x128xf32, #tpu.memory_space<vmem_shared>>
        %dma_wait3A_137 = arith.constant 0 : i32
        %dma_wait3A_138 = tpu.memref_slice %arg10[%add3A_117, %dma_wait3A_137] : memref<10248x128xf32, #tpu.memory_space<vmem_shared>> -> memref<64x128xf32, #tpu.memory_space<vmem_shared>>
        %dma_wait3A_139 = arith.constant 0 : i32
        %dma_wait3A_140 = arith.constant 0 : i32
        %dma_wait3A_141 = tpu.memref_slice %arg9[%run_scoped3A_118, %dma_wait3A_139, %dma_wait3A_140] : memref<4x64x128xf32, #tpu.memory_space<vmem>> -> memref<1x64x128xf32, #tpu.memory_space<vmem>>
        %dma_wait3A_142 = tpu.memref_squeeze %dma_wait3A_141 : memref<1x64x128xf32, #tpu.memory_space<vmem>> -> memref<64x128xf32, #tpu.memory_space<vmem>>
        tpu.wait_dma2 semaphore(%run_scoped3A_119 : memref<!tpu.dma_semaphore, #tpu.memory_space<semaphore_mem>>) src(%dma_wait3A_142 : memref<64x128xf32, #tpu.memory_space<vmem>>) dst(%dma_wait3A_138 : memref<64x128xf32, #tpu.memory_space<vmem_shared>>)
        tpu.yield
      }) : () -> ()
    } else {
    }
    %barrier3A = arith.constant 0 : index
    tpu.barrier barrier_id(%barrier3A)
    %mul3A_8 = arith.constant 160 : i32
    %mul3A_9 = arith.muli %arg0, %mul3A_8 : i32
    %scan3A = arith.constant 0 : i32
    %scan3A_10 = arith.constant 0 : i32
    %scan3A_11 = arith.constant 10 : i32
    %scan3A_12 = arith.addi %scan3A_10, %scan3A_11 : i32
    %scan3A_13 = arith.constant 1 : i32
    scf.for %scan3A_85 = %scan3A_10 to %scan3A_12 step %scan3A_13  : i32 {
      %jit3A = arith.constant 2 : i32
      %eq3A_86 = arith.constant 0 : i32
      %eq3A_87 = arith.cmpi eq, %jit3A, %eq3A_86 : i32
      %jit3A_88 = arith.constant 1 : i32
      %select_n3A = arith.select %eq3A_87, %jit3A_88, %jit3A : i32
      %rem3A = arith.remsi %scan3A_85, %select_n3A : i32
      %ne3A = arith.constant 0 : i32
      %ne3A_89 = arith.cmpi ne, %rem3A, %ne3A : i32
      %lt3A = arith.constant 0 : i32
      %lt3A_90 = arith.cmpi slt, %rem3A, %lt3A : i32
      %lt3A_91 = arith.constant 0 : i32
      %lt3A_92 = arith.cmpi slt, %select_n3A, %lt3A_91 : i32
      %ne3A_93 = arith.xori %lt3A_90, %lt3A_92 : i1
      %and3A = arith.andi %ne3A_93, %ne3A_89 : i1
      %add3A = arith.addi %rem3A, %select_n3A : i32
      %select_n3A_94 = arith.select %and3A, %add3A, %rem3A : i32
      %jit3A_95 = arith.constant 2 : i32
      %eq3A_96 = arith.constant 0 : i32
      %eq3A_97 = arith.cmpi eq, %jit3A_95, %eq3A_96 : i32
      %jit3A_98 = arith.constant 1 : i32
      %select_n3A_99 = arith.select %eq3A_97, %jit3A_98, %jit3A_95 : i32
      %rem3A_100 = arith.remsi %scan3A_85, %select_n3A_99 : i32
      %ne3A_101 = arith.constant 0 : i32
      %ne3A_102 = arith.cmpi ne, %rem3A_100, %ne3A_101 : i32
      %lt3A_103 = arith.constant 0 : i32
      %lt3A_104 = arith.cmpi slt, %rem3A_100, %lt3A_103 : i32
      %lt3A_105 = arith.constant 0 : i32
      %lt3A_106 = arith.cmpi slt, %select_n3A_99, %lt3A_105 : i32
      %ne3A_107 = arith.xori %lt3A_104, %lt3A_106 : i1
      %and3A_108 = arith.andi %ne3A_107, %ne3A_102 : i1
      %add3A_109 = arith.addi %rem3A_100, %select_n3A_99 : i32
      %select_n3A_110 = arith.select %and3A_108, %add3A_109, %rem3A_100 : i32
      %mul3A_111 = arith.constant 16 : i32
      %mul3A_112 = arith.muli %scan3A_85, %mul3A_111 : i32
      %add3A_113 = arith.addi %mul3A_9, %mul3A_112 : i32
      "tpu.region"() ({
        %run_scoped3A = tpu.sem_alloc : memref<!tpu.dma_semaphore, #tpu.memory_space<semaphore_mem>>
        %dma_start3A_162 = arith.constant 0 : i32
        %dma_start3A_163 = arith.constant 0 : i32
        %dma_start3A_164 = tpu.memref_slice %arg7[%select_n3A_110, %dma_start3A_162, %dma_start3A_163] : memref<2x16x64xi32, #tpu.memory_space<vmem>> -> memref<1x16x64xi32, #tpu.memory_space<vmem>>
        %dma_start3A_165 = tpu.memref_squeeze %dma_start3A_164 : memref<1x16x64xi32, #tpu.memory_space<vmem>> -> memref<16x64xi32, #tpu.memory_space<vmem>>
        %dma_start3A_166 = arith.constant 0 : i32
        %dma_start3A_167 = tpu.memref_slice %arg3[%arg1, %add3A_113, %dma_start3A_166] : memref<16x320x64xi32, #tpu.memory_space<hbm>> -> memref<1x16x64xi32, #tpu.memory_space<hbm>>
        %dma_start3A_168 = tpu.memref_squeeze %dma_start3A_167 : memref<1x16x64xi32, #tpu.memory_space<hbm>> -> memref<16x64xi32, #tpu.memory_space<hbm>>
        %dma_start3A_169 = arith.constant 0 : i32
        %dma_start3A_170 = arith.constant 0 : i32
        %dma_start3A_171 = tpu.memref_slice %arg7[%select_n3A_110, %dma_start3A_169, %dma_start3A_170] : memref<2x16x64xi32, #tpu.memory_space<vmem>> -> memref<1x16x64xi32, #tpu.memory_space<vmem>>
        %dma_start3A_172 = tpu.memref_squeeze %dma_start3A_171 : memref<1x16x64xi32, #tpu.memory_space<vmem>> -> memref<16x64xi32, #tpu.memory_space<vmem>>
        %dma_start3A_173 = arith.constant 0 : i32
        %dma_start3A_174 = tpu.memref_slice %arg3[%arg1, %add3A_113, %dma_start3A_173] : memref<16x320x64xi32, #tpu.memory_space<hbm>> -> memref<1x16x64xi32, #tpu.memory_space<hbm>>
        %dma_start3A_175 = tpu.memref_squeeze %dma_start3A_174 : memref<1x16x64xi32, #tpu.memory_space<hbm>> -> memref<16x64xi32, #tpu.memory_space<hbm>>
        tpu.enqueue_dma source(%dma_start3A_175 : memref<16x64xi32, #tpu.memory_space<hbm>>) target(%dma_start3A_172 : memref<16x64xi32, #tpu.memory_space<vmem>>) target_semaphore(%run_scoped3A : memref<!tpu.dma_semaphore, #tpu.memory_space<semaphore_mem>>)
        %dma_wait3A_176 = arith.constant 0 : i32
        %dma_wait3A_177 = arith.constant 0 : i32
        %dma_wait3A_178 = tpu.memref_slice %arg7[%select_n3A_110, %dma_wait3A_176, %dma_wait3A_177] : memref<2x16x64xi32, #tpu.memory_space<vmem>> -> memref<1x16x64xi32, #tpu.memory_space<vmem>>
        %dma_wait3A_179 = tpu.memref_squeeze %dma_wait3A_178 : memref<1x16x64xi32, #tpu.memory_space<vmem>> -> memref<16x64xi32, #tpu.memory_space<vmem>>
        %dma_wait3A_180 = arith.constant 0 : i32
        %dma_wait3A_181 = tpu.memref_slice %arg3[%arg1, %add3A_113, %dma_wait3A_180] : memref<16x320x64xi32, #tpu.memory_space<hbm>> -> memref<1x16x64xi32, #tpu.memory_space<hbm>>
        %dma_wait3A_182 = tpu.memref_squeeze %dma_wait3A_181 : memref<1x16x64xi32, #tpu.memory_space<hbm>> -> memref<16x64xi32, #tpu.memory_space<hbm>>
        %dma_wait3A_183 = arith.constant 0 : i32
        %dma_wait3A_184 = arith.constant 0 : i32
        %dma_wait3A_185 = tpu.memref_slice %arg7[%select_n3A_110, %dma_wait3A_183, %dma_wait3A_184] : memref<2x16x64xi32, #tpu.memory_space<vmem>> -> memref<1x16x64xi32, #tpu.memory_space<vmem>>
        %dma_wait3A_186 = tpu.memref_squeeze %dma_wait3A_185 : memref<1x16x64xi32, #tpu.memory_space<vmem>> -> memref<16x64xi32, #tpu.memory_space<vmem>>
        %dma_wait3A_187 = arith.constant 0 : i32
        %dma_wait3A_188 = tpu.memref_slice %arg3[%arg1, %add3A_113, %dma_wait3A_187] : memref<16x320x64xi32, #tpu.memory_space<hbm>> -> memref<1x16x64xi32, #tpu.memory_space<hbm>>
        %dma_wait3A_189 = tpu.memref_squeeze %dma_wait3A_188 : memref<1x16x64xi32, #tpu.memory_space<hbm>> -> memref<16x64xi32, #tpu.memory_space<hbm>>
        tpu.wait_dma2 semaphore(%run_scoped3A : memref<!tpu.dma_semaphore, #tpu.memory_space<semaphore_mem>>) src(%dma_wait3A_189 : memref<16x64xi32, #tpu.memory_space<hbm>>) dst(%dma_wait3A_186 : memref<16x64xi32, #tpu.memory_space<vmem>>)
        tpu.yield
      }) : () -> ()
      %mul3A_114 = arith.constant 16 : i32
      %mul3A_115 = arith.muli %scan3A_85, %mul3A_114 : i32
      %add3A_116 = arith.addi %mul3A_9, %mul3A_115 : i32
      "tpu.region"() ({
        %run_scoped3A = tpu.sem_alloc : memref<!tpu.dma_semaphore, #tpu.memory_space<semaphore_mem>>
        %dma_start3A_162 = arith.constant 0 : i32
        %dma_start3A_163 = arith.constant 0 : i32
        %dma_start3A_164 = tpu.memref_slice %arg8[%select_n3A_110, %dma_start3A_162, %dma_start3A_163] : memref<2x16x64xi32, #tpu.memory_space<vmem>> -> memref<1x16x64xi32, #tpu.memory_space<vmem>>
        %dma_start3A_165 = tpu.memref_squeeze %dma_start3A_164 : memref<1x16x64xi32, #tpu.memory_space<vmem>> -> memref<16x64xi32, #tpu.memory_space<vmem>>
        %dma_start3A_166 = arith.constant 0 : i32
        %dma_start3A_167 = tpu.memref_slice %arg4[%arg1, %add3A_116, %dma_start3A_166] : memref<16x320x64xi32, #tpu.memory_space<hbm>> -> memref<1x16x64xi32, #tpu.memory_space<hbm>>
        %dma_start3A_168 = tpu.memref_squeeze %dma_start3A_167 : memref<1x16x64xi32, #tpu.memory_space<hbm>> -> memref<16x64xi32, #tpu.memory_space<hbm>>
        %dma_start3A_169 = arith.constant 0 : i32
        %dma_start3A_170 = arith.constant 0 : i32
        %dma_start3A_171 = tpu.memref_slice %arg8[%select_n3A_110, %dma_start3A_169, %dma_start3A_170] : memref<2x16x64xi32, #tpu.memory_space<vmem>> -> memref<1x16x64xi32, #tpu.memory_space<vmem>>
        %dma_start3A_172 = tpu.memref_squeeze %dma_start3A_171 : memref<1x16x64xi32, #tpu.memory_space<vmem>> -> memref<16x64xi32, #tpu.memory_space<vmem>>
        %dma_start3A_173 = arith.constant 0 : i32
        %dma_start3A_174 = tpu.memref_slice %arg4[%arg1, %add3A_116, %dma_start3A_173] : memref<16x320x64xi32, #tpu.memory_space<hbm>> -> memref<1x16x64xi32, #tpu.memory_space<hbm>>
        %dma_start3A_175 = tpu.memref_squeeze %dma_start3A_174 : memref<1x16x64xi32, #tpu.memory_space<hbm>> -> memref<16x64xi32, #tpu.memory_space<hbm>>
        tpu.enqueue_dma source(%dma_start3A_175 : memref<16x64xi32, #tpu.memory_space<hbm>>) target(%dma_start3A_172 : memref<16x64xi32, #tpu.memory_space<vmem>>) target_semaphore(%run_scoped3A : memref<!tpu.dma_semaphore, #tpu.memory_space<semaphore_mem>>)
        %dma_wait3A_176 = arith.constant 0 : i32
        %dma_wait3A_177 = arith.constant 0 : i32
        %dma_wait3A_178 = tpu.memref_slice %arg8[%select_n3A_110, %dma_wait3A_176, %dma_wait3A_177] : memref<2x16x64xi32, #tpu.memory_space<vmem>> -> memref<1x16x64xi32, #tpu.memory_space<vmem>>
        %dma_wait3A_179 = tpu.memref_squeeze %dma_wait3A_178 : memref<1x16x64xi32, #tpu.memory_space<vmem>> -> memref<16x64xi32, #tpu.memory_space<vmem>>
        %dma_wait3A_180 = arith.constant 0 : i32
        %dma_wait3A_181 = tpu.memref_slice %arg4[%arg1, %add3A_116, %dma_wait3A_180] : memref<16x320x64xi32, #tpu.memory_space<hbm>> -> memref<1x16x64xi32, #tpu.memory_space<hbm>>
        %dma_wait3A_182 = tpu.memref_squeeze %dma_wait3A_181 : memref<1x16x64xi32, #tpu.memory_space<hbm>> -> memref<16x64xi32, #tpu.memory_space<hbm>>
        %dma_wait3A_183 = arith.constant 0 : i32
        %dma_wait3A_184 = arith.constant 0 : i32
        %dma_wait3A_185 = tpu.memref_slice %arg8[%select_n3A_110, %dma_wait3A_183, %dma_wait3A_184] : memref<2x16x64xi32, #tpu.memory_space<vmem>> -> memref<1x16x64xi32, #tpu.memory_space<vmem>>
        %dma_wait3A_186 = tpu.memref_squeeze %dma_wait3A_185 : memref<1x16x64xi32, #tpu.memory_space<vmem>> -> memref<16x64xi32, #tpu.memory_space<vmem>>
        %dma_wait3A_187 = arith.constant 0 : i32
        %dma_wait3A_188 = tpu.memref_slice %arg4[%arg1, %add3A_116, %dma_wait3A_187] : memref<16x320x64xi32, #tpu.memory_space<hbm>> -> memref<1x16x64xi32, #tpu.memory_space<hbm>>
        %dma_wait3A_189 = tpu.memref_squeeze %dma_wait3A_188 : memref<1x16x64xi32, #tpu.memory_space<hbm>> -> memref<16x64xi32, #tpu.memory_space<hbm>>
        tpu.wait_dma2 semaphore(%run_scoped3A : memref<!tpu.dma_semaphore, #tpu.memory_space<semaphore_mem>>) src(%dma_wait3A_189 : memref<16x64xi32, #tpu.memory_space<hbm>>) dst(%dma_wait3A_186 : memref<16x64xi32, #tpu.memory_space<vmem>>)
        tpu.yield
      }) : () -> ()
      %gt3A = arith.constant 0 : i32
      %gt3A_117 = arith.cmpi sgt, %scan3A_85, %gt3A : i32
      %convert_element_type3A_118 = arith.extui %gt3A_117 : i1 to i32
      %cond3A_119 = arith.constant 0 : i32
      %cond3A_120 = arith.cmpi ne, %convert_element_type3A_118, %cond3A_119 : i32
      scf.if %cond3A_120 {
        %dma_wait3A_162 = arith.constant 0 : i32
        %dma_wait3A_163 = arith.constant 0 : i32
        %dma_wait3A_164 = arith.constant 0 : i32
        %dma_wait3A_165 = tpu.memref_slice %arg9[%dma_wait3A_162, %dma_wait3A_163, %dma_wait3A_164] : memref<4x64x128xf32, #tpu.memory_space<vmem>> -> memref<1x64x128xf32, #tpu.memory_space<vmem>>
        %dma_wait3A_166 = tpu.memref_squeeze %dma_wait3A_165 : memref<1x64x128xf32, #tpu.memory_space<vmem>> -> memref<64x128xf32, #tpu.memory_space<vmem>>
        %dma_wait3A_167 = arith.constant 0 : i32
        %dma_wait3A_168 = arith.constant 0 : i32
        %dma_wait3A_169 = tpu.memref_slice %arg10[%dma_wait3A_167, %dma_wait3A_168] : memref<10248x128xf32, #tpu.memory_space<vmem_shared>> -> memref<64x128xf32, #tpu.memory_space<vmem_shared>>
        %dma_wait3A_170 = arith.constant 0 : i32
        %dma_wait3A_171 = arith.constant 0 : i32
        %dma_wait3A_172 = tpu.memref_slice %arg10[%dma_wait3A_170, %dma_wait3A_171] : memref<10248x128xf32, #tpu.memory_space<vmem_shared>> -> memref<64x128xf32, #tpu.memory_space<vmem_shared>>
        %dma_wait3A_173 = arith.constant 0 : i32
        %dma_wait3A_174 = arith.constant 0 : i32
        %dma_wait3A_175 = tpu.memref_slice %arg9[%dma_wait3A_162, %dma_wait3A_173, %dma_wait3A_174] : memref<4x64x128xf32, #tpu.memory_space<vmem>> -> memref<1x64x128xf32, #tpu.memory_space<vmem>>
        %dma_wait3A_176 = tpu.memref_squeeze %dma_wait3A_175 : memref<1x64x128xf32, #tpu.memory_space<vmem>> -> memref<64x128xf32, #tpu.memory_space<vmem>>
        tpu.wait_dma2 semaphore(%arg12 : memref<!tpu.dma_semaphore, #tpu.memory_space<semaphore_mem>>) src(%dma_wait3A_176 : memref<64x128xf32, #tpu.memory_space<vmem>>) dst(%dma_wait3A_172 : memref<64x128xf32, #tpu.memory_space<vmem_shared>>)
        %dma_wait3A_177 = arith.constant 0 : i32
        %dma_wait3A_178 = arith.constant 0 : i32
        %dma_wait3A_179 = arith.constant 0 : i32
        %dma_wait3A_180 = tpu.memref_slice %arg9[%dma_wait3A_177, %dma_wait3A_178, %dma_wait3A_179] : memref<4x64x128xf32, #tpu.memory_space<vmem>> -> memref<1x64x128xf32, #tpu.memory_space<vmem>>
        %dma_wait3A_181 = tpu.memref_squeeze %dma_wait3A_180 : memref<1x64x128xf32, #tpu.memory_space<vmem>> -> memref<64x128xf32, #tpu.memory_space<vmem>>
        %dma_wait3A_182 = arith.constant 0 : i32
        %dma_wait3A_183 = arith.constant 0 : i32
        %dma_wait3A_184 = tpu.memref_slice %arg10[%dma_wait3A_182, %dma_wait3A_183] : memref<10248x128xf32, #tpu.memory_space<vmem_shared>> -> memref<64x128xf32, #tpu.memory_space<vmem_shared>>
        %dma_wait3A_185 = arith.constant 0 : i32
        %dma_wait3A_186 = arith.constant 0 : i32
        %dma_wait3A_187 = tpu.memref_slice %arg10[%dma_wait3A_185, %dma_wait3A_186] : memref<10248x128xf32, #tpu.memory_space<vmem_shared>> -> memref<64x128xf32, #tpu.memory_space<vmem_shared>>
        %dma_wait3A_188 = arith.constant 0 : i32
        %dma_wait3A_189 = arith.constant 0 : i32
        %dma_wait3A_190 = tpu.memref_slice %arg9[%dma_wait3A_177, %dma_wait3A_188, %dma_wait3A_189] : memref<4x64x128xf32, #tpu.memory_space<vmem>> -> memref<1x64x128xf32, #tpu.memory_space<vmem>>
        %dma_wait3A_191 = tpu.memref_squeeze %dma_wait3A_190 : memref<1x64x128xf32, #tpu.memory_space<vmem>> -> memref<64x128xf32, #tpu.memory_space<vmem>>
        tpu.wait_dma2 semaphore(%arg12 : memref<!tpu.dma_semaphore, #tpu.memory_space<semaphore_mem>>) src(%dma_wait3A_191 : memref<64x128xf32, #tpu.memory_space<vmem>>) dst(%dma_wait3A_187 : memref<64x128xf32, #tpu.memory_space<vmem_shared>>)
        %dma_wait3A_192 = arith.constant 0 : i32
        %dma_wait3A_193 = arith.constant 0 : i32
        %dma_wait3A_194 = arith.constant 0 : i32
        %dma_wait3A_195 = tpu.memref_slice %arg9[%dma_wait3A_192, %dma_wait3A_193, %dma_wait3A_194] : memref<4x64x128xf32, #tpu.memory_space<vmem>> -> memref<1x64x128xf32, #tpu.memory_space<vmem>>
        %dma_wait3A_196 = tpu.memref_squeeze %dma_wait3A_195 : memref<1x64x128xf32, #tpu.memory_space<vmem>> -> memref<64x128xf32, #tpu.memory_space<vmem>>
        %dma_wait3A_197 = arith.constant 0 : i32
        %dma_wait3A_198 = arith.constant 0 : i32
        %dma_wait3A_199 = tpu.memref_slice %arg10[%dma_wait3A_197, %dma_wait3A_198] : memref<10248x128xf32, #tpu.memory_space<vmem_shared>> -> memref<64x128xf32, #tpu.memory_space<vmem_shared>>
        %dma_wait3A_200 = arith.constant 0 : i32
        %dma_wait3A_201 = arith.constant 0 : i32
        %dma_wait3A_202 = tpu.memref_slice %arg10[%dma_wait3A_200, %dma_wait3A_201] : memref<10248x128xf32, #tpu.memory_space<vmem_shared>> -> memref<64x128xf32, #tpu.memory_space<vmem_shared>>
        %dma_wait3A_203 = arith.constant 0 : i32
        %dma_wait3A_204 = arith.constant 0 : i32
        %dma_wait3A_205 = tpu.memref_slice %arg9[%dma_wait3A_192, %dma_wait3A_203, %dma_wait3A_204] : memref<4x64x128xf32, #tpu.memory_space<vmem>> -> memref<1x64x128xf32, #tpu.memory_space<vmem>>
        %dma_wait3A_206 = tpu.memref_squeeze %dma_wait3A_205 : memref<1x64x128xf32, #tpu.memory_space<vmem>> -> memref<64x128xf32, #tpu.memory_space<vmem>>
        tpu.wait_dma2 semaphore(%arg12 : memref<!tpu.dma_semaphore, #tpu.memory_space<semaphore_mem>>) src(%dma_wait3A_206 : memref<64x128xf32, #tpu.memory_space<vmem>>) dst(%dma_wait3A_202 : memref<64x128xf32, #tpu.memory_space<vmem_shared>>)
      } else {
      }
      %dma_start3A = arith.constant 0 : i32
      %dma_start3A_121 = arith.constant 0 : i32
      %dma_start3A_122 = arith.constant 0 : i32
      %dma_start3A_123 = arith.constant 0 : i32
      %dma_start3A_124 = tpu.memref_slice %arg9[%dma_start3A_121, %dma_start3A_122, %dma_start3A_123] : memref<4x64x128xf32, #tpu.memory_space<vmem>> -> memref<1x64x128xf32, #tpu.memory_space<vmem>>
      %dma_start3A_125 = tpu.memref_squeeze %dma_start3A_124 : memref<1x64x128xf32, #tpu.memory_space<vmem>> -> memref<64x128xf32, #tpu.memory_space<vmem>>
      %dma_start3A_126 = arith.constant 0 : i32
      %dma_start3A_127 = tpu.memref_slice %arg7[%select_n3A_94, %dma_start3A, %dma_start3A_126] : memref<2x16x64xi32, #tpu.memory_space<vmem>> -> memref<1x1x64xi32, #tpu.memory_space<vmem>>
      %dma_start3A_128 = tpu.memref_squeeze %dma_start3A_127 : memref<1x1x64xi32, #tpu.memory_space<vmem>> -> memref<64xi32, #tpu.memory_space<vmem>>
      %dma_start3A_129 = arith.constant 0 : i32
      %dma_start3A_130 = arith.constant 0 : i32
      %dma_start3A_131 = tpu.memref_slice %arg2[%dma_start3A_129, %dma_start3A_130] : memref<10240x128xf32, #tpu.memory_space<hbm>> -> memref<10240x128xf32, #tpu.memory_space<hbm>>
      tpu.enqueue_indirect_dma source(%dma_start3A_131 : memref<10240x128xf32, #tpu.memory_space<hbm>>) target(%dma_start3A_125 : memref<64x128xf32, #tpu.memory_space<vmem>>) offsets(%dma_start3A_128 : memref<64xi32, #tpu.memory_space<vmem>>) semaphore(%arg11 : memref<!tpu.dma_semaphore, #tpu.memory_space<semaphore_mem>>)
      %dma_start3A_132 = arith.constant 1 : i32
      %dma_start3A_133 = arith.constant 1 : i32
      %dma_start3A_134 = arith.constant 0 : i32
      %dma_start3A_135 = arith.constant 0 : i32
      %dma_start3A_136 = tpu.memref_slice %arg9[%dma_start3A_133, %dma_start3A_134, %dma_start3A_135] : memref<4x64x128xf32, #tpu.memory_space<vmem>> -> memref<1x64x128xf32, #tpu.memory_space<vmem>>
      %dma_start3A_137 = tpu.memref_squeeze %dma_start3A_136 : memref<1x64x128xf32, #tpu.memory_space<vmem>> -> memref<64x128xf32, #tpu.memory_space<vmem>>
      %dma_start3A_138 = arith.constant 0 : i32
      %dma_start3A_139 = tpu.memref_slice %arg7[%select_n3A_94, %dma_start3A_132, %dma_start3A_138] : memref<2x16x64xi32, #tpu.memory_space<vmem>> -> memref<1x1x64xi32, #tpu.memory_space<vmem>>
      %dma_start3A_140 = tpu.memref_squeeze %dma_start3A_139 : memref<1x1x64xi32, #tpu.memory_space<vmem>> -> memref<64xi32, #tpu.memory_space<vmem>>
      %dma_start3A_141 = arith.constant 0 : i32
      %dma_start3A_142 = arith.constant 0 : i32
      %dma_start3A_143 = tpu.memref_slice %arg2[%dma_start3A_141, %dma_start3A_142] : memref<10240x128xf32, #tpu.memory_space<hbm>> -> memref<10240x128xf32, #tpu.memory_space<hbm>>
      tpu.enqueue_indirect_dma source(%dma_start3A_143 : memref<10240x128xf32, #tpu.memory_space<hbm>>) target(%dma_start3A_137 : memref<64x128xf32, #tpu.memory_space<vmem>>) offsets(%dma_start3A_140 : memref<64xi32, #tpu.memory_space<vmem>>) semaphore(%arg11 : memref<!tpu.dma_semaphore, #tpu.memory_space<semaphore_mem>>)
      %dma_start3A_144 = arith.constant 2 : i32
      %dma_start3A_145 = arith.constant 2 : i32
      %dma_start3A_146 = arith.constant 0 : i32
      %dma_start3A_147 = arith.constant 0 : i32
      %dma_start3A_148 = tpu.memref_slice %arg9[%dma_start3A_145, %dma_start3A_146, %dma_start3A_147] : memref<4x64x128xf32, #tpu.memory_space<vmem>> -> memref<1x64x128xf32, #tpu.memory_space<vmem>>
      %dma_start3A_149 = tpu.memref_squeeze %dma_start3A_148 : memref<1x64x128xf32, #tpu.memory_space<vmem>> -> memref<64x128xf32, #tpu.memory_space<vmem>>
      %dma_start3A_150 = arith.constant 0 : i32
      %dma_start3A_151 = tpu.memref_slice %arg7[%select_n3A_94, %dma_start3A_144, %dma_start3A_150] : memref<2x16x64xi32, #tpu.memory_space<vmem>> -> memref<1x1x64xi32, #tpu.memory_space<vmem>>
      %dma_start3A_152 = tpu.memref_squeeze %dma_start3A_151 : memref<1x1x64xi32, #tpu.memory_space<vmem>> -> memref<64xi32, #tpu.memory_space<vmem>>
      %dma_start3A_153 = arith.constant 0 : i32
      %dma_start3A_154 = arith.constant 0 : i32
      %dma_start3A_155 = tpu.memref_slice %arg2[%dma_start3A_153, %dma_start3A_154] : memref<10240x128xf32, #tpu.memory_space<hbm>> -> memref<10240x128xf32, #tpu.memory_space<hbm>>
      tpu.enqueue_indirect_dma source(%dma_start3A_155 : memref<10240x128xf32, #tpu.memory_space<hbm>>) target(%dma_start3A_149 : memref<64x128xf32, #tpu.memory_space<vmem>>) offsets(%dma_start3A_152 : memref<64xi32, #tpu.memory_space<vmem>>) semaphore(%arg11 : memref<!tpu.dma_semaphore, #tpu.memory_space<semaphore_mem>>)
      %scan3A_156 = arith.constant 0 : i32
      %scan3A_157 = arith.constant 0 : i32
      %scan3A_158 = arith.constant 16 : i32
      %scan3A_159 = arith.addi %scan3A_157, %scan3A_158 : i32
      %scan3A_160 = arith.constant 1 : i32
      scf.for %scan3A_162 = %scan3A_157 to %scan3A_159 step %scan3A_160  : i32 {
        %jit3A_163 = arith.constant 4 : i32
        %eq3A_164 = arith.constant 0 : i32
        %eq3A_165 = arith.cmpi eq, %jit3A_163, %eq3A_164 : i32
        %jit3A_166 = arith.constant 1 : i32
        %select_n3A_167 = arith.select %eq3A_165, %jit3A_166, %jit3A_163 : i32
        %rem3A_168 = arith.remsi %scan3A_162, %select_n3A_167 : i32
        %ne3A_169 = arith.constant 0 : i32
        %ne3A_170 = arith.cmpi ne, %rem3A_168, %ne3A_169 : i32
        %lt3A_171 = arith.constant 0 : i32
        %lt3A_172 = arith.cmpi slt, %rem3A_168, %lt3A_171 : i32
        %lt3A_173 = arith.constant 0 : i32
        %lt3A_174 = arith.cmpi slt, %select_n3A_167, %lt3A_173 : i32
        %ne3A_175 = arith.xori %lt3A_172, %lt3A_174 : i1
        %and3A_176 = arith.andi %ne3A_175, %ne3A_170 : i1
        %add3A_177 = arith.addi %rem3A_168, %select_n3A_167 : i32
        %select_n3A_178 = arith.select %and3A_176, %add3A_177, %rem3A_168 : i32
        %dma_wait3A_179 = arith.constant 0 : i32
        %dma_wait3A_180 = arith.constant 0 : i32
        %dma_wait3A_181 = tpu.memref_slice %arg9[%select_n3A_178, %dma_wait3A_179, %dma_wait3A_180] : memref<4x64x128xf32, #tpu.memory_space<vmem>> -> memref<1x64x128xf32, #tpu.memory_space<vmem>>
        %dma_wait3A_182 = tpu.memref_squeeze %dma_wait3A_181 : memref<1x64x128xf32, #tpu.memory_space<vmem>> -> memref<64x128xf32, #tpu.memory_space<vmem>>
        %dma_wait3A_183 = arith.constant 0 : i32
        %dma_wait3A_184 = arith.constant 0 : i32
        %dma_wait3A_185 = tpu.memref_slice %arg2[%dma_wait3A_183, %dma_wait3A_184] : memref<10240x128xf32, #tpu.memory_space<hbm>> -> memref<64x128xf32, #tpu.memory_space<hbm>>
        %dma_wait3A_186 = arith.constant 0 : i32
        %dma_wait3A_187 = arith.constant 0 : i32
        %dma_wait3A_188 = tpu.memref_slice %arg9[%select_n3A_178, %dma_wait3A_186, %dma_wait3A_187] : memref<4x64x128xf32, #tpu.memory_space<vmem>> -> memref<1x64x128xf32, #tpu.memory_space<vmem>>
        %dma_wait3A_189 = tpu.memref_squeeze %dma_wait3A_188 : memref<1x64x128xf32, #tpu.memory_space<vmem>> -> memref<64x128xf32, #tpu.memory_space<vmem>>
        %dma_wait3A_190 = arith.constant 0 : i32
        %dma_wait3A_191 = arith.constant 0 : i32
        %dma_wait3A_192 = tpu.memref_slice %arg2[%dma_wait3A_190, %dma_wait3A_191] : memref<10240x128xf32, #tpu.memory_space<hbm>> -> memref<64x128xf32, #tpu.memory_space<hbm>>
        tpu.wait_dma2 semaphore(%arg11 : memref<!tpu.dma_semaphore, #tpu.memory_space<semaphore_mem>>) src(%dma_wait3A_192 : memref<64x128xf32, #tpu.memory_space<hbm>>) dst(%dma_wait3A_189 : memref<64x128xf32, #tpu.memory_space<vmem>>)
        %dma_start3A_193 = arith.constant 0 : i32
        %dma_start3A_194 = arith.constant 0 : i32
        %dma_start3A_195 = tpu.memref_slice %arg9[%select_n3A_178, %dma_start3A_193, %dma_start3A_194] : memref<4x64x128xf32, #tpu.memory_space<vmem>> -> memref<1x64x128xf32, #tpu.memory_space<vmem>>
        %dma_start3A_196 = tpu.memref_squeeze %dma_start3A_195 : memref<1x64x128xf32, #tpu.memory_space<vmem>> -> memref<64x128xf32, #tpu.memory_space<vmem>>
        %dma_start3A_197 = arith.constant 0 : i32
        %dma_start3A_198 = tpu.memref_slice %arg8[%select_n3A_94, %scan3A_162, %dma_start3A_197] : memref<2x16x64xi32, #tpu.memory_space<vmem>> -> memref<1x1x64xi32, #tpu.memory_space<vmem>>
        %dma_start3A_199 = tpu.memref_squeeze %dma_start3A_198 : memref<1x1x64xi32, #tpu.memory_space<vmem>> -> memref<64xi32, #tpu.memory_space<vmem>>
        %dma_start3A_200 = arith.constant 0 : i32
        %dma_start3A_201 = arith.constant 0 : i32
        %dma_start3A_202 = tpu.memref_slice %arg10[%dma_start3A_200, %dma_start3A_201] : memref<10248x128xf32, #tpu.memory_space<vmem_shared>> -> memref<10248x128xf32, #tpu.memory_space<vmem_shared>>
        tpu.enqueue_indirect_dma source(%dma_start3A_196 : memref<64x128xf32, #tpu.memory_space<vmem>>) target(%dma_start3A_202 : memref<10248x128xf32, #tpu.memory_space<vmem_shared>>) offsets(%dma_start3A_199 : memref<64xi32, #tpu.memory_space<vmem>>) semaphore(%arg12 : memref<!tpu.dma_semaphore, #tpu.memory_space<semaphore_mem>>) {add = true}
        %add3A_203 = arith.constant 3 : i32
        %add3A_204 = arith.addi %scan3A_162, %add3A_203 : i32
        %lt3A_205 = arith.constant 16 : i32
        %lt3A_206 = arith.cmpi slt, %add3A_204, %lt3A_205 : i32
        %convert_element_type3A_207 = arith.extui %lt3A_206 : i1 to i32
        %cond3A_208 = arith.constant 0 : i32
        %cond3A_209 = arith.cmpi ne, %convert_element_type3A_207, %cond3A_208 : i32
        scf.if %cond3A_209 {
          %ge3A = arith.constant 1 : i32
          %ge3A_210 = arith.cmpi sge, %scan3A_162, %ge3A : i32
          %gt3A_211 = arith.constant 0 : i32
          %gt3A_212 = arith.cmpi sgt, %scan3A_85, %gt3A_211 : i32
          %or3A = arith.ori %ge3A_210, %gt3A_212 : i1
          %convert_element_type3A_213 = arith.extui %or3A : i1 to i32
          %cond3A_214 = arith.constant 0 : i32
          %cond3A_215 = arith.cmpi ne, %convert_element_type3A_213, %cond3A_214 : i32
          scf.if %cond3A_215 {
            %dma_wait3A_246 = arith.constant 0 : i32
            %dma_wait3A_247 = arith.constant 0 : i32
            %dma_wait3A_248 = arith.constant 0 : i32
            %dma_wait3A_249 = tpu.memref_slice %arg9[%dma_wait3A_246, %dma_wait3A_247, %dma_wait3A_248] : memref<4x64x128xf32, #tpu.memory_space<vmem>> -> memref<1x64x128xf32, #tpu.memory_space<vmem>>
            %dma_wait3A_250 = tpu.memref_squeeze %dma_wait3A_249 : memref<1x64x128xf32, #tpu.memory_space<vmem>> -> memref<64x128xf32, #tpu.memory_space<vmem>>
            %dma_wait3A_251 = arith.constant 0 : i32
            %dma_wait3A_252 = arith.constant 0 : i32
            %dma_wait3A_253 = tpu.memref_slice %arg10[%dma_wait3A_251, %dma_wait3A_252] : memref<10248x128xf32, #tpu.memory_space<vmem_shared>> -> memref<64x128xf32, #tpu.memory_space<vmem_shared>>
            %dma_wait3A_254 = arith.constant 0 : i32
            %dma_wait3A_255 = arith.constant 0 : i32
            %dma_wait3A_256 = tpu.memref_slice %arg10[%dma_wait3A_254, %dma_wait3A_255] : memref<10248x128xf32, #tpu.memory_space<vmem_shared>> -> memref<64x128xf32, #tpu.memory_space<vmem_shared>>
            %dma_wait3A_257 = arith.constant 0 : i32
            %dma_wait3A_258 = arith.constant 0 : i32
            %dma_wait3A_259 = tpu.memref_slice %arg9[%dma_wait3A_246, %dma_wait3A_257, %dma_wait3A_258] : memref<4x64x128xf32, #tpu.memory_space<vmem>> -> memref<1x64x128xf32, #tpu.memory_space<vmem>>
            %dma_wait3A_260 = tpu.memref_squeeze %dma_wait3A_259 : memref<1x64x128xf32, #tpu.memory_space<vmem>> -> memref<64x128xf32, #tpu.memory_space<vmem>>
            tpu.wait_dma2 semaphore(%arg12 : memref<!tpu.dma_semaphore, #tpu.memory_space<semaphore_mem>>) src(%dma_wait3A_260 : memref<64x128xf32, #tpu.memory_space<vmem>>) dst(%dma_wait3A_256 : memref<64x128xf32, #tpu.memory_space<vmem_shared>>)
          } else {
          }
          %add3A_216 = arith.constant 3 : i32
          %add3A_217 = arith.addi %scan3A_162, %add3A_216 : i32
          %add3A_218 = arith.constant 3 : i32
          %add3A_219 = arith.addi %scan3A_162, %add3A_218 : i32
          %jit3A_220 = arith.constant 4 : i32
          %eq3A_221 = arith.constant 0 : i32
          %eq3A_222 = arith.cmpi eq, %jit3A_220, %eq3A_221 : i32
          %jit3A_223 = arith.constant 1 : i32
          %select_n3A_224 = arith.select %eq3A_222, %jit3A_223, %jit3A_220 : i32
          %rem3A_225 = arith.remsi %add3A_219, %select_n3A_224 : i32
          %ne3A_226 = arith.constant 0 : i32
          %ne3A_227 = arith.cmpi ne, %rem3A_225, %ne3A_226 : i32
          %lt3A_228 = arith.constant 0 : i32
          %lt3A_229 = arith.cmpi slt, %rem3A_225, %lt3A_228 : i32
          %lt3A_230 = arith.constant 0 : i32
          %lt3A_231 = arith.cmpi slt, %select_n3A_224, %lt3A_230 : i32
          %ne3A_232 = arith.xori %lt3A_229, %lt3A_231 : i1
          %and3A_233 = arith.andi %ne3A_232, %ne3A_227 : i1
          %add3A_234 = arith.addi %rem3A_225, %select_n3A_224 : i32
          %select_n3A_235 = arith.select %and3A_233, %add3A_234, %rem3A_225 : i32
          %dma_start3A_236 = arith.constant 0 : i32
          %dma_start3A_237 = arith.constant 0 : i32
          %dma_start3A_238 = tpu.memref_slice %arg9[%select_n3A_235, %dma_start3A_236, %dma_start3A_237] : memref<4x64x128xf32, #tpu.memory_space<vmem>> -> memref<1x64x128xf32, #tpu.memory_space<vmem>>
          %dma_start3A_239 = tpu.memref_squeeze %dma_start3A_238 : memref<1x64x128xf32, #tpu.memory_space<vmem>> -> memref<64x128xf32, #tpu.memory_space<vmem>>
          %dma_start3A_240 = arith.constant 0 : i32
          %dma_start3A_241 = tpu.memref_slice %arg7[%select_n3A_94, %add3A_217, %dma_start3A_240] : memref<2x16x64xi32, #tpu.memory_space<vmem>> -> memref<1x1x64xi32, #tpu.memory_space<vmem>>
          %dma_start3A_242 = tpu.memref_squeeze %dma_start3A_241 : memref<1x1x64xi32, #tpu.memory_space<vmem>> -> memref<64xi32, #tpu.memory_space<vmem>>
          %dma_start3A_243 = arith.constant 0 : i32
          %dma_start3A_244 = arith.constant 0 : i32
          %dma_start3A_245 = tpu.memref_slice %arg2[%dma_start3A_243, %dma_start3A_244] : memref<10240x128xf32, #tpu.memory_space<hbm>> -> memref<10240x128xf32, #tpu.memory_space<hbm>>
          tpu.enqueue_indirect_dma source(%dma_start3A_245 : memref<10240x128xf32, #tpu.memory_space<hbm>>) target(%dma_start3A_239 : memref<64x128xf32, #tpu.memory_space<vmem>>) offsets(%dma_start3A_242 : memref<64xi32, #tpu.memory_space<vmem>>) semaphore(%arg11 : memref<!tpu.dma_semaphore, #tpu.memory_space<semaphore_mem>>)
        } else {
        }
      }
      %scan3A_161 = arith.constant 16 : i32
    }
    %scan3A_14 = arith.constant 10 : i32
    %dma_wait3A = arith.constant 0 : i32
    %dma_wait3A_15 = arith.constant 0 : i32
    %dma_wait3A_16 = arith.constant 0 : i32
    %dma_wait3A_17 = tpu.memref_slice %arg9[%dma_wait3A, %dma_wait3A_15, %dma_wait3A_16] : memref<4x64x128xf32, #tpu.memory_space<vmem>> -> memref<1x64x128xf32, #tpu.memory_space<vmem>>
    %dma_wait3A_18 = tpu.memref_squeeze %dma_wait3A_17 : memref<1x64x128xf32, #tpu.memory_space<vmem>> -> memref<64x128xf32, #tpu.memory_space<vmem>>
    %dma_wait3A_19 = arith.constant 0 : i32
    %dma_wait3A_20 = arith.constant 0 : i32
    %dma_wait3A_21 = tpu.memref_slice %arg10[%dma_wait3A_19, %dma_wait3A_20] : memref<10248x128xf32, #tpu.memory_space<vmem_shared>> -> memref<64x128xf32, #tpu.memory_space<vmem_shared>>
    %dma_wait3A_22 = arith.constant 0 : i32
    %dma_wait3A_23 = arith.constant 0 : i32
    %dma_wait3A_24 = tpu.memref_slice %arg10[%dma_wait3A_22, %dma_wait3A_23] : memref<10248x128xf32, #tpu.memory_space<vmem_shared>> -> memref<64x128xf32, #tpu.memory_space<vmem_shared>>
    %dma_wait3A_25 = arith.constant 0 : i32
    %dma_wait3A_26 = arith.constant 0 : i32
    %dma_wait3A_27 = tpu.memref_slice %arg9[%dma_wait3A, %dma_wait3A_25, %dma_wait3A_26] : memref<4x64x128xf32, #tpu.memory_space<vmem>> -> memref<1x64x128xf32, #tpu.memory_space<vmem>>
    %dma_wait3A_28 = tpu.memref_squeeze %dma_wait3A_27 : memref<1x64x128xf32, #tpu.memory_space<vmem>> -> memref<64x128xf32, #tpu.memory_space<vmem>>
    tpu.wait_dma2 semaphore(%arg12 : memref<!tpu.dma_semaphore, #tpu.memory_space<semaphore_mem>>) src(%dma_wait3A_28 : memref<64x128xf32, #tpu.memory_space<vmem>>) dst(%dma_wait3A_24 : memref<64x128xf32, #tpu.memory_space<vmem_shared>>)
    %dma_wait3A_29 = arith.constant 0 : i32
    %dma_wait3A_30 = arith.constant 0 : i32
    %dma_wait3A_31 = arith.constant 0 : i32
    %dma_wait3A_32 = tpu.memref_slice %arg9[%dma_wait3A_29, %dma_wait3A_30, %dma_wait3A_31] : memref<4x64x128xf32, #tpu.memory_space<vmem>> -> memref<1x64x128xf32, #tpu.memory_space<vmem>>
    %dma_wait3A_33 = tpu.memref_squeeze %dma_wait3A_32 : memref<1x64x128xf32, #tpu.memory_space<vmem>> -> memref<64x128xf32, #tpu.memory_space<vmem>>
    %dma_wait3A_34 = arith.constant 0 : i32
    %dma_wait3A_35 = arith.constant 0 : i32
    %dma_wait3A_36 = tpu.memref_slice %arg10[%dma_wait3A_34, %dma_wait3A_35] : memref<10248x128xf32, #tpu.memory_space<vmem_shared>> -> memref<64x128xf32, #tpu.memory_space<vmem_shared>>
    %dma_wait3A_37 = arith.constant 0 : i32
    %dma_wait3A_38 = arith.constant 0 : i32
    %dma_wait3A_39 = tpu.memref_slice %arg10[%dma_wait3A_37, %dma_wait3A_38] : memref<10248x128xf32, #tpu.memory_space<vmem_shared>> -> memref<64x128xf32, #tpu.memory_space<vmem_shared>>
    %dma_wait3A_40 = arith.constant 0 : i32
    %dma_wait3A_41 = arith.constant 0 : i32
    %dma_wait3A_42 = tpu.memref_slice %arg9[%dma_wait3A_29, %dma_wait3A_40, %dma_wait3A_41] : memref<4x64x128xf32, #tpu.memory_space<vmem>> -> memref<1x64x128xf32, #tpu.memory_space<vmem>>
    %dma_wait3A_43 = tpu.memref_squeeze %dma_wait3A_42 : memref<1x64x128xf32, #tpu.memory_space<vmem>> -> memref<64x128xf32, #tpu.memory_space<vmem>>
    tpu.wait_dma2 semaphore(%arg12 : memref<!tpu.dma_semaphore, #tpu.memory_space<semaphore_mem>>) src(%dma_wait3A_43 : memref<64x128xf32, #tpu.memory_space<vmem>>) dst(%dma_wait3A_39 : memref<64x128xf32, #tpu.memory_space<vmem_shared>>)
    %dma_wait3A_44 = arith.constant 0 : i32
    %dma_wait3A_45 = arith.constant 0 : i32
    %dma_wait3A_46 = arith.constant 0 : i32
    %dma_wait3A_47 = tpu.memref_slice %arg9[%dma_wait3A_44, %dma_wait3A_45, %dma_wait3A_46] : memref<4x64x128xf32, #tpu.memory_space<vmem>> -> memref<1x64x128xf32, #tpu.memory_space<vmem>>
    %dma_wait3A_48 = tpu.memref_squeeze %dma_wait3A_47 : memref<1x64x128xf32, #tpu.memory_space<vmem>> -> memref<64x128xf32, #tpu.memory_space<vmem>>
    %dma_wait3A_49 = arith.constant 0 : i32
    %dma_wait3A_50 = arith.constant 0 : i32
    %dma_wait3A_51 = tpu.memref_slice %arg10[%dma_wait3A_49, %dma_wait3A_50] : memref<10248x128xf32, #tpu.memory_space<vmem_shared>> -> memref<64x128xf32, #tpu.memory_space<vmem_shared>>
    %dma_wait3A_52 = arith.constant 0 : i32
    %dma_wait3A_53 = arith.constant 0 : i32
    %dma_wait3A_54 = tpu.memref_slice %arg10[%dma_wait3A_52, %dma_wait3A_53] : memref<10248x128xf32, #tpu.memory_space<vmem_shared>> -> memref<64x128xf32, #tpu.memory_space<vmem_shared>>
    %dma_wait3A_55 = arith.constant 0 : i32
    %dma_wait3A_56 = arith.constant 0 : i32
    %dma_wait3A_57 = tpu.memref_slice %arg9[%dma_wait3A_44, %dma_wait3A_55, %dma_wait3A_56] : memref<4x64x128xf32, #tpu.memory_space<vmem>> -> memref<1x64x128xf32, #tpu.memory_space<vmem>>
    %dma_wait3A_58 = tpu.memref_squeeze %dma_wait3A_57 : memref<1x64x128xf32, #tpu.memory_space<vmem>> -> memref<64x128xf32, #tpu.memory_space<vmem>>
    tpu.wait_dma2 semaphore(%arg12 : memref<!tpu.dma_semaphore, #tpu.memory_space<semaphore_mem>>) src(%dma_wait3A_58 : memref<64x128xf32, #tpu.memory_space<vmem>>) dst(%dma_wait3A_54 : memref<64x128xf32, #tpu.memory_space<vmem_shared>>)
    %dma_wait3A_59 = arith.constant 0 : i32
    %dma_wait3A_60 = arith.constant 0 : i32
    %dma_wait3A_61 = arith.constant 0 : i32
    %dma_wait3A_62 = tpu.memref_slice %arg9[%dma_wait3A_59, %dma_wait3A_60, %dma_wait3A_61] : memref<4x64x128xf32, #tpu.memory_space<vmem>> -> memref<1x64x128xf32, #tpu.memory_space<vmem>>
    %dma_wait3A_63 = tpu.memref_squeeze %dma_wait3A_62 : memref<1x64x128xf32, #tpu.memory_space<vmem>> -> memref<64x128xf32, #tpu.memory_space<vmem>>
    %dma_wait3A_64 = arith.constant 0 : i32
    %dma_wait3A_65 = arith.constant 0 : i32
    %dma_wait3A_66 = tpu.memref_slice %arg10[%dma_wait3A_64, %dma_wait3A_65] : memref<10248x128xf32, #tpu.memory_space<vmem_shared>> -> memref<64x128xf32, #tpu.memory_space<vmem_shared>>
    %dma_wait3A_67 = arith.constant 0 : i32
    %dma_wait3A_68 = arith.constant 0 : i32
    %dma_wait3A_69 = tpu.memref_slice %arg10[%dma_wait3A_67, %dma_wait3A_68] : memref<10248x128xf32, #tpu.memory_space<vmem_shared>> -> memref<64x128xf32, #tpu.memory_space<vmem_shared>>
    %dma_wait3A_70 = arith.constant 0 : i32
    %dma_wait3A_71 = arith.constant 0 : i32
    %dma_wait3A_72 = tpu.memref_slice %arg9[%dma_wait3A_59, %dma_wait3A_70, %dma_wait3A_71] : memref<4x64x128xf32, #tpu.memory_space<vmem>> -> memref<1x64x128xf32, #tpu.memory_space<vmem>>
    %dma_wait3A_73 = tpu.memref_squeeze %dma_wait3A_72 : memref<1x64x128xf32, #tpu.memory_space<vmem>> -> memref<64x128xf32, #tpu.memory_space<vmem>>
    tpu.wait_dma2 semaphore(%arg12 : memref<!tpu.dma_semaphore, #tpu.memory_space<semaphore_mem>>) src(%dma_wait3A_73 : memref<64x128xf32, #tpu.memory_space<vmem>>) dst(%dma_wait3A_69 : memref<64x128xf32, #tpu.memory_space<vmem_shared>>)
    %barrier3A_74 = arith.constant 0 : index
    tpu.barrier barrier_id(%barrier3A_74)
    %eq3A_75 = arith.constant 0 : i32
    %eq3A_76 = arith.cmpi eq, %arg0, %eq3A_75 : i32
    %convert_element_type3A_77 = arith.extui %eq3A_76 : i1 to i32
    %cond3A_78 = arith.constant 0 : i32
    %cond3A_79 = arith.cmpi ne, %convert_element_type3A_77, %cond3A_78 : i32
    scf.if %cond3A_79 {
      "tpu.region"() ({
        %run_scoped3A = tpu.sem_alloc : memref<!tpu.dma_semaphore, #tpu.memory_space<semaphore_mem>>
        %dma_start3A = arith.constant 0 : i32
        %dma_start3A_85 = tpu.memref_slice %arg5[%mul3A_0, %dma_start3A] : memref<10240x128xf32, #tpu.memory_space<hbm>> -> memref<640x128xf32, #tpu.memory_space<hbm>>
        %dma_start3A_86 = arith.constant 0 : i32
        %dma_start3A_87 = tpu.memref_slice %arg10[%mul3A_0, %dma_start3A_86] : memref<10248x128xf32, #tpu.memory_space<vmem_shared>> -> memref<640x128xf32, #tpu.memory_space<vmem_shared>>
        tpu.enqueue_dma source(%dma_start3A_87 : memref<640x128xf32, #tpu.memory_space<vmem_shared>>) target(%dma_start3A_85 : memref<640x128xf32, #tpu.memory_space<hbm>>) target_semaphore(%run_scoped3A : memref<!tpu.dma_semaphore, #tpu.memory_space<semaphore_mem>>)
        %dma_wait3A_88 = arith.constant 0 : i32
        %dma_wait3A_89 = tpu.memref_slice %arg5[%mul3A_0, %dma_wait3A_88] : memref<10240x128xf32, #tpu.memory_space<hbm>> -> memref<640x128xf32, #tpu.memory_space<hbm>>
        %dma_wait3A_90 = arith.constant 0 : i32
        %dma_wait3A_91 = tpu.memref_slice %arg10[%mul3A_0, %dma_wait3A_90] : memref<10248x128xf32, #tpu.memory_space<vmem_shared>> -> memref<640x128xf32, #tpu.memory_space<vmem_shared>>
        tpu.wait_dma2 semaphore(%run_scoped3A : memref<!tpu.dma_semaphore, #tpu.memory_space<semaphore_mem>>) src(%dma_wait3A_91 : memref<640x128xf32, #tpu.memory_space<vmem_shared>>) dst(%dma_wait3A_89 : memref<640x128xf32, #tpu.memory_space<hbm>>)
        tpu.yield
      }) : () -> ()
    } else {
    }
    %eq3A_80 = arith.constant 1 : i32
    %eq3A_81 = arith.cmpi eq, %arg0, %eq3A_80 : i32
    %convert_element_type3A_82 = arith.extui %eq3A_81 : i1 to i32
    %cond3A_83 = arith.constant 0 : i32
    %cond3A_84 = arith.cmpi ne, %convert_element_type3A_82, %cond3A_83 : i32
    scf.if %cond3A_84 {
      "tpu.region"() ({
        %run_scoped3A = tpu.sem_alloc : memref<!tpu.dma_semaphore, #tpu.memory_space<semaphore_mem>>
        %dma_start3A = arith.constant 0 : i32
        %dma_start3A_85 = tpu.memref_slice %arg6[%mul3A_0, %dma_start3A] : memref<10240x128xf32, #tpu.memory_space<hbm>> -> memref<640x128xf32, #tpu.memory_space<hbm>>
        %dma_start3A_86 = arith.constant 0 : i32
        %dma_start3A_87 = tpu.memref_slice %arg10[%mul3A_0, %dma_start3A_86] : memref<10248x128xf32, #tpu.memory_space<vmem_shared>> -> memref<640x128xf32, #tpu.memory_space<vmem_shared>>
        tpu.enqueue_dma source(%dma_start3A_87 : memref<640x128xf32, #tpu.memory_space<vmem_shared>>) target(%dma_start3A_85 : memref<640x128xf32, #tpu.memory_space<hbm>>) target_semaphore(%run_scoped3A : memref<!tpu.dma_semaphore, #tpu.memory_space<semaphore_mem>>)
        %dma_wait3A_88 = arith.constant 0 : i32
        %dma_wait3A_89 = tpu.memref_slice %arg6[%mul3A_0, %dma_wait3A_88] : memref<10240x128xf32, #tpu.memory_space<hbm>> -> memref<640x128xf32, #tpu.memory_space<hbm>>
        %dma_wait3A_90 = arith.constant 0 : i32
        %dma_wait3A_91 = tpu.memref_slice %arg10[%mul3A_0, %dma_wait3A_90] : memref<10248x128xf32, #tpu.memory_space<vmem_shared>> -> memref<640x128xf32, #tpu.memory_space<vmem_shared>>
        tpu.wait_dma2 semaphore(%run_scoped3A : memref<!tpu.dma_semaphore, #tpu.memory_space<semaphore_mem>>) src(%dma_wait3A_91 : memref<640x128xf32, #tpu.memory_space<vmem_shared>>) dst(%dma_wait3A_89 : memref<640x128xf32, #tpu.memory_space<hbm>>)
        tpu.yield
      }) : () -> ()
    } else {
    }
    return
  }
}

module attributes {stable_mosaic.version = 14 : i64} {
  func.func @body(%arg0: i32, %arg1: memref<1024x256xf32, #tpu.memory_space<vmem>>, %arg2: memref<256x256xf32, #tpu.memory_space<vmem>>, %arg3: memref<1024x128xf32, #tpu.memory_space<vmem>>, %arg4: memref<1024x128xf32, #tpu.memory_space<vmem>>, %arg5: memref<1024x128xf32, #tpu.memory_space<vmem>>) attributes {dimension_semantics = [#tpu.dimension_semantics<arbitrary>], iteration_bounds = array<i64: 10>, scalar_prefetch = 0 : i64, scratch_operands = 0 : i64, tpu.core_type = #tpu.core_type<tc>, window_params = [{transform_indices = @transform_0, window_bounds = array<i64: 1024, 256>}, {pipeline_mode = #tpu.pipeline_mode<synchronous>, transform_indices = @transform_1, window_bounds = array<i64: 256, 256>}, {transform_indices = @transform_2, window_bounds = array<i64: 1024, 128>}, {transform_indices = @transform_3, window_bounds = array<i64: 1024, 128>}, {transform_indices = @transform_4, window_bounds = array<i64: 1024, 128>}]} {
    %get3A = arith.constant 0 : index
    %get3A_0 = arith.constant 0 : index
    %get3A_1 = vector.load %arg3[%get3A, %get3A_0] : memref<1024x128xf32, #tpu.memory_space<vmem>>, vector<1024x128xf32>
    %add3A = arith.constant 1.000000e+00 : f32
    %add3A_2 = vector.broadcast %add3A : f32 to vector<1024x128xf32>
    %add3A_3 = arith.addf %get3A_1, %add3A_2 : vector<1024x128xf32>
    %rsqrt3A = math.rsqrt %add3A_3 : vector<1024x128xf32>
    %get3A_4 = arith.constant 0 : index
    %get3A_5 = arith.constant 0 : index
    %get3A_6 = vector.load %arg1[%get3A_4, %get3A_5] : memref<1024x256xf32, #tpu.memory_space<vmem>>, vector<1024x256xf32>
    %get3A_7 = arith.constant 0 : index
    %get3A_8 = arith.constant 0 : index
    %get3A_9 = vector.load %arg2[%get3A_7, %get3A_8] : memref<256x256xf32, #tpu.memory_space<vmem>>, vector<256x256xf32>
    %dot_general3A = arith.constant dense<0.000000e+00> : vector<1024x256xf32>
    %dot_general3A_10 = tpu.matmul %get3A_6, %get3A_9, %dot_general3A {dimension_numbers = #tpu.dot_dimension_numbers<[1], [0], [0], [1], [0, 0, 1, 1], [], []>, transpose_lhs_hint = false} : vector<1024x256xf32>, vector<256x256xf32>, vector<1024x256xf32> -> vector<1024x256xf32>
    %slice3A = vector.extract_strided_slice %dot_general3A_10 {offsets = [0, 0], sizes = [1024, 128], strides = [1, 1]} : vector<1024x256xf32> to vector<1024x128xf32>
    %mul3A = arith.mulf %slice3A, %rsqrt3A : vector<1024x128xf32>
    %swap3A = arith.constant 0 : index
    %swap3A_11 = arith.constant 0 : index
    %swap3A_12 = vector.load %arg4[%swap3A, %swap3A_11] : memref<1024x128xf32, #tpu.memory_space<vmem>>, vector<1024x128xf32>
    tpu.vector_store %arg4[%swap3A, %swap3A_11], %mul3A {strides = array<i32>} : memref<1024x128xf32, #tpu.memory_space<vmem>>, vector<1024x128xf32>,
    %slice3A_13 = vector.extract_strided_slice %dot_general3A_10 {offsets = [0, 128], sizes = [1024, 128], strides = [1, 1]} : vector<1024x256xf32> to vector<1024x128xf32>
    %mul3A_14 = arith.mulf %slice3A_13, %rsqrt3A : vector<1024x128xf32>
    %swap3A_15 = arith.constant 0 : index
    %swap3A_16 = arith.constant 0 : index
    %swap3A_17 = vector.load %arg5[%swap3A_15, %swap3A_16] : memref<1024x128xf32, #tpu.memory_space<vmem>>, vector<1024x128xf32>
    tpu.vector_store %arg5[%swap3A_15, %swap3A_16], %mul3A_14 {strides = array<i32>} : memref<1024x128xf32, #tpu.memory_space<vmem>>, vector<1024x128xf32>,
    return
  }
  func.func @transform_0(%arg0: i32) -> (i32, i32) {
    %c0_i32 = arith.constant 0 : i32
    %c0_i32_0 = arith.constant 0 : i32
    return %arg0, %c0_i32 : i32, i32
  }
  func.func @transform_1(%arg0: i32) -> (i32, i32) {
    %c0_i32 = arith.constant 0 : i32
    %c0_i32_0 = arith.constant 0 : i32
    %c0_i32_1 = arith.constant 0 : i32
    return %c0_i32, %c0_i32_0 : i32, i32
  }
  func.func @transform_2(%arg0: i32) -> (i32, i32) {
    %c0_i32 = arith.constant 0 : i32
    %c0_i32_0 = arith.constant 0 : i32
    return %arg0, %c0_i32 : i32, i32
  }
  func.func @transform_3(%arg0: i32) -> (i32, i32) {
    %c0_i32 = arith.constant 0 : i32
    %c0_i32_0 = arith.constant 0 : i32
    return %arg0, %c0_i32 : i32, i32
  }
  func.func @transform_4(%arg0: i32) -> (i32, i32) {
    %c0_i32 = arith.constant 0 : i32
    %c0_i32_0 = arith.constant 0 : i32
    return %arg0, %c0_i32 : i32, i32
  }
}

module attributes {stable_mosaic.version = 14 : i64} {
  func.func @body(%arg0: i32, %arg1: memref<1024x128xf32, #tpu.memory_space<vmem>>, %arg2: memref<1024x128xf32, #tpu.memory_space<vmem>>, %arg3: memref<1024x128xf32, #tpu.memory_space<vmem>>, %arg4: memref<1x256xf32, #tpu.memory_space<vmem>>, %arg5: memref<256x256xf32, #tpu.memory_space<vmem>>, %arg6: memref<1024x256xf32, #tpu.memory_space<vmem>>, %arg7: memref<1024x128xf32, #tpu.memory_space<vmem>>, %arg8: memref<1024x128xf32, #tpu.memory_space<vmem>>) attributes {dimension_semantics = [#tpu.dimension_semantics<arbitrary>], iteration_bounds = array<i64: 10>, scalar_prefetch = 0 : i64, scratch_operands = 0 : i64, tpu.core_type = #tpu.core_type<tc>, window_params = [{transform_indices = @transform_0, window_bounds = array<i64: 1024, 128>}, {transform_indices = @transform_1, window_bounds = array<i64: 1024, 128>}, {transform_indices = @transform_2, window_bounds = array<i64: 1024, 128>}, {pipeline_mode = #tpu.pipeline_mode<synchronous>, transform_indices = @transform_3, window_bounds = array<i64: 1, 256>}, {pipeline_mode = #tpu.pipeline_mode<synchronous>, transform_indices = @transform_4, window_bounds = array<i64: 256, 256>}, {transform_indices = @transform_5, window_bounds = array<i64: 1024, 256>}, {transform_indices = @transform_6, window_bounds = array<i64: 1024, 128>}, {transform_indices = @transform_7, window_bounds = array<i64: 1024, 128>}]} {
    %get3A = arith.constant 0 : index
    %get3A_0 = arith.constant 0 : index
    %get3A_1 = vector.load %arg3[%get3A, %get3A_0] : memref<1024x128xf32, #tpu.memory_space<vmem>>, vector<1024x128xf32>
    %add3A = arith.constant 1.000000e+00 : f32
    %add3A_2 = vector.broadcast %add3A : f32 to vector<1024x128xf32>
    %add3A_3 = arith.addf %get3A_1, %add3A_2 : vector<1024x128xf32>
    %rsqrt3A = math.rsqrt %add3A_3 : vector<1024x128xf32>
    %get3A_4 = arith.constant 0 : index
    %get3A_5 = arith.constant 0 : index
    %get3A_6 = vector.load %arg1[%get3A_4, %get3A_5] : memref<1024x128xf32, #tpu.memory_space<vmem>>, vector<1024x128xf32>
    %mul3A = arith.mulf %get3A_6, %rsqrt3A : vector<1024x128xf32>
    %get3A_7 = arith.constant 0 : index
    %get3A_8 = arith.constant 0 : index
    %get3A_9 = vector.load %arg2[%get3A_7, %get3A_8] : memref<1024x128xf32, #tpu.memory_space<vmem>>, vector<1024x128xf32>
    %mul3A_10 = arith.mulf %get3A_9, %rsqrt3A : vector<1024x128xf32>
    %concatenate3A = tpu.concatenate %mul3A, %mul3A_10 in 1 : vector<1024x128xf32>, vector<1024x128xf32> -> vector<1024x256xf32>
    %get3A_11 = arith.constant 0 : index
    %get3A_12 = arith.constant 0 : index
    %get3A_13 = vector.load %arg4[%get3A_11, %get3A_12] : memref<1x256xf32, #tpu.memory_space<vmem>>, vector<1x256xf32>
    %add3A_14 = vector.broadcast %get3A_13 : vector<1x256xf32> to vector<1024x256xf32>
    %add3A_15 = arith.addf %concatenate3A, %add3A_14 : vector<1024x256xf32>
    %max3A = arith.constant 0.000000e+00 : f32
    %max3A_16 = vector.broadcast %max3A : f32 to vector<1024x256xf32>
    %max3A_17 = arith.maximumf %add3A_15, %max3A_16 : vector<1024x256xf32>
    %swap3A = arith.constant 0 : index
    %swap3A_18 = arith.constant 0 : index
    %swap3A_19 = vector.load %arg6[%swap3A, %swap3A_18] : memref<1024x256xf32, #tpu.memory_space<vmem>>, vector<1024x256xf32>
    tpu.vector_store %arg6[%swap3A, %swap3A_18], %max3A_17 {strides = array<i32>} : memref<1024x256xf32, #tpu.memory_space<vmem>>, vector<1024x256xf32>,
    %get3A_20 = arith.constant 0 : index
    %get3A_21 = arith.constant 0 : index
    %get3A_22 = vector.load %arg5[%get3A_20, %get3A_21] : memref<256x256xf32, #tpu.memory_space<vmem>>, vector<256x256xf32>
    %dot_general3A = arith.constant dense<0.000000e+00> : vector<1024x256xf32>
    %dot_general3A_23 = tpu.matmul %max3A_17, %get3A_22, %dot_general3A {dimension_numbers = #tpu.dot_dimension_numbers<[1], [0], [0], [1], [0, 0, 1, 1], [], []>, transpose_lhs_hint = false} : vector<1024x256xf32>, vector<256x256xf32>, vector<1024x256xf32> -> vector<1024x256xf32>
    %slice3A = vector.extract_strided_slice %dot_general3A_23 {offsets = [0, 0], sizes = [1024, 128], strides = [1, 1]} : vector<1024x256xf32> to vector<1024x128xf32>
    %mul3A_24 = arith.mulf %slice3A, %rsqrt3A : vector<1024x128xf32>
    %swap3A_25 = arith.constant 0 : index
    %swap3A_26 = arith.constant 0 : index
    %swap3A_27 = vector.load %arg7[%swap3A_25, %swap3A_26] : memref<1024x128xf32, #tpu.memory_space<vmem>>, vector<1024x128xf32>
    tpu.vector_store %arg7[%swap3A_25, %swap3A_26], %mul3A_24 {strides = array<i32>} : memref<1024x128xf32, #tpu.memory_space<vmem>>, vector<1024x128xf32>,
    %slice3A_28 = vector.extract_strided_slice %dot_general3A_23 {offsets = [0, 128], sizes = [1024, 128], strides = [1, 1]} : vector<1024x256xf32> to vector<1024x128xf32>
    %mul3A_29 = arith.mulf %slice3A_28, %rsqrt3A : vector<1024x128xf32>
    %swap3A_30 = arith.constant 0 : index
    %swap3A_31 = arith.constant 0 : index
    %swap3A_32 = vector.load %arg8[%swap3A_30, %swap3A_31] : memref<1024x128xf32, #tpu.memory_space<vmem>>, vector<1024x128xf32>
    tpu.vector_store %arg8[%swap3A_30, %swap3A_31], %mul3A_29 {strides = array<i32>} : memref<1024x128xf32, #tpu.memory_space<vmem>>, vector<1024x128xf32>,
    return
  }
  func.func @transform_0(%arg0: i32) -> (i32, i32) {
    %c0_i32 = arith.constant 0 : i32
    %c0_i32_0 = arith.constant 0 : i32
    return %arg0, %c0_i32 : i32, i32
  }
  func.func @transform_1(%arg0: i32) -> (i32, i32) {
    %c0_i32 = arith.constant 0 : i32
    %c0_i32_0 = arith.constant 0 : i32
    return %arg0, %c0_i32 : i32, i32
  }
  func.func @transform_2(%arg0: i32) -> (i32, i32) {
    %c0_i32 = arith.constant 0 : i32
    %c0_i32_0 = arith.constant 0 : i32
    return %arg0, %c0_i32 : i32, i32
  }
  func.func @transform_3(%arg0: i32) -> (i32, i32) {
    %c0_i32 = arith.constant 0 : i32
    %c0_i32_0 = arith.constant 0 : i32
    %c0_i32_1 = arith.constant 0 : i32
    return %c0_i32, %c0_i32_0 : i32, i32
  }
  func.func @transform_4(%arg0: i32) -> (i32, i32) {
    %c0_i32 = arith.constant 0 : i32
    %c0_i32_0 = arith.constant 0 : i32
    %c0_i32_1 = arith.constant 0 : i32
    return %c0_i32, %c0_i32_0 : i32, i32
  }
  func.func @transform_5(%arg0: i32) -> (i32, i32) {
    %c0_i32 = arith.constant 0 : i32
    %c0_i32_0 = arith.constant 0 : i32
    return %arg0, %c0_i32 : i32, i32
  }
  func.func @transform_6(%arg0: i32) -> (i32, i32) {
    %c0_i32 = arith.constant 0 : i32
    %c0_i32_0 = arith.constant 0 : i32
    return %arg0, %c0_i32 : i32, i32
  }
  func.func @transform_7(%arg0: i32) -> (i32, i32) {
    %c0_i32 = arith.constant 0 : i32
    %c0_i32_0 = arith.constant 0 : i32
    return %arg0, %c0_i32 : i32, i32
  }
}

module attributes {stable_mosaic.version = 14 : i64} {
  func.func @body(%arg0: i32, %arg1: memref<1024x128xf32, #tpu.memory_space<vmem>>, %arg2: memref<1024x128xf32, #tpu.memory_space<vmem>>, %arg3: memref<1024x128xf32, #tpu.memory_space<vmem>>, %arg4: memref<1x256xf32, #tpu.memory_space<vmem>>, %arg5: memref<1024x256xf32, #tpu.memory_space<vmem>>, %arg6: memref<256x64xf32, #tpu.memory_space<vmem>>, %arg7: memref<1024x128xf32, #tpu.memory_space<vmem>>) attributes {dimension_semantics = [#tpu.dimension_semantics<arbitrary>], iteration_bounds = array<i64: 10>, scalar_prefetch = 0 : i64, scratch_operands = 0 : i64, tpu.core_type = #tpu.core_type<tc>, window_params = [{transform_indices = @transform_0, window_bounds = array<i64: 1024, 128>}, {transform_indices = @transform_1, window_bounds = array<i64: 1024, 128>}, {transform_indices = @transform_2, window_bounds = array<i64: 1024, 128>}, {pipeline_mode = #tpu.pipeline_mode<synchronous>, transform_indices = @transform_3, window_bounds = array<i64: 1, 256>}, {transform_indices = @transform_4, window_bounds = array<i64: 1024, 256>}, {pipeline_mode = #tpu.pipeline_mode<synchronous>, transform_indices = @transform_5, window_bounds = array<i64: 256, 64>}, {transform_indices = @transform_6, window_bounds = array<i64: 1024, 128>}]} {
    %get3A = arith.constant 0 : index
    %get3A_0 = arith.constant 0 : index
    %get3A_1 = vector.load %arg3[%get3A, %get3A_0] : memref<1024x128xf32, #tpu.memory_space<vmem>>, vector<1024x128xf32>
    %add3A = arith.constant 1.000000e+00 : f32
    %add3A_2 = vector.broadcast %add3A : f32 to vector<1024x128xf32>
    %add3A_3 = arith.addf %get3A_1, %add3A_2 : vector<1024x128xf32>
    %rsqrt3A = math.rsqrt %add3A_3 : vector<1024x128xf32>
    %get3A_4 = arith.constant 0 : index
    %get3A_5 = arith.constant 0 : index
    %get3A_6 = vector.load %arg1[%get3A_4, %get3A_5] : memref<1024x128xf32, #tpu.memory_space<vmem>>, vector<1024x128xf32>
    %mul3A = arith.mulf %get3A_6, %rsqrt3A : vector<1024x128xf32>
    %get3A_7 = arith.constant 0 : index
    %get3A_8 = arith.constant 0 : index
    %get3A_9 = vector.load %arg2[%get3A_7, %get3A_8] : memref<1024x128xf32, #tpu.memory_space<vmem>>, vector<1024x128xf32>
    %mul3A_10 = arith.mulf %get3A_9, %rsqrt3A : vector<1024x128xf32>
    %concatenate3A = tpu.concatenate %mul3A, %mul3A_10 in 1 : vector<1024x128xf32>, vector<1024x128xf32> -> vector<1024x256xf32>
    %get3A_11 = arith.constant 0 : index
    %get3A_12 = arith.constant 0 : index
    %get3A_13 = vector.load %arg4[%get3A_11, %get3A_12] : memref<1x256xf32, #tpu.memory_space<vmem>>, vector<1x256xf32>
    %add3A_14 = vector.broadcast %get3A_13 : vector<1x256xf32> to vector<1024x256xf32>
    %add3A_15 = arith.addf %concatenate3A, %add3A_14 : vector<1024x256xf32>
    %get3A_16 = arith.constant 0 : index
    %get3A_17 = arith.constant 0 : index
    %get3A_18 = vector.load %arg5[%get3A_16, %get3A_17] : memref<1024x256xf32, #tpu.memory_space<vmem>>, vector<1024x256xf32>
    %add3A_19 = arith.addf %add3A_15, %get3A_18 : vector<1024x256xf32>
    %max3A = arith.constant 0.000000e+00 : f32
    %max3A_20 = vector.broadcast %max3A : f32 to vector<1024x256xf32>
    %max3A_21 = arith.maximumf %add3A_19, %max3A_20 : vector<1024x256xf32>
    %get3A_22 = arith.constant 0 : index
    %get3A_23 = arith.constant 0 : index
    %get3A_24 = vector.load %arg6[%get3A_22, %get3A_23] : memref<256x64xf32, #tpu.memory_space<vmem>>, vector<256x64xf32>
    %dot_general3A = arith.constant dense<0.000000e+00> : vector<1024x64xf32>
    %dot_general3A_25 = tpu.matmul %max3A_21, %get3A_24, %dot_general3A {dimension_numbers = #tpu.dot_dimension_numbers<[1], [0], [0], [1], [0, 0, 1, 1], [], []>, transpose_lhs_hint = false} : vector<1024x256xf32>, vector<256x64xf32>, vector<1024x64xf32> -> vector<1024x64xf32>
    %slice3A = vector.extract_strided_slice %rsqrt3A {offsets = [0, 0], sizes = [1024, 64], strides = [1, 1]} : vector<1024x128xf32> to vector<1024x64xf32>
    %mul3A_26 = arith.mulf %dot_general3A_25, %slice3A : vector<1024x64xf32>
    %broadcast_in_dim3A = arith.constant 0.000000e+00 : f32
    %broadcast_in_dim3A_27 = vector.broadcast %broadcast_in_dim3A : f32 to vector<1024x64xf32>
    %concatenate3A_28 = tpu.concatenate %mul3A_26, %broadcast_in_dim3A_27 in 1 : vector<1024x64xf32>, vector<1024x64xf32> -> vector<1024x128xf32>
    %swap3A = arith.constant 0 : index
    %swap3A_29 = arith.constant 0 : index
    %swap3A_30 = vector.load %arg7[%swap3A, %swap3A_29] : memref<1024x128xf32, #tpu.memory_space<vmem>>, vector<1024x128xf32>
    tpu.vector_store %arg7[%swap3A, %swap3A_29], %concatenate3A_28 {strides = array<i32>} : memref<1024x128xf32, #tpu.memory_space<vmem>>, vector<1024x128xf32>,
    return
  }
  func.func @transform_0(%arg0: i32) -> (i32, i32) {
    %c0_i32 = arith.constant 0 : i32
    %c0_i32_0 = arith.constant 0 : i32
    return %arg0, %c0_i32 : i32, i32
  }
  func.func @transform_1(%arg0: i32) -> (i32, i32) {
    %c0_i32 = arith.constant 0 : i32
    %c0_i32_0 = arith.constant 0 : i32
    return %arg0, %c0_i32 : i32, i32
  }
  func.func @transform_2(%arg0: i32) -> (i32, i32) {
    %c0_i32 = arith.constant 0 : i32
    %c0_i32_0 = arith.constant 0 : i32
    return %arg0, %c0_i32 : i32, i32
  }
  func.func @transform_3(%arg0: i32) -> (i32, i32) {
    %c0_i32 = arith.constant 0 : i32
    %c0_i32_0 = arith.constant 0 : i32
    %c0_i32_1 = arith.constant 0 : i32
    return %c0_i32, %c0_i32_0 : i32, i32
  }
  func.func @transform_4(%arg0: i32) -> (i32, i32) {
    %c0_i32 = arith.constant 0 : i32
    %c0_i32_0 = arith.constant 0 : i32
    return %arg0, %c0_i32 : i32, i32
  }
  func.func @transform_5(%arg0: i32) -> (i32, i32) {
    %c0_i32 = arith.constant 0 : i32
    %c0_i32_0 = arith.constant 0 : i32
    %c0_i32_1 = arith.constant 0 : i32
    return %c0_i32, %c0_i32_0 : i32, i32
  }
  func.func @transform_6(%arg0: i32) -> (i32, i32) {
    %c0_i32 = arith.constant 0 : i32
    %c0_i32_0 = arith.constant 0 : i32
    return %arg0, %c0_i32 : i32, i32
  }
}

module attributes {stable_mosaic.version = 14 : i64} {
  func.func @body(%arg0: i32, %arg1: memref<1024x128xf32, #tpu.memory_space<vmem>>, %arg2: memref<1024x128xf32, #tpu.memory_space<vmem>>, %arg3: memref<1024x128xf32, #tpu.memory_space<vmem>>, %arg4: memref<1x64xf32, #tpu.memory_space<vmem>>, %arg5: memref<1024x64xf32, #tpu.memory_space<vmem>>) attributes {dimension_semantics = [#tpu.dimension_semantics<arbitrary>], iteration_bounds = array<i64: 10>, scalar_prefetch = 0 : i64, scratch_operands = 0 : i64, tpu.core_type = #tpu.core_type<tc>, window_params = [{transform_indices = @transform_0, window_bounds = array<i64: 1024, 128>}, {transform_indices = @transform_1, window_bounds = array<i64: 1024, 128>}, {transform_indices = @transform_2, window_bounds = array<i64: 1024, 128>}, {pipeline_mode = #tpu.pipeline_mode<synchronous>, transform_indices = @transform_3, window_bounds = array<i64: 1, 64>}, {transform_indices = @transform_4, window_bounds = array<i64: 1024, 64>}]} {
    %get3A = arith.constant 0 : index
    %get3A_0 = arith.constant 0 : index
    %get3A_1 = vector.load %arg3[%get3A, %get3A_0] : memref<1024x128xf32, #tpu.memory_space<vmem>>, vector<1024x128xf32>
    %add3A = arith.constant 1.000000e+00 : f32
    %add3A_2 = vector.broadcast %add3A : f32 to vector<1024x128xf32>
    %add3A_3 = arith.addf %get3A_1, %add3A_2 : vector<1024x128xf32>
    %rsqrt3A = math.rsqrt %add3A_3 : vector<1024x128xf32>
    %get3A_4 = arith.constant 0 : index
    %get3A_5 = arith.constant 0 : index
    %get3A_6 = vector.load %arg1[%get3A_4, %get3A_5] : memref<1024x128xf32, #tpu.memory_space<vmem>>, vector<1024x128xf32>
    %get3A_7 = arith.constant 0 : index
    %get3A_8 = arith.constant 0 : index
    %get3A_9 = vector.load %arg2[%get3A_7, %get3A_8] : memref<1024x128xf32, #tpu.memory_space<vmem>>, vector<1024x128xf32>
    %add3A_10 = arith.addf %get3A_6, %get3A_9 : vector<1024x128xf32>
    %slice3A = vector.extract_strided_slice %add3A_10 {offsets = [0, 0], sizes = [1024, 64], strides = [1, 1]} : vector<1024x128xf32> to vector<1024x64xf32>
    %slice3A_11 = vector.extract_strided_slice %rsqrt3A {offsets = [0, 0], sizes = [1024, 64], strides = [1, 1]} : vector<1024x128xf32> to vector<1024x64xf32>
    %mul3A = arith.mulf %slice3A, %slice3A_11 : vector<1024x64xf32>
    %get3A_12 = arith.constant 0 : index
    %get3A_13 = arith.constant 0 : index
    %get3A_14 = vector.load %arg4[%get3A_12, %get3A_13] : memref<1x64xf32, #tpu.memory_space<vmem>>, vector<1x64xf32>
    %add3A_15 = vector.broadcast %get3A_14 : vector<1x64xf32> to vector<1024x64xf32>
    %add3A_16 = arith.addf %mul3A, %add3A_15 : vector<1024x64xf32>
    %swap3A = arith.constant 0 : index
    %swap3A_17 = arith.constant 0 : index
    %swap3A_18 = vector.load %arg5[%swap3A, %swap3A_17] : memref<1024x64xf32, #tpu.memory_space<vmem>>, vector<1024x64xf32>
    tpu.vector_store %arg5[%swap3A, %swap3A_17], %add3A_16 {strides = array<i32>} : memref<1024x64xf32, #tpu.memory_space<vmem>>, vector<1024x64xf32>,
    return
  }
  func.func @transform_0(%arg0: i32) -> (i32, i32) {
    %c0_i32 = arith.constant 0 : i32
    %c0_i32_0 = arith.constant 0 : i32
    return %arg0, %c0_i32 : i32, i32
  }
  func.func @transform_1(%arg0: i32) -> (i32, i32) {
    %c0_i32 = arith.constant 0 : i32
    %c0_i32_0 = arith.constant 0 : i32
    return %arg0, %c0_i32 : i32, i32
  }
  func.func @transform_2(%arg0: i32) -> (i32, i32) {
    %c0_i32 = arith.constant 0 : i32
    %c0_i32_0 = arith.constant 0 : i32
    return %arg0, %c0_i32 : i32, i32
  }
  func.func @transform_3(%arg0: i32) -> (i32, i32) {
    %c0_i32 = arith.constant 0 : i32
    %c0_i32_0 = arith.constant 0 : i32
    %c0_i32_1 = arith.constant 0 : i32
    return %c0_i32, %c0_i32_0 : i32, i32
  }
  func.func @transform_4(%arg0: i32) -> (i32, i32) {
    %c0_i32 = arith.constant 0 : i32
    %c0_i32_0 = arith.constant 0 : i32
    return %arg0, %c0_i32 : i32, i32
  }
}

</mosaic_0001>

<sc_bundles>
// kernel: kernel.10.cloned.1.call-start
scs
__scs_entry_jumppad:
0x0: {  	(pc) =	sbr.rel $0x88, $3  }
0x1: {  	(tag) =	ssettag $0x0;
	lr =	simm.s32 $0x1  }
0x2: {  	[smem:$0x3F99] =	sst lr;
	_ =	strace $0xD0000000  }
0x3: {  	_ = 	snop  }
0x4: {  	_ = 	snop  }
0x5: {  	_ = 	snop  }
0x6: {  	_ = 	snop  }
0x7: {  	_ = 	snop  }
__scs_overlays_trampoline_lowered:
0x8: {  	[smem:$0x3FA8] =	sst s0  }
0x9: {  	[smem:$0x3FA9] =	sst s1  }
0xa: {  	[smem:$0x3FAA] =	sst s2  }
0xb: {  	[smem:$0x3FAB] =	sst s3  }
0xc: {  	[smem:$0x3FAC] =	sst s4  }
0xd: {  	[smem:$0x3FAD] =	sst s5  }
0xe: {  	[smem:$0x3FAE] =	sst s6  }
0xf: {  	[smem:$0x3FAF] =	sst s7  }
0x10: {  	[smem:$0x3FB0] =	sst s8  }
0x11: {  	[smem:$0x3FB1] =	sst s9;
	s0 =	simm.s32 @!p0 $0x0  }
0x12: {  	s1 =	sld [smem:$0x3F97];
	s0 =	simm.s32 @p0 $0x1  }
0x13: {  	[smem:$0x3FB2] =	sst s0;
	s0 =	simm.s32 @!p1 $0x0  }
0x14: {  	s2 =	sld [smem:$0x3F96];
	s0 =	simm.s32 @p1 $0x1  }
0x15: {  	[smem:$0x3FB3] =	sst s0;
	s0 =	simm.s32 @!p2 $0x0  }
0x16: {  	s3 =	sld [smem:$0x3FDB];
	s0 =	simm.s32 @p2 $0x1  }
0x17: {  	s4 =	simm.s32 $0x1BF5;
	[smem:$0x3FB5] =	sst s0  }
0x18: {  	s0 =	sld [smem:$0x3F98];
	_ =	swait.ge [sflag:s4], $0x0  }
0x19: {  	s7 =	sld [smem:$0x3F99]  }
0x1a: {  	s8 =	sadd.s32 $0xFFFFE003, lr  }
0x1b: {  	s9 =	sadd.s32 $0xFFFFFEF7, lr;
	s5 =	simm.s32 $0xFFFFFFFF;
	p2 =	slt.u32 s8, $0xFFFFF086  }
0x1c: {  	p1 =	slt.u32 s9, $0xF7A;
	s5 =	simm.s32 @!p2 $0x0  }
0x1d: {  	s5 =	simm.s32 @p1 $0x1;
	p0 =	seq.s32 s7, s2  }
0x1e: {  	s7 =	smul.u32 @!p0 $0xF7A, s2;
	p2 =	seq.s32 @!p0 s5, $0x0  }
0x1f: {  	s9 =	smul.u32 $0xF7A, s1;
	s8 =	simm.s32 @!p0 $0x1BF5;
	p2 =	por !p2, p0  }
0x20: {  	[sflag:s8] =	ssyncset.s32 @!p0 $0xFFFFF086;
	s6 =	sadd.s32 @!p0 s3, s7;
	s7 =	simm.s32 @!p0 $0x108  }
0x21: {  	s3 =	sadd.s32 s3, s9;
	s6 =	sadd.s32 @!p0 $0x88, s6;
	s7 =	simm.s32 @p2 $0x1082  }
0x22: {  	[simem:s7], [sflag:s8] =	dma.local @!p0 [hbm:s6], $0xF7A  }
0x23: {  	s9 =	sor.u32 $0xD0000000, s2;
	s6 =	simm.s32 $0x108;
	_ =	swait.ge @!p0 [sflag:s8], $0x0  }
0x24: {  	s3 =	sadd.s32 $0x88, s3;
	s6 =	simm.s32 @!p1 $0x1082;
	[sflag:s4] =	ssyncset.s32 $0xFFFFF086  }
0x25: {  	[simem:s6], [sflag:s4] =	dma.local [hbm:s3], $0xF7A  }
0x26: {  	[smem:$0x3F99] =	sst s1;
	(tag) =	ssettag s2;
	_ =	strace s9  }
0x27: {  	s1 =	sld [smem:$0x3FA9]  }
0x28: {  	s2 =	sld [smem:$0x3FAA]  }
0x29: {  	s4 =	sld [smem:$0x3FAC]  }
0x2a: {  	p0 =	seq.s32 s5, $0x0;
	s5 =	sld [smem:$0x3FAD]  }
0x2b: {  	s6 =	sld [smem:$0x3FAE]  }
0x2c: {  	s7 =	sld [smem:$0x3FAF]  }
0x2d: {  	s3 =	simm.s32 $0x108;
	s8 =	sld [smem:$0x3FB0]  }
0x2e: {  	s3 =	simm.s32 @!p0 $0x1082;
	s9 =	sld [smem:$0x3FB1]  }
0x2f: {  	lr =	sadd.s32 s0, s3;
	s0 =	sld [smem:$0x3FA8]  }
0x30: {  	s3 =	sld [smem:$0x3FAB]  }
0x31: {  	[smem:$0x3FB4] =	sst s10  }
0x32: {  	s10 =	sld [smem:$0x3FB2];
	_ =	sdelay $0x3  }
0x33: {  	p0 =	seq.s32 s10, $0x1;
	s10 =	sld [smem:$0x3FB4];
	_ =	sdelay $0x3  }
0x34: {  	[smem:$0x3FB4] =	sst s10  }
0x35: {  	s10 =	sld [smem:$0x3FB3];
	_ =	sdelay $0x3  }
0x36: {  	p1 =	seq.s32 s10, $0x1;
	s10 =	sld [smem:$0x3FB4];
	_ =	sdelay $0x3  }
0x37: {  	[smem:$0x3FB4] =	sst s10  }
0x38: {  	s10 =	sld [smem:$0x3FB5]  }
0x39: {  	_ = 	snop;
	(pc) =	sbr.ind lr, $3  }
0x3a: {  	_ = 	snop  }
0x3b: {  	_ = 	snop  }
0x3c: {  	p2 =	seq.s32 s10, $0x1;
	s10 =	sld [smem:$0x3FB4]  }
0x3d: {  	_ =	shalt  }
0x3e: {  	_ =	shalt  }
0x3f: {  	_ =	shalt  }
0x40: {  	_ =	shalt  }
0x41: {  	_ =	shalt  }
0x42: {  	_ =	shalt  }
0x43: {  	_ =	shalt  }
0x44: {  	_ =	shalt  }
0x45: {  	_ =	shalt  }
0x46: {  	_ =	shalt  }
0x47: {  	_ =	shalt  }
0x48: {  	_ =	shalt  }
0x49: {  	_ =	shalt  }
0x4a: {  	_ =	shalt  }
0x4b: {  	_ =	shalt  }
0x4c: {  	_ =	shalt  }
0x4d: {  	_ =	shalt  }
0x4e: {  	_ =	shalt  }
0x4f: {  	_ =	shalt  }
0x50: {  	_ =	shalt  }
0x51: {  	_ =	shalt  }
0x52: {  	_ =	shalt  }
0x53: {  	_ =	shalt  }
0x54: {  	_ =	shalt  }
0x55: {  	_ =	shalt  }
0x56: {  	_ =	shalt  }
0x57: {  	_ =	shalt  }
0x58: {  	_ =	shalt  }
0x59: {  	_ =	shalt  }
0x5a: {  	_ =	shalt  }
0x5b: {  	_ =	shalt  }
0x5c: {  	_ =	shalt  }
0x5d: {  	_ =	shalt  }
0x5e: {  	_ =	shalt  }
0x5f: {  	_ =	shalt  }
0x60: {  	_ =	shalt  }
0x61: {  	_ =	shalt  }
0x62: {  	_ =	shalt  }
0x63: {  	_ =	shalt  }
0x64: {  	_ =	shalt  }
0x65: {  	_ =	shalt  }
0x66: {  	_ =	shalt  }
0x67: {  	_ =	shalt  }
0x68: {  	_ =	shalt  }
0x69: {  	_ =	shalt  }
0x6a: {  	_ =	shalt  }
0x6b: {  	_ =	shalt  }
0x6c: {  	_ =	shalt  }
0x6d: {  	_ =	shalt  }
0x6e: {  	_ =	shalt  }
0x6f: {  	_ =	shalt  }
0x70: {  	_ =	shalt  }
0x71: {  	_ =	shalt  }
0x72: {  	_ =	shalt  }
0x73: {  	_ =	shalt  }
0x74: {  	_ =	shalt  }
0x75: {  	_ =	shalt  }
0x76: {  	_ =	shalt  }
0x77: {  	_ =	shalt  }
0x78: {  	_ =	shalt  }
0x79: {  	_ =	shalt  }
0x7a: {  	_ =	shalt  }
0x7b: {  	_ =	shalt  }
0x7c: {  	_ =	shalt  }
0x7d: {  	_ =	shalt  }
0x7e: {  	_ =	shalt  }
0x7f: {  	_ =	shalt  }
0x80: {  	_ =	shalt  }
0x81: {  	_ =	shalt  }
0x82: {  	_ =	shalt  }
0x83: {  	_ =	shalt  }
0x84: {  	_ =	shalt  }
0x85: {  	_ =	shalt  }
0x86: {  	_ =	shalt  }
0x87: {  	_ =	shalt  }
.Lfunc_end0:
.L_simem_size_0:
called_computation_lowered:
.L_overlay_start_0:
0x88: {  	s2 =	sld [smem:$0x3FD9]  }
0x89: {  	s3 =	sld [smem:$0x3FFE];
	_ =	sdelay $0x1  }
0x8a: {  	s1 =	srdreg.scid  }
0x8b: {  	s0 =	sand.u32 $0x1, s1  }
0x8c: {  	s17 =	sshll.u32 s0, $0xA;
	s2 =	sadd.s32 s3, s2  }
0x8d: {  	s2 =	sadd.s32 s2, s17  }
0x8e: {  	[smem:$0x3FC0] =	sst s2  }
0x8f: {  	_ = 	snop  }
0x90: {  	s2 =	sld [smem:$0x3FD0];
	(tm) =	ssettm $0x1  }
0x91: {  	s18 =	sld [smem:$0x3FFB];
	_ =	sdelay $0x3  }
0x92: {  	_ =	strace s18  }
0x93: {  	s3 =	sld [smem:$0x3FFC];
	_ =	sdelay $0x3  }
0x94: {  	_ =	strace s3  }
0x95: {  	s3 =	sld [smem:$0x3FFD];
	_ =	sdelay $0x3  }
0x96: {  	_ =	strace s3  }
0x97: {  	_ =	strace $0x8FFFFFFF  }
0x98: {  	s19 =	sld [smem:$0x3FDB];
	_ =	sdelay $0x1  }
0x99: {  	s4 =	simm.s32 $_scs_section_size  }
0x9a: {  	s5 =	simm.s32 $_size__tile_overlayer_lowered;
	s6 =	simm.s32 $_tile_overlayer_lowered  }
0x9b: {  	s22 =	simm.s32 $0x1BFF;
	s21 =	sshll.u32 s6, $0x1;
	s3 =	sadd.s32 s4, s19  }
0x9c: {  	s7 =	simm.s32 $0x0;
	s20 =	sshll.u32 s5, $0x1;
	s5 =	sadd.s32 s21, s3  }
0x9d: {  	[timem:s7], [sflag:s22] =	dma.local [hbm:s5], s20  }
0x9e: {  	_ =	swait.ge [sflag:s22], s20  }
0x9f: {  	s4 =	ssub.s32 $0x0, s20;
	[sflag:s22] =	ssyncset.done $0x0  }
0xa0: {  	[sflag:s22] =	ssyncadd.s32 s4;
	_ =	sdelay $0x1  }
0xa1: {  	s23 =	simm.s32 $0x1B8B  }
0xa2: {  	_ =	swait.ge [sflag:s23], $0x1  }
0xa3: {  	[sflag:s23] =	ssyncset.done $0x0  }
0xa4: {  	s25 =	simm.s32 $0x1B8E;
	s24 =	sld [smem:$0x3FFE];
	[sflag:s23] =	ssyncadd.s32 $0xFFFFFFFF  }
0xa5: {  	s26 =	simm.s32 $execute0_lowered;
	[smem:$0x3FD2] =	sst s25  }
0xa6: {  	s5 =	sshll.u32 s26, $0x1;
	_ =	strace $0x80000046;
	[dreg:$0x1] =	wrdreg $0xFFFFFFFF  }
0xa7: {  	s28 =	simm.s32 $_size_execute0_lowered;
	s3 =	sadd.s32 s3, s5;
	[dreg:$0x0] =	wrdreg $0x0  }
0xa8: {  	s5 =	sshll.u32 s28, $0x1;
	[dreg:$0x2] =	wrdreg s3  }
0xa9: {  	[dreg:$0x3] =	wrdreg s5  }
0xaa: {  	[dreg:$0x4] =	wrdreg $0xC0  }
0xab: {  	_ =	task [dreg:s7], $0x5FFFF  }
0xac: {  	[dreg:$0x1] =	wrdreg $0xFFFFFFFF  }
0xad: {  	[dreg:$0x0] =	wrdreg $0x60  }
0xae: {  	[dreg:$0x2] =	wrdreg s24  }
0xaf: {  	[dreg:$0x3] =	wrdreg s2  }
0xb0: {  	[dreg:$0x4] =	wrdreg $0xA3000  }
0xb1: {  	[dreg:$0x5] =	wrdreg $0x9  }
0xb2: {  	_ =	task.clear_ibuf [dreg:s7], $0x6FFFF;
	_ =	strace $0x90000046  }
0xb3: {  	s29 =	simm.s32 $0x9;
	_ =	strace $0x80000048  }
0xb4: {  	_ =	swait.ge [sflag:s29], $0x1  }
0xb5: {  	[sflag:s29] =	ssyncadd.s32 $0xFFFFFFFF  }
0xb6: {  	_ =	strace $0x90000048  }
0xb7: {  	_ =	sfence  }
0xb8: {  	s30 =	sld [smem:$0x0];
	_ =	sdelay $0x2  }
0xb9: {  	s31 =	sshll.u32 s1, $0xD;
	s1 =	sshrl.u32 s1, $0x2  }
0xba: {  	s3 =	sand.u32 $0x4000, s31;
	s1 =	sadd.s32 s1, s30  }
0xbb: {  	s0 =	sor.u32 s3, s0;
	s1 =	sshll.u32 s1, $0x11  }
0xbc: {  	s0 =	sor.u32 s1, s0  }
0xbd: {  	s0 =	sadd.s32 $0x8F2B, s0  }
0xbe: {  	[sflag:s0] =	ssyncadd.remote.s32 $0x1  }
0xbf: {  	_ =	sfence.sel $0xFFFF  }
0xc0: {  	[dreg:$0x0] =	wrdreg $0xFFFFFFFF;
	(pc) =	sbr.abs _section_cstart, $3  }
0xc1: {  	[dreg:$0x1] =	wrdreg $0xFFFFFFFF  }
0xc2: {  	_ =	task.clear_ibuf [dreg:s7], $0x2FFFF;
	_ =	strace $0x9FFFFFFF  }
0xc3: {  	(tm) =	ssettm $0x7FFFFFFF  }
tec
execute0_lowered:
.L_overlay_start_1:
0x0: {  	(tag) =	ssettag $0x1  }
0x1: {  	s4 =	rddreg [dreg:$0x0]  }
0x2: {  	s6 =	rddreg [dreg:$0x1]  }
0x3: {  	s2 =	rddreg [dreg:$0x2]  }
0x4: {  	s0 =	rddreg [dreg:$0x3]  }
0x5: {  	s1 =	stileid.u32;
	s5 =	srdreg.scid  }
0x6: {  	s3 =	simm.s32 $0x0;
	s11 =	simm.s32 $0xA280;
	s7 =	smul.u32 $0x1400, s1  }
0x7: {  	s8 =	sand.u32 $0x1, s5;
	[smem:$0x7FF] =	sst s3;
	s9 =	smul.u32 $0x280, s1  }
0x8: {  	s12 =	sshll.u32 s1, $0x6;
	s5 =	ssub.s32 $0x2, s8;
	_ =	strace $0x80000047  }
.Ltmp0:
0x9: {  	p0 =	sne.s32 s8, $0x0;
	s8 =	simm.s32 $0x1;
	(pc) =	sbr.rel .LBB2_1-.Ltmp0, $4  }
0xa: {  	s12 =	sor.u32 $0x1C01, s12;
	s10 =	sshrl.u32 s5, $0x1;
	s4 =	sadd.s32 s7, s4  }
0xb: {  	s31 =	sshrl.u32 s9, $0x3;
	s30 =	ssub.s32 s5, s10;
	s4 =	sadd.s32 $0x5000, s4  }
0xc: {  	s5 =	sadd.s32 s9, s2;
	s6 =	sadd.s32 s6, s31;
	s9 =	simm.s32 $0xA000  }
0xd: {  	v0 =	vimm.f32 $0.0e+00;
	v1 =	vimm.f32 $1.000000000e+00;
	s10 =	simm.s32 $0x40;
	s7 =	smax.u32 s30, $0x1;
	s13 =	sshrl.u32 s5, $0x3  }
.LBB2_7:
0xe: {  	[bflag:$0x0] =	sbarrier.arrive $0xFFFF  }
0xf: {  	[bflag:$0x0] =	sbarrier.arrive $0xFFFF  }
.LBB2_5:
0x10: {  	s3 =	sadd.s32 $0x1, s3  }
0x11: {  	p1 =	sne.s32 s3, s7  }
.Ltmp1:
0x12: {  	_ = 	snop;
	(pc) =	sbr.rel @!p1 .LBB2_6-.Ltmp1, $1  }
0x13: {  	_ =	sdelay $0x3  }
.LBB2_1:
.Ltmp2:
0x14: {  	(pc) =	sbr.rel @p0 .LBB2_7-.Ltmp2, $1  }
0x15: {  	_ =	sdelay $0x3  }
0x16: {  	s14 =	simm.s32 $0x0  }
0x17: {  	[tilespmem:s14], [sflag:$0x1] =	stream.linear.gather [hbm4b:s4+s14], $0xA000, $0x38;
	[tilespmem:$0xA588] =	vst v63  }
0x18: {  	_ =	swait.ge [sflag:s8], $0xA000  }
0x19: {  	[sflag:s8] =	ssyncset.done $0x0  }
0x1a: {  	[sflag:s8] =	ssyncadd.s32 $0xFFFF6000  }
0x1b: {  	[tilespmem:$0xA000] =	vst v0  }
0x1c: {  	[tilespmem:$0xA010] =	vst v0  }
0x1d: {  	[tilespmem:$0xA020] =	vst v0  }
0x1e: {  	[tilespmem:$0xA030] =	vst v0  }
0x1f: {  	[tilespmem:$0xA040] =	vst v0  }
0x20: {  	[tilespmem:$0xA050] =	vst v0  }
0x21: {  	[tilespmem:$0xA060] =	vst v0  }
0x22: {  	[tilespmem:$0xA070] =	vst v0  }
0x23: {  	[tilespmem:$0xA080] =	vst v0  }
0x24: {  	[tilespmem:$0xA090] =	vst v0  }
0x25: {  	[tilespmem:$0xA0A0] =	vst v0  }
0x26: {  	[tilespmem:$0xA0B0] =	vst v0  }
0x27: {  	[tilespmem:$0xA0C0] =	vst v0  }
0x28: {  	[tilespmem:$0xA0D0] =	vst v0  }
0x29: {  	[tilespmem:$0xA0E0] =	vst v0  }
0x2a: {  	[tilespmem:$0xA0F0] =	vst v0  }
0x2b: {  	[tilespmem:$0xA100] =	vst v0  }
0x2c: {  	[tilespmem:$0xA110] =	vst v0  }
0x2d: {  	[tilespmem:$0xA120] =	vst v0  }
0x2e: {  	[tilespmem:$0xA130] =	vst v0  }
0x2f: {  	[tilespmem:$0xA140] =	vst v0  }
0x30: {  	[tilespmem:$0xA150] =	vst v0  }
0x31: {  	[tilespmem:$0xA160] =	vst v0  }
0x32: {  	[tilespmem:$0xA170] =	vst v0  }
0x33: {  	[tilespmem:$0xA180] =	vst v0  }
0x34: {  	[tilespmem:$0xA190] =	vst v0  }
0x35: {  	[tilespmem:$0xA1A0] =	vst v0  }
0x36: {  	[tilespmem:$0xA1B0] =	vst v0  }
0x37: {  	[tilespmem:$0xA1C0] =	vst v0  }
0x38: {  	[tilespmem:$0xA1D0] =	vst v0  }
0x39: {  	[tilespmem:$0xA1E0] =	vst v0  }
0x3a: {  	[tilespmem:$0xA1F0] =	vst v0  }
0x3b: {  	[tilespmem:$0xA200] =	vst v0  }
0x3c: {  	[tilespmem:$0xA210] =	vst v0  }
0x3d: {  	[tilespmem:$0xA220] =	vst v0  }
0x3e: {  	[tilespmem:$0xA230] =	vst v0  }
0x3f: {  	[tilespmem:$0xA240] =	vst v0  }
0x40: {  	[tilespmem:$0xA250] =	vst v0  }
0x41: {  	[tilespmem:$0xA260] =	vst v0  }
0x42: {  	[tilespmem:$0xA270] =	vst v0  }
0x43: {  	[tilespmem:$0xA280] =	vst v1  }
0x44: {  	[tilespmem:$0xA290] =	vst v1  }
0x45: {  	[tilespmem:$0xA2A0] =	vst v1  }
0x46: {  	[tilespmem:$0xA2B0] =	vst v1  }
0x47: {  	[spmem:s5] =	stream.linear.scatter [tilespmem:s9], [sflag:$0x1], $0x280, $0x38;
	[tilespmem:$0xA588] =	vst v63  }
0x48: {  	_ =	swait.ge [sflag:s8], $0x280  }
0x49: {  	[sflag:s8] =	ssyncset.done $0x0  }
0x4a: {  	[sflag:s8] =	ssyncadd.s32 $0xFFFFFD80  }
0x4b: {  	s31 =	simm.s32 $0x0;
	[bflag:$0x0] =	sbarrier.arrive $0xFFFF  }
0x4c: {  	[spmem:s2] =	stream.indirect.scatter.add.f32 [tilespmem:s11], [sflag:$0x1], $0x1, s31, s10, $0xb8;
	[tilespmem:$0xA588] =	vst v63  }
0x4d: {  	_ =	swait.ge [sflag:s8], $0x40  }
0x4e: {  	s14 =	simm.s32 $0x200;
	[sflag:s8] =	ssyncset.done $0x0  }
.LBB2_3:
0x4f: {  	s15 =	sshra.s32 s14, $0x2;
	[sflag:s8] =	ssyncadd.s32 $0xFFFFFFC0;
	p1 =	seq.s32 s14, $0x27E00  }
0x50: {  	[spmem:s2] =	stream.indirect.scatter.add.f32 [tilespmem:s11], [sflag:$0x1], $0x1, s15, s10, $0xb8;
	[tilespmem:$0xA588] =	vst v63  }
.Ltmp3:
0x51: {  	_ = 	snop;
	(pc) =	sbr.rel @!p1 .LBB2_3-.Ltmp3, $4  }
0x52: {  	_ = 	snop  }
0x53: {  	s14 =	sadd.s32 $0x200, s14  }
0x54: {  	_ =	swait.ge [sflag:s8], $0x40  }
0x55: {  	[sflag:s8] =	ssyncset.done $0x0  }
0x56: {  	[sflag:s8] =	ssyncadd.s32 $0xFFFFFFC0  }
.Ltmp4:
0x57: {  	[bflag:$0x0] =	sbarrier.arrive $0xFFFF;
	(pc) =	sbr.rel .LBB2_5-.Ltmp4, $4  }
0x58: {  	[hbm:s6], [sflag:s12] =	dma.local [spmem:s13], $0x50  }
0x59: {  	_ =	swait.ge [sflag:s8], $0x50  }
0x5a: {  	[sflag:s8] =	ssyncset.done $0x0  }
0x5b: {  	[sflag:s8] =	ssyncadd.s32 $0xFFFFFFB0  }
.LBB2_6:
0x5c: {  	_ =	sfence.sel $0x180000  }
0x5d: {  	[bflag:$0x0] =	sbarrier.arrive $0xFFFF  }
0x5e: {  	p0 =	sne.s32 s1, $0x0;
	_ =	strace $0x90000047  }
0x5f: {  	s0 =	sadd.s32 @!p0 $0x100000, s0;
	[bflag:$0x2] =	sbarrier.arrive $0xFFFF  }
0x60: {  	[sflag:s0] =	ssyncadd.tile.s32 @!p0 $0x1;
	_ =	shalt  }
.Lfunc_end2:
_tile_overlayer_lowered:
.L_overlay_start_2:
0x61: {  	(tag) =	ssettag $0x2  }
0x62: {  	s0 =	rddreg [dreg:$0x0];
	s2 =	stileid.u32  }
0x63: {  	s1 =	rddreg [dreg:$0x1];
	p0 =	sne.s32 s2, $0x0  }
0x64: {  	s3 =	rddreg [dreg:$0x2];
	[bflag:$0x3] =	sbarrier.arrive $0xFFFF;
	s2 =	simm.s32 @!p0 $0x1C01  }
0x65: {  	[timem:s3], [sflag:s2] =	dma.local @!p0 [hbm:s0], s1  }
0x66: {  	s0 =	simm.s32 @!p0 $0x1  }
0x67: {  	_ =	swait.ge @!p0 [sflag:s0], s1  }
0x68: {  	s1 =	ssub.s32 @!p0 $0x0, s1;
	[sflag:s0] =	ssyncset.done @!p0 $0x0  }
0x69: {  	[sflag:s0] =	ssyncadd.s32 @!p0 s1  }
0x6a: {  	[bflag:$0x3] =	sbarrier.arrive $0xFFFF  }
0x6b: {  	_ =	shalt  }

// kernel: kernel.13.cloned.1.call-start
scs
__scs_entry_jumppad:
0x0: {  	(pc) =	sbr.rel $0x88, $3  }
0x1: {  	(tag) =	ssettag $0x0;
	lr =	simm.s32 $0x1  }
0x2: {  	[smem:$0x3F99] =	sst lr;
	_ =	strace $0xD0000000  }
0x3: {  	_ = 	snop  }
0x4: {  	_ = 	snop  }
0x5: {  	_ = 	snop  }
0x6: {  	_ = 	snop  }
0x7: {  	_ = 	snop  }
__scs_overlays_trampoline_lowered:
0x8: {  	[smem:$0x3FA8] =	sst s0  }
0x9: {  	[smem:$0x3FA9] =	sst s1  }
0xa: {  	[smem:$0x3FAA] =	sst s2  }
0xb: {  	[smem:$0x3FAB] =	sst s3  }
0xc: {  	[smem:$0x3FAC] =	sst s4  }
0xd: {  	[smem:$0x3FAD] =	sst s5  }
0xe: {  	[smem:$0x3FAE] =	sst s6  }
0xf: {  	[smem:$0x3FAF] =	sst s7  }
0x10: {  	[smem:$0x3FB0] =	sst s8  }
0x11: {  	[smem:$0x3FB1] =	sst s9;
	s0 =	simm.s32 @!p0 $0x0  }
0x12: {  	s1 =	sld [smem:$0x3F97];
	s0 =	simm.s32 @p0 $0x1  }
0x13: {  	[smem:$0x3FB2] =	sst s0;
	s0 =	simm.s32 @!p1 $0x0  }
0x14: {  	s2 =	sld [smem:$0x3F96];
	s0 =	simm.s32 @p1 $0x1  }
0x15: {  	[smem:$0x3FB3] =	sst s0;
	s0 =	simm.s32 @!p2 $0x0  }
0x16: {  	s3 =	sld [smem:$0x3FDB];
	s0 =	simm.s32 @p2 $0x1  }
0x17: {  	s4 =	simm.s32 $0x1BF5;
	[smem:$0x3FB5] =	sst s0  }
0x18: {  	s0 =	sld [smem:$0x3F98];
	_ =	swait.ge [sflag:s4], $0x0  }
0x19: {  	s7 =	sld [smem:$0x3F99]  }
0x1a: {  	s8 =	sadd.s32 $0xFFFFE003, lr  }
0x1b: {  	s9 =	sadd.s32 $0xFFFFFEF7, lr;
	s5 =	simm.s32 $0xFFFFFFFF;
	p2 =	slt.u32 s8, $0xFFFFF086  }
0x1c: {  	p1 =	slt.u32 s9, $0xF7A;
	s5 =	simm.s32 @!p2 $0x0  }
0x1d: {  	s5 =	simm.s32 @p1 $0x1;
	p0 =	seq.s32 s7, s2  }
0x1e: {  	s7 =	smul.u32 @!p0 $0xF7A, s2;
	p2 =	seq.s32 @!p0 s5, $0x0  }
0x1f: {  	s9 =	smul.u32 $0xF7A, s1;
	s8 =	simm.s32 @!p0 $0x1BF5;
	p2 =	por !p2, p0  }
0x20: {  	[sflag:s8] =	ssyncset.s32 @!p0 $0xFFFFF086;
	s6 =	sadd.s32 @!p0 s3, s7;
	s7 =	simm.s32 @!p0 $0x108  }
0x21: {  	s3 =	sadd.s32 s3, s9;
	s6 =	sadd.s32 @!p0 $0x88, s6;
	s7 =	simm.s32 @p2 $0x1082  }
0x22: {  	[simem:s7], [sflag:s8] =	dma.local @!p0 [hbm:s6], $0xF7A  }
0x23: {  	s9 =	sor.u32 $0xD0000000, s2;
	s6 =	simm.s32 $0x108;
	_ =	swait.ge @!p0 [sflag:s8], $0x0  }
0x24: {  	s3 =	sadd.s32 $0x88, s3;
	s6 =	simm.s32 @!p1 $0x1082;
	[sflag:s4] =	ssyncset.s32 $0xFFFFF086  }
0x25: {  	[simem:s6], [sflag:s4] =	dma.local [hbm:s3], $0xF7A  }
0x26: {  	[smem:$0x3F99] =	sst s1;
	(tag) =	ssettag s2;
	_ =	strace s9  }
0x27: {  	s1 =	sld [smem:$0x3FA9]  }
0x28: {  	s2 =	sld [smem:$0x3FAA]  }
0x29: {  	s4 =	sld [smem:$0x3FAC]  }
0x2a: {  	p0 =	seq.s32 s5, $0x0;
	s5 =	sld [smem:$0x3FAD]  }
0x2b: {  	s6 =	sld [smem:$0x3FAE]  }
0x2c: {  	s7 =	sld [smem:$0x3FAF]  }
0x2d: {  	s3 =	simm.s32 $0x108;
	s8 =	sld [smem:$0x3FB0]  }
0x2e: {  	s3 =	simm.s32 @!p0 $0x1082;
	s9 =	sld [smem:$0x3FB1]  }
0x2f: {  	lr =	sadd.s32 s0, s3;
	s0 =	sld [smem:$0x3FA8]  }
0x30: {  	s3 =	sld [smem:$0x3FAB]  }
0x31: {  	[smem:$0x3FB4] =	sst s10  }
0x32: {  	s10 =	sld [smem:$0x3FB2];
	_ =	sdelay $0x3  }
0x33: {  	p0 =	seq.s32 s10, $0x1;
	s10 =	sld [smem:$0x3FB4];
	_ =	sdelay $0x3  }
0x34: {  	[smem:$0x3FB4] =	sst s10  }
0x35: {  	s10 =	sld [smem:$0x3FB3];
	_ =	sdelay $0x3  }
0x36: {  	p1 =	seq.s32 s10, $0x1;
	s10 =	sld [smem:$0x3FB4];
	_ =	sdelay $0x3  }
0x37: {  	[smem:$0x3FB4] =	sst s10  }
0x38: {  	s10 =	sld [smem:$0x3FB5]  }
0x39: {  	_ = 	snop;
	(pc) =	sbr.ind lr, $3  }
0x3a: {  	_ = 	snop  }
0x3b: {  	_ = 	snop  }
0x3c: {  	p2 =	seq.s32 s10, $0x1;
	s10 =	sld [smem:$0x3FB4]  }
0x3d: {  	_ =	shalt  }
0x3e: {  	_ =	shalt  }
0x3f: {  	_ =	shalt  }
0x40: {  	_ =	shalt  }
0x41: {  	_ =	shalt  }
0x42: {  	_ =	shalt  }
0x43: {  	_ =	shalt  }
0x44: {  	_ =	shalt  }
0x45: {  	_ =	shalt  }
0x46: {  	_ =	shalt  }
0x47: {  	_ =	shalt  }
0x48: {  	_ =	shalt  }
0x49: {  	_ =	shalt  }
0x4a: {  	_ =	shalt  }
0x4b: {  	_ =	shalt  }
0x4c: {  	_ =	shalt  }
0x4d: {  	_ =	shalt  }
0x4e: {  	_ =	shalt  }
0x4f: {  	_ =	shalt  }
0x50: {  	_ =	shalt  }
0x51: {  	_ =	shalt  }
0x52: {  	_ =	shalt  }
0x53: {  	_ =	shalt  }
0x54: {  	_ =	shalt  }
0x55: {  	_ =	shalt  }
0x56: {  	_ =	shalt  }
0x57: {  	_ =	shalt  }
0x58: {  	_ =	shalt  }
0x59: {  	_ =	shalt  }
0x5a: {  	_ =	shalt  }
0x5b: {  	_ =	shalt  }
0x5c: {  	_ =	shalt  }
0x5d: {  	_ =	shalt  }
0x5e: {  	_ =	shalt  }
0x5f: {  	_ =	shalt  }
0x60: {  	_ =	shalt  }
0x61: {  	_ =	shalt  }
0x62: {  	_ =	shalt  }
0x63: {  	_ =	shalt  }
0x64: {  	_ =	shalt  }
0x65: {  	_ =	shalt  }
0x66: {  	_ =	shalt  }
0x67: {  	_ =	shalt  }
0x68: {  	_ =	shalt  }
0x69: {  	_ =	shalt  }
0x6a: {  	_ =	shalt  }
0x6b: {  	_ =	shalt  }
0x6c: {  	_ =	shalt  }
0x6d: {  	_ =	shalt  }
0x6e: {  	_ =	shalt  }
0x6f: {  	_ =	shalt  }
0x70: {  	_ =	shalt  }
0x71: {  	_ =	shalt  }
0x72: {  	_ =	shalt  }
0x73: {  	_ =	shalt  }
0x74: {  	_ =	shalt  }
0x75: {  	_ =	shalt  }
0x76: {  	_ =	shalt  }
0x77: {  	_ =	shalt  }
0x78: {  	_ =	shalt  }
0x79: {  	_ =	shalt  }
0x7a: {  	_ =	shalt  }
0x7b: {  	_ =	shalt  }
0x7c: {  	_ =	shalt  }
0x7d: {  	_ =	shalt  }
0x7e: {  	_ =	shalt  }
0x7f: {  	_ =	shalt  }
0x80: {  	_ =	shalt  }
0x81: {  	_ =	shalt  }
0x82: {  	_ =	shalt  }
0x83: {  	_ =	shalt  }
0x84: {  	_ =	shalt  }
0x85: {  	_ =	shalt  }
0x86: {  	_ =	shalt  }
0x87: {  	_ =	shalt  }
.Lfunc_end0:
.L_simem_size_0:
called_computation.1_lowered:
.L_overlay_start_0:
0x88: {  	s2 =	sld [smem:$0x3FD9]  }
0x89: {  	s3 =	sld [smem:$0x3FFE];
	_ =	sdelay $0x1  }
0x8a: {  	s1 =	srdreg.scid  }
0x8b: {  	s0 =	sand.u32 $0x1, s1  }
0x8c: {  	s16 =	sshll.u32 s0, $0xA;
	s2 =	sadd.s32 s3, s2  }
0x8d: {  	s2 =	sadd.s32 s2, s16  }
0x8e: {  	[smem:$0x3FC0] =	sst s2  }
0x8f: {  	_ = 	snop  }
0x90: {  	(tm) =	ssettm $0x1  }
0x91: {  	s17 =	sld [smem:$0x3FFB];
	_ =	sdelay $0x3  }
0x92: {  	_ =	strace s17  }
0x93: {  	s2 =	sld [smem:$0x3FFC];
	_ =	sdelay $0x3  }
0x94: {  	_ =	strace s2  }
0x95: {  	s2 =	sld [smem:$0x3FFD];
	_ =	sdelay $0x3  }
0x96: {  	_ =	strace s2  }
0x97: {  	_ =	strace $0x8FFFFFFF  }
0x98: {  	s18 =	sld [smem:$0x3FDB];
	_ =	sdelay $0x1  }
0x99: {  	s19 =	simm.s32 $_scs_section_size  }
0x9a: {  	s4 =	simm.s32 $_size__tile_overlayer_lowered;
	s5 =	simm.s32 $_tile_overlayer_lowered  }
0x9b: {  	s22 =	simm.s32 $0x1BFF;
	s21 =	sshll.u32 s5, $0x1;
	s2 =	sadd.s32 s19, s18  }
0x9c: {  	s6 =	simm.s32 $0x0;
	s20 =	sshll.u32 s4, $0x1;
	s4 =	sadd.s32 s21, s2  }
0x9d: {  	[timem:s6], [sflag:s22] =	dma.local [hbm:s4], s20  }
0x9e: {  	_ =	swait.ge [sflag:s22], s20  }
0x9f: {  	s3 =	ssub.s32 $0x0, s20;
	[sflag:s22] =	ssyncset.done $0x0  }
0xa0: {  	[sflag:s22] =	ssyncadd.s32 s3;
	_ =	sdelay $0x1  }
0xa1: {  	s23 =	simm.s32 $0x1B8B  }
0xa2: {  	_ =	swait.ge [sflag:s23], $0x1  }
0xa3: {  	[sflag:s23] =	ssyncset.done $0x0  }
0xa4: {  	s25 =	simm.s32 $0x1B8E;
	s24 =	sld [smem:$0x3FFE];
	[sflag:s23] =	ssyncadd.s32 $0xFFFFFFFF  }
0xa5: {  	s26 =	simm.s32 $execute0_lowered;
	[smem:$0x3FD2] =	sst s25  }
0xa6: {  	s4 =	sshll.u32 s26, $0x1;
	_ =	strace $0x80000049;
	[dreg:$0x1] =	wrdreg $0xFFFFFFFF  }
0xa7: {  	s28 =	simm.s32 $_size_execute0_lowered;
	s2 =	sadd.s32 s2, s4;
	[dreg:$0x0] =	wrdreg $0x0  }
0xa8: {  	s4 =	sshll.u32 s28, $0x1;
	[dreg:$0x2] =	wrdreg s2  }
0xa9: {  	[dreg:$0x3] =	wrdreg s4  }
0xaa: {  	[dreg:$0x4] =	wrdreg $0xC0  }
0xab: {  	_ =	task [dreg:s6], $0x5FFFF  }
0xac: {  	[dreg:$0x1] =	wrdreg $0xFFFFFFFF  }
0xad: {  	[dreg:$0x0] =	wrdreg $0x60  }
0xae: {  	[dreg:$0x2] =	wrdreg s24  }
0xaf: {  	[dreg:$0x3] =	wrdreg $0xA0000  }
0xb0: {  	[dreg:$0x4] =	wrdreg $0x9  }
0xb1: {  	_ =	task.clear_ibuf [dreg:s6], $0x5FFFF;
	_ =	strace $0x90000049  }
0xb2: {  	s29 =	simm.s32 $0x9;
	_ =	strace $0x8000004B  }
0xb3: {  	_ =	swait.ge [sflag:s29], $0x1  }
0xb4: {  	[sflag:s29] =	ssyncadd.s32 $0xFFFFFFFF  }
0xb5: {  	_ =	strace $0x9000004B  }
0xb6: {  	_ =	sfence  }
0xb7: {  	s30 =	sld [smem:$0x0];
	_ =	sdelay $0x2  }
0xb8: {  	s31 =	sshll.u32 s1, $0xD;
	s1 =	sshrl.u32 s1, $0x2  }
0xb9: {  	s3 =	sand.u32 $0x4000, s31;
	s1 =	sadd.s32 s1, s30  }
0xba: {  	s0 =	sor.u32 s3, s0;
	s1 =	sshll.u32 s1, $0x11  }
0xbb: {  	s0 =	sor.u32 s1, s0  }
0xbc: {  	s0 =	sadd.s32 $0x8F2B, s0  }
0xbd: {  	[sflag:s0] =	ssyncadd.remote.s32 $0x1  }
0xbe: {  	_ =	sfence.sel $0xFFFF  }
0xbf: {  	[dreg:$0x0] =	wrdreg $0xFFFFFFFF;
	(pc) =	sbr.abs _section_cstart, $3  }
0xc0: {  	[dreg:$0x1] =	wrdreg $0xFFFFFFFF  }
0xc1: {  	_ =	task.clear_ibuf [dreg:s6], $0x2FFFF;
	_ =	strace $0x9FFFFFFF  }
0xc2: {  	(tm) =	ssettm $0x7FFFFFFF  }
0xc3: {  	_ =	shalt  }
tec
execute0_lowered:
.L_overlay_start_1:
0x0: {  	(tag) =	ssettag $0x1  }
0x1: {  	s0 =	rddreg [dreg:$0x0]  }
0x2: {  	s1 =	rddreg [dreg:$0x1];
	s2 =	simm.s32 $0x0  }
0x3: {  	s3 =	srdreg.scid;
	s15 =	stileid.u32;
	s17 =	simm.s32 $0x3  }
0x4: {  	s18 =	simm.s32 $0x1;
	s19 =	simm.s32 $0x40;
	s20 =	simm.s32 $0x2000  }
0x5: {  	s21 =	simm.s32 $0x4000;
	s22 =	simm.s32 $0x2;
	s23 =	simm.s32 $0x0  }
0x6: {  	[smem:$0x7FF] =	sst s2;
	s4 =	sadd.s32 $0x2D000, s0;
	s5 =	sadd.s32 $0x55000, s0  }
0x7: {  	s6 =	sadd.s32 $0x19000, s0;
	s3 =	sand.u32 $0x1, s3;
	s8 =	smul.u32 $0x50000, s15  }
0x8: {  	s7 =	sadd.s32 $0x5000, s0;
	s9 =	sadd.s32 $0xA5000, s0;
	s10 =	sadd.s32 $0xCD000, s0  }
0x9: {  	s13 =	smul.u32 $0xA000, s15;
	s31 =	sshll.u32 s15, $0x6;
	_ =	strace $0x8000004A  }
.Ltmp0:
0xa: {  	[dreg:$0x3] =	wrdreg s9;
	s11 =	ssub.s32 $0x2, s3;
	(pc) =	sbr.rel .LBB2_1-.Ltmp0, $4  }
0xb: {  	s9 =	smul.u32 $0x2800, s15;
	p0 =	seq.s32 s3, $0x0;
	s12 =	sshrl.u32 s11, $0x1  }
0xc: {  	s15 =	sor.u32 $0x1C03, s31;
	s8 =	sshrl.u32 s8, $0x2;
	s29 =	ssub.s32 s11, s12  }
0xd: {  	s8 =	sadd.s32 s8, s1;
	s30 =	sadd.s32 s5, s9;
	s12 =	sadd.s32 s4, s9  }
0xe: {  	[dreg:$0x4] =	wrdreg s30;
	s14 =	smax.u32 s29, $0x1;
	s16 =	sshrl.u32 s8, $0x3  }
.LBB2_12:
0xf: {  	s23 =	sadd.s32 $0x1, s23  }
0x10: {  	p1 =	sne.s32 s23, s14  }
.Ltmp1:
0x11: {  	s0 =	sadd.s32 s0, s9;
	(pc) =	sbr.rel @!p1 .LBB2_13-.Ltmp1, $4  }
0x12: {  	[hbm:s0], [sflag:s15] =	dma.local [spmem:s16], $0x2800  }
0x13: {  	_ =	swait.ge [sflag:s17], $0x2800  }
0x14: {  	[sflag:s17] =	ssyncset.done $0x0  }
0x15: {  	[sflag:s17] =	ssyncadd.s32 $0xFFFFD800  }
.LBB2_1:
.Ltmp2:
0x16: {  	(pc) =	sbr.rel @!p0 .LBB2_2-.Ltmp2, $1  }
0x17: {  	_ =	sdelay $0x3  }
0x18: {  	[spmem:s16], [sflag:s15] =	dma.local [hbm:s12], $0x2800  }
0x19: {  	_ =	swait.ge [sflag:s17], $0x2800  }
0x1a: {  	[sflag:s17] =	ssyncset.done $0x0  }
0x1b: {  	s24 =	simm.s32 $0x0;
	[sflag:s17] =	ssyncadd.s32 $0xFFFFD800  }
0x1c: {  	p1 =	por $0x0, $0x0;
	s25 =	simm.s32 $0x0;
	[bflag:$0x0] =	sbarrier.arrive $0xFFFF  }
.LBB2_8:
0x1d: {  	s0 =	sshll.u32 s25, $0xB  }
0x1e: {  	s3 =	sadd.s32 s13, s0  }
0x1f: {  	s3 =	sshrl.u32 s3, $0x3  }
0x20: {  	s0 =	sand.u32 $0x800, s0;
	s8 =	sadd.s32 s6, s3  }
0x21: {  	[tilespmem:s0], [sflag:$0x3] =	stream.linear.gather [hbm4b:s8+s2], $0x800, $0x38;
	[tilespmem:$0x1E040] =	vst v63  }
0x22: {  	_ =	swait.ge [sflag:s17], $0x800  }
0x23: {  	[sflag:s17] =	ssyncset.done $0x0  }
0x24: {  	s26 =	sor.u32 $0x1000, s0;
	s3 =	sadd.s32 s7, s3;
	[sflag:s17] =	ssyncadd.s32 $0xFFFFF800  }
0x25: {  	[tilespmem:s26], [sflag:$0x3] =	stream.linear.gather [hbm4b:s3+s2], $0x800, $0x38;
	[tilespmem:$0x1E040] =	vst v63  }
0x26: {  	_ =	swait.ge [sflag:s17], $0x800  }
0x27: {  	p2 =	seq.s32 s25, $0x0;
	[sflag:s17] =	ssyncset.done $0x0  }
0x28: {  	s3 =	simm.s32 @!p2 $0x2;
	[sflag:s17] =	ssyncadd.s32 $0xFFFFF800  }
0x29: {  	_ =	swait.ge @!p2 [sflag:s3], $0x2000  }
0x2a: {  	[sflag:s3] =	ssyncset.done @!p2 $0x0  }
0x2b: {  	[sflag:s3] =	ssyncadd.s32 @!p2 $0xFFFFE000  }
0x2c: {  	_ =	swait.ge @!p2 [sflag:s3], $0x2000  }
0x2d: {  	[sflag:s3] =	ssyncset.done @!p2 $0x0  }
0x2e: {  	s8 =	simm.s32 $0x1;
	[sflag:s3] =	ssyncadd.s32 @!p2 $0xFFFFE000  }
0x2f: {  	s28 =	simm.s32 $0x1;
	s8 =	simm.s32 @!p1 $0x0;
	_ =	swait.ge @!p2 [sflag:s3], $0x2000  }
0x30: {  	s31 =	simm.s32 $0x8000;
	s11 =	sshll.u32 s8, $0xB;
	[sflag:s3] =	ssyncset.done @!p2 $0x0  }
0x31: {  	s8 =	simm.s32 $0x6000;
	[sflag:s3] =	ssyncadd.s32 @!p2 $0xFFFFE000;
	p2 =	por $0x0, $0x0  }
0x32: {  	[tilespmem:s20], [sflag:$0x1] =	stream.indirect.gather [hbm4b:s4+s19], $0x80, s0, s19, $0xb8;
	[tilespmem:$0x1E040] =	vst v63  }
0x33: {  	s30 =	sor.u32 $0x1000, s11;
	s26 =	sadd.s32 $0x80, s0;
	s3 =	sor.u32 @!p2 s25, s24  }
0x34: {  	[tilespmem:s21], [sflag:$0x1] =	stream.indirect.gather [hbm4b:s4+s19], $0x80, s26, s19, $0xb8;
	[tilespmem:$0x1E040] =	vst v63  }
0x35: {  	s0 =	sadd.s32 $0x100, s0;
	p3 =	seq.s32 @!p2 s3, $0x0;
	s26 =	sor.u32 $0x180, s11  }
0x36: {  	[tilespmem:s8], [sflag:$0x1] =	stream.indirect.gather [hbm4b:s4+s19], $0x80, s0, s19, $0xb8;
	[tilespmem:$0x1E040] =	vst v63  }
0x37: {  	s11 =	simm.s32 $0x0;
	p3 =	por p3, p2;
	_ =	swait.ge [sflag:s18], $0x2000  }
0x38: {  	s3 =	simm.s32 @!p3 $0x2;
	s0 =	sand.u32 $0x6000, s11;
	[sflag:s18] =	ssyncset.done $0x0  }
0x39: {  	s29 =	sadd.s32 $0x2000, s0;
	s0 =	sand.u32 @!p2 $0x6000, s8;
	[sflag:s18] =	ssyncadd.s32 $0xFFFFE000  }
0x3a: {  	[spmem:s1] =	stream.indirect.scatter.add.f32 [tilespmem:s29], [sflag:$0x2], $0x80, s30, s19, $0xb8;
	[tilespmem:$0x1E040] =	vst v63  }
0x3b: {  	s8 =	simm.s32 @!p2 $0x40;
	s0 =	sadd.s32 @!p2 $0x2000, s0;
	_ =	swait.ge @!p3 [sflag:s3], $0x2000  }
0x3c: {  	s29 =	sadd.s32 $0x80, s26;
	s30 =	sadd.s32 $0x80, s30;
	[sflag:s3] =	ssyncset.done @!p3 $0x0  }
.LBB2_9:
0x3d: {  	s11 =	sadd.s32 $0xFFFFA000, s31  }
0x3e: {  	[sflag:s3] =	ssyncadd.s32 @!p3 $0xFFFFE000;
	s3 =	smov.u32 s28;
	s28 =	sadd.s32 $0x1, s28  }
0x3f: {  	[tilespmem:s0], [sflag:$0x1] =	stream.indirect.gather @!p2 [hbm4b:s4+s8], $0x80, s26, s8, $0xb8;
	[tilespmem:$0x1E040] =	vst v63  }
0x40: {  	s0 =	sand.u32 $0x6000, s11;
	p4 =	sne.s32 s28, $0x10;
	s26 =	smov.u32 s29  }
0x41: {  	p2 =	sgt.u32 s3, $0xC;
	s8 =	sadd.s32 $0x2000, s0  }
0x42: {  	s0 =	sor.u32 @!p2 s25, s3;
	s3 =	sand.u32 @!p2 $0x6000, s31  }
0x43: {  	p3 =	seq.s32 @!p2 s0, $0x0;
	s0 =	sadd.s32 @!p2 $0x2000, s3;
	_ =	swait.ge [sflag:s18], $0x2000  }
.Ltmp3:
0x44: {  	p3 =	por p3, p2;
	[sflag:s18] =	ssyncset.done $0x0;
	(pc) =	sbr.rel @p4 .LBB2_9-.Ltmp3, $4  }
0x45: {  	s3 =	simm.s32 @!p3 $0x2;
	[sflag:s18] =	ssyncadd.s32 $0xFFFFE000  }
0x46: {  	[spmem:s1] =	stream.indirect.scatter.add.f32 [tilespmem:s8], [sflag:$0x2], $0x80, s30, s19, $0xb8;
	[tilespmem:$0x1E040] =	vst v63  }
0x47: {  	s29 =	sadd.s32 $0x80, s29;
	s30 =	sadd.s32 $0x80, s30;
	_ =	swait.ge @!p3 [sflag:s3], $0x2000  }
0x48: {  	s31 =	sadd.s32 $0x2000, s31;
	s8 =	simm.s32 @!p2 $0x40;
	[sflag:s3] =	ssyncset.done @!p3 $0x0  }
0x49: {  	[sflag:s3] =	ssyncadd.s32 @!p3 $0xFFFFE000;
	s25 =	sadd.s32 $0x1, s25  }
0x4a: {  	[tilespmem:s0], [sflag:$0x1] =	stream.indirect.gather @!p2 [hbm4b:s4+s8], $0x80, s26, s8, $0xb8;
	[tilespmem:$0x1E040] =	vst v63  }
0x4b: {  	p2 =	sne.s32 s25, $0x14  }
.Ltmp4:
0x4c: {  	_ = 	snop;
	(pc) =	sbr.rel @p2 .LBB2_8-.Ltmp4, $2  }
0x4d: {  	_ =	sdelay $0x2  }
0x4e: {  	p1 =	por !p1, !p1  }
0x4f: {  	_ =	swait.ge [sflag:s22], $0x2000  }
0x50: {  	[sflag:s22] =	ssyncset.done $0x0  }
0x51: {  	[sflag:s22] =	ssyncadd.s32 $0xFFFFE000  }
0x52: {  	_ =	swait.ge [sflag:s22], $0x2000  }
0x53: {  	[sflag:s22] =	ssyncset.done $0x0  }
0x54: {  	[sflag:s22] =	ssyncadd.s32 $0xFFFFE000  }
0x55: {  	_ =	swait.ge [sflag:s22], $0x2000  }
0x56: {  	[sflag:s22] =	ssyncset.done $0x0  }
0x57: {  	[sflag:s22] =	ssyncadd.s32 $0xFFFFE000  }
.Ltmp5:
0x58: {  	_ =	swait.ge [sflag:s22], $0x2000;
	(pc) =	sbr.rel .LBB2_12-.Ltmp5, $4  }
0x59: {  	[sflag:s22] =	ssyncset.done $0x0  }
0x5a: {  	[sflag:s22] =	ssyncadd.s32 $0xFFFFE000  }
0x5b: {  	[bflag:$0x0] =	sbarrier.arrive $0xFFFF  }
0x5c: {  	s0 =	rddreg [dreg:$0x3]  }
.LBB2_2:
0x5d: {  	s0 =	rddreg [dreg:$0x4]  }
0x5e: {  	[spmem:s16], [sflag:s15] =	dma.local [hbm:s0], $0x2800  }
0x5f: {  	_ =	swait.ge [sflag:s17], $0x2800  }
0x60: {  	[sflag:s17] =	ssyncset.done $0x0  }
0x61: {  	s24 =	simm.s32 $0x0;
	[sflag:s17] =	ssyncadd.s32 $0xFFFFD800  }
0x62: {  	p1 =	por $0x0, $0x0;
	s25 =	simm.s32 $0x0;
	[bflag:$0x0] =	sbarrier.arrive $0xFFFF  }
.LBB2_3:
0x63: {  	s0 =	sshll.u32 s25, $0xB  }
0x64: {  	s3 =	sadd.s32 s13, s0  }
0x65: {  	s3 =	sshrl.u32 s3, $0x3  }
0x66: {  	s0 =	sand.u32 $0x800, s0;
	s8 =	sadd.s32 s6, s3  }
0x67: {  	[tilespmem:s0], [sflag:$0x3] =	stream.linear.gather [hbm4b:s8+s2], $0x800, $0x38;
	[tilespmem:$0x1E040] =	vst v63  }
0x68: {  	_ =	swait.ge [sflag:s17], $0x800  }
0x69: {  	[sflag:s17] =	ssyncset.done $0x0  }
0x6a: {  	s26 =	sor.u32 $0x1000, s0;
	s3 =	sadd.s32 s7, s3;
	[sflag:s17] =	ssyncadd.s32 $0xFFFFF800  }
0x6b: {  	[tilespmem:s26], [sflag:$0x3] =	stream.linear.gather [hbm4b:s3+s2], $0x800, $0x38;
	[tilespmem:$0x1E040] =	vst v63  }
0x6c: {  	_ =	swait.ge [sflag:s17], $0x800  }
0x6d: {  	p2 =	seq.s32 s25, $0x0;
	[sflag:s17] =	ssyncset.done $0x0  }
0x6e: {  	s3 =	simm.s32 @!p2 $0x2;
	[sflag:s17] =	ssyncadd.s32 $0xFFFFF800  }
0x6f: {  	_ =	swait.ge @!p2 [sflag:s3], $0x2000  }
0x70: {  	[sflag:s3] =	ssyncset.done @!p2 $0x0  }
0x71: {  	[sflag:s3] =	ssyncadd.s32 @!p2 $0xFFFFE000  }
0x72: {  	_ =	swait.ge @!p2 [sflag:s3], $0x2000  }
0x73: {  	[sflag:s3] =	ssyncset.done @!p2 $0x0  }
0x74: {  	[sflag:s3] =	ssyncadd.s32 @!p2 $0xFFFFE000  }
0x75: {  	_ =	swait.ge @!p2 [sflag:s3], $0x2000  }
0x76: {  	s28 =	simm.s32 $0x1;
	s8 =	simm.s32 $0x1;
	[sflag:s3] =	ssyncset.done @!p2 $0x0  }
0x77: {  	s31 =	simm.s32 $0x8000;
	s8 =	simm.s32 @!p1 $0x0;
	[sflag:s3] =	ssyncadd.s32 @!p2 $0xFFFFE000  }
0x78: {  	[tilespmem:s20], [sflag:$0x1] =	stream.indirect.gather [hbm4b:s5+s19], $0x80, s0, s19, $0xb8;
	[tilespmem:$0x1E040] =	vst v63  }
0x79: {  	s11 =	sshll.u32 s8, $0xB;
	s8 =	simm.s32 $0x6000;
	s26 =	sadd.s32 $0x80, s0  }
0x7a: {  	[tilespmem:s21], [sflag:$0x1] =	stream.indirect.gather [hbm4b:s5+s19], $0x80, s26, s19, $0xb8;
	[tilespmem:$0x1E040] =	vst v63  }
0x7b: {  	s3 =	simm.s32 $0x0;
	p2 =	por $0x0, $0x0;
	s0 =	sadd.s32 $0x100, s0  }
0x7c: {  	[tilespmem:s8], [sflag:$0x1] =	stream.indirect.gather [hbm4b:s5+s19], $0x80, s0, s19, $0xb8;
	[tilespmem:$0x1E040] =	vst v63  }
0x7d: {  	s26 =	sor.u32 $0x180, s11;
	s0 =	sand.u32 $0x6000, s3;
	s3 =	sor.u32 @!p2 s25, s24  }
0x7e: {  	s11 =	sor.u32 $0x1000, s11;
	_ =	swait.ge [sflag:s18], $0x2000;
	p3 =	seq.s32 @!p2 s3, $0x0  }
0x7f: {  	s30 =	sadd.s32 $0x80, s11;
	[sflag:s18] =	ssyncset.done $0x0;
	p3 =	por p3, p2  }
0x80: {  	s29 =	sadd.s32 $0x2000, s0;
	[sflag:s18] =	ssyncadd.s32 $0xFFFFE000;
	s3 =	simm.s32 @!p3 $0x2  }
0x81: {  	[spmem:s1] =	stream.indirect.scatter.add.f32 [tilespmem:s29], [sflag:$0x2], $0x80, s11, s19, $0xb8;
	[tilespmem:$0x1E040] =	vst v63  }
0x82: {  	s0 =	sand.u32 @!p2 $0x6000, s8;
	s8 =	simm.s32 @!p2 $0x40;
	_ =	swait.ge @!p3 [sflag:s3], $0x2000  }
0x83: {  	s0 =	sadd.s32 @!p2 $0x2000, s0;
	s29 =	sadd.s32 $0x80, s26;
	[sflag:s3] =	ssyncset.done @!p3 $0x0  }
.LBB2_4:
0x84: {  	s11 =	sadd.s32 $0xFFFFA000, s31  }
0x85: {  	[sflag:s3] =	ssyncadd.s32 @!p3 $0xFFFFE000;
	s3 =	smov.u32 s28;
	s28 =	sadd.s32 $0x1, s28  }
0x86: {  	[tilespmem:s0], [sflag:$0x1] =	stream.indirect.gather @!p2 [hbm4b:s5+s8], $0x80, s26, s8, $0xb8;
	[tilespmem:$0x1E040] =	vst v63  }
0x87: {  	s0 =	sand.u32 $0x6000, s11;
	p4 =	sne.s32 s28, $0x10;
	s26 =	smov.u32 s29  }
0x88: {  	p2 =	sgt.u32 s3, $0xC;
	s8 =	sadd.s32 $0x2000, s0  }
0x89: {  	s0 =	sor.u32 @!p2 s25, s3;
	s3 =	sand.u32 @!p2 $0x6000, s31  }
0x8a: {  	p3 =	seq.s32 @!p2 s0, $0x0;
	s0 =	sadd.s32 @!p2 $0x2000, s3;
	_ =	swait.ge [sflag:s18], $0x2000  }
.Ltmp6:
0x8b: {  	p3 =	por p3, p2;
	[sflag:s18] =	ssyncset.done $0x0;
	(pc) =	sbr.rel @p4 .LBB2_4-.Ltmp6, $4  }
0x8c: {  	s3 =	simm.s32 @!p3 $0x2;
	[sflag:s18] =	ssyncadd.s32 $0xFFFFE000  }
0x8d: {  	[spmem:s1] =	stream.indirect.scatter.add.f32 [tilespmem:s8], [sflag:$0x2], $0x80, s30, s19, $0xb8;
	[tilespmem:$0x1E040] =	vst v63  }
0x8e: {  	s29 =	sadd.s32 $0x80, s29;
	s30 =	sadd.s32 $0x80, s30;
	_ =	swait.ge @!p3 [sflag:s3], $0x2000  }
0x8f: {  	s31 =	sadd.s32 $0x2000, s31;
	s8 =	simm.s32 @!p2 $0x40;
	[sflag:s3] =	ssyncset.done @!p3 $0x0  }
0x90: {  	[sflag:s3] =	ssyncadd.s32 @!p3 $0xFFFFE000;
	s25 =	sadd.s32 $0x1, s25  }
0x91: {  	[tilespmem:s0], [sflag:$0x1] =	stream.indirect.gather @!p2 [hbm4b:s5+s8], $0x80, s26, s8, $0xb8;
	[tilespmem:$0x1E040] =	vst v63  }
0x92: {  	p2 =	sne.s32 s25, $0x14  }
.Ltmp7:
0x93: {  	_ = 	snop;
	(pc) =	sbr.rel @p2 .LBB2_3-.Ltmp7, $2  }
0x94: {  	_ =	sdelay $0x2  }
0x95: {  	p1 =	por !p1, !p1  }
0x96: {  	_ =	swait.ge [sflag:s22], $0x2000  }
0x97: {  	[sflag:s22] =	ssyncset.done $0x0  }
0x98: {  	[sflag:s22] =	ssyncadd.s32 $0xFFFFE000  }
0x99: {  	_ =	swait.ge [sflag:s22], $0x2000  }
0x9a: {  	[sflag:s22] =	ssyncset.done $0x0  }
0x9b: {  	[sflag:s22] =	ssyncadd.s32 $0xFFFFE000  }
0x9c: {  	_ =	swait.ge [sflag:s22], $0x2000  }
0x9d: {  	[sflag:s22] =	ssyncset.done $0x0  }
0x9e: {  	[sflag:s22] =	ssyncadd.s32 $0xFFFFE000  }
.Ltmp8:
0x9f: {  	_ =	swait.ge [sflag:s22], $0x2000;
	(pc) =	sbr.rel .LBB2_12-.Ltmp8, $4  }
0xa0: {  	[sflag:s22] =	ssyncset.done $0x0  }
0xa1: {  	[sflag:s22] =	ssyncadd.s32 $0xFFFFE000  }
0xa2: {  	[bflag:$0x0] =	sbarrier.arrive $0xFFFF  }
0xa3: {  	s0 =	smov.u32 s10  }
.LBB2_13:
0xa4: {  	_ =	sfence.sel $0x180000  }
0xa5: {  	[bflag:$0x0] =	sbarrier.arrive $0xFFFF  }
0xa6: {  	_ =	strace $0x9000004A  }
0xa7: {  	s0 =	stileid.u32;
	[bflag:$0x2] =	sbarrier.arrive $0xFFFF  }
0xa8: {  	p0 =	sne.s32 s0, $0x0;
	s0 =	rddreg [dreg:$0x2]  }
0xa9: {  	s0 =	sadd.s32 @!p0 $0x100000, s0  }
0xaa: {  	[sflag:s0] =	ssyncadd.tile.s32 @!p0 $0x1;
	_ =	shalt  }
.Lfunc_end2:
_tile_overlayer_lowered:
.L_overlay_start_2:
0xab: {  	(tag) =	ssettag $0x2  }
0xac: {  	s0 =	rddreg [dreg:$0x0];
	s2 =	stileid.u32  }
0xad: {  	s1 =	rddreg [dreg:$0x1];
	p0 =	sne.s32 s2, $0x0  }
0xae: {  	s3 =	rddreg [dreg:$0x2];
	[bflag:$0x3] =	sbarrier.arrive $0xFFFF;
	s2 =	simm.s32 @!p0 $0x1C03  }
0xaf: {  	[timem:s3], [sflag:s2] =	dma.local @!p0 [hbm:s0], s1  }
0xb0: {  	s0 =	simm.s32 @!p0 $0x3  }
0xb1: {  	_ =	swait.ge @!p0 [sflag:s0], s1  }
0xb2: {  	s1 =	ssub.s32 @!p0 $0x0, s1;
	[sflag:s0] =	ssyncset.done @!p0 $0x0  }
0xb3: {  	[sflag:s0] =	ssyncadd.s32 @!p0 s1  }
0xb4: {  	[bflag:$0x3] =	sbarrier.arrive $0xFFFF  }
0xb5: {  	_ =	shalt  }

// kernel: kernel.16.cloned.1.call-start
scs
__scs_entry_jumppad:
0x0: {  	(pc) =	sbr.rel $0x88, $3  }
0x1: {  	(tag) =	ssettag $0x0;
	lr =	simm.s32 $0x1  }
0x2: {  	[smem:$0x3F99] =	sst lr;
	_ =	strace $0xD0000000  }
0x3: {  	_ = 	snop  }
0x4: {  	_ = 	snop  }
0x5: {  	_ = 	snop  }
0x6: {  	_ = 	snop  }
0x7: {  	_ = 	snop  }
__scs_overlays_trampoline_lowered:
0x8: {  	[smem:$0x3FA8] =	sst s0  }
0x9: {  	[smem:$0x3FA9] =	sst s1  }
0xa: {  	[smem:$0x3FAA] =	sst s2  }
0xb: {  	[smem:$0x3FAB] =	sst s3  }
0xc: {  	[smem:$0x3FAC] =	sst s4  }
0xd: {  	[smem:$0x3FAD] =	sst s5  }
0xe: {  	[smem:$0x3FAE] =	sst s6  }
0xf: {  	[smem:$0x3FAF] =	sst s7  }
0x10: {  	[smem:$0x3FB0] =	sst s8  }
0x11: {  	[smem:$0x3FB1] =	sst s9;
	s0 =	simm.s32 @!p0 $0x0  }
0x12: {  	s1 =	sld [smem:$0x3F97];
	s0 =	simm.s32 @p0 $0x1  }
0x13: {  	[smem:$0x3FB2] =	sst s0;
	s0 =	simm.s32 @!p1 $0x0  }
0x14: {  	s2 =	sld [smem:$0x3F96];
	s0 =	simm.s32 @p1 $0x1  }
0x15: {  	[smem:$0x3FB3] =	sst s0;
	s0 =	simm.s32 @!p2 $0x0  }
0x16: {  	s3 =	sld [smem:$0x3FDB];
	s0 =	simm.s32 @p2 $0x1  }
0x17: {  	s4 =	simm.s32 $0x1BF5;
	[smem:$0x3FB5] =	sst s0  }
0x18: {  	s0 =	sld [smem:$0x3F98];
	_ =	swait.ge [sflag:s4], $0x0  }
0x19: {  	s7 =	sld [smem:$0x3F99]  }
0x1a: {  	s8 =	sadd.s32 $0xFFFFE003, lr  }
0x1b: {  	s9 =	sadd.s32 $0xFFFFFEF7, lr;
	s5 =	simm.s32 $0xFFFFFFFF;
	p2 =	slt.u32 s8, $0xFFFFF086  }
0x1c: {  	p1 =	slt.u32 s9, $0xF7A;
	s5 =	simm.s32 @!p2 $0x0  }
0x1d: {  	s5 =	simm.s32 @p1 $0x1;
	p0 =	seq.s32 s7, s2  }
0x1e: {  	s7 =	smul.u32 @!p0 $0xF7A, s2;
	p2 =	seq.s32 @!p0 s5, $0x0  }
0x1f: {  	s9 =	smul.u32 $0xF7A, s1;
	s8 =	simm.s32 @!p0 $0x1BF5;
	p2 =	por !p2, p0  }
0x20: {  	[sflag:s8] =	ssyncset.s32 @!p0 $0xFFFFF086;
	s6 =	sadd.s32 @!p0 s3, s7;
	s7 =	simm.s32 @!p0 $0x108  }
0x21: {  	s3 =	sadd.s32 s3, s9;
	s6 =	sadd.s32 @!p0 $0x88, s6;
	s7 =	simm.s32 @p2 $0x1082  }
0x22: {  	[simem:s7], [sflag:s8] =	dma.local @!p0 [hbm:s6], $0xF7A  }
0x23: {  	s9 =	sor.u32 $0xD0000000, s2;
	s6 =	simm.s32 $0x108;
	_ =	swait.ge @!p0 [sflag:s8], $0x0  }
0x24: {  	s3 =	sadd.s32 $0x88, s3;
	s6 =	simm.s32 @!p1 $0x1082;
	[sflag:s4] =	ssyncset.s32 $0xFFFFF086  }
0x25: {  	[simem:s6], [sflag:s4] =	dma.local [hbm:s3], $0xF7A  }
0x26: {  	[smem:$0x3F99] =	sst s1;
	(tag) =	ssettag s2;
	_ =	strace s9  }
0x27: {  	s1 =	sld [smem:$0x3FA9]  }
0x28: {  	s2 =	sld [smem:$0x3FAA]  }
0x29: {  	s4 =	sld [smem:$0x3FAC]  }
0x2a: {  	p0 =	seq.s32 s5, $0x0;
	s5 =	sld [smem:$0x3FAD]  }
0x2b: {  	s6 =	sld [smem:$0x3FAE]  }
0x2c: {  	s7 =	sld [smem:$0x3FAF]  }
0x2d: {  	s3 =	simm.s32 $0x108;
	s8 =	sld [smem:$0x3FB0]  }
0x2e: {  	s3 =	simm.s32 @!p0 $0x1082;
	s9 =	sld [smem:$0x3FB1]  }
0x2f: {  	lr =	sadd.s32 s0, s3;
	s0 =	sld [smem:$0x3FA8]  }
0x30: {  	s3 =	sld [smem:$0x3FAB]  }
0x31: {  	[smem:$0x3FB4] =	sst s10  }
0x32: {  	s10 =	sld [smem:$0x3FB2];
	_ =	sdelay $0x3  }
0x33: {  	p0 =	seq.s32 s10, $0x1;
	s10 =	sld [smem:$0x3FB4];
	_ =	sdelay $0x3  }
0x34: {  	[smem:$0x3FB4] =	sst s10  }
0x35: {  	s10 =	sld [smem:$0x3FB3];
	_ =	sdelay $0x3  }
0x36: {  	p1 =	seq.s32 s10, $0x1;
	s10 =	sld [smem:$0x3FB4];
	_ =	sdelay $0x3  }
0x37: {  	[smem:$0x3FB4] =	sst s10  }
0x38: {  	s10 =	sld [smem:$0x3FB5]  }
0x39: {  	_ = 	snop;
	(pc) =	sbr.ind lr, $3  }
0x3a: {  	_ = 	snop  }
0x3b: {  	_ = 	snop  }
0x3c: {  	p2 =	seq.s32 s10, $0x1;
	s10 =	sld [smem:$0x3FB4]  }
0x3d: {  	_ =	shalt  }
0x3e: {  	_ =	shalt  }
0x3f: {  	_ =	shalt  }
0x40: {  	_ =	shalt  }
0x41: {  	_ =	shalt  }
0x42: {  	_ =	shalt  }
0x43: {  	_ =	shalt  }
0x44: {  	_ =	shalt  }
0x45: {  	_ =	shalt  }
0x46: {  	_ =	shalt  }
0x47: {  	_ =	shalt  }
0x48: {  	_ =	shalt  }
0x49: {  	_ =	shalt  }
0x4a: {  	_ =	shalt  }
0x4b: {  	_ =	shalt  }
0x4c: {  	_ =	shalt  }
0x4d: {  	_ =	shalt  }
0x4e: {  	_ =	shalt  }
0x4f: {  	_ =	shalt  }
0x50: {  	_ =	shalt  }
0x51: {  	_ =	shalt  }
0x52: {  	_ =	shalt  }
0x53: {  	_ =	shalt  }
0x54: {  	_ =	shalt  }
0x55: {  	_ =	shalt  }
0x56: {  	_ =	shalt  }
0x57: {  	_ =	shalt  }
0x58: {  	_ =	shalt  }
0x59: {  	_ =	shalt  }
0x5a: {  	_ =	shalt  }
0x5b: {  	_ =	shalt  }
0x5c: {  	_ =	shalt  }
0x5d: {  	_ =	shalt  }
0x5e: {  	_ =	shalt  }
0x5f: {  	_ =	shalt  }
0x60: {  	_ =	shalt  }
0x61: {  	_ =	shalt  }
0x62: {  	_ =	shalt  }
0x63: {  	_ =	shalt  }
0x64: {  	_ =	shalt  }
0x65: {  	_ =	shalt  }
0x66: {  	_ =	shalt  }
0x67: {  	_ =	shalt  }
0x68: {  	_ =	shalt  }
0x69: {  	_ =	shalt  }
0x6a: {  	_ =	shalt  }
0x6b: {  	_ =	shalt  }
0x6c: {  	_ =	shalt  }
0x6d: {  	_ =	shalt  }
0x6e: {  	_ =	shalt  }
0x6f: {  	_ =	shalt  }
0x70: {  	_ =	shalt  }
0x71: {  	_ =	shalt  }
0x72: {  	_ =	shalt  }
0x73: {  	_ =	shalt  }
0x74: {  	_ =	shalt  }
0x75: {  	_ =	shalt  }
0x76: {  	_ =	shalt  }
0x77: {  	_ =	shalt  }
0x78: {  	_ =	shalt  }
0x79: {  	_ =	shalt  }
0x7a: {  	_ =	shalt  }
0x7b: {  	_ =	shalt  }
0x7c: {  	_ =	shalt  }
0x7d: {  	_ =	shalt  }
0x7e: {  	_ =	shalt  }
0x7f: {  	_ =	shalt  }
0x80: {  	_ =	shalt  }
0x81: {  	_ =	shalt  }
0x82: {  	_ =	shalt  }
0x83: {  	_ =	shalt  }
0x84: {  	_ =	shalt  }
0x85: {  	_ =	shalt  }
0x86: {  	_ =	shalt  }
0x87: {  	_ =	shalt  }
.Lfunc_end0:
.L_simem_size_0:
called_computation.2_lowered:
.L_overlay_start_0:
0x88: {  	s2 =	sld [smem:$0x3FD9]  }
0x89: {  	s3 =	sld [smem:$0x3FFE];
	_ =	sdelay $0x1  }
0x8a: {  	s1 =	srdreg.scid  }
0x8b: {  	s0 =	sand.u32 $0x1, s1  }
0x8c: {  	s16 =	sshll.u32 s0, $0xA;
	s2 =	sadd.s32 s3, s2  }
0x8d: {  	s2 =	sadd.s32 s2, s16  }
0x8e: {  	[smem:$0x3FC0] =	sst s2  }
0x8f: {  	_ = 	snop  }
0x90: {  	(tm) =	ssettm $0x1  }
0x91: {  	s17 =	sld [smem:$0x3FFB];
	_ =	sdelay $0x3  }
0x92: {  	_ =	strace s17  }
0x93: {  	s2 =	sld [smem:$0x3FFC];
	_ =	sdelay $0x3  }
0x94: {  	_ =	strace s2  }
0x95: {  	s2 =	sld [smem:$0x3FFD];
	_ =	sdelay $0x3  }
0x96: {  	_ =	strace s2  }
0x97: {  	_ =	strace $0x8FFFFFFF  }
0x98: {  	s18 =	sld [smem:$0x3FDB];
	_ =	sdelay $0x1  }
0x99: {  	s19 =	simm.s32 $_scs_section_size  }
0x9a: {  	s4 =	simm.s32 $_size__tile_overlayer_lowered;
	s5 =	simm.s32 $_tile_overlayer_lowered  }
0x9b: {  	s22 =	simm.s32 $0x1BFF;
	s21 =	sshll.u32 s5, $0x1;
	s2 =	sadd.s32 s19, s18  }
0x9c: {  	s6 =	simm.s32 $0x0;
	s20 =	sshll.u32 s4, $0x1;
	s4 =	sadd.s32 s21, s2  }
0x9d: {  	[timem:s6], [sflag:s22] =	dma.local [hbm:s4], s20  }
0x9e: {  	_ =	swait.ge [sflag:s22], s20  }
0x9f: {  	s3 =	ssub.s32 $0x0, s20;
	[sflag:s22] =	ssyncset.done $0x0  }
0xa0: {  	[sflag:s22] =	ssyncadd.s32 s3;
	_ =	sdelay $0x1  }
0xa1: {  	s23 =	simm.s32 $0x1B8B  }
0xa2: {  	_ =	swait.ge [sflag:s23], $0x1  }
0xa3: {  	[sflag:s23] =	ssyncset.done $0x0  }
0xa4: {  	s25 =	simm.s32 $0x1B8E;
	s24 =	sld [smem:$0x3FFE];
	[sflag:s23] =	ssyncadd.s32 $0xFFFFFFFF  }
0xa5: {  	s26 =	simm.s32 $execute0_lowered;
	[smem:$0x3FD2] =	sst s25  }
0xa6: {  	s4 =	sshll.u32 s26, $0x1;
	_ =	strace $0x8000004C;
	[dreg:$0x1] =	wrdreg $0xFFFFFFFF  }
0xa7: {  	s28 =	simm.s32 $_size_execute0_lowered;
	s2 =	sadd.s32 s2, s4;
	[dreg:$0x0] =	wrdreg $0x0  }
0xa8: {  	s4 =	sshll.u32 s28, $0x1;
	[dreg:$0x2] =	wrdreg s2  }
0xa9: {  	[dreg:$0x3] =	wrdreg s4  }
0xaa: {  	[dreg:$0x4] =	wrdreg $0xC0  }
0xab: {  	_ =	task [dreg:s6], $0x5FFFF  }
0xac: {  	[dreg:$0x1] =	wrdreg $0xFFFFFFFF  }
0xad: {  	[dreg:$0x0] =	wrdreg $0x60  }
0xae: {  	[dreg:$0x2] =	wrdreg s24  }
0xaf: {  	[dreg:$0x3] =	wrdreg $0xA0000  }
0xb0: {  	[dreg:$0x4] =	wrdreg $0x9  }
0xb1: {  	_ =	task.clear_ibuf [dreg:s6], $0x5FFFF;
	_ =	strace $0x9000004C  }
0xb2: {  	s29 =	simm.s32 $0x9;
	_ =	strace $0x8000004E  }
0xb3: {  	_ =	swait.ge [sflag:s29], $0x1  }
0xb4: {  	[sflag:s29] =	ssyncadd.s32 $0xFFFFFFFF  }
0xb5: {  	_ =	strace $0x9000004E  }
0xb6: {  	_ =	sfence  }
0xb7: {  	s30 =	sld [smem:$0x0];
	_ =	sdelay $0x2  }
0xb8: {  	s31 =	sshll.u32 s1, $0xD;
	s1 =	sshrl.u32 s1, $0x2  }
0xb9: {  	s3 =	sand.u32 $0x4000, s31;
	s1 =	sadd.s32 s1, s30  }
0xba: {  	s0 =	sor.u32 s3, s0;
	s1 =	sshll.u32 s1, $0x11  }
0xbb: {  	s0 =	sor.u32 s1, s0  }
0xbc: {  	s0 =	sadd.s32 $0x8F2B, s0  }
0xbd: {  	[sflag:s0] =	ssyncadd.remote.s32 $0x1  }
0xbe: {  	_ =	sfence.sel $0xFFFF  }
0xbf: {  	[dreg:$0x0] =	wrdreg $0xFFFFFFFF;
	(pc) =	sbr.abs _section_cstart, $3  }
0xc0: {  	[dreg:$0x1] =	wrdreg $0xFFFFFFFF  }
0xc1: {  	_ =	task.clear_ibuf [dreg:s6], $0x2FFFF;
	_ =	strace $0x9FFFFFFF  }
0xc2: {  	(tm) =	ssettm $0x7FFFFFFF  }
0xc3: {  	_ =	shalt  }
tec
execute0_lowered:
.L_overlay_start_1:
0x0: {  	(tag) =	ssettag $0x1  }
0x1: {  	s0 =	rddreg [dreg:$0x0]  }
0x2: {  	s1 =	rddreg [dreg:$0x1];
	s2 =	simm.s32 $0x0  }
0x3: {  	s3 =	srdreg.scid;
	s15 =	stileid.u32;
	s17 =	simm.s32 $0x3  }
0x4: {  	s18 =	simm.s32 $0x1;
	s19 =	simm.s32 $0x40;
	s20 =	simm.s32 $0x2000  }
0x5: {  	s21 =	simm.s32 $0x4000;
	s22 =	simm.s32 $0x2;
	s23 =	simm.s32 $0x0  }
0x6: {  	[smem:$0x7FF] =	sst s2;
	s4 =	sadd.s32 $0xA5000, s0;
	s5 =	sadd.s32 $0xCD000, s0  }
0x7: {  	s6 =	sadd.s32 $0x19000, s0;
	s3 =	sand.u32 $0x1, s3;
	s8 =	smul.u32 $0x50000, s15  }
0x8: {  	s7 =	sadd.s32 $0x5000, s0;
	s9 =	sadd.s32 $0xF5000, s0;
	s10 =	sadd.s32 $0x11D000, s0  }
0x9: {  	s13 =	smul.u32 $0xA000, s15;
	s31 =	sshll.u32 s15, $0x6;
	_ =	strace $0x8000004D  }
.Ltmp0:
0xa: {  	[dreg:$0x3] =	wrdreg s9;
	s11 =	ssub.s32 $0x2, s3;
	(pc) =	sbr.rel .LBB2_1-.Ltmp0, $4  }
0xb: {  	s9 =	smul.u32 $0x2800, s15;
	p0 =	seq.s32 s3, $0x0;
	s12 =	sshrl.u32 s11, $0x1  }
0xc: {  	s15 =	sor.u32 $0x1C03, s31;
	s8 =	sshrl.u32 s8, $0x2;
	s29 =	ssub.s32 s11, s12  }
0xd: {  	s8 =	sadd.s32 s8, s1;
	s30 =	sadd.s32 s5, s9;
	s12 =	sadd.s32 s4, s9  }
0xe: {  	[dreg:$0x4] =	wrdreg s30;
	s14 =	smax.u32 s29, $0x1;
	s16 =	sshrl.u32 s8, $0x3  }
.LBB2_12:
0xf: {  	s23 =	sadd.s32 $0x1, s23  }
0x10: {  	p1 =	sne.s32 s23, s14  }
.Ltmp1:
0x11: {  	s0 =	sadd.s32 s0, s9;
	(pc) =	sbr.rel @!p1 .LBB2_13-.Ltmp1, $4  }
0x12: {  	[hbm:s0], [sflag:s15] =	dma.local [spmem:s16], $0x2800  }
0x13: {  	_ =	swait.ge [sflag:s17], $0x2800  }
0x14: {  	[sflag:s17] =	ssyncset.done $0x0  }
0x15: {  	[sflag:s17] =	ssyncadd.s32 $0xFFFFD800  }
.LBB2_1:
.Ltmp2:
0x16: {  	(pc) =	sbr.rel @!p0 .LBB2_2-.Ltmp2, $1  }
0x17: {  	_ =	sdelay $0x3  }
0x18: {  	[spmem:s16], [sflag:s15] =	dma.local [hbm:s12], $0x2800  }
0x19: {  	_ =	swait.ge [sflag:s17], $0x2800  }
0x1a: {  	[sflag:s17] =	ssyncset.done $0x0  }
0x1b: {  	s24 =	simm.s32 $0x0;
	[sflag:s17] =	ssyncadd.s32 $0xFFFFD800  }
0x1c: {  	p1 =	por $0x0, $0x0;
	s25 =	simm.s32 $0x0;
	[bflag:$0x0] =	sbarrier.arrive $0xFFFF  }
.LBB2_8:
0x1d: {  	s0 =	sshll.u32 s25, $0xB  }
0x1e: {  	s3 =	sadd.s32 s13, s0  }
0x1f: {  	s3 =	sshrl.u32 s3, $0x3  }
0x20: {  	s0 =	sand.u32 $0x800, s0;
	s8 =	sadd.s32 s6, s3  }
0x21: {  	[tilespmem:s0], [sflag:$0x3] =	stream.linear.gather [hbm4b:s8+s2], $0x800, $0x38;
	[tilespmem:$0x1E040] =	vst v63  }
0x22: {  	_ =	swait.ge [sflag:s17], $0x800  }
0x23: {  	[sflag:s17] =	ssyncset.done $0x0  }
0x24: {  	s26 =	sor.u32 $0x1000, s0;
	s3 =	sadd.s32 s7, s3;
	[sflag:s17] =	ssyncadd.s32 $0xFFFFF800  }
0x25: {  	[tilespmem:s26], [sflag:$0x3] =	stream.linear.gather [hbm4b:s3+s2], $0x800, $0x38;
	[tilespmem:$0x1E040] =	vst v63  }
0x26: {  	_ =	swait.ge [sflag:s17], $0x800  }
0x27: {  	p2 =	seq.s32 s25, $0x0;
	[sflag:s17] =	ssyncset.done $0x0  }
0x28: {  	s3 =	simm.s32 @!p2 $0x2;
	[sflag:s17] =	ssyncadd.s32 $0xFFFFF800  }
0x29: {  	_ =	swait.ge @!p2 [sflag:s3], $0x2000  }
0x2a: {  	[sflag:s3] =	ssyncset.done @!p2 $0x0  }
0x2b: {  	[sflag:s3] =	ssyncadd.s32 @!p2 $0xFFFFE000  }
0x2c: {  	_ =	swait.ge @!p2 [sflag:s3], $0x2000  }
0x2d: {  	[sflag:s3] =	ssyncset.done @!p2 $0x0  }
0x2e: {  	s8 =	simm.s32 $0x1;
	[sflag:s3] =	ssyncadd.s32 @!p2 $0xFFFFE000  }
0x2f: {  	s28 =	simm.s32 $0x1;
	s8 =	simm.s32 @!p1 $0x0;
	_ =	swait.ge @!p2 [sflag:s3], $0x2000  }
0x30: {  	s31 =	simm.s32 $0x8000;
	s11 =	sshll.u32 s8, $0xB;
	[sflag:s3] =	ssyncset.done @!p2 $0x0  }
0x31: {  	s8 =	simm.s32 $0x6000;
	[sflag:s3] =	ssyncadd.s32 @!p2 $0xFFFFE000;
	p2 =	por $0x0, $0x0  }
0x32: {  	[tilespmem:s20], [sflag:$0x1] =	stream.indirect.gather [hbm4b:s4+s19], $0x80, s0, s19, $0xb8;
	[tilespmem:$0x1E040] =	vst v63  }
0x33: {  	s30 =	sor.u32 $0x1000, s11;
	s26 =	sadd.s32 $0x80, s0;
	s3 =	sor.u32 @!p2 s25, s24  }
0x34: {  	[tilespmem:s21], [sflag:$0x1] =	stream.indirect.gather [hbm4b:s4+s19], $0x80, s26, s19, $0xb8;
	[tilespmem:$0x1E040] =	vst v63  }
0x35: {  	s0 =	sadd.s32 $0x100, s0;
	p3 =	seq.s32 @!p2 s3, $0x0;
	s26 =	sor.u32 $0x180, s11  }
0x36: {  	[tilespmem:s8], [sflag:$0x1] =	stream.indirect.gather [hbm4b:s4+s19], $0x80, s0, s19, $0xb8;
	[tilespmem:$0x1E040] =	vst v63  }
0x37: {  	s11 =	simm.s32 $0x0;
	p3 =	por p3, p2;
	_ =	swait.ge [sflag:s18], $0x2000  }
0x38: {  	s3 =	simm.s32 @!p3 $0x2;
	s0 =	sand.u32 $0x6000, s11;
	[sflag:s18] =	ssyncset.done $0x0  }
0x39: {  	s29 =	sadd.s32 $0x2000, s0;
	s0 =	sand.u32 @!p2 $0x6000, s8;
	[sflag:s18] =	ssyncadd.s32 $0xFFFFE000  }
0x3a: {  	[spmem:s1] =	stream.indirect.scatter.add.f32 [tilespmem:s29], [sflag:$0x2], $0x80, s30, s19, $0xb8;
	[tilespmem:$0x1E040] =	vst v63  }
0x3b: {  	s8 =	simm.s32 @!p2 $0x40;
	s0 =	sadd.s32 @!p2 $0x2000, s0;
	_ =	swait.ge @!p3 [sflag:s3], $0x2000  }
0x3c: {  	s29 =	sadd.s32 $0x80, s26;
	s30 =	sadd.s32 $0x80, s30;
	[sflag:s3] =	ssyncset.done @!p3 $0x0  }
.LBB2_9:
0x3d: {  	s11 =	sadd.s32 $0xFFFFA000, s31  }
0x3e: {  	[sflag:s3] =	ssyncadd.s32 @!p3 $0xFFFFE000;
	s3 =	smov.u32 s28;
	s28 =	sadd.s32 $0x1, s28  }
0x3f: {  	[tilespmem:s0], [sflag:$0x1] =	stream.indirect.gather @!p2 [hbm4b:s4+s8], $0x80, s26, s8, $0xb8;
	[tilespmem:$0x1E040] =	vst v63  }
0x40: {  	s0 =	sand.u32 $0x6000, s11;
	p4 =	sne.s32 s28, $0x10;
	s26 =	smov.u32 s29  }
0x41: {  	p2 =	sgt.u32 s3, $0xC;
	s8 =	sadd.s32 $0x2000, s0  }
0x42: {  	s0 =	sor.u32 @!p2 s25, s3;
	s3 =	sand.u32 @!p2 $0x6000, s31  }
0x43: {  	p3 =	seq.s32 @!p2 s0, $0x0;
	s0 =	sadd.s32 @!p2 $0x2000, s3;
	_ =	swait.ge [sflag:s18], $0x2000  }
.Ltmp3:
0x44: {  	p3 =	por p3, p2;
	[sflag:s18] =	ssyncset.done $0x0;
	(pc) =	sbr.rel @p4 .LBB2_9-.Ltmp3, $4  }
0x45: {  	s3 =	simm.s32 @!p3 $0x2;
	[sflag:s18] =	ssyncadd.s32 $0xFFFFE000  }
0x46: {  	[spmem:s1] =	stream.indirect.scatter.add.f32 [tilespmem:s8], [sflag:$0x2], $0x80, s30, s19, $0xb8;
	[tilespmem:$0x1E040] =	vst v63  }
0x47: {  	s29 =	sadd.s32 $0x80, s29;
	s30 =	sadd.s32 $0x80, s30;
	_ =	swait.ge @!p3 [sflag:s3], $0x2000  }
0x48: {  	s31 =	sadd.s32 $0x2000, s31;
	s8 =	simm.s32 @!p2 $0x40;
	[sflag:s3] =	ssyncset.done @!p3 $0x0  }
0x49: {  	[sflag:s3] =	ssyncadd.s32 @!p3 $0xFFFFE000;
	s25 =	sadd.s32 $0x1, s25  }
0x4a: {  	[tilespmem:s0], [sflag:$0x1] =	stream.indirect.gather @!p2 [hbm4b:s4+s8], $0x80, s26, s8, $0xb8;
	[tilespmem:$0x1E040] =	vst v63  }
0x4b: {  	p2 =	sne.s32 s25, $0x14  }
.Ltmp4:
0x4c: {  	_ = 	snop;
	(pc) =	sbr.rel @p2 .LBB2_8-.Ltmp4, $2  }
0x4d: {  	_ =	sdelay $0x2  }
0x4e: {  	p1 =	por !p1, !p1  }
0x4f: {  	_ =	swait.ge [sflag:s22], $0x2000  }
0x50: {  	[sflag:s22] =	ssyncset.done $0x0  }
0x51: {  	[sflag:s22] =	ssyncadd.s32 $0xFFFFE000  }
0x52: {  	_ =	swait.ge [sflag:s22], $0x2000  }
0x53: {  	[sflag:s22] =	ssyncset.done $0x0  }
0x54: {  	[sflag:s22] =	ssyncadd.s32 $0xFFFFE000  }
0x55: {  	_ =	swait.ge [sflag:s22], $0x2000  }
0x56: {  	[sflag:s22] =	ssyncset.done $0x0  }
0x57: {  	[sflag:s22] =	ssyncadd.s32 $0xFFFFE000  }
.Ltmp5:
0x58: {  	_ =	swait.ge [sflag:s22], $0x2000;
	(pc) =	sbr.rel .LBB2_12-.Ltmp5, $4  }
0x59: {  	[sflag:s22] =	ssyncset.done $0x0  }
0x5a: {  	[sflag:s22] =	ssyncadd.s32 $0xFFFFE000  }
0x5b: {  	[bflag:$0x0] =	sbarrier.arrive $0xFFFF  }
0x5c: {  	s0 =	rddreg [dreg:$0x3]  }
.LBB2_2:
0x5d: {  	s0 =	rddreg [dreg:$0x4]  }
0x5e: {  	[spmem:s16], [sflag:s15] =	dma.local [hbm:s0], $0x2800  }
0x5f: {  	_ =	swait.ge [sflag:s17], $0x2800  }
0x60: {  	[sflag:s17] =	ssyncset.done $0x0  }
0x61: {  	s24 =	simm.s32 $0x0;
	[sflag:s17] =	ssyncadd.s32 $0xFFFFD800  }
0x62: {  	p1 =	por $0x0, $0x0;
	s25 =	simm.s32 $0x0;
	[bflag:$0x0] =	sbarrier.arrive $0xFFFF  }
.LBB2_3:
0x63: {  	s0 =	sshll.u32 s25, $0xB  }
0x64: {  	s3 =	sadd.s32 s13, s0  }
0x65: {  	s3 =	sshrl.u32 s3, $0x3  }
0x66: {  	s0 =	sand.u32 $0x800, s0;
	s8 =	sadd.s32 s6, s3  }
0x67: {  	[tilespmem:s0], [sflag:$0x3] =	stream.linear.gather [hbm4b:s8+s2], $0x800, $0x38;
	[tilespmem:$0x1E040] =	vst v63  }
0x68: {  	_ =	swait.ge [sflag:s17], $0x800  }
0x69: {  	[sflag:s17] =	ssyncset.done $0x0  }
0x6a: {  	s26 =	sor.u32 $0x1000, s0;
	s3 =	sadd.s32 s7, s3;
	[sflag:s17] =	ssyncadd.s32 $0xFFFFF800  }
0x6b: {  	[tilespmem:s26], [sflag:$0x3] =	stream.linear.gather [hbm4b:s3+s2], $0x800, $0x38;
	[tilespmem:$0x1E040] =	vst v63  }
0x6c: {  	_ =	swait.ge [sflag:s17], $0x800  }
0x6d: {  	p2 =	seq.s32 s25, $0x0;
	[sflag:s17] =	ssyncset.done $0x0  }
0x6e: {  	s3 =	simm.s32 @!p2 $0x2;
	[sflag:s17] =	ssyncadd.s32 $0xFFFFF800  }
0x6f: {  	_ =	swait.ge @!p2 [sflag:s3], $0x2000  }
0x70: {  	[sflag:s3] =	ssyncset.done @!p2 $0x0  }
0x71: {  	[sflag:s3] =	ssyncadd.s32 @!p2 $0xFFFFE000  }
0x72: {  	_ =	swait.ge @!p2 [sflag:s3], $0x2000  }
0x73: {  	[sflag:s3] =	ssyncset.done @!p2 $0x0  }
0x74: {  	[sflag:s3] =	ssyncadd.s32 @!p2 $0xFFFFE000  }
0x75: {  	_ =	swait.ge @!p2 [sflag:s3], $0x2000  }
0x76: {  	s28 =	simm.s32 $0x1;
	s8 =	simm.s32 $0x1;
	[sflag:s3] =	ssyncset.done @!p2 $0x0  }
0x77: {  	s31 =	simm.s32 $0x8000;
	s8 =	simm.s32 @!p1 $0x0;
	[sflag:s3] =	ssyncadd.s32 @!p2 $0xFFFFE000  }
0x78: {  	[tilespmem:s20], [sflag:$0x1] =	stream.indirect.gather [hbm4b:s5+s19], $0x80, s0, s19, $0xb8;
	[tilespmem:$0x1E040] =	vst v63  }
0x79: {  	s11 =	sshll.u32 s8, $0xB;
	s8 =	simm.s32 $0x6000;
	s26 =	sadd.s32 $0x80, s0  }
0x7a: {  	[tilespmem:s21], [sflag:$0x1] =	stream.indirect.gather [hbm4b:s5+s19], $0x80, s26, s19, $0xb8;
	[tilespmem:$0x1E040] =	vst v63  }
0x7b: {  	s3 =	simm.s32 $0x0;
	p2 =	por $0x0, $0x0;
	s0 =	sadd.s32 $0x100, s0  }
0x7c: {  	[tilespmem:s8], [sflag:$0x1] =	stream.indirect.gather [hbm4b:s5+s19], $0x80, s0, s19, $0xb8;
	[tilespmem:$0x1E040] =	vst v63  }
0x7d: {  	s26 =	sor.u32 $0x180, s11;
	s0 =	sand.u32 $0x6000, s3;
	s3 =	sor.u32 @!p2 s25, s24  }
0x7e: {  	s11 =	sor.u32 $0x1000, s11;
	_ =	swait.ge [sflag:s18], $0x2000;
	p3 =	seq.s32 @!p2 s3, $0x0  }
0x7f: {  	s30 =	sadd.s32 $0x80, s11;
	[sflag:s18] =	ssyncset.done $0x0;
	p3 =	por p3, p2  }
0x80: {  	s29 =	sadd.s32 $0x2000, s0;
	[sflag:s18] =	ssyncadd.s32 $0xFFFFE000;
	s3 =	simm.s32 @!p3 $0x2  }
0x81: {  	[spmem:s1] =	stream.indirect.scatter.add.f32 [tilespmem:s29], [sflag:$0x2], $0x80, s11, s19, $0xb8;
	[tilespmem:$0x1E040] =	vst v63  }
0x82: {  	s0 =	sand.u32 @!p2 $0x6000, s8;
	s8 =	simm.s32 @!p2 $0x40;
	_ =	swait.ge @!p3 [sflag:s3], $0x2000  }
0x83: {  	s0 =	sadd.s32 @!p2 $0x2000, s0;
	s29 =	sadd.s32 $0x80, s26;
	[sflag:s3] =	ssyncset.done @!p3 $0x0  }
.LBB2_4:
0x84: {  	s11 =	sadd.s32 $0xFFFFA000, s31  }
0x85: {  	[sflag:s3] =	ssyncadd.s32 @!p3 $0xFFFFE000;
	s3 =	smov.u32 s28;
	s28 =	sadd.s32 $0x1, s28  }
0x86: {  	[tilespmem:s0], [sflag:$0x1] =	stream.indirect.gather @!p2 [hbm4b:s5+s8], $0x80, s26, s8, $0xb8;
	[tilespmem:$0x1E040] =	vst v63  }
0x87: {  	s0 =	sand.u32 $0x6000, s11;
	p4 =	sne.s32 s28, $0x10;
	s26 =	smov.u32 s29  }
0x88: {  	p2 =	sgt.u32 s3, $0xC;
	s8 =	sadd.s32 $0x2000, s0  }
0x89: {  	s0 =	sor.u32 @!p2 s25, s3;
	s3 =	sand.u32 @!p2 $0x6000, s31  }
0x8a: {  	p3 =	seq.s32 @!p2 s0, $0x0;
	s0 =	sadd.s32 @!p2 $0x2000, s3;
	_ =	swait.ge [sflag:s18], $0x2000  }
.Ltmp6:
0x8b: {  	p3 =	por p3, p2;
	[sflag:s18] =	ssyncset.done $0x0;
	(pc) =	sbr.rel @p4 .LBB2_4-.Ltmp6, $4  }
0x8c: {  	s3 =	simm.s32 @!p3 $0x2;
	[sflag:s18] =	ssyncadd.s32 $0xFFFFE000  }
0x8d: {  	[spmem:s1] =	stream.indirect.scatter.add.f32 [tilespmem:s8], [sflag:$0x2], $0x80, s30, s19, $0xb8;
	[tilespmem:$0x1E040] =	vst v63  }
0x8e: {  	s29 =	sadd.s32 $0x80, s29;
	s30 =	sadd.s32 $0x80, s30;
	_ =	swait.ge @!p3 [sflag:s3], $0x2000  }
0x8f: {  	s31 =	sadd.s32 $0x2000, s31;
	s8 =	simm.s32 @!p2 $0x40;
	[sflag:s3] =	ssyncset.done @!p3 $0x0  }
0x90: {  	[sflag:s3] =	ssyncadd.s32 @!p3 $0xFFFFE000;
	s25 =	sadd.s32 $0x1, s25  }
0x91: {  	[tilespmem:s0], [sflag:$0x1] =	stream.indirect.gather @!p2 [hbm4b:s5+s8], $0x80, s26, s8, $0xb8;
	[tilespmem:$0x1E040] =	vst v63  }
0x92: {  	p2 =	sne.s32 s25, $0x14  }
.Ltmp7:
0x93: {  	_ = 	snop;
	(pc) =	sbr.rel @p2 .LBB2_3-.Ltmp7, $2  }
0x94: {  	_ =	sdelay $0x2  }
0x95: {  	p1 =	por !p1, !p1  }
0x96: {  	_ =	swait.ge [sflag:s22], $0x2000  }
0x97: {  	[sflag:s22] =	ssyncset.done $0x0  }
0x98: {  	[sflag:s22] =	ssyncadd.s32 $0xFFFFE000  }
0x99: {  	_ =	swait.ge [sflag:s22], $0x2000  }
0x9a: {  	[sflag:s22] =	ssyncset.done $0x0  }
0x9b: {  	[sflag:s22] =	ssyncadd.s32 $0xFFFFE000  }
0x9c: {  	_ =	swait.ge [sflag:s22], $0x2000  }
0x9d: {  	[sflag:s22] =	ssyncset.done $0x0  }
0x9e: {  	[sflag:s22] =	ssyncadd.s32 $0xFFFFE000  }
.Ltmp8:
0x9f: {  	_ =	swait.ge [sflag:s22], $0x2000;
	(pc) =	sbr.rel .LBB2_12-.Ltmp8, $4  }
0xa0: {  	[sflag:s22] =	ssyncset.done $0x0  }
0xa1: {  	[sflag:s22] =	ssyncadd.s32 $0xFFFFE000  }
0xa2: {  	[bflag:$0x0] =	sbarrier.arrive $0xFFFF  }
0xa3: {  	s0 =	smov.u32 s10  }
.LBB2_13:
0xa4: {  	_ =	sfence.sel $0x180000  }
0xa5: {  	[bflag:$0x0] =	sbarrier.arrive $0xFFFF  }
0xa6: {  	_ =	strace $0x9000004D  }
0xa7: {  	s0 =	stileid.u32;
	[bflag:$0x2] =	sbarrier.arrive $0xFFFF  }
0xa8: {  	p0 =	sne.s32 s0, $0x0;
	s0 =	rddreg [dreg:$0x2]  }
0xa9: {  	s0 =	sadd.s32 @!p0 $0x100000, s0  }
0xaa: {  	[sflag:s0] =	ssyncadd.tile.s32 @!p0 $0x1;
	_ =	shalt  }
.Lfunc_end2:
_tile_overlayer_lowered:
.L_overlay_start_2:
0xab: {  	(tag) =	ssettag $0x2  }
0xac: {  	s0 =	rddreg [dreg:$0x0];
	s2 =	stileid.u32  }
0xad: {  	s1 =	rddreg [dreg:$0x1];
	p0 =	sne.s32 s2, $0x0  }
0xae: {  	s3 =	rddreg [dreg:$0x2];
	[bflag:$0x3] =	sbarrier.arrive $0xFFFF;
	s2 =	simm.s32 @!p0 $0x1C03  }
0xaf: {  	[timem:s3], [sflag:s2] =	dma.local @!p0 [hbm:s0], s1  }
0xb0: {  	s0 =	simm.s32 @!p0 $0x3  }
0xb1: {  	_ =	swait.ge @!p0 [sflag:s0], s1  }
0xb2: {  	s1 =	ssub.s32 @!p0 $0x0, s1;
	[sflag:s0] =	ssyncset.done @!p0 $0x0  }
0xb3: {  	[sflag:s0] =	ssyncadd.s32 @!p0 s1  }
0xb4: {  	[bflag:$0x3] =	sbarrier.arrive $0xFFFF  }
0xb5: {  	_ =	shalt  }

// kernel: kernel.19.cloned.1.call-start
scs
__scs_entry_jumppad:
0x0: {  	(pc) =	sbr.rel $0x88, $3  }
0x1: {  	(tag) =	ssettag $0x0;
	lr =	simm.s32 $0x1  }
0x2: {  	[smem:$0x3F99] =	sst lr;
	_ =	strace $0xD0000000  }
0x3: {  	_ = 	snop  }
0x4: {  	_ = 	snop  }
0x5: {  	_ = 	snop  }
0x6: {  	_ = 	snop  }
0x7: {  	_ = 	snop  }
__scs_overlays_trampoline_lowered:
0x8: {  	[smem:$0x3FA8] =	sst s0  }
0x9: {  	[smem:$0x3FA9] =	sst s1  }
0xa: {  	[smem:$0x3FAA] =	sst s2  }
0xb: {  	[smem:$0x3FAB] =	sst s3  }
0xc: {  	[smem:$0x3FAC] =	sst s4  }
0xd: {  	[smem:$0x3FAD] =	sst s5  }
0xe: {  	[smem:$0x3FAE] =	sst s6  }
0xf: {  	[smem:$0x3FAF] =	sst s7  }
0x10: {  	[smem:$0x3FB0] =	sst s8  }
0x11: {  	[smem:$0x3FB1] =	sst s9;
	s0 =	simm.s32 @!p0 $0x0  }
0x12: {  	s1 =	sld [smem:$0x3F97];
	s0 =	simm.s32 @p0 $0x1  }
0x13: {  	[smem:$0x3FB2] =	sst s0;
	s0 =	simm.s32 @!p1 $0x0  }
0x14: {  	s2 =	sld [smem:$0x3F96];
	s0 =	simm.s32 @p1 $0x1  }
0x15: {  	[smem:$0x3FB3] =	sst s0;
	s0 =	simm.s32 @!p2 $0x0  }
0x16: {  	s3 =	sld [smem:$0x3FDB];
	s0 =	simm.s32 @p2 $0x1  }
0x17: {  	s4 =	simm.s32 $0x1BF5;
	[smem:$0x3FB5] =	sst s0  }
0x18: {  	s0 =	sld [smem:$0x3F98];
	_ =	swait.ge [sflag:s4], $0x0  }
0x19: {  	s7 =	sld [smem:$0x3F99]  }
0x1a: {  	s8 =	sadd.s32 $0xFFFFE003, lr  }
0x1b: {  	s9 =	sadd.s32 $0xFFFFFEF7, lr;
	s5 =	simm.s32 $0xFFFFFFFF;
	p2 =	slt.u32 s8, $0xFFFFF086  }
0x1c: {  	p1 =	slt.u32 s9, $0xF7A;
	s5 =	simm.s32 @!p2 $0x0  }
0x1d: {  	s5 =	simm.s32 @p1 $0x1;
	p0 =	seq.s32 s7, s2  }
0x1e: {  	s7 =	smul.u32 @!p0 $0xF7A, s2;
	p2 =	seq.s32 @!p0 s5, $0x0  }
0x1f: {  	s9 =	smul.u32 $0xF7A, s1;
	s8 =	simm.s32 @!p0 $0x1BF5;
	p2 =	por !p2, p0  }
0x20: {  	[sflag:s8] =	ssyncset.s32 @!p0 $0xFFFFF086;
	s6 =	sadd.s32 @!p0 s3, s7;
	s7 =	simm.s32 @!p0 $0x108  }
0x21: {  	s3 =	sadd.s32 s3, s9;
	s6 =	sadd.s32 @!p0 $0x88, s6;
	s7 =	simm.s32 @p2 $0x1082  }
0x22: {  	[simem:s7], [sflag:s8] =	dma.local @!p0 [hbm:s6], $0xF7A  }
0x23: {  	s9 =	sor.u32 $0xD0000000, s2;
	s6 =	simm.s32 $0x108;
	_ =	swait.ge @!p0 [sflag:s8], $0x0  }
0x24: {  	s3 =	sadd.s32 $0x88, s3;
	s6 =	simm.s32 @!p1 $0x1082;
	[sflag:s4] =	ssyncset.s32 $0xFFFFF086  }
0x25: {  	[simem:s6], [sflag:s4] =	dma.local [hbm:s3], $0xF7A  }
0x26: {  	[smem:$0x3F99] =	sst s1;
	(tag) =	ssettag s2;
	_ =	strace s9  }
0x27: {  	s1 =	sld [smem:$0x3FA9]  }
0x28: {  	s2 =	sld [smem:$0x3FAA]  }
0x29: {  	s4 =	sld [smem:$0x3FAC]  }
0x2a: {  	p0 =	seq.s32 s5, $0x0;
	s5 =	sld [smem:$0x3FAD]  }
0x2b: {  	s6 =	sld [smem:$0x3FAE]  }
0x2c: {  	s7 =	sld [smem:$0x3FAF]  }
0x2d: {  	s3 =	simm.s32 $0x108;
	s8 =	sld [smem:$0x3FB0]  }
0x2e: {  	s3 =	simm.s32 @!p0 $0x1082;
	s9 =	sld [smem:$0x3FB1]  }
0x2f: {  	lr =	sadd.s32 s0, s3;
	s0 =	sld [smem:$0x3FA8]  }
0x30: {  	s3 =	sld [smem:$0x3FAB]  }
0x31: {  	[smem:$0x3FB4] =	sst s10  }
0x32: {  	s10 =	sld [smem:$0x3FB2];
	_ =	sdelay $0x3  }
0x33: {  	p0 =	seq.s32 s10, $0x1;
	s10 =	sld [smem:$0x3FB4];
	_ =	sdelay $0x3  }
0x34: {  	[smem:$0x3FB4] =	sst s10  }
0x35: {  	s10 =	sld [smem:$0x3FB3];
	_ =	sdelay $0x3  }
0x36: {  	p1 =	seq.s32 s10, $0x1;
	s10 =	sld [smem:$0x3FB4];
	_ =	sdelay $0x3  }
0x37: {  	[smem:$0x3FB4] =	sst s10  }
0x38: {  	s10 =	sld [smem:$0x3FB5]  }
0x39: {  	_ = 	snop;
	(pc) =	sbr.ind lr, $3  }
0x3a: {  	_ = 	snop  }
0x3b: {  	_ = 	snop  }
0x3c: {  	p2 =	seq.s32 s10, $0x1;
	s10 =	sld [smem:$0x3FB4]  }
0x3d: {  	_ =	shalt  }
0x3e: {  	_ =	shalt  }
0x3f: {  	_ =	shalt  }
0x40: {  	_ =	shalt  }
0x41: {  	_ =	shalt  }
0x42: {  	_ =	shalt  }
0x43: {  	_ =	shalt  }
0x44: {  	_ =	shalt  }
0x45: {  	_ =	shalt  }
0x46: {  	_ =	shalt  }
0x47: {  	_ =	shalt  }
0x48: {  	_ =	shalt  }
0x49: {  	_ =	shalt  }
0x4a: {  	_ =	shalt  }
0x4b: {  	_ =	shalt  }
0x4c: {  	_ =	shalt  }
0x4d: {  	_ =	shalt  }
0x4e: {  	_ =	shalt  }
0x4f: {  	_ =	shalt  }
0x50: {  	_ =	shalt  }
0x51: {  	_ =	shalt  }
0x52: {  	_ =	shalt  }
0x53: {  	_ =	shalt  }
0x54: {  	_ =	shalt  }
0x55: {  	_ =	shalt  }
0x56: {  	_ =	shalt  }
0x57: {  	_ =	shalt  }
0x58: {  	_ =	shalt  }
0x59: {  	_ =	shalt  }
0x5a: {  	_ =	shalt  }
0x5b: {  	_ =	shalt  }
0x5c: {  	_ =	shalt  }
0x5d: {  	_ =	shalt  }
0x5e: {  	_ =	shalt  }
0x5f: {  	_ =	shalt  }
0x60: {  	_ =	shalt  }
0x61: {  	_ =	shalt  }
0x62: {  	_ =	shalt  }
0x63: {  	_ =	shalt  }
0x64: {  	_ =	shalt  }
0x65: {  	_ =	shalt  }
0x66: {  	_ =	shalt  }
0x67: {  	_ =	shalt  }
0x68: {  	_ =	shalt  }
0x69: {  	_ =	shalt  }
0x6a: {  	_ =	shalt  }
0x6b: {  	_ =	shalt  }
0x6c: {  	_ =	shalt  }
0x6d: {  	_ =	shalt  }
0x6e: {  	_ =	shalt  }
0x6f: {  	_ =	shalt  }
0x70: {  	_ =	shalt  }
0x71: {  	_ =	shalt  }
0x72: {  	_ =	shalt  }
0x73: {  	_ =	shalt  }
0x74: {  	_ =	shalt  }
0x75: {  	_ =	shalt  }
0x76: {  	_ =	shalt  }
0x77: {  	_ =	shalt  }
0x78: {  	_ =	shalt  }
0x79: {  	_ =	shalt  }
0x7a: {  	_ =	shalt  }
0x7b: {  	_ =	shalt  }
0x7c: {  	_ =	shalt  }
0x7d: {  	_ =	shalt  }
0x7e: {  	_ =	shalt  }
0x7f: {  	_ =	shalt  }
0x80: {  	_ =	shalt  }
0x81: {  	_ =	shalt  }
0x82: {  	_ =	shalt  }
0x83: {  	_ =	shalt  }
0x84: {  	_ =	shalt  }
0x85: {  	_ =	shalt  }
0x86: {  	_ =	shalt  }
0x87: {  	_ =	shalt  }
.Lfunc_end0:
.L_simem_size_0:
called_computation.3_lowered:
.L_overlay_start_0:
0x88: {  	s2 =	sld [smem:$0x3FD9]  }
0x89: {  	s3 =	sld [smem:$0x3FFE];
	_ =	sdelay $0x1  }
0x8a: {  	s1 =	srdreg.scid  }
0x8b: {  	s0 =	sand.u32 $0x1, s1  }
0x8c: {  	s16 =	sshll.u32 s0, $0xA;
	s2 =	sadd.s32 s3, s2  }
0x8d: {  	s2 =	sadd.s32 s2, s16  }
0x8e: {  	[smem:$0x3FC0] =	sst s2  }
0x8f: {  	_ = 	snop  }
0x90: {  	(tm) =	ssettm $0x1  }
0x91: {  	s17 =	sld [smem:$0x3FFB];
	_ =	sdelay $0x3  }
0x92: {  	_ =	strace s17  }
0x93: {  	s2 =	sld [smem:$0x3FFC];
	_ =	sdelay $0x3  }
0x94: {  	_ =	strace s2  }
0x95: {  	s2 =	sld [smem:$0x3FFD];
	_ =	sdelay $0x3  }
0x96: {  	_ =	strace s2  }
0x97: {  	_ =	strace $0x8FFFFFFF  }
0x98: {  	s18 =	sld [smem:$0x3FDB];
	_ =	sdelay $0x1  }
0x99: {  	s19 =	simm.s32 $_scs_section_size  }
0x9a: {  	s4 =	simm.s32 $_size__tile_overlayer_lowered;
	s5 =	simm.s32 $_tile_overlayer_lowered  }
0x9b: {  	s22 =	simm.s32 $0x1BFF;
	s21 =	sshll.u32 s5, $0x1;
	s2 =	sadd.s32 s19, s18  }
0x9c: {  	s6 =	simm.s32 $0x0;
	s20 =	sshll.u32 s4, $0x1;
	s4 =	sadd.s32 s21, s2  }
0x9d: {  	[timem:s6], [sflag:s22] =	dma.local [hbm:s4], s20  }
0x9e: {  	_ =	swait.ge [sflag:s22], s20  }
0x9f: {  	s3 =	ssub.s32 $0x0, s20;
	[sflag:s22] =	ssyncset.done $0x0  }
0xa0: {  	[sflag:s22] =	ssyncadd.s32 s3;
	_ =	sdelay $0x1  }
0xa1: {  	s23 =	simm.s32 $0x1B8B  }
0xa2: {  	_ =	swait.ge [sflag:s23], $0x1  }
0xa3: {  	[sflag:s23] =	ssyncset.done $0x0  }
0xa4: {  	s25 =	simm.s32 $0x1B8E;
	s24 =	sld [smem:$0x3FFE];
	[sflag:s23] =	ssyncadd.s32 $0xFFFFFFFF  }
0xa5: {  	s26 =	simm.s32 $execute0_lowered;
	[smem:$0x3FD2] =	sst s25  }
0xa6: {  	s4 =	sshll.u32 s26, $0x1;
	_ =	strace $0x8000004F;
	[dreg:$0x1] =	wrdreg $0xFFFFFFFF  }
0xa7: {  	s28 =	simm.s32 $_size_execute0_lowered;
	s2 =	sadd.s32 s2, s4;
	[dreg:$0x0] =	wrdreg $0x0  }
0xa8: {  	s4 =	sshll.u32 s28, $0x1;
	[dreg:$0x2] =	wrdreg s2  }
0xa9: {  	[dreg:$0x3] =	wrdreg s4  }
0xaa: {  	[dreg:$0x4] =	wrdreg $0xC0  }
0xab: {  	_ =	task [dreg:s6], $0x5FFFF  }
0xac: {  	[dreg:$0x1] =	wrdreg $0xFFFFFFFF  }
0xad: {  	[dreg:$0x0] =	wrdreg $0x60  }
0xae: {  	[dreg:$0x2] =	wrdreg s24  }
0xaf: {  	[dreg:$0x3] =	wrdreg $0xA0000  }
0xb0: {  	[dreg:$0x4] =	wrdreg $0x9  }
0xb1: {  	_ =	task.clear_ibuf [dreg:s6], $0x5FFFF;
	_ =	strace $0x9000004F  }
0xb2: {  	s29 =	simm.s32 $0x9;
	_ =	strace $0x80000051  }
0xb3: {  	_ =	swait.ge [sflag:s29], $0x1  }
0xb4: {  	[sflag:s29] =	ssyncadd.s32 $0xFFFFFFFF  }
0xb5: {  	_ =	strace $0x90000051  }
0xb6: {  	_ =	sfence  }
0xb7: {  	s30 =	sld [smem:$0x0];
	_ =	sdelay $0x2  }
0xb8: {  	s31 =	sshll.u32 s1, $0xD;
	s1 =	sshrl.u32 s1, $0x2  }
0xb9: {  	s3 =	sand.u32 $0x4000, s31;
	s1 =	sadd.s32 s1, s30  }
0xba: {  	s0 =	sor.u32 s3, s0;
	s1 =	sshll.u32 s1, $0x11  }
0xbb: {  	s0 =	sor.u32 s1, s0  }
0xbc: {  	s0 =	sadd.s32 $0x8F2B, s0  }
0xbd: {  	[sflag:s0] =	ssyncadd.remote.s32 $0x1  }
0xbe: {  	_ =	sfence.sel $0xFFFF  }
0xbf: {  	[dreg:$0x0] =	wrdreg $0xFFFFFFFF;
	(pc) =	sbr.abs _section_cstart, $3  }
0xc0: {  	[dreg:$0x1] =	wrdreg $0xFFFFFFFF  }
0xc1: {  	_ =	task.clear_ibuf [dreg:s6], $0x2FFFF;
	_ =	strace $0x9FFFFFFF  }
0xc2: {  	(tm) =	ssettm $0x7FFFFFFF  }
0xc3: {  	_ =	shalt  }
tec
execute0_lowered:
.L_overlay_start_1:
0x0: {  	(tag) =	ssettag $0x1  }
0x1: {  	s0 =	rddreg [dreg:$0x0]  }
0x2: {  	s1 =	rddreg [dreg:$0x1];
	s3 =	simm.s32 $0x0  }
0x3: {  	s2 =	srdreg.scid;
	s13 =	stileid.u32;
	s12 =	simm.s32 $0x55000  }
0x4: {  	s28 =	simm.s32 $0x4000;
	s29 =	simm.s32 $0x2;
	s30 =	simm.s32 $0x0  }
0x5: {  	s31 =	simm.s32 $0x0;
	[smem:$0x7FF] =	sst s3;
	s7 =	smul.u32 $0x50000, s13  }
0x6: {  	s2 =	sand.u32 $0x1, s2;
	s4 =	sadd.s32 $0x2D000, s0;
	s5 =	sadd.s32 $0x19000, s0  }
0x7: {  	s6 =	sadd.s32 $0x5000, s0;
	s22 =	smul.u32 $0x2800, s13;
	s7 =	sshrl.u32 s7, $0x2  }
0x8: {  	s24 =	smul.u32 $0xA000, s13;
	s26 =	sshll.u32 s13, $0x6;
	s7 =	sadd.s32 s7, s1  }
0x9: {  	_ =	strace $0x80000050;
	s8 =	ssub.s32 $0x2, s2;
	s17 =	sadd.s32 $0x2000, s7  }
0xa: {  	p0 =	seq.s32 s2, $0x0;
	s18 =	sadd.s32 $0x4000, s7;
	[dreg:$0x3] =	wrdreg s17  }
0xb: {  	s25 =	smul.u32 $0x5000, s2;
	s19 =	sadd.s32 $0x6000, s7;
	[dreg:$0x4] =	wrdreg s18  }
0xc: {  	s9 =	sshrl.u32 s8, $0x1;
	s20 =	sadd.s32 $0x8000, s7;
	[dreg:$0x5] =	wrdreg s19  }
0xd: {  	s12 =	simm.s32 @!p0 $0x7D000;
	s21 =	sadd.s32 $0xA000, s7;
	[dreg:$0x6] =	wrdreg s20  }
0xe: {  	p0 =	sne.s32 s2, $0x0;
	s10 =	sadd.s32 $0xC000, s7;
	[dreg:$0x7] =	wrdreg s21  }
0xf: {  	s8 =	ssub.s32 s8, s9;
	s23 =	sadd.s32 $0xE000, s7;
	[dreg:$0x8] =	wrdreg s10  }
0x10: {  	s0 =	sadd.s32 s12, s0;
	s11 =	sadd.s32 $0x10000, s7;
	[dreg:$0x9] =	wrdreg s23  }
0x11: {  	s16 =	sadd.s32 $0x12000, s7;
	[dreg:$0xa] =	wrdreg s11;
	s17 =	sadd.s32 s4, s22  }
0x12: {  	s18 =	sadd.s32 s25, s24;
	s19 =	smax.u32 s8, $0x1;
	s20 =	sadd.s32 s0, s22  }
0x13: {  	s21 =	sor.u32 $0x1C03, s26;
	s22 =	sshrl.u32 s7, $0x3;
	s23 =	simm.s32 $0x3  }
0x14: {  	v0 =	vimm.f32 $0.0e+00;
	s24 =	simm.s32 $0x1;
	s25 =	simm.s32 $0x40;
	s26 =	simm.s32 $0x2000  }
.LBB2_1:
.Ltmp0:
0x15: {  	(pc) =	sbr.rel @p0 .LBB2_3-.Ltmp0, $1  }
0x16: {  	_ =	sdelay $0x3  }
.Ltmp1:
0x17: {  	(pc) =	sbr.rel .LBB2_6-.Ltmp1, $4  }
0x18: {  	[spmem:s22], [sflag:s21] =	dma.local [hbm:s17], $0x2800  }
0x19: {  	_ =	swait.ge [sflag:s23], $0x2800  }
0x1a: {  	[sflag:s23] =	ssyncset.done $0x0  }
0x1b: {  	[sflag:s23] =	ssyncadd.s32 $0xFFFFD800  }
.LBB2_3:
0x1c: {  	s0 =	sshra.s32 s3, $0x2;
	s2 =	sadd.s32 $0x200, s3  }
.LBB2_4:
0x1d: {  	p1 =	sne.s32 s2, $0x7E00;
	[tilespmem:s0+$0x2070] =	vst v0  }
0x1e: {  	[tilespmem:s0+$0x2000] =	vst v0  }
0x1f: {  	[tilespmem:s0+$0x2010] =	vst v0  }
.Ltmp2:
0x20: {  	[tilespmem:s0+$0x2020] =	vst v0;
	(pc) =	sbr.rel @p1 .LBB2_4-.Ltmp2, $4  }
0x21: {  	[tilespmem:s0+$0x2030] =	vst v0  }
0x22: {  	[tilespmem:s0+$0x2040] =	vst v0  }
0x23: {  	[tilespmem:s0+$0x2050] =	vst v0  }
0x24: {  	[tilespmem:s0+$0x2060] =	vst v0;
	s0 =	sshra.s32 s2, $0x2;
	s2 =	sadd.s32 $0x200, s2  }
0x25: {  	[tilespmem:s0+$0x2070] =	vst v0  }
0x26: {  	[tilespmem:s0+$0x2000] =	vst v0  }
0x27: {  	[tilespmem:s0+$0x2010] =	vst v0  }
0x28: {  	[tilespmem:s0+$0x2020] =	vst v0  }
0x29: {  	[tilespmem:s0+$0x2030] =	vst v0  }
0x2a: {  	[tilespmem:s0+$0x2040] =	vst v0  }
0x2b: {  	[tilespmem:s0+$0x2050] =	vst v0  }
0x2c: {  	[tilespmem:s0+$0x2060] =	vst v0  }
0x2d: {  	[spmem:s7] =	stream.linear.scatter [tilespmem:s26], [sflag:$0x3], $0x2000, $0x38;
	[tilespmem:$0x1E040] =	vst v63  }
0x2e: {  	_ =	swait.ge [sflag:s23], $0x2000  }
0x2f: {  	[sflag:s23] =	ssyncset.done $0x0  }
0x30: {  	s8 =	rddreg [dreg:$0x3];
	[sflag:s23] =	ssyncadd.s32 $0xFFFFE000  }
0x31: {  	[spmem:s8] =	stream.linear.scatter [tilespmem:s26], [sflag:$0x3], $0x2000, $0x38;
	[tilespmem:$0x1E040] =	vst v63  }
0x32: {  	_ =	swait.ge [sflag:s23], $0x2000  }
0x33: {  	[sflag:s23] =	ssyncset.done $0x0  }
0x34: {  	s9 =	rddreg [dreg:$0x4];
	[sflag:s23] =	ssyncadd.s32 $0xFFFFE000  }
0x35: {  	[spmem:s9] =	stream.linear.scatter [tilespmem:s26], [sflag:$0x3], $0x2000, $0x38;
	[tilespmem:$0x1E040] =	vst v63  }
0x36: {  	_ =	swait.ge [sflag:s23], $0x2000  }
0x37: {  	[sflag:s23] =	ssyncset.done $0x0  }
0x38: {  	s10 =	rddreg [dreg:$0x5];
	[sflag:s23] =	ssyncadd.s32 $0xFFFFE000  }
0x39: {  	[spmem:s10] =	stream.linear.scatter [tilespmem:s26], [sflag:$0x3], $0x2000, $0x38;
	[tilespmem:$0x1E040] =	vst v63  }
0x3a: {  	_ =	swait.ge [sflag:s23], $0x2000  }
0x3b: {  	[sflag:s23] =	ssyncset.done $0x0  }
0x3c: {  	s11 =	rddreg [dreg:$0x6];
	[sflag:s23] =	ssyncadd.s32 $0xFFFFE000  }
0x3d: {  	[spmem:s11] =	stream.linear.scatter [tilespmem:s26], [sflag:$0x3], $0x2000, $0x38;
	[tilespmem:$0x1E040] =	vst v63  }
0x3e: {  	_ =	swait.ge [sflag:s23], $0x2000  }
0x3f: {  	[sflag:s23] =	ssyncset.done $0x0  }
0x40: {  	s12 =	rddreg [dreg:$0x7];
	[sflag:s23] =	ssyncadd.s32 $0xFFFFE000  }
0x41: {  	[spmem:s12] =	stream.linear.scatter [tilespmem:s26], [sflag:$0x3], $0x2000, $0x38;
	[tilespmem:$0x1E040] =	vst v63  }
0x42: {  	_ =	swait.ge [sflag:s23], $0x2000  }
0x43: {  	[sflag:s23] =	ssyncset.done $0x0  }
0x44: {  	s13 =	rddreg [dreg:$0x8];
	[sflag:s23] =	ssyncadd.s32 $0xFFFFE000  }
0x45: {  	[spmem:s13] =	stream.linear.scatter [tilespmem:s26], [sflag:$0x3], $0x2000, $0x38;
	[tilespmem:$0x1E040] =	vst v63  }
0x46: {  	_ =	swait.ge [sflag:s23], $0x2000  }
0x47: {  	[sflag:s23] =	ssyncset.done $0x0  }
0x48: {  	s14 =	rddreg [dreg:$0x9];
	[sflag:s23] =	ssyncadd.s32 $0xFFFFE000  }
0x49: {  	[spmem:s14] =	stream.linear.scatter [tilespmem:s26], [sflag:$0x3], $0x2000, $0x38;
	[tilespmem:$0x1E040] =	vst v63  }
0x4a: {  	_ =	swait.ge [sflag:s23], $0x2000  }
0x4b: {  	[sflag:s23] =	ssyncset.done $0x0  }
0x4c: {  	s15 =	rddreg [dreg:$0xa];
	[sflag:s23] =	ssyncadd.s32 $0xFFFFE000  }
0x4d: {  	[spmem:s15] =	stream.linear.scatter [tilespmem:s26], [sflag:$0x3], $0x2000, $0x38;
	[tilespmem:$0x1E040] =	vst v63  }
0x4e: {  	_ =	swait.ge [sflag:s23], $0x2000  }
0x4f: {  	[sflag:s23] =	ssyncset.done $0x0  }
0x50: {  	[sflag:s23] =	ssyncadd.s32 $0xFFFFE000  }
0x51: {  	[spmem:s16] =	stream.linear.scatter [tilespmem:s26], [sflag:$0x3], $0x2000, $0x38;
	[tilespmem:$0x1E040] =	vst v63  }
0x52: {  	_ =	swait.ge [sflag:s23], $0x2000  }
0x53: {  	[sflag:s23] =	ssyncset.done $0x0  }
0x54: {  	[sflag:s23] =	ssyncadd.s32 $0xFFFFE000  }
.LBB2_6:
0x55: {  	[bflag:$0x0] =	sbarrier.arrive $0xFFFF;
	p1 =	por $0x0, $0x0;
	s0 =	simm.s32 $0x0  }
.LBB2_7:
0x56: {  	s2 =	sshll.u32 s0, $0xB  }
0x57: {  	s8 =	sadd.s32 s2, s18  }
0x58: {  	s8 =	sshrl.u32 s8, $0x3  }
0x59: {  	s9 =	sand.u32 $0x800, s2;
	s12 =	sadd.s32 s5, s8  }
0x5a: {  	[tilespmem:s9], [sflag:$0x3] =	stream.linear.gather [hbm4b:s12+s3], $0x800, $0x38;
	[tilespmem:$0x1E040] =	vst v63  }
0x5b: {  	_ =	swait.ge [sflag:s23], $0x800  }
0x5c: {  	[sflag:s23] =	ssyncset.done $0x0  }
0x5d: {  	s13 =	sor.u32 $0x1000, s9;
	s8 =	sadd.s32 s6, s8;
	[sflag:s23] =	ssyncadd.s32 $0xFFFFF800  }
0x5e: {  	[tilespmem:s13], [sflag:$0x3] =	stream.linear.gather [hbm4b:s8+s3], $0x800, $0x38;
	[tilespmem:$0x1E040] =	vst v63  }
0x5f: {  	_ =	swait.ge [sflag:s23], $0x800  }
0x60: {  	p2 =	seq.s32 s0, $0x0;
	[sflag:s23] =	ssyncset.done $0x0  }
0x61: {  	s2 =	simm.s32 @!p2 $0x2;
	[sflag:s23] =	ssyncadd.s32 $0xFFFFF800  }
0x62: {  	_ =	swait.ge @!p2 [sflag:s2], $0x2000  }
0x63: {  	[sflag:s2] =	ssyncset.done @!p2 $0x0  }
0x64: {  	[sflag:s2] =	ssyncadd.s32 @!p2 $0xFFFFE000  }
0x65: {  	_ =	swait.ge @!p2 [sflag:s2], $0x2000  }
0x66: {  	[sflag:s2] =	ssyncset.done @!p2 $0x0  }
0x67: {  	s10 =	simm.s32 $0x6000;
	[sflag:s2] =	ssyncadd.s32 @!p2 $0xFFFFE000  }
0x68: {  	s15 =	simm.s32 $0x0;
	s8 =	simm.s32 $0x1;
	_ =	swait.ge @!p2 [sflag:s2], $0x2000  }
0x69: {  	s14 =	sadd.s32 $0x80, s9;
	s8 =	simm.s32 @!p1 $0x0;
	[sflag:s2] =	ssyncset.done @!p2 $0x0  }
0x6a: {  	s8 =	sshll.u32 s8, $0xB;
	[sflag:s2] =	ssyncadd.s32 @!p2 $0xFFFFE000;
	p2 =	por $0x0, $0x0  }
0x6b: {  	[tilespmem:s26], [sflag:$0x1] =	stream.indirect.gather [hbm4b:s4+s25], $0x80, s9, s25, $0xb8;
	[tilespmem:$0x1E040] =	vst v63  }
0x6c: {  	s11 =	sor.u32 $0x1000, s8;
	s2 =	sor.u32 $0x180, s8;
	s12 =	sor.u32 @!p2 s0, s31  }
0x6d: {  	[tilespmem:s28], [sflag:$0x1] =	stream.indirect.gather [hbm4b:s4+s25], $0x80, s14, s25, $0xb8;
	[tilespmem:$0x1E040] =	vst v63  }
0x6e: {  	s8 =	simm.s32 $0x1;
	s9 =	sadd.s32 $0x100, s9;
	p3 =	seq.s32 @!p2 s12, $0x0  }
0x6f: {  	[tilespmem:s10], [sflag:$0x1] =	stream.indirect.gather [hbm4b:s4+s25], $0x80, s9, s25, $0xb8;
	[tilespmem:$0x1E040] =	vst v63  }
0x70: {  	p3 =	por p3, p2;
	s14 =	simm.s32 @!p2 $0x40;
	_ =	swait.ge [sflag:s24], $0x2000  }
0x71: {  	s13 =	simm.s32 @!p3 $0x2;
	s9 =	sand.u32 $0x6000, s15;
	[sflag:s24] =	ssyncset.done $0x0  }
0x72: {  	s10 =	sand.u32 @!p2 $0x6000, s10;
	s9 =	sadd.s32 $0x2000, s9;
	[sflag:s24] =	ssyncadd.s32 $0xFFFFE000  }
0x73: {  	[spmem:s1] =	stream.indirect.scatter.add.f32 [tilespmem:s9], [sflag:$0x2], $0x80, s11, s25, $0xb8;
	[tilespmem:$0x1E040] =	vst v63  }
0x74: {  	s12 =	sadd.s32 @!p2 $0x2000, s10;
	s10 =	sadd.s32 $0x80, s11;
	_ =	swait.ge @!p3 [sflag:s13], $0x2000  }
0x75: {  	s9 =	sadd.s32 $0x80, s2;
	s11 =	simm.s32 $0x8000;
	[sflag:s13] =	ssyncset.done @!p3 $0x0  }
.LBB2_8:
0x76: {  	s15 =	sadd.s32 $0xFFFFA000, s11  }
0x77: {  	[sflag:s13] =	ssyncadd.s32 @!p3 $0xFFFFE000;
	s13 =	smov.u32 s8;
	s8 =	sadd.s32 $0x1, s8  }
0x78: {  	[tilespmem:s12], [sflag:$0x1] =	stream.indirect.gather @!p2 [hbm4b:s4+s14], $0x80, s2, s14, $0xb8;
	[tilespmem:$0x1E040] =	vst v63  }
0x79: {  	s12 =	sand.u32 $0x6000, s15;
	p4 =	sne.s32 s8, $0x10;
	s2 =	smov.u32 s9  }
0x7a: {  	p2 =	sgt.u32 s13, $0xC;
	s14 =	sadd.s32 $0x2000, s12  }
0x7b: {  	s12 =	sor.u32 @!p2 s0, s13;
	s13 =	sand.u32 @!p2 $0x6000, s11  }
0x7c: {  	p3 =	seq.s32 @!p2 s12, $0x0;
	s12 =	sadd.s32 @!p2 $0x2000, s13;
	_ =	swait.ge [sflag:s24], $0x2000  }
.Ltmp3:
0x7d: {  	p3 =	por p3, p2;
	[sflag:s24] =	ssyncset.done $0x0;
	(pc) =	sbr.rel @p4 .LBB2_8-.Ltmp3, $4  }
0x7e: {  	s13 =	simm.s32 @!p3 $0x2;
	[sflag:s24] =	ssyncadd.s32 $0xFFFFE000  }
0x7f: {  	[spmem:s1] =	stream.indirect.scatter.add.f32 [tilespmem:s14], [sflag:$0x2], $0x80, s10, s25, $0xb8;
	[tilespmem:$0x1E040] =	vst v63  }
0x80: {  	s9 =	sadd.s32 $0x80, s9;
	s10 =	sadd.s32 $0x80, s10;
	_ =	swait.ge @!p3 [sflag:s13], $0x2000  }
0x81: {  	s11 =	sadd.s32 $0x2000, s11;
	s14 =	simm.s32 @!p2 $0x40;
	[sflag:s13] =	ssyncset.done @!p3 $0x0  }
0x82: {  	[sflag:s13] =	ssyncadd.s32 @!p3 $0xFFFFE000;
	s0 =	sadd.s32 $0x1, s0  }
0x83: {  	[tilespmem:s12], [sflag:$0x1] =	stream.indirect.gather @!p2 [hbm4b:s4+s14], $0x80, s2, s14, $0xb8;
	[tilespmem:$0x1E040] =	vst v63  }
0x84: {  	p2 =	sne.s32 s0, $0xA  }
.Ltmp4:
0x85: {  	_ = 	snop;
	(pc) =	sbr.rel @p2 .LBB2_7-.Ltmp4, $2  }
0x86: {  	_ =	sdelay $0x2  }
0x87: {  	p1 =	por !p1, !p1  }
0x88: {  	_ =	swait.ge [sflag:s29], $0x2000  }
0x89: {  	[sflag:s29] =	ssyncset.done $0x0  }
0x8a: {  	[sflag:s29] =	ssyncadd.s32 $0xFFFFE000  }
0x8b: {  	_ =	swait.ge [sflag:s29], $0x2000  }
0x8c: {  	[sflag:s29] =	ssyncset.done $0x0  }
0x8d: {  	[sflag:s29] =	ssyncadd.s32 $0xFFFFE000  }
0x8e: {  	_ =	swait.ge [sflag:s29], $0x2000  }
0x8f: {  	[sflag:s29] =	ssyncset.done $0x0  }
0x90: {  	[sflag:s29] =	ssyncadd.s32 $0xFFFFE000  }
0x91: {  	_ =	swait.ge [sflag:s29], $0x2000  }
0x92: {  	s30 =	sadd.s32 $0x1, s30;
	[sflag:s29] =	ssyncset.done $0x0  }
0x93: {  	p1 =	sne.s32 s30, s19;
	[sflag:s29] =	ssyncadd.s32 $0xFFFFE000  }
.Ltmp5:
0x94: {  	[bflag:$0x0] =	sbarrier.arrive $0xFFFF;
	(pc) =	sbr.rel @p1 .LBB2_1-.Ltmp5, $4  }
0x95: {  	[hbm:s20], [sflag:s21] =	dma.local [spmem:s22], $0x2800  }
0x96: {  	_ =	swait.ge [sflag:s23], $0x2800  }
0x97: {  	[sflag:s23] =	ssyncset.done $0x0  }
0x98: {  	[sflag:s23] =	ssyncadd.s32 $0xFFFFD800  }
0x99: {  	_ =	sfence.sel $0x180000  }
0x9a: {  	[bflag:$0x0] =	sbarrier.arrive $0xFFFF  }
0x9b: {  	_ =	strace $0x90000050  }
0x9c: {  	s0 =	stileid.u32;
	[bflag:$0x2] =	sbarrier.arrive $0xFFFF  }
0x9d: {  	p0 =	sne.s32 s0, $0x0;
	s0 =	rddreg [dreg:$0x2]  }
0x9e: {  	s0 =	sadd.s32 @!p0 $0x100000, s0  }
0x9f: {  	[sflag:s0] =	ssyncadd.tile.s32 @!p0 $0x1;
	_ =	shalt  }
.Lfunc_end2:
_tile_overlayer_lowered:
.L_overlay_start_2:
0xa0: {  	(tag) =	ssettag $0x2  }
0xa1: {  	s0 =	rddreg [dreg:$0x0];
	s2 =	stileid.u32  }
0xa2: {  	s1 =	rddreg [dreg:$0x1];
	p0 =	sne.s32 s2, $0x0  }
0xa3: {  	s3 =	rddreg [dreg:$0x2];
	[bflag:$0x3] =	sbarrier.arrive $0xFFFF;
	s2 =	simm.s32 @!p0 $0x1C03  }
0xa4: {  	[timem:s3], [sflag:s2] =	dma.local @!p0 [hbm:s0], s1  }
0xa5: {  	s0 =	simm.s32 @!p0 $0x3  }
0xa6: {  	_ =	swait.ge @!p0 [sflag:s0], s1  }
0xa7: {  	s1 =	ssub.s32 @!p0 $0x0, s1;
	[sflag:s0] =	ssyncset.done @!p0 $0x0  }
0xa8: {  	[sflag:s0] =	ssyncadd.s32 @!p0 s1  }
0xa9: {  	[bflag:$0x3] =	sbarrier.arrive $0xFFFF  }
0xaa: {  	_ =	shalt  }

</sc_bundles>
